<compile_context>
chip_gen: v7x
topology: tpu7x:2x2x1
jax: 0.10.2.dev20260603
libtpu: 0.0.44.dev20260713+nightly
codegen_flags: <defaults>
</compile_context>

<pallas_src>
import functools

import jax
import jax.numpy as jnp
from jax import lax
from jax.experimental import pallas as pl
from jax.experimental.pallas import tpu as pltpu
from jax.experimental.pallas import tpu_sc as plsc

N_NODES = 10000
NP = 10240
N_EDGES = 320000
EP_ROWS = 2560
D_NODE = 128
D_EDGE = 16
NEG_SLOPE = 0.2

NC = 2
NS = 16
L = 16
NW = NC * NS
EPT = N_EDGES // NW
RPT = NP // NS
NE_P = NW * NP
ROWS_PT = NP // L
_UNROLL = 5

DH = D_NODE // 2
CH = 64
RPC = NE_P // CH // NS
NBUF = 5
NCH_IT = RPC // NBUF

_GRID = 10
_RB = NP // _GRID
_EB = EP_ROWS // _GRID

_MESH = plsc.VectorSubcoreMesh(core_axis_name="c", subcore_axis_name="s",
                               num_cores=NC, num_subcores=NS)
_SC_PARAMS = pltpu.CompilerParams(needs_layout_passes=False)
_SC_PARAMS_NT = pltpu.CompilerParams(needs_layout_passes=False,
                                     use_tc_tiling_on_sc=False)


def _prep_body(x_ref, w_ref, wsel_ref, ea_ref, m_ref, xw_ref, sp_ref, ew_ref):
    xw = jnp.dot(x_ref[...], w_ref[...], preferred_element_type=jnp.float32)
    xw_ref[...] = xw
    sp_ref[...] = lax.dot_general(wsel_ref[...], xw, (((0,), (1,)), ((), ())),
                                  preferred_element_type=jnp.float32)
    ew_ref[...] = jnp.dot(ea_ref[...], m_ref[...],
                          preferred_element_type=jnp.float32)


def _prep(x, w_node, wsel, ea2, m):
    return pl.pallas_call(
        _prep_body,
        grid=(_GRID,),
        in_specs=[
            pl.BlockSpec((_RB, D_NODE), lambda i: (i, 0)),
            pl.BlockSpec((D_NODE, D_NODE), lambda i: (0, 0)),
            pl.BlockSpec((D_NODE, 8), lambda i: (0, 0)),
            pl.BlockSpec((_EB, D_NODE * D_EDGE), lambda i: (i, 0)),
            pl.BlockSpec((D_NODE * D_EDGE, D_NODE), lambda i: (0, 0)),
        ],
        out_specs=[
            pl.BlockSpec((_RB, D_NODE), lambda i: (i, 0)),
            pl.BlockSpec((8, _RB), lambda i: (0, i)),
            pl.BlockSpec((_EB, D_NODE), lambda i: (i, 0)),
        ],
        out_shape=[
            jax.ShapeDtypeStruct((NP, D_NODE), jnp.float32),
            jax.ShapeDtypeStruct((8, NP), jnp.float32),
            jax.ShapeDtypeStruct((EP_ROWS, D_NODE), jnp.float32),
        ],
    )(x, w_node, wsel, ea2, m)


@functools.partial(
    pl.kernel,
    out_type=(
        jax.ShapeDtypeStruct((N_EDGES,), jnp.float32),
        jax.ShapeDtypeStruct((NW, NP), jnp.float32),
    ),
    mesh=_MESH,
    compiler_params=_SC_PARAMS,
    scratch_types=[
        pltpu.VMEM((NP,), jnp.float32),
        pltpu.VMEM((NP,), jnp.float32),
        pltpu.VMEM((EPT,), jnp.int32),
        pltpu.VMEM((EPT,), jnp.int32),
        pltpu.VMEM((EPT,), jnp.float32),
        pltpu.VMEM((EPT,), jnp.float32),
        pltpu.VMEM((NP,), jnp.float32),
    ],
)
def _edge_softmax(spt_hbm, ei_hbm, ew_hbm, p_hbm, den_hbm,
                  si_v, sj_v, src_v, dst_v, ew_v, p_v, den_v):
    wid = lax.axis_index("s") * NC + lax.axis_index("c")
    base = wid * EPT
    pltpu.sync_copy(spt_hbm.at[pl.ds(0, NP)], si_v)
    pltpu.sync_copy(spt_hbm.at[pl.ds(NP, NP)], sj_v)
    pltpu.sync_copy(ei_hbm.at[pl.ds(base, EPT)], src_v)
    pltpu.sync_copy(ei_hbm.at[pl.ds(N_EDGES + base, EPT)], dst_v)
    pltpu.sync_copy(ew_hbm.at[pl.ds(base, EPT)], ew_v)

    zeros = jnp.zeros((L,), jnp.float32)

    def _zero(i, c):
        den_v[pl.ds(i * L, L)] = zeros
        return c

    lax.fori_loop(0, NP // L, _zero, 0)

    def _edge(it, c):
        for u in range(_UNROLL):
            off = (it * _UNROLL + u) * L
            s16 = src_v[pl.ds(off, L)]
            d16 = dst_v[pl.ds(off, L)]
            a = (plsc.load_gather(sj_v, [s16]) + plsc.load_gather(si_v, [d16])
                 + ew_v[pl.ds(off, L)])
            a = jnp.where(a >= 0, a, NEG_SLOPE * a)
            p = jnp.exp(a)
            p_v[pl.ds(off, L)] = p
            plsc.addupdate_scatter(den_v, [d16], p)
        return c

    lax.fori_loop(0, EPT // L // _UNROLL, _edge, 0)

    pltpu.sync_copy(p_v, p_hbm.at[pl.ds(base, EPT)])
    pltpu.sync_copy(den_v, den_hbm.at[wid])


@functools.partial(
    pl.kernel,
    out_type=jax.ShapeDtypeStruct((NC * NP, DH), jnp.float32),
    mesh=_MESH,
    compiler_params=_SC_PARAMS_NT,
    scratch_types=[
        pltpu.VMEM((RPC, CH), jnp.int32),
        pltpu.VMEM((RPC, CH), jnp.int32),
        pltpu.VMEM((RPC, CH), jnp.float32),
        pltpu.VMEM_SHARED((NP, DH), jnp.float32),
    ]
    + [pltpu.VMEM((CH, DH), jnp.float32) for _ in range(NBUF)]
    + [pltpu.SemaphoreType.DMA for _ in range(2 * NBUF)],
)
def _scatter(xw2_hbm, ei2_hbm, p2_hbm, acc_hbm,
             src_v, dst_v, p_v, acc_sh, *bufs_and_sems):
    bufs = bufs_and_sems[:NBUF]
    gsems = bufs_and_sems[NBUF:2 * NBUF]
    ssems = bufs_and_sems[2 * NBUF:]

    cid = lax.axis_index("c")
    sid = lax.axis_index("s")
    rbase = sid * RPC

    pltpu.sync_copy(ei2_hbm.at[pl.ds(rbase, RPC)], src_v)
    pltpu.sync_copy(ei2_hbm.at[pl.ds(NE_P // CH + rbase, RPC)], dst_v)
    pltpu.sync_copy(p2_hbm.at[pl.ds(rbase, RPC)], p_v)

    hoff = jnp.full((L,), cid * NP, jnp.int32)

    def _adj(r, c):
        for k in range(CH // L):
            sl = pl.ds(k * L, L)
            src_v[r, sl] = src_v[r, sl] + hoff
        return c

    lax.fori_loop(0, RPC, _adj, 0)

    zeros = jnp.zeros((L,), jnp.float32)
    zbuf = bufs[0]

    def _zrow(r, c):
        for k in range(DH // L):
            zbuf[r, pl.ds(k * L, L)] = zeros
        return c

    lax.fori_loop(0, CH, _zrow, 0)
    for j in range(RPT // CH):
        pltpu.sync_copy(zbuf, acc_sh.at[pl.ds(sid * RPT + j * CH, CH)])

    plsc.subcore_barrier()

    def _scale(buf, row):
        def _sgroup(g, c):
            pg = p_v[row, pl.ds(g * L, L)]
            for e in range(L):
                pv = jnp.full((L,), pg[e], jnp.float32)
                row16 = g * L + e
                for k in range(DH // L):
                    sl = pl.ds(k * L, L)
                    buf[row16, sl] = buf[row16, sl] * pv
            return c

        lax.fori_loop(0, CH // L, _sgroup, 0)

    def _iter(ti, c):
        r0 = ti * NBUF
        gds = []
        for b in range(NBUF):
            gds.append(pltpu.async_copy(
                xw2_hbm.at[src_v.at[r0 + b]], bufs[b], gsems[b]))
        sds = []
        for b in range(NBUF):
            gds[b].wait()
            _scale(bufs[b], r0 + b)
            sds.append(pltpu.async_copy(
                bufs[b], acc_sh.at[dst_v.at[r0 + b]], ssems[b], add=True))
        for b in range(NBUF):
            sds[b].wait()
        return c

    lax.fori_loop(0, NCH_IT, _iter, 0)

    plsc.subcore_barrier()
    pltpu.sync_copy(acc_sh.at[pl.ds(sid * RPT, RPT)],
                    acc_hbm.at[pl.ds(cid * NP + sid * RPT, RPT)])


def _final_body(acc_ref, den_ref, b_ref, out_ref):
    t = jnp.concatenate([acc_ref[0], acc_ref[1]], axis=-1)
    den = jnp.sum(den_ref[...], axis=0)
    out_ref[...] = t / (den[:, None] + 1e-16) + b_ref[...]


def _final(acc3, denoms, bias2):
    return pl.pallas_call(
        _final_body,
        grid=(_GRID,),
        in_specs=[
            pl.BlockSpec((NC, _RB, DH), lambda i: (0, i, 0)),
            pl.BlockSpec((NW, _RB), lambda i: (0, i)),
            pl.BlockSpec((1, D_NODE), lambda i: (0, 0)),
        ],
        out_specs=pl.BlockSpec((_RB, D_NODE), lambda i: (i, 0)),
        out_shape=jax.ShapeDtypeStruct((NP, D_NODE), jnp.float32),
    )(acc3, denoms, bias2)


def kernel(x, edge_index, edge_attr, weight_node, weight_triplet_att, bias):
    ei32 = edge_index.astype(jnp.int32)

    watt = weight_triplet_att[0]
    w_i = watt[:D_NODE]
    w_e = watt[D_NODE:D_NODE + D_EDGE]
    w_j = watt[D_NODE + D_EDGE:]

    wsel = jnp.zeros((D_NODE, 8), jnp.float32).at[:, 0].set(w_i).at[:, 1].set(w_j)
    m = jnp.zeros((D_NODE * D_EDGE, D_NODE), jnp.float32).at[
        jnp.arange(D_NODE * D_EDGE),
        jnp.repeat(jnp.arange(D_NODE), D_EDGE)].set(jnp.tile(w_e, D_NODE))

    x_pad = jnp.pad(x, ((0, NP - N_NODES), (0, 0)))
    ea2 = jnp.pad(edge_attr.reshape(N_EDGES // D_NODE, D_NODE * D_EDGE),
                  ((0, EP_ROWS - N_EDGES // D_NODE), (0, 0)))

    xw, spt, ew2 = _prep(x_pad, weight_node, wsel, ea2, m)
    ew = ew2.reshape(EP_ROWS * D_NODE)

    p, denoms = _edge_softmax(spt.reshape(8 * NP), ei32.reshape(2 * N_EDGES),
                              ew)

    ei_pad = jnp.pad(ei32, ((0, 0), (0, NE_P - N_EDGES)))
    p_pad = jnp.pad(p, (0, NE_P - N_EDGES))
    xw2 = jnp.concatenate([xw[:, :DH], xw[:, DH:]], axis=0)
    acc = _scatter(xw2, ei_pad.reshape(2 * NE_P // CH, CH),
                   p_pad.reshape(NE_P // CH, CH))

    out = _final(acc.reshape(NC, NP, DH), denoms,
                 bias.reshape(1, D_NODE))
    return out[:N_NODES]

# --- scband reference (transcript-rebuilt; emitter-appended) ---
"""Pipeline reference for scband-triplet-message-light-16784732193363 (READ-ONLY COPY).

The authoritative reference and input builder live on the scoring server;
editing this copy changes nothing except your own understanding.
"""

import jax, jax.numpy as jnp
import numpy as np

N_NODES = 10000
N_EDGES = 320000
D_NODE = 128
D_EDGE = 16
NEG_SLOPE = 0.2


def _kaiming_uniform(key, shape):
    fan_in = shape[1]
    gain = np.sqrt(2.0)  # torch kaiming_uniform_ default (leaky_relu, a=0)
    bound = gain * np.sqrt(3.0 / fan_in)
    return jax.random.uniform(key, shape, dtype=jnp.float32, minval=-bound, maxval=bound)


def setup_inputs(seed: int = 0) -> dict:
    key = jax.random.key(seed)
    k_x, k_ei, k_ea, k_wn, k_wa = jax.random.split(key, 5)
    x = jax.random.normal(k_x, (N_NODES, D_NODE), dtype=jnp.float32)
    edge_index = jax.random.randint(k_ei, (2, N_EDGES), 0, N_NODES, dtype=jnp.int64)
    edge_attr = jax.random.normal(k_ea, (N_EDGES, D_EDGE), dtype=jnp.float32)
    weight_node = _kaiming_uniform(k_wn, (D_NODE, D_NODE))
    weight_triplet_att = _kaiming_uniform(k_wa, (1, 2 * D_NODE + D_EDGE))
    bias = jnp.zeros((D_NODE,), dtype=jnp.float32)
    return {
        'x': x,
        'edge_index': edge_index,
        'edge_attr': edge_attr,
        'weight_node': weight_node,
        'weight_triplet_att': weight_triplet_att,
        'bias': bias,
    }


def reference(x, edge_index, edge_attr, weight_node, weight_triplet_att, bias):
    num_nodes = x.shape[0]
    src = edge_index[0]  # j (source)
    dst = edge_index[1]  # i (target), messages aggregated here

    xw = jnp.matmul(x, weight_node)
    x_j = jnp.take(xw, src, axis=0)
    x_i = jnp.take(xw, dst, axis=0)

    triplet = jnp.concatenate([x_i, edge_attr, x_j], axis=-1)
    alpha = jnp.sum(triplet * weight_triplet_att, axis=-1)
    alpha = jnp.where(alpha >= 0, alpha, NEG_SLOPE * alpha)

    # PyG-style segment softmax over dst (edge_index_i)
    amax = jax.ops.segment_max(alpha, dst, num_segments=num_nodes)
    alpha = alpha - jnp.take(amax, dst, axis=0)
    ealpha = jnp.exp(alpha)
    denom = jax.ops.segment_sum(ealpha, dst, num_segments=num_nodes)
    alpha = ealpha / (jnp.take(denom, dst, axis=0) + 1e-16)

    msg = alpha[:, None] * x_j
    aggr = jax.ops.segment_sum(msg, dst, num_segments=num_nodes)
    return aggr + bias

if __name__ == "__main__":
    import jax
    _d = setup_inputs()
    print(jax.jit(kernel)(*tuple(_d.values())))

</pallas_src>

<mosaic_0001>
#map = affine_map<(d0, d1) -> (0, 0)>
module attributes {stable_mosaic.version = 14 : i64} {
  func.func @_scatter(%arg0: i32, %arg1: i32, %arg2: memref<20480x64xf32, #tpu.memory_space<hbm>>, %arg3: memref<10240x64xi32, #tpu.memory_space<hbm>>, %arg4: memref<5120x64xf32, #tpu.memory_space<hbm>>, %arg5: memref<20480x64xf32, #tpu.memory_space<hbm>>, %arg6: memref<320x64xi32, #tpu.memory_space<vmem>>, %arg7: memref<320x64xi32, #tpu.memory_space<vmem>>, %arg8: memref<320x64xf32, #tpu.memory_space<vmem>>, %arg9: memref<10240x64xf32, #tpu.memory_space<vmem_shared>>, %arg10: memref<64x64xf32, #tpu.memory_space<vmem>>, %arg11: memref<64x64xf32, #tpu.memory_space<vmem>>, %arg12: memref<64x64xf32, #tpu.memory_space<vmem>>, %arg13: memref<64x64xf32, #tpu.memory_space<vmem>>, %arg14: memref<64x64xf32, #tpu.memory_space<vmem>>, %arg15: memref<!tpu.dma_semaphore, #tpu.memory_space<semaphore_mem>>, %arg16: memref<!tpu.dma_semaphore, #tpu.memory_space<semaphore_mem>>, %arg17: memref<!tpu.dma_semaphore, #tpu.memory_space<semaphore_mem>>, %arg18: memref<!tpu.dma_semaphore, #tpu.memory_space<semaphore_mem>>, %arg19: memref<!tpu.dma_semaphore, #tpu.memory_space<semaphore_mem>>, %arg20: memref<!tpu.dma_semaphore, #tpu.memory_space<semaphore_mem>>, %arg21: memref<!tpu.dma_semaphore, #tpu.memory_space<semaphore_mem>>, %arg22: memref<!tpu.dma_semaphore, #tpu.memory_space<semaphore_mem>>, %arg23: memref<!tpu.dma_semaphore, #tpu.memory_space<semaphore_mem>>, %arg24: memref<!tpu.dma_semaphore, #tpu.memory_space<semaphore_mem>>) attributes {dimension_semantics = [#tpu.dimension_semantics<core_parallel>, #tpu.dimension_semantics<subcore_parallel>], iteration_bounds = array<i64: 2, 16>, scalar_prefetch = 0 : i64, scratch_operands = 19 : i64, tpu.core_type = #tpu.core_type<sc_vector_subcore>, window_params = [{transform_indices = #map}, {transform_indices = #map}, {transform_indices = #map}, {transform_indices = #map}]} {
    %mul3A = arith.constant 320 : i32
    %mul3A_0 = arith.muli %arg1, %mul3A : i32
    "tpu.region"() ({
      %run_scoped3A = tpu.sem_alloc : memref<!tpu.dma_semaphore, #tpu.memory_space<semaphore_mem>>
      %dma_start3A = arith.constant 0 : i32
      %dma_start3A_71 = tpu.memref_slice %arg3[%mul3A_0, %dma_start3A] : memref<10240x64xi32, #tpu.memory_space<hbm>> -> memref<320x64xi32, #tpu.memory_space<hbm>>
      %dma_start3A_72 = arith.constant 0 : i32
      %dma_start3A_73 = tpu.memref_slice %arg3[%mul3A_0, %dma_start3A_72] : memref<10240x64xi32, #tpu.memory_space<hbm>> -> memref<320x64xi32, #tpu.memory_space<hbm>>
      tpu.enqueue_dma source(%dma_start3A_73 : memref<320x64xi32, #tpu.memory_space<hbm>>) target(%arg6 : memref<320x64xi32, #tpu.memory_space<vmem>>) target_semaphore(%run_scoped3A : memref<!tpu.dma_semaphore, #tpu.memory_space<semaphore_mem>>)
      %dma_wait3A = arith.constant 0 : i32
      %dma_wait3A_74 = tpu.memref_slice %arg3[%mul3A_0, %dma_wait3A] : memref<10240x64xi32, #tpu.memory_space<hbm>> -> memref<320x64xi32, #tpu.memory_space<hbm>>
      %dma_wait3A_75 = arith.constant 0 : i32
      %dma_wait3A_76 = tpu.memref_slice %arg3[%mul3A_0, %dma_wait3A_75] : memref<10240x64xi32, #tpu.memory_space<hbm>> -> memref<320x64xi32, #tpu.memory_space<hbm>>
      tpu.wait_dma2 semaphore(%run_scoped3A : memref<!tpu.dma_semaphore, #tpu.memory_space<semaphore_mem>>) src(%dma_wait3A_76 : memref<320x64xi32, #tpu.memory_space<hbm>>) dst(%arg6 : memref<320x64xi32, #tpu.memory_space<vmem>>)
      tpu.yield
    }) : () -> ()
    %add3A = arith.constant 5120 : i32
    %add3A_1 = arith.addi %add3A, %mul3A_0 : i32
    "tpu.region"() ({
      %run_scoped3A = tpu.sem_alloc : memref<!tpu.dma_semaphore, #tpu.memory_space<semaphore_mem>>
      %dma_start3A = arith.constant 0 : i32
      %dma_start3A_71 = tpu.memref_slice %arg3[%add3A_1, %dma_start3A] : memref<10240x64xi32, #tpu.memory_space<hbm>> -> memref<320x64xi32, #tpu.memory_space<hbm>>
      %dma_start3A_72 = arith.constant 0 : i32
      %dma_start3A_73 = tpu.memref_slice %arg3[%add3A_1, %dma_start3A_72] : memref<10240x64xi32, #tpu.memory_space<hbm>> -> memref<320x64xi32, #tpu.memory_space<hbm>>
      tpu.enqueue_dma source(%dma_start3A_73 : memref<320x64xi32, #tpu.memory_space<hbm>>) target(%arg7 : memref<320x64xi32, #tpu.memory_space<vmem>>) target_semaphore(%run_scoped3A : memref<!tpu.dma_semaphore, #tpu.memory_space<semaphore_mem>>)
      %dma_wait3A = arith.constant 0 : i32
      %dma_wait3A_74 = tpu.memref_slice %arg3[%add3A_1, %dma_wait3A] : memref<10240x64xi32, #tpu.memory_space<hbm>> -> memref<320x64xi32, #tpu.memory_space<hbm>>
      %dma_wait3A_75 = arith.constant 0 : i32
      %dma_wait3A_76 = tpu.memref_slice %arg3[%add3A_1, %dma_wait3A_75] : memref<10240x64xi32, #tpu.memory_space<hbm>> -> memref<320x64xi32, #tpu.memory_space<hbm>>
      tpu.wait_dma2 semaphore(%run_scoped3A : memref<!tpu.dma_semaphore, #tpu.memory_space<semaphore_mem>>) src(%dma_wait3A_76 : memref<320x64xi32, #tpu.memory_space<hbm>>) dst(%arg7 : memref<320x64xi32, #tpu.memory_space<vmem>>)
      tpu.yield
    }) : () -> ()
    "tpu.region"() ({
      %run_scoped3A = tpu.sem_alloc : memref<!tpu.dma_semaphore, #tpu.memory_space<semaphore_mem>>
      %dma_start3A = arith.constant 0 : i32
      %dma_start3A_71 = tpu.memref_slice %arg4[%mul3A_0, %dma_start3A] : memref<5120x64xf32, #tpu.memory_space<hbm>> -> memref<320x64xf32, #tpu.memory_space<hbm>>
      %dma_start3A_72 = arith.constant 0 : i32
      %dma_start3A_73 = tpu.memref_slice %arg4[%mul3A_0, %dma_start3A_72] : memref<5120x64xf32, #tpu.memory_space<hbm>> -> memref<320x64xf32, #tpu.memory_space<hbm>>
      tpu.enqueue_dma source(%dma_start3A_73 : memref<320x64xf32, #tpu.memory_space<hbm>>) target(%arg8 : memref<320x64xf32, #tpu.memory_space<vmem>>) target_semaphore(%run_scoped3A : memref<!tpu.dma_semaphore, #tpu.memory_space<semaphore_mem>>)
      %dma_wait3A = arith.constant 0 : i32
      %dma_wait3A_74 = tpu.memref_slice %arg4[%mul3A_0, %dma_wait3A] : memref<5120x64xf32, #tpu.memory_space<hbm>> -> memref<320x64xf32, #tpu.memory_space<hbm>>
      %dma_wait3A_75 = arith.constant 0 : i32
      %dma_wait3A_76 = tpu.memref_slice %arg4[%mul3A_0, %dma_wait3A_75] : memref<5120x64xf32, #tpu.memory_space<hbm>> -> memref<320x64xf32, #tpu.memory_space<hbm>>
      tpu.wait_dma2 semaphore(%run_scoped3A : memref<!tpu.dma_semaphore, #tpu.memory_space<semaphore_mem>>) src(%dma_wait3A_76 : memref<320x64xf32, #tpu.memory_space<hbm>>) dst(%arg8 : memref<320x64xf32, #tpu.memory_space<vmem>>)
      tpu.yield
    }) : () -> ()
    %mul3A_2 = arith.constant 10240 : i32
    %mul3A_3 = arith.muli %arg0, %mul3A_2 : i32
    %broadcast_in_dim3A = vector.broadcast %mul3A_3 : i32 to vector<16xi32>
    %scan3A = arith.constant 0 : i32
    %scan3A_4 = arith.constant 0 : i32
    %scan3A_5 = arith.constant 320 : i32
    %scan3A_6 = arith.addi %scan3A_4, %scan3A_5 : i32
    %scan3A_7 = arith.constant 1 : i32
    scf.for %scan3A_71 = %scan3A_4 to %scan3A_6 step %scan3A_7  : i32 {
      %get3A = arith.index_cast %scan3A_71 : i32 to index
      %get3A_72 = arith.constant 0 : index
      %get3A_73 = tpu.vector_load %arg6[%get3A, %get3A_72] {strides = array<i32>} : memref<320x64xi32, #tpu.memory_space<vmem>>, vector<16xi32>,
      %add3A_74 = arith.addi %get3A_73, %broadcast_in_dim3A : vector<16xi32>
      %swap3A = arith.index_cast %scan3A_71 : i32 to index
      %swap3A_75 = arith.constant 0 : index
      %swap3A_76 = tpu.vector_load %arg6[%swap3A, %swap3A_75] {strides = array<i32>} : memref<320x64xi32, #tpu.memory_space<vmem>>, vector<16xi32>,
      tpu.vector_store %arg6[%swap3A, %swap3A_75], %add3A_74 {strides = array<i32>} : memref<320x64xi32, #tpu.memory_space<vmem>>, vector<16xi32>,
      %get3A_77 = arith.index_cast %scan3A_71 : i32 to index
      %get3A_78 = arith.constant 16 : index
      %get3A_79 = tpu.vector_load %arg6[%get3A_77, %get3A_78] {strides = array<i32>} : memref<320x64xi32, #tpu.memory_space<vmem>>, vector<16xi32>,
      %add3A_80 = arith.addi %get3A_79, %broadcast_in_dim3A : vector<16xi32>
      %swap3A_81 = arith.index_cast %scan3A_71 : i32 to index
      %swap3A_82 = arith.constant 16 : index
      %swap3A_83 = tpu.vector_load %arg6[%swap3A_81, %swap3A_82] {strides = array<i32>} : memref<320x64xi32, #tpu.memory_space<vmem>>, vector<16xi32>,
      tpu.vector_store %arg6[%swap3A_81, %swap3A_82], %add3A_80 {strides = array<i32>} : memref<320x64xi32, #tpu.memory_space<vmem>>, vector<16xi32>,
      %get3A_84 = arith.index_cast %scan3A_71 : i32 to index
      %get3A_85 = arith.constant 32 : index
      %get3A_86 = tpu.vector_load %arg6[%get3A_84, %get3A_85] {strides = array<i32>} : memref<320x64xi32, #tpu.memory_space<vmem>>, vector<16xi32>,
      %add3A_87 = arith.addi %get3A_86, %broadcast_in_dim3A : vector<16xi32>
      %swap3A_88 = arith.index_cast %scan3A_71 : i32 to index
      %swap3A_89 = arith.constant 32 : index
      %swap3A_90 = tpu.vector_load %arg6[%swap3A_88, %swap3A_89] {strides = array<i32>} : memref<320x64xi32, #tpu.memory_space<vmem>>, vector<16xi32>,
      tpu.vector_store %arg6[%swap3A_88, %swap3A_89], %add3A_87 {strides = array<i32>} : memref<320x64xi32, #tpu.memory_space<vmem>>, vector<16xi32>,
      %get3A_91 = arith.index_cast %scan3A_71 : i32 to index
      %get3A_92 = arith.constant 48 : index
      %get3A_93 = tpu.vector_load %arg6[%get3A_91, %get3A_92] {strides = array<i32>} : memref<320x64xi32, #tpu.memory_space<vmem>>, vector<16xi32>,
      %add3A_94 = arith.addi %get3A_93, %broadcast_in_dim3A : vector<16xi32>
      %swap3A_95 = arith.index_cast %scan3A_71 : i32 to index
      %swap3A_96 = arith.constant 48 : index
      %swap3A_97 = tpu.vector_load %arg6[%swap3A_95, %swap3A_96] {strides = array<i32>} : memref<320x64xi32, #tpu.memory_space<vmem>>, vector<16xi32>,
      tpu.vector_store %arg6[%swap3A_95, %swap3A_96], %add3A_94 {strides = array<i32>} : memref<320x64xi32, #tpu.memory_space<vmem>>, vector<16xi32>,
    }
    %scan3A_8 = arith.constant 320 : i32
    %broadcast_in_dim3A_9 = arith.constant 0.000000e+00 : f32
    %broadcast_in_dim3A_10 = vector.broadcast %broadcast_in_dim3A_9 : f32 to vector<16xf32>
    %scan3A_11 = arith.constant 0 : i32
    %scan3A_12 = arith.constant 0 : i32
    %scan3A_13 = arith.constant 64 : i32
    %scan3A_14 = arith.addi %scan3A_12, %scan3A_13 : i32
    %scan3A_15 = arith.constant 1 : i32
    scf.for %scan3A_71 = %scan3A_12 to %scan3A_14 step %scan3A_15  : i32 {
      %swap3A = arith.index_cast %scan3A_71 : i32 to index
      %swap3A_72 = arith.constant 0 : index
      %swap3A_73 = tpu.vector_load %arg10[%swap3A, %swap3A_72] {strides = array<i32>} : memref<64x64xf32, #tpu.memory_space<vmem>>, vector<16xf32>,
      tpu.vector_store %arg10[%swap3A, %swap3A_72], %broadcast_in_dim3A_10 {strides = array<i32>} : memref<64x64xf32, #tpu.memory_space<vmem>>, vector<16xf32>,
      %swap3A_74 = arith.index_cast %scan3A_71 : i32 to index
      %swap3A_75 = arith.constant 16 : index
      %swap3A_76 = tpu.vector_load %arg10[%swap3A_74, %swap3A_75] {strides = array<i32>} : memref<64x64xf32, #tpu.memory_space<vmem>>, vector<16xf32>,
      tpu.vector_store %arg10[%swap3A_74, %swap3A_75], %broadcast_in_dim3A_10 {strides = array<i32>} : memref<64x64xf32, #tpu.memory_space<vmem>>, vector<16xf32>,
      %swap3A_77 = arith.index_cast %scan3A_71 : i32 to index
      %swap3A_78 = arith.constant 32 : index
      %swap3A_79 = tpu.vector_load %arg10[%swap3A_77, %swap3A_78] {strides = array<i32>} : memref<64x64xf32, #tpu.memory_space<vmem>>, vector<16xf32>,
      tpu.vector_store %arg10[%swap3A_77, %swap3A_78], %broadcast_in_dim3A_10 {strides = array<i32>} : memref<64x64xf32, #tpu.memory_space<vmem>>, vector<16xf32>,
      %swap3A_80 = arith.index_cast %scan3A_71 : i32 to index
      %swap3A_81 = arith.constant 48 : index
      %swap3A_82 = tpu.vector_load %arg10[%swap3A_80, %swap3A_81] {strides = array<i32>} : memref<64x64xf32, #tpu.memory_space<vmem>>, vector<16xf32>,
      tpu.vector_store %arg10[%swap3A_80, %swap3A_81], %broadcast_in_dim3A_10 {strides = array<i32>} : memref<64x64xf32, #tpu.memory_space<vmem>>, vector<16xf32>,
    }
    %scan3A_16 = arith.constant 64 : i32
    %mul3A_17 = arith.constant 640 : i32
    %mul3A_18 = arith.muli %arg1, %mul3A_17 : i32
    %add3A_19 = arith.constant 0 : i32
    %add3A_20 = arith.addi %mul3A_18, %add3A_19 : i32
    "tpu.region"() ({
      %run_scoped3A = tpu.sem_alloc : memref<!tpu.dma_semaphore, #tpu.memory_space<semaphore_mem>>
      %dma_start3A = arith.constant 0 : i32
      %dma_start3A_71 = tpu.memref_slice %arg9[%add3A_20, %dma_start3A] : memref<10240x64xf32, #tpu.memory_space<vmem_shared>> -> memref<64x64xf32, #tpu.memory_space<vmem_shared>>
      %dma_start3A_72 = arith.constant 0 : i32
      %dma_start3A_73 = tpu.memref_slice %arg9[%add3A_20, %dma_start3A_72] : memref<10240x64xf32, #tpu.memory_space<vmem_shared>> -> memref<64x64xf32, #tpu.memory_space<vmem_shared>>
      tpu.enqueue_dma source(%arg10 : memref<64x64xf32, #tpu.memory_space<vmem>>) target(%dma_start3A_73 : memref<64x64xf32, #tpu.memory_space<vmem_shared>>) target_semaphore(%run_scoped3A : memref<!tpu.dma_semaphore, #tpu.memory_space<semaphore_mem>>)
      %dma_wait3A = arith.constant 0 : i32
      %dma_wait3A_74 = tpu.memref_slice %arg9[%add3A_20, %dma_wait3A] : memref<10240x64xf32, #tpu.memory_space<vmem_shared>> -> memref<64x64xf32, #tpu.memory_space<vmem_shared>>
      %dma_wait3A_75 = arith.constant 0 : i32
      %dma_wait3A_76 = tpu.memref_slice %arg9[%add3A_20, %dma_wait3A_75] : memref<10240x64xf32, #tpu.memory_space<vmem_shared>> -> memref<64x64xf32, #tpu.memory_space<vmem_shared>>
      tpu.wait_dma2 semaphore(%run_scoped3A : memref<!tpu.dma_semaphore, #tpu.memory_space<semaphore_mem>>) src(%arg10 : memref<64x64xf32, #tpu.memory_space<vmem>>) dst(%dma_wait3A_76 : memref<64x64xf32, #tpu.memory_space<vmem_shared>>)
      tpu.yield
    }) : () -> ()
    %mul3A_21 = arith.constant 640 : i32
    %mul3A_22 = arith.muli %arg1, %mul3A_21 : i32
    %add3A_23 = arith.constant 64 : i32
    %add3A_24 = arith.addi %mul3A_22, %add3A_23 : i32
    "tpu.region"() ({
      %run_scoped3A = tpu.sem_alloc : memref<!tpu.dma_semaphore, #tpu.memory_space<semaphore_mem>>
      %dma_start3A = arith.constant 0 : i32
      %dma_start3A_71 = tpu.memref_slice %arg9[%add3A_24, %dma_start3A] : memref<10240x64xf32, #tpu.memory_space<vmem_shared>> -> memref<64x64xf32, #tpu.memory_space<vmem_shared>>
      %dma_start3A_72 = arith.constant 0 : i32
      %dma_start3A_73 = tpu.memref_slice %arg9[%add3A_24, %dma_start3A_72] : memref<10240x64xf32, #tpu.memory_space<vmem_shared>> -> memref<64x64xf32, #tpu.memory_space<vmem_shared>>
      tpu.enqueue_dma source(%arg10 : memref<64x64xf32, #tpu.memory_space<vmem>>) target(%dma_start3A_73 : memref<64x64xf32, #tpu.memory_space<vmem_shared>>) target_semaphore(%run_scoped3A : memref<!tpu.dma_semaphore, #tpu.memory_space<semaphore_mem>>)
      %dma_wait3A = arith.constant 0 : i32
      %dma_wait3A_74 = tpu.memref_slice %arg9[%add3A_24, %dma_wait3A] : memref<10240x64xf32, #tpu.memory_space<vmem_shared>> -> memref<64x64xf32, #tpu.memory_space<vmem_shared>>
      %dma_wait3A_75 = arith.constant 0 : i32
      %dma_wait3A_76 = tpu.memref_slice %arg9[%add3A_24, %dma_wait3A_75] : memref<10240x64xf32, #tpu.memory_space<vmem_shared>> -> memref<64x64xf32, #tpu.memory_space<vmem_shared>>
      tpu.wait_dma2 semaphore(%run_scoped3A : memref<!tpu.dma_semaphore, #tpu.memory_space<semaphore_mem>>) src(%arg10 : memref<64x64xf32, #tpu.memory_space<vmem>>) dst(%dma_wait3A_76 : memref<64x64xf32, #tpu.memory_space<vmem_shared>>)
      tpu.yield
    }) : () -> ()
    %mul3A_25 = arith.constant 640 : i32
    %mul3A_26 = arith.muli %arg1, %mul3A_25 : i32
    %add3A_27 = arith.constant 128 : i32
    %add3A_28 = arith.addi %mul3A_26, %add3A_27 : i32
    "tpu.region"() ({
      %run_scoped3A = tpu.sem_alloc : memref<!tpu.dma_semaphore, #tpu.memory_space<semaphore_mem>>
      %dma_start3A = arith.constant 0 : i32
      %dma_start3A_71 = tpu.memref_slice %arg9[%add3A_28, %dma_start3A] : memref<10240x64xf32, #tpu.memory_space<vmem_shared>> -> memref<64x64xf32, #tpu.memory_space<vmem_shared>>
      %dma_start3A_72 = arith.constant 0 : i32
      %dma_start3A_73 = tpu.memref_slice %arg9[%add3A_28, %dma_start3A_72] : memref<10240x64xf32, #tpu.memory_space<vmem_shared>> -> memref<64x64xf32, #tpu.memory_space<vmem_shared>>
      tpu.enqueue_dma source(%arg10 : memref<64x64xf32, #tpu.memory_space<vmem>>) target(%dma_start3A_73 : memref<64x64xf32, #tpu.memory_space<vmem_shared>>) target_semaphore(%run_scoped3A : memref<!tpu.dma_semaphore, #tpu.memory_space<semaphore_mem>>)
      %dma_wait3A = arith.constant 0 : i32
      %dma_wait3A_74 = tpu.memref_slice %arg9[%add3A_28, %dma_wait3A] : memref<10240x64xf32, #tpu.memory_space<vmem_shared>> -> memref<64x64xf32, #tpu.memory_space<vmem_shared>>
      %dma_wait3A_75 = arith.constant 0 : i32
      %dma_wait3A_76 = tpu.memref_slice %arg9[%add3A_28, %dma_wait3A_75] : memref<10240x64xf32, #tpu.memory_space<vmem_shared>> -> memref<64x64xf32, #tpu.memory_space<vmem_shared>>
      tpu.wait_dma2 semaphore(%run_scoped3A : memref<!tpu.dma_semaphore, #tpu.memory_space<semaphore_mem>>) src(%arg10 : memref<64x64xf32, #tpu.memory_space<vmem>>) dst(%dma_wait3A_76 : memref<64x64xf32, #tpu.memory_space<vmem_shared>>)
      tpu.yield
    }) : () -> ()
    %mul3A_29 = arith.constant 640 : i32
    %mul3A_30 = arith.muli %arg1, %mul3A_29 : i32
    %add3A_31 = arith.constant 192 : i32
    %add3A_32 = arith.addi %mul3A_30, %add3A_31 : i32
    "tpu.region"() ({
      %run_scoped3A = tpu.sem_alloc : memref<!tpu.dma_semaphore, #tpu.memory_space<semaphore_mem>>
      %dma_start3A = arith.constant 0 : i32
      %dma_start3A_71 = tpu.memref_slice %arg9[%add3A_32, %dma_start3A] : memref<10240x64xf32, #tpu.memory_space<vmem_shared>> -> memref<64x64xf32, #tpu.memory_space<vmem_shared>>
      %dma_start3A_72 = arith.constant 0 : i32
      %dma_start3A_73 = tpu.memref_slice %arg9[%add3A_32, %dma_start3A_72] : memref<10240x64xf32, #tpu.memory_space<vmem_shared>> -> memref<64x64xf32, #tpu.memory_space<vmem_shared>>
      tpu.enqueue_dma source(%arg10 : memref<64x64xf32, #tpu.memory_space<vmem>>) target(%dma_start3A_73 : memref<64x64xf32, #tpu.memory_space<vmem_shared>>) target_semaphore(%run_scoped3A : memref<!tpu.dma_semaphore, #tpu.memory_space<semaphore_mem>>)
      %dma_wait3A = arith.constant 0 : i32
      %dma_wait3A_74 = tpu.memref_slice %arg9[%add3A_32, %dma_wait3A] : memref<10240x64xf32, #tpu.memory_space<vmem_shared>> -> memref<64x64xf32, #tpu.memory_space<vmem_shared>>
      %dma_wait3A_75 = arith.constant 0 : i32
      %dma_wait3A_76 = tpu.memref_slice %arg9[%add3A_32, %dma_wait3A_75] : memref<10240x64xf32, #tpu.memory_space<vmem_shared>> -> memref<64x64xf32, #tpu.memory_space<vmem_shared>>
      tpu.wait_dma2 semaphore(%run_scoped3A : memref<!tpu.dma_semaphore, #tpu.memory_space<semaphore_mem>>) src(%arg10 : memref<64x64xf32, #tpu.memory_space<vmem>>) dst(%dma_wait3A_76 : memref<64x64xf32, #tpu.memory_space<vmem_shared>>)
      tpu.yield
    }) : () -> ()
    %mul3A_33 = arith.constant 640 : i32
    %mul3A_34 = arith.muli %arg1, %mul3A_33 : i32
    %add3A_35 = arith.constant 256 : i32
    %add3A_36 = arith.addi %mul3A_34, %add3A_35 : i32
    "tpu.region"() ({
      %run_scoped3A = tpu.sem_alloc : memref<!tpu.dma_semaphore, #tpu.memory_space<semaphore_mem>>
      %dma_start3A = arith.constant 0 : i32
      %dma_start3A_71 = tpu.memref_slice %arg9[%add3A_36, %dma_start3A] : memref<10240x64xf32, #tpu.memory_space<vmem_shared>> -> memref<64x64xf32, #tpu.memory_space<vmem_shared>>
      %dma_start3A_72 = arith.constant 0 : i32
      %dma_start3A_73 = tpu.memref_slice %arg9[%add3A_36, %dma_start3A_72] : memref<10240x64xf32, #tpu.memory_space<vmem_shared>> -> memref<64x64xf32, #tpu.memory_space<vmem_shared>>
      tpu.enqueue_dma source(%arg10 : memref<64x64xf32, #tpu.memory_space<vmem>>) target(%dma_start3A_73 : memref<64x64xf32, #tpu.memory_space<vmem_shared>>) target_semaphore(%run_scoped3A : memref<!tpu.dma_semaphore, #tpu.memory_space<semaphore_mem>>)
      %dma_wait3A = arith.constant 0 : i32
      %dma_wait3A_74 = tpu.memref_slice %arg9[%add3A_36, %dma_wait3A] : memref<10240x64xf32, #tpu.memory_space<vmem_shared>> -> memref<64x64xf32, #tpu.memory_space<vmem_shared>>
      %dma_wait3A_75 = arith.constant 0 : i32
      %dma_wait3A_76 = tpu.memref_slice %arg9[%add3A_36, %dma_wait3A_75] : memref<10240x64xf32, #tpu.memory_space<vmem_shared>> -> memref<64x64xf32, #tpu.memory_space<vmem_shared>>
      tpu.wait_dma2 semaphore(%run_scoped3A : memref<!tpu.dma_semaphore, #tpu.memory_space<semaphore_mem>>) src(%arg10 : memref<64x64xf32, #tpu.memory_space<vmem>>) dst(%dma_wait3A_76 : memref<64x64xf32, #tpu.memory_space<vmem_shared>>)
      tpu.yield
    }) : () -> ()
    %mul3A_37 = arith.constant 640 : i32
    %mul3A_38 = arith.muli %arg1, %mul3A_37 : i32
    %add3A_39 = arith.constant 320 : i32
    %add3A_40 = arith.addi %mul3A_38, %add3A_39 : i32
    "tpu.region"() ({
      %run_scoped3A = tpu.sem_alloc : memref<!tpu.dma_semaphore, #tpu.memory_space<semaphore_mem>>
      %dma_start3A = arith.constant 0 : i32
      %dma_start3A_71 = tpu.memref_slice %arg9[%add3A_40, %dma_start3A] : memref<10240x64xf32, #tpu.memory_space<vmem_shared>> -> memref<64x64xf32, #tpu.memory_space<vmem_shared>>
      %dma_start3A_72 = arith.constant 0 : i32
      %dma_start3A_73 = tpu.memref_slice %arg9[%add3A_40, %dma_start3A_72] : memref<10240x64xf32, #tpu.memory_space<vmem_shared>> -> memref<64x64xf32, #tpu.memory_space<vmem_shared>>
      tpu.enqueue_dma source(%arg10 : memref<64x64xf32, #tpu.memory_space<vmem>>) target(%dma_start3A_73 : memref<64x64xf32, #tpu.memory_space<vmem_shared>>) target_semaphore(%run_scoped3A : memref<!tpu.dma_semaphore, #tpu.memory_space<semaphore_mem>>)
      %dma_wait3A = arith.constant 0 : i32
      %dma_wait3A_74 = tpu.memref_slice %arg9[%add3A_40, %dma_wait3A] : memref<10240x64xf32, #tpu.memory_space<vmem_shared>> -> memref<64x64xf32, #tpu.memory_space<vmem_shared>>
      %dma_wait3A_75 = arith.constant 0 : i32
      %dma_wait3A_76 = tpu.memref_slice %arg9[%add3A_40, %dma_wait3A_75] : memref<10240x64xf32, #tpu.memory_space<vmem_shared>> -> memref<64x64xf32, #tpu.memory_space<vmem_shared>>
      tpu.wait_dma2 semaphore(%run_scoped3A : memref<!tpu.dma_semaphore, #tpu.memory_space<semaphore_mem>>) src(%arg10 : memref<64x64xf32, #tpu.memory_space<vmem>>) dst(%dma_wait3A_76 : memref<64x64xf32, #tpu.memory_space<vmem_shared>>)
      tpu.yield
    }) : () -> ()
    %mul3A_41 = arith.constant 640 : i32
    %mul3A_42 = arith.muli %arg1, %mul3A_41 : i32
    %add3A_43 = arith.constant 384 : i32
    %add3A_44 = arith.addi %mul3A_42, %add3A_43 : i32
    "tpu.region"() ({
      %run_scoped3A = tpu.sem_alloc : memref<!tpu.dma_semaphore, #tpu.memory_space<semaphore_mem>>
      %dma_start3A = arith.constant 0 : i32
      %dma_start3A_71 = tpu.memref_slice %arg9[%add3A_44, %dma_start3A] : memref<10240x64xf32, #tpu.memory_space<vmem_shared>> -> memref<64x64xf32, #tpu.memory_space<vmem_shared>>
      %dma_start3A_72 = arith.constant 0 : i32
      %dma_start3A_73 = tpu.memref_slice %arg9[%add3A_44, %dma_start3A_72] : memref<10240x64xf32, #tpu.memory_space<vmem_shared>> -> memref<64x64xf32, #tpu.memory_space<vmem_shared>>
      tpu.enqueue_dma source(%arg10 : memref<64x64xf32, #tpu.memory_space<vmem>>) target(%dma_start3A_73 : memref<64x64xf32, #tpu.memory_space<vmem_shared>>) target_semaphore(%run_scoped3A : memref<!tpu.dma_semaphore, #tpu.memory_space<semaphore_mem>>)
      %dma_wait3A = arith.constant 0 : i32
      %dma_wait3A_74 = tpu.memref_slice %arg9[%add3A_44, %dma_wait3A] : memref<10240x64xf32, #tpu.memory_space<vmem_shared>> -> memref<64x64xf32, #tpu.memory_space<vmem_shared>>
      %dma_wait3A_75 = arith.constant 0 : i32
      %dma_wait3A_76 = tpu.memref_slice %arg9[%add3A_44, %dma_wait3A_75] : memref<10240x64xf32, #tpu.memory_space<vmem_shared>> -> memref<64x64xf32, #tpu.memory_space<vmem_shared>>
      tpu.wait_dma2 semaphore(%run_scoped3A : memref<!tpu.dma_semaphore, #tpu.memory_space<semaphore_mem>>) src(%arg10 : memref<64x64xf32, #tpu.memory_space<vmem>>) dst(%dma_wait3A_76 : memref<64x64xf32, #tpu.memory_space<vmem_shared>>)
      tpu.yield
    }) : () -> ()
    %mul3A_45 = arith.constant 640 : i32
    %mul3A_46 = arith.muli %arg1, %mul3A_45 : i32
    %add3A_47 = arith.constant 448 : i32
    %add3A_48 = arith.addi %mul3A_46, %add3A_47 : i32
    "tpu.region"() ({
      %run_scoped3A = tpu.sem_alloc : memref<!tpu.dma_semaphore, #tpu.memory_space<semaphore_mem>>
      %dma_start3A = arith.constant 0 : i32
      %dma_start3A_71 = tpu.memref_slice %arg9[%add3A_48, %dma_start3A] : memref<10240x64xf32, #tpu.memory_space<vmem_shared>> -> memref<64x64xf32, #tpu.memory_space<vmem_shared>>
      %dma_start3A_72 = arith.constant 0 : i32
      %dma_start3A_73 = tpu.memref_slice %arg9[%add3A_48, %dma_start3A_72] : memref<10240x64xf32, #tpu.memory_space<vmem_shared>> -> memref<64x64xf32, #tpu.memory_space<vmem_shared>>
      tpu.enqueue_dma source(%arg10 : memref<64x64xf32, #tpu.memory_space<vmem>>) target(%dma_start3A_73 : memref<64x64xf32, #tpu.memory_space<vmem_shared>>) target_semaphore(%run_scoped3A : memref<!tpu.dma_semaphore, #tpu.memory_space<semaphore_mem>>)
      %dma_wait3A = arith.constant 0 : i32
      %dma_wait3A_74 = tpu.memref_slice %arg9[%add3A_48, %dma_wait3A] : memref<10240x64xf32, #tpu.memory_space<vmem_shared>> -> memref<64x64xf32, #tpu.memory_space<vmem_shared>>
      %dma_wait3A_75 = arith.constant 0 : i32
      %dma_wait3A_76 = tpu.memref_slice %arg9[%add3A_48, %dma_wait3A_75] : memref<10240x64xf32, #tpu.memory_space<vmem_shared>> -> memref<64x64xf32, #tpu.memory_space<vmem_shared>>
      tpu.wait_dma2 semaphore(%run_scoped3A : memref<!tpu.dma_semaphore, #tpu.memory_space<semaphore_mem>>) src(%arg10 : memref<64x64xf32, #tpu.memory_space<vmem>>) dst(%dma_wait3A_76 : memref<64x64xf32, #tpu.memory_space<vmem_shared>>)
      tpu.yield
    }) : () -> ()
    %mul3A_49 = arith.constant 640 : i32
    %mul3A_50 = arith.muli %arg1, %mul3A_49 : i32
    %add3A_51 = arith.constant 512 : i32
    %add3A_52 = arith.addi %mul3A_50, %add3A_51 : i32
    "tpu.region"() ({
      %run_scoped3A = tpu.sem_alloc : memref<!tpu.dma_semaphore, #tpu.memory_space<semaphore_mem>>
      %dma_start3A = arith.constant 0 : i32
      %dma_start3A_71 = tpu.memref_slice %arg9[%add3A_52, %dma_start3A] : memref<10240x64xf32, #tpu.memory_space<vmem_shared>> -> memref<64x64xf32, #tpu.memory_space<vmem_shared>>
      %dma_start3A_72 = arith.constant 0 : i32
      %dma_start3A_73 = tpu.memref_slice %arg9[%add3A_52, %dma_start3A_72] : memref<10240x64xf32, #tpu.memory_space<vmem_shared>> -> memref<64x64xf32, #tpu.memory_space<vmem_shared>>
      tpu.enqueue_dma source(%arg10 : memref<64x64xf32, #tpu.memory_space<vmem>>) target(%dma_start3A_73 : memref<64x64xf32, #tpu.memory_space<vmem_shared>>) target_semaphore(%run_scoped3A : memref<!tpu.dma_semaphore, #tpu.memory_space<semaphore_mem>>)
      %dma_wait3A = arith.constant 0 : i32
      %dma_wait3A_74 = tpu.memref_slice %arg9[%add3A_52, %dma_wait3A] : memref<10240x64xf32, #tpu.memory_space<vmem_shared>> -> memref<64x64xf32, #tpu.memory_space<vmem_shared>>
      %dma_wait3A_75 = arith.constant 0 : i32
      %dma_wait3A_76 = tpu.memref_slice %arg9[%add3A_52, %dma_wait3A_75] : memref<10240x64xf32, #tpu.memory_space<vmem_shared>> -> memref<64x64xf32, #tpu.memory_space<vmem_shared>>
      tpu.wait_dma2 semaphore(%run_scoped3A : memref<!tpu.dma_semaphore, #tpu.memory_space<semaphore_mem>>) src(%arg10 : memref<64x64xf32, #tpu.memory_space<vmem>>) dst(%dma_wait3A_76 : memref<64x64xf32, #tpu.memory_space<vmem_shared>>)
      tpu.yield
    }) : () -> ()
    %mul3A_53 = arith.constant 640 : i32
    %mul3A_54 = arith.muli %arg1, %mul3A_53 : i32
    %add3A_55 = arith.constant 576 : i32
    %add3A_56 = arith.addi %mul3A_54, %add3A_55 : i32
    "tpu.region"() ({
      %run_scoped3A = tpu.sem_alloc : memref<!tpu.dma_semaphore, #tpu.memory_space<semaphore_mem>>
      %dma_start3A = arith.constant 0 : i32
      %dma_start3A_71 = tpu.memref_slice %arg9[%add3A_56, %dma_start3A] : memref<10240x64xf32, #tpu.memory_space<vmem_shared>> -> memref<64x64xf32, #tpu.memory_space<vmem_shared>>
      %dma_start3A_72 = arith.constant 0 : i32
      %dma_start3A_73 = tpu.memref_slice %arg9[%add3A_56, %dma_start3A_72] : memref<10240x64xf32, #tpu.memory_space<vmem_shared>> -> memref<64x64xf32, #tpu.memory_space<vmem_shared>>
      tpu.enqueue_dma source(%arg10 : memref<64x64xf32, #tpu.memory_space<vmem>>) target(%dma_start3A_73 : memref<64x64xf32, #tpu.memory_space<vmem_shared>>) target_semaphore(%run_scoped3A : memref<!tpu.dma_semaphore, #tpu.memory_space<semaphore_mem>>)
      %dma_wait3A = arith.constant 0 : i32
      %dma_wait3A_74 = tpu.memref_slice %arg9[%add3A_56, %dma_wait3A] : memref<10240x64xf32, #tpu.memory_space<vmem_shared>> -> memref<64x64xf32, #tpu.memory_space<vmem_shared>>
      %dma_wait3A_75 = arith.constant 0 : i32
      %dma_wait3A_76 = tpu.memref_slice %arg9[%add3A_56, %dma_wait3A_75] : memref<10240x64xf32, #tpu.memory_space<vmem_shared>> -> memref<64x64xf32, #tpu.memory_space<vmem_shared>>
      tpu.wait_dma2 semaphore(%run_scoped3A : memref<!tpu.dma_semaphore, #tpu.memory_space<semaphore_mem>>) src(%arg10 : memref<64x64xf32, #tpu.memory_space<vmem>>) dst(%dma_wait3A_76 : memref<64x64xf32, #tpu.memory_space<vmem_shared>>)
      tpu.yield
    }) : () -> ()
    %barrier3A = arith.constant 0 : index
    tpu.barrier barrier_id(%barrier3A)
    %scan3A_57 = arith.constant 0 : i32
    %scan3A_58 = arith.constant 0 : i32
    %scan3A_59 = arith.constant 64 : i32
    %scan3A_60 = arith.addi %scan3A_58, %scan3A_59 : i32
    %scan3A_61 = arith.constant 1 : i32
    scf.for %scan3A_71 = %scan3A_58 to %scan3A_60 step %scan3A_61  : i32 {
      %mul3A_72 = arith.constant 5 : i32
      %mul3A_73 = arith.muli %scan3A_71, %mul3A_72 : i32
      %add3A_74 = arith.constant 0 : i32
      %add3A_75 = arith.addi %mul3A_73, %add3A_74 : i32
      %dma_start3A = arith.constant 0 : i32
      %dma_start3A_76 = tpu.memref_slice %arg6[%add3A_75, %dma_start3A] : memref<320x64xi32, #tpu.memory_space<vmem>> -> memref<1x64xi32, #tpu.memory_space<vmem>>
      %dma_start3A_77 = tpu.memref_squeeze %dma_start3A_76 : memref<1x64xi32, #tpu.memory_space<vmem>> -> memref<64xi32, #tpu.memory_space<vmem>>
      %dma_start3A_78 = arith.constant 0 : i32
      %dma_start3A_79 = arith.constant 0 : i32
      %dma_start3A_80 = tpu.memref_slice %arg2[%dma_start3A_78, %dma_start3A_79] : memref<20480x64xf32, #tpu.memory_space<hbm>> -> memref<20480x64xf32, #tpu.memory_space<hbm>>
      tpu.enqueue_indirect_dma source(%dma_start3A_80 : memref<20480x64xf32, #tpu.memory_space<hbm>>) target(%arg10 : memref<64x64xf32, #tpu.memory_space<vmem>>) offsets(%dma_start3A_77 : memref<64xi32, #tpu.memory_space<vmem>>) semaphore(%arg15 : memref<!tpu.dma_semaphore, #tpu.memory_space<semaphore_mem>>)
      %add3A_81 = arith.constant 1 : i32
      %add3A_82 = arith.addi %mul3A_73, %add3A_81 : i32
      %dma_start3A_83 = arith.constant 0 : i32
      %dma_start3A_84 = tpu.memref_slice %arg6[%add3A_82, %dma_start3A_83] : memref<320x64xi32, #tpu.memory_space<vmem>> -> memref<1x64xi32, #tpu.memory_space<vmem>>
      %dma_start3A_85 = tpu.memref_squeeze %dma_start3A_84 : memref<1x64xi32, #tpu.memory_space<vmem>> -> memref<64xi32, #tpu.memory_space<vmem>>
      %dma_start3A_86 = arith.constant 0 : i32
      %dma_start3A_87 = arith.constant 0 : i32
      %dma_start3A_88 = tpu.memref_slice %arg2[%dma_start3A_86, %dma_start3A_87] : memref<20480x64xf32, #tpu.memory_space<hbm>> -> memref<20480x64xf32, #tpu.memory_space<hbm>>
      tpu.enqueue_indirect_dma source(%dma_start3A_88 : memref<20480x64xf32, #tpu.memory_space<hbm>>) target(%arg11 : memref<64x64xf32, #tpu.memory_space<vmem>>) offsets(%dma_start3A_85 : memref<64xi32, #tpu.memory_space<vmem>>) semaphore(%arg16 : memref<!tpu.dma_semaphore, #tpu.memory_space<semaphore_mem>>)
      %add3A_89 = arith.constant 2 : i32
      %add3A_90 = arith.addi %mul3A_73, %add3A_89 : i32
      %dma_start3A_91 = arith.constant 0 : i32
      %dma_start3A_92 = tpu.memref_slice %arg6[%add3A_90, %dma_start3A_91] : memref<320x64xi32, #tpu.memory_space<vmem>> -> memref<1x64xi32, #tpu.memory_space<vmem>>
      %dma_start3A_93 = tpu.memref_squeeze %dma_start3A_92 : memref<1x64xi32, #tpu.memory_space<vmem>> -> memref<64xi32, #tpu.memory_space<vmem>>
      %dma_start3A_94 = arith.constant 0 : i32
      %dma_start3A_95 = arith.constant 0 : i32
      %dma_start3A_96 = tpu.memref_slice %arg2[%dma_start3A_94, %dma_start3A_95] : memref<20480x64xf32, #tpu.memory_space<hbm>> -> memref<20480x64xf32, #tpu.memory_space<hbm>>
      tpu.enqueue_indirect_dma source(%dma_start3A_96 : memref<20480x64xf32, #tpu.memory_space<hbm>>) target(%arg12 : memref<64x64xf32, #tpu.memory_space<vmem>>) offsets(%dma_start3A_93 : memref<64xi32, #tpu.memory_space<vmem>>) semaphore(%arg17 : memref<!tpu.dma_semaphore, #tpu.memory_space<semaphore_mem>>)
      %add3A_97 = arith.constant 3 : i32
      %add3A_98 = arith.addi %mul3A_73, %add3A_97 : i32
      %dma_start3A_99 = arith.constant 0 : i32
      %dma_start3A_100 = tpu.memref_slice %arg6[%add3A_98, %dma_start3A_99] : memref<320x64xi32, #tpu.memory_space<vmem>> -> memref<1x64xi32, #tpu.memory_space<vmem>>
      %dma_start3A_101 = tpu.memref_squeeze %dma_start3A_100 : memref<1x64xi32, #tpu.memory_space<vmem>> -> memref<64xi32, #tpu.memory_space<vmem>>
      %dma_start3A_102 = arith.constant 0 : i32
      %dma_start3A_103 = arith.constant 0 : i32
      %dma_start3A_104 = tpu.memref_slice %arg2[%dma_start3A_102, %dma_start3A_103] : memref<20480x64xf32, #tpu.memory_space<hbm>> -> memref<20480x64xf32, #tpu.memory_space<hbm>>
      tpu.enqueue_indirect_dma source(%dma_start3A_104 : memref<20480x64xf32, #tpu.memory_space<hbm>>) target(%arg13 : memref<64x64xf32, #tpu.memory_space<vmem>>) offsets(%dma_start3A_101 : memref<64xi32, #tpu.memory_space<vmem>>) semaphore(%arg18 : memref<!tpu.dma_semaphore, #tpu.memory_space<semaphore_mem>>)
      %add3A_105 = arith.constant 4 : i32
      %add3A_106 = arith.addi %mul3A_73, %add3A_105 : i32
      %dma_start3A_107 = arith.constant 0 : i32
      %dma_start3A_108 = tpu.memref_slice %arg6[%add3A_106, %dma_start3A_107] : memref<320x64xi32, #tpu.memory_space<vmem>> -> memref<1x64xi32, #tpu.memory_space<vmem>>
      %dma_start3A_109 = tpu.memref_squeeze %dma_start3A_108 : memref<1x64xi32, #tpu.memory_space<vmem>> -> memref<64xi32, #tpu.memory_space<vmem>>
      %dma_start3A_110 = arith.constant 0 : i32
      %dma_start3A_111 = arith.constant 0 : i32
      %dma_start3A_112 = tpu.memref_slice %arg2[%dma_start3A_110, %dma_start3A_111] : memref<20480x64xf32, #tpu.memory_space<hbm>> -> memref<20480x64xf32, #tpu.memory_space<hbm>>
      tpu.enqueue_indirect_dma source(%dma_start3A_112 : memref<20480x64xf32, #tpu.memory_space<hbm>>) target(%arg14 : memref<64x64xf32, #tpu.memory_space<vmem>>) offsets(%dma_start3A_109 : memref<64xi32, #tpu.memory_space<vmem>>) semaphore(%arg19 : memref<!tpu.dma_semaphore, #tpu.memory_space<semaphore_mem>>)
      %dma_wait3A = arith.constant 0 : i32
      %dma_wait3A_113 = tpu.memref_slice %arg6[%add3A_75, %dma_wait3A] : memref<320x64xi32, #tpu.memory_space<vmem>> -> memref<1x64xi32, #tpu.memory_space<vmem>>
      %dma_wait3A_114 = tpu.memref_squeeze %dma_wait3A_113 : memref<1x64xi32, #tpu.memory_space<vmem>> -> memref<64xi32, #tpu.memory_space<vmem>>
      %dma_wait3A_115 = arith.constant 0 : i32
      %dma_wait3A_116 = arith.constant 0 : i32
      %dma_wait3A_117 = tpu.memref_slice %arg2[%dma_wait3A_115, %dma_wait3A_116] : memref<20480x64xf32, #tpu.memory_space<hbm>> -> memref<20480x64xf32, #tpu.memory_space<hbm>>
      tpu.wait_indirect_dma semaphore(%arg15 : memref<!tpu.dma_semaphore, #tpu.memory_space<semaphore_mem>>) src(%dma_wait3A_117 : memref<20480x64xf32, #tpu.memory_space<hbm>>) dst(%arg10 : memref<64x64xf32, #tpu.memory_space<vmem>>)
      %add3A_118 = arith.constant 0 : i32
      %add3A_119 = arith.addi %mul3A_73, %add3A_118 : i32
      %scan3A_120 = arith.constant 0 : i32
      %scan3A_121 = arith.constant 0 : i32
      %scan3A_122 = arith.constant 4 : i32
      %scan3A_123 = arith.addi %scan3A_121, %scan3A_122 : i32
      %scan3A_124 = arith.constant 1 : i32
      scf.for %scan3A_252 = %scan3A_121 to %scan3A_123 step %scan3A_124  : i32 {
        %mul3A_253 = arith.constant 16 : i32
        %mul3A_254 = arith.muli %scan3A_252, %mul3A_253 : i32
        %get3A = arith.index_cast %add3A_119 : i32 to index
        %get3A_255 = arith.index_cast %mul3A_254 : i32 to index
        %get3A_256 = tpu.vector_load %arg8[%get3A, %get3A_255] {strides = array<i32>} : memref<320x64xf32, #tpu.memory_space<vmem>>, vector<16xf32>,
        %slice3A = vector.extract_strided_slice %get3A_256 {offsets = [0], sizes = [1], strides = [1]} : vector<16xf32> to vector<1xf32>
        %squeeze3A = vector.extract %slice3A[0] : f32 from vector<1xf32>
        %broadcast_in_dim3A_257 = vector.broadcast %squeeze3A : f32 to vector<16xf32>
        %mul3A_258 = arith.constant 16 : i32
        %mul3A_259 = arith.muli %scan3A_252, %mul3A_258 : i32
        %add3A_260 = arith.constant 0 : i32
        %add3A_261 = arith.addi %mul3A_259, %add3A_260 : i32
        %get3A_262 = arith.index_cast %add3A_261 : i32 to index
        %get3A_263 = arith.constant 0 : index
        %get3A_264 = tpu.vector_load %arg10[%get3A_262, %get3A_263] {strides = array<i32>} : memref<64x64xf32, #tpu.memory_space<vmem>>, vector<16xf32>,
        %mul3A_265 = arith.mulf %get3A_264, %broadcast_in_dim3A_257 : vector<16xf32>
        %swap3A = arith.index_cast %add3A_261 : i32 to index
        %swap3A_266 = arith.constant 0 : index
        %swap3A_267 = tpu.vector_load %arg10[%swap3A, %swap3A_266] {strides = array<i32>} : memref<64x64xf32, #tpu.memory_space<vmem>>, vector<16xf32>,
        tpu.vector_store %arg10[%swap3A, %swap3A_266], %mul3A_265 {strides = array<i32>} : memref<64x64xf32, #tpu.memory_space<vmem>>, vector<16xf32>,
        %get3A_268 = arith.index_cast %add3A_261 : i32 to index
        %get3A_269 = arith.constant 16 : index
        %get3A_270 = tpu.vector_load %arg10[%get3A_268, %get3A_269] {strides = array<i32>} : memref<64x64xf32, #tpu.memory_space<vmem>>, vector<16xf32>,
        %mul3A_271 = arith.mulf %get3A_270, %broadcast_in_dim3A_257 : vector<16xf32>
        %swap3A_272 = arith.index_cast %add3A_261 : i32 to index
        %swap3A_273 = arith.constant 16 : index
        %swap3A_274 = tpu.vector_load %arg10[%swap3A_272, %swap3A_273] {strides = array<i32>} : memref<64x64xf32, #tpu.memory_space<vmem>>, vector<16xf32>,
        tpu.vector_store %arg10[%swap3A_272, %swap3A_273], %mul3A_271 {strides = array<i32>} : memref<64x64xf32, #tpu.memory_space<vmem>>, vector<16xf32>,
        %get3A_275 = arith.index_cast %add3A_261 : i32 to index
        %get3A_276 = arith.constant 32 : index
        %get3A_277 = tpu.vector_load %arg10[%get3A_275, %get3A_276] {strides = array<i32>} : memref<64x64xf32, #tpu.memory_space<vmem>>, vector<16xf32>,
        %mul3A_278 = arith.mulf %get3A_277, %broadcast_in_dim3A_257 : vector<16xf32>
        %swap3A_279 = arith.index_cast %add3A_261 : i32 to index
        %swap3A_280 = arith.constant 32 : index
        %swap3A_281 = tpu.vector_load %arg10[%swap3A_279, %swap3A_280] {strides = array<i32>} : memref<64x64xf32, #tpu.memory_space<vmem>>, vector<16xf32>,
        tpu.vector_store %arg10[%swap3A_279, %swap3A_280], %mul3A_278 {strides = array<i32>} : memref<64x64xf32, #tpu.memory_space<vmem>>, vector<16xf32>,
        %get3A_282 = arith.index_cast %add3A_261 : i32 to index
        %get3A_283 = arith.constant 48 : index
        %get3A_284 = tpu.vector_load %arg10[%get3A_282, %get3A_283] {strides = array<i32>} : memref<64x64xf32, #tpu.memory_space<vmem>>, vector<16xf32>,
        %mul3A_285 = arith.mulf %get3A_284, %broadcast_in_dim3A_257 : vector<16xf32>
        %swap3A_286 = arith.index_cast %add3A_261 : i32 to index
        %swap3A_287 = arith.constant 48 : index
        %swap3A_288 = tpu.vector_load %arg10[%swap3A_286, %swap3A_287] {strides = array<i32>} : memref<64x64xf32, #tpu.memory_space<vmem>>, vector<16xf32>,
        tpu.vector_store %arg10[%swap3A_286, %swap3A_287], %mul3A_285 {strides = array<i32>} : memref<64x64xf32, #tpu.memory_space<vmem>>, vector<16xf32>,
        %slice3A_289 = vector.extract_strided_slice %get3A_256 {offsets = [1], sizes = [1], strides = [1]} : vector<16xf32> to vector<1xf32>
        %squeeze3A_290 = vector.extract %slice3A_289[0] : f32 from vector<1xf32>
        %broadcast_in_dim3A_291 = vector.broadcast %squeeze3A_290 : f32 to vector<16xf32>
        %mul3A_292 = arith.constant 16 : i32
        %mul3A_293 = arith.muli %scan3A_252, %mul3A_292 : i32
        %add3A_294 = arith.constant 1 : i32
        %add3A_295 = arith.addi %mul3A_293, %add3A_294 : i32
        %get3A_296 = arith.index_cast %add3A_295 : i32 to index
        %get3A_297 = arith.constant 0 : index
        %get3A_298 = tpu.vector_load %arg10[%get3A_296, %get3A_297] {strides = array<i32>} : memref<64x64xf32, #tpu.memory_space<vmem>>, vector<16xf32>,
        %mul3A_299 = arith.mulf %get3A_298, %broadcast_in_dim3A_291 : vector<16xf32>
        %swap3A_300 = arith.index_cast %add3A_295 : i32 to index
        %swap3A_301 = arith.constant 0 : index
        %swap3A_302 = tpu.vector_load %arg10[%swap3A_300, %swap3A_301] {strides = array<i32>} : memref<64x64xf32, #tpu.memory_space<vmem>>, vector<16xf32>,
        tpu.vector_store %arg10[%swap3A_300, %swap3A_301], %mul3A_299 {strides = array<i32>} : memref<64x64xf32, #tpu.memory_space<vmem>>, vector<16xf32>,
        %get3A_303 = arith.index_cast %add3A_295 : i32 to index
        %get3A_304 = arith.constant 16 : index
        %get3A_305 = tpu.vector_load %arg10[%get3A_303, %get3A_304] {strides = array<i32>} : memref<64x64xf32, #tpu.memory_space<vmem>>, vector<16xf32>,
        %mul3A_306 = arith.mulf %get3A_305, %broadcast_in_dim3A_291 : vector<16xf32>
        %swap3A_307 = arith.index_cast %add3A_295 : i32 to index
        %swap3A_308 = arith.constant 16 : index
        %swap3A_309 = tpu.vector_load %arg10[%swap3A_307, %swap3A_308] {strides = array<i32>} : memref<64x64xf32, #tpu.memory_space<vmem>>, vector<16xf32>,
        tpu.vector_store %arg10[%swap3A_307, %swap3A_308], %mul3A_306 {strides = array<i32>} : memref<64x64xf32, #tpu.memory_space<vmem>>, vector<16xf32>,
        %get3A_310 = arith.index_cast %add3A_295 : i32 to index
        %get3A_311 = arith.constant 32 : index
        %get3A_312 = tpu.vector_load %arg10[%get3A_310, %get3A_311] {strides = array<i32>} : memref<64x64xf32, #tpu.memory_space<vmem>>, vector<16xf32>,
        %mul3A_313 = arith.mulf %get3A_312, %broadcast_in_dim3A_291 : vector<16xf32>
        %swap3A_314 = arith.index_cast %add3A_295 : i32 to index
        %swap3A_315 = arith.constant 32 : index
        %swap3A_316 = tpu.vector_load %arg10[%swap3A_314, %swap3A_315] {strides = array<i32>} : memref<64x64xf32, #tpu.memory_space<vmem>>, vector<16xf32>,
        tpu.vector_store %arg10[%swap3A_314, %swap3A_315], %mul3A_313 {strides = array<i32>} : memref<64x64xf32, #tpu.memory_space<vmem>>, vector<16xf32>,
        %get3A_317 = arith.index_cast %add3A_295 : i32 to index
        %get3A_318 = arith.constant 48 : index
        %get3A_319 = tpu.vector_load %arg10[%get3A_317, %get3A_318] {strides = array<i32>} : memref<64x64xf32, #tpu.memory_space<vmem>>, vector<16xf32>,
        %mul3A_320 = arith.mulf %get3A_319, %broadcast_in_dim3A_291 : vector<16xf32>
        %swap3A_321 = arith.index_cast %add3A_295 : i32 to index
        %swap3A_322 = arith.constant 48 : index
        %swap3A_323 = tpu.vector_load %arg10[%swap3A_321, %swap3A_322] {strides = array<i32>} : memref<64x64xf32, #tpu.memory_space<vmem>>, vector<16xf32>,
        tpu.vector_store %arg10[%swap3A_321, %swap3A_322], %mul3A_320 {strides = array<i32>} : memref<64x64xf32, #tpu.memory_space<vmem>>, vector<16xf32>,
        %slice3A_324 = vector.extract_strided_slice %get3A_256 {offsets = [2], sizes = [1], strides = [1]} : vector<16xf32> to vector<1xf32>
        %squeeze3A_325 = vector.extract %slice3A_324[0] : f32 from vector<1xf32>
        %broadcast_in_dim3A_326 = vector.broadcast %squeeze3A_325 : f32 to vector<16xf32>
        %mul3A_327 = arith.constant 16 : i32
        %mul3A_328 = arith.muli %scan3A_252, %mul3A_327 : i32
        %add3A_329 = arith.constant 2 : i32
        %add3A_330 = arith.addi %mul3A_328, %add3A_329 : i32
        %get3A_331 = arith.index_cast %add3A_330 : i32 to index
        %get3A_332 = arith.constant 0 : index
        %get3A_333 = tpu.vector_load %arg10[%get3A_331, %get3A_332] {strides = array<i32>} : memref<64x64xf32, #tpu.memory_space<vmem>>, vector<16xf32>,
        %mul3A_334 = arith.mulf %get3A_333, %broadcast_in_dim3A_326 : vector<16xf32>
        %swap3A_335 = arith.index_cast %add3A_330 : i32 to index
        %swap3A_336 = arith.constant 0 : index
        %swap3A_337 = tpu.vector_load %arg10[%swap3A_335, %swap3A_336] {strides = array<i32>} : memref<64x64xf32, #tpu.memory_space<vmem>>, vector<16xf32>,
        tpu.vector_store %arg10[%swap3A_335, %swap3A_336], %mul3A_334 {strides = array<i32>} : memref<64x64xf32, #tpu.memory_space<vmem>>, vector<16xf32>,
        %get3A_338 = arith.index_cast %add3A_330 : i32 to index
        %get3A_339 = arith.constant 16 : index
        %get3A_340 = tpu.vector_load %arg10[%get3A_338, %get3A_339] {strides = array<i32>} : memref<64x64xf32, #tpu.memory_space<vmem>>, vector<16xf32>,
        %mul3A_341 = arith.mulf %get3A_340, %broadcast_in_dim3A_326 : vector<16xf32>
        %swap3A_342 = arith.index_cast %add3A_330 : i32 to index
        %swap3A_343 = arith.constant 16 : index
        %swap3A_344 = tpu.vector_load %arg10[%swap3A_342, %swap3A_343] {strides = array<i32>} : memref<64x64xf32, #tpu.memory_space<vmem>>, vector<16xf32>,
        tpu.vector_store %arg10[%swap3A_342, %swap3A_343], %mul3A_341 {strides = array<i32>} : memref<64x64xf32, #tpu.memory_space<vmem>>, vector<16xf32>,
        %get3A_345 = arith.index_cast %add3A_330 : i32 to index
        %get3A_346 = arith.constant 32 : index
        %get3A_347 = tpu.vector_load %arg10[%get3A_345, %get3A_346] {strides = array<i32>} : memref<64x64xf32, #tpu.memory_space<vmem>>, vector<16xf32>,
        %mul3A_348 = arith.mulf %get3A_347, %broadcast_in_dim3A_326 : vector<16xf32>
        %swap3A_349 = arith.index_cast %add3A_330 : i32 to index
        %swap3A_350 = arith.constant 32 : index
        %swap3A_351 = tpu.vector_load %arg10[%swap3A_349, %swap3A_350] {strides = array<i32>} : memref<64x64xf32, #tpu.memory_space<vmem>>, vector<16xf32>,
        tpu.vector_store %arg10[%swap3A_349, %swap3A_350], %mul3A_348 {strides = array<i32>} : memref<64x64xf32, #tpu.memory_space<vmem>>, vector<16xf32>,
        %get3A_352 = arith.index_cast %add3A_330 : i32 to index
        %get3A_353 = arith.constant 48 : index
        %get3A_354 = tpu.vector_load %arg10[%get3A_352, %get3A_353] {strides = array<i32>} : memref<64x64xf32, #tpu.memory_space<vmem>>, vector<16xf32>,
        %mul3A_355 = arith.mulf %get3A_354, %broadcast_in_dim3A_326 : vector<16xf32>
        %swap3A_356 = arith.index_cast %add3A_330 : i32 to index
        %swap3A_357 = arith.constant 48 : index
        %swap3A_358 = tpu.vector_load %arg10[%swap3A_356, %swap3A_357] {strides = array<i32>} : memref<64x64xf32, #tpu.memory_space<vmem>>, vector<16xf32>,
        tpu.vector_store %arg10[%swap3A_356, %swap3A_357], %mul3A_355 {strides = array<i32>} : memref<64x64xf32, #tpu.memory_space<vmem>>, vector<16xf32>,
        %slice3A_359 = vector.extract_strided_slice %get3A_256 {offsets = [3], sizes = [1], strides = [1]} : vector<16xf32> to vector<1xf32>
        %squeeze3A_360 = vector.extract %slice3A_359[0] : f32 from vector<1xf32>
        %broadcast_in_dim3A_361 = vector.broadcast %squeeze3A_360 : f32 to vector<16xf32>
        %mul3A_362 = arith.constant 16 : i32
        %mul3A_363 = arith.muli %scan3A_252, %mul3A_362 : i32
        %add3A_364 = arith.constant 3 : i32
        %add3A_365 = arith.addi %mul3A_363, %add3A_364 : i32
        %get3A_366 = arith.index_cast %add3A_365 : i32 to index
        %get3A_367 = arith.constant 0 : index
        %get3A_368 = tpu.vector_load %arg10[%get3A_366, %get3A_367] {strides = array<i32>} : memref<64x64xf32, #tpu.memory_space<vmem>>, vector<16xf32>,
        %mul3A_369 = arith.mulf %get3A_368, %broadcast_in_dim3A_361 : vector<16xf32>
        %swap3A_370 = arith.index_cast %add3A_365 : i32 to index
        %swap3A_371 = arith.constant 0 : index
        %swap3A_372 = tpu.vector_load %arg10[%swap3A_370, %swap3A_371] {strides = array<i32>} : memref<64x64xf32, #tpu.memory_space<vmem>>, vector<16xf32>,
        tpu.vector_store %arg10[%swap3A_370, %swap3A_371], %mul3A_369 {strides = array<i32>} : memref<64x64xf32, #tpu.memory_space<vmem>>, vector<16xf32>,
        %get3A_373 = arith.index_cast %add3A_365 : i32 to index
        %get3A_374 = arith.constant 16 : index
        %get3A_375 = tpu.vector_load %arg10[%get3A_373, %get3A_374] {strides = array<i32>} : memref<64x64xf32, #tpu.memory_space<vmem>>, vector<16xf32>,
        %mul3A_376 = arith.mulf %get3A_375, %broadcast_in_dim3A_361 : vector<16xf32>
        %swap3A_377 = arith.index_cast %add3A_365 : i32 to index
        %swap3A_378 = arith.constant 16 : index
        %swap3A_379 = tpu.vector_load %arg10[%swap3A_377, %swap3A_378] {strides = array<i32>} : memref<64x64xf32, #tpu.memory_space<vmem>>, vector<16xf32>,
        tpu.vector_store %arg10[%swap3A_377, %swap3A_378], %mul3A_376 {strides = array<i32>} : memref<64x64xf32, #tpu.memory_space<vmem>>, vector<16xf32>,
        %get3A_380 = arith.index_cast %add3A_365 : i32 to index
        %get3A_381 = arith.constant 32 : index
        %get3A_382 = tpu.vector_load %arg10[%get3A_380, %get3A_381] {strides = array<i32>} : memref<64x64xf32, #tpu.memory_space<vmem>>, vector<16xf32>,
        %mul3A_383 = arith.mulf %get3A_382, %broadcast_in_dim3A_361 : vector<16xf32>
        %swap3A_384 = arith.index_cast %add3A_365 : i32 to index
        %swap3A_385 = arith.constant 32 : index
        %swap3A_386 = tpu.vector_load %arg10[%swap3A_384, %swap3A_385] {strides = array<i32>} : memref<64x64xf32, #tpu.memory_space<vmem>>, vector<16xf32>,
        tpu.vector_store %arg10[%swap3A_384, %swap3A_385], %mul3A_383 {strides = array<i32>} : memref<64x64xf32, #tpu.memory_space<vmem>>, vector<16xf32>,
        %get3A_387 = arith.index_cast %add3A_365 : i32 to index
        %get3A_388 = arith.constant 48 : index
        %get3A_389 = tpu.vector_load %arg10[%get3A_387, %get3A_388] {strides = array<i32>} : memref<64x64xf32, #tpu.memory_space<vmem>>, vector<16xf32>,
        %mul3A_390 = arith.mulf %get3A_389, %broadcast_in_dim3A_361 : vector<16xf32>
        %swap3A_391 = arith.index_cast %add3A_365 : i32 to index
        %swap3A_392 = arith.constant 48 : index
        %swap3A_393 = tpu.vector_load %arg10[%swap3A_391, %swap3A_392] {strides = array<i32>} : memref<64x64xf32, #tpu.memory_space<vmem>>, vector<16xf32>,
        tpu.vector_store %arg10[%swap3A_391, %swap3A_392], %mul3A_390 {strides = array<i32>} : memref<64x64xf32, #tpu.memory_space<vmem>>, vector<16xf32>,
        %slice3A_394 = vector.extract_strided_slice %get3A_256 {offsets = [4], sizes = [1], strides = [1]} : vector<16xf32> to vector<1xf32>
        %squeeze3A_395 = vector.extract %slice3A_394[0] : f32 from vector<1xf32>
        %broadcast_in_dim3A_396 = vector.broadcast %squeeze3A_395 : f32 to vector<16xf32>
        %mul3A_397 = arith.constant 16 : i32
        %mul3A_398 = arith.muli %scan3A_252, %mul3A_397 : i32
        %add3A_399 = arith.constant 4 : i32
        %add3A_400 = arith.addi %mul3A_398, %add3A_399 : i32
        %get3A_401 = arith.index_cast %add3A_400 : i32 to index
        %get3A_402 = arith.constant 0 : index
        %get3A_403 = tpu.vector_load %arg10[%get3A_401, %get3A_402] {strides = array<i32>} : memref<64x64xf32, #tpu.memory_space<vmem>>, vector<16xf32>,
        %mul3A_404 = arith.mulf %get3A_403, %broadcast_in_dim3A_396 : vector<16xf32>
        %swap3A_405 = arith.index_cast %add3A_400 : i32 to index
        %swap3A_406 = arith.constant 0 : index
        %swap3A_407 = tpu.vector_load %arg10[%swap3A_405, %swap3A_406] {strides = array<i32>} : memref<64x64xf32, #tpu.memory_space<vmem>>, vector<16xf32>,
        tpu.vector_store %arg10[%swap3A_405, %swap3A_406], %mul3A_404 {strides = array<i32>} : memref<64x64xf32, #tpu.memory_space<vmem>>, vector<16xf32>,
        %get3A_408 = arith.index_cast %add3A_400 : i32 to index
        %get3A_409 = arith.constant 16 : index
        %get3A_410 = tpu.vector_load %arg10[%get3A_408, %get3A_409] {strides = array<i32>} : memref<64x64xf32, #tpu.memory_space<vmem>>, vector<16xf32>,
        %mul3A_411 = arith.mulf %get3A_410, %broadcast_in_dim3A_396 : vector<16xf32>
        %swap3A_412 = arith.index_cast %add3A_400 : i32 to index
        %swap3A_413 = arith.constant 16 : index
        %swap3A_414 = tpu.vector_load %arg10[%swap3A_412, %swap3A_413] {strides = array<i32>} : memref<64x64xf32, #tpu.memory_space<vmem>>, vector<16xf32>,
        tpu.vector_store %arg10[%swap3A_412, %swap3A_413], %mul3A_411 {strides = array<i32>} : memref<64x64xf32, #tpu.memory_space<vmem>>, vector<16xf32>,
        %get3A_415 = arith.index_cast %add3A_400 : i32 to index
        %get3A_416 = arith.constant 32 : index
        %get3A_417 = tpu.vector_load %arg10[%get3A_415, %get3A_416] {strides = array<i32>} : memref<64x64xf32, #tpu.memory_space<vmem>>, vector<16xf32>,
        %mul3A_418 = arith.mulf %get3A_417, %broadcast_in_dim3A_396 : vector<16xf32>
        %swap3A_419 = arith.index_cast %add3A_400 : i32 to index
        %swap3A_420 = arith.constant 32 : index
        %swap3A_421 = tpu.vector_load %arg10[%swap3A_419, %swap3A_420] {strides = array<i32>} : memref<64x64xf32, #tpu.memory_space<vmem>>, vector<16xf32>,
        tpu.vector_store %arg10[%swap3A_419, %swap3A_420], %mul3A_418 {strides = array<i32>} : memref<64x64xf32, #tpu.memory_space<vmem>>, vector<16xf32>,
        %get3A_422 = arith.index_cast %add3A_400 : i32 to index
        %get3A_423 = arith.constant 48 : index
        %get3A_424 = tpu.vector_load %arg10[%get3A_422, %get3A_423] {strides = array<i32>} : memref<64x64xf32, #tpu.memory_space<vmem>>, vector<16xf32>,
        %mul3A_425 = arith.mulf %get3A_424, %broadcast_in_dim3A_396 : vector<16xf32>
        %swap3A_426 = arith.index_cast %add3A_400 : i32 to index
        %swap3A_427 = arith.constant 48 : index
        %swap3A_428 = tpu.vector_load %arg10[%swap3A_426, %swap3A_427] {strides = array<i32>} : memref<64x64xf32, #tpu.memory_space<vmem>>, vector<16xf32>,
        tpu.vector_store %arg10[%swap3A_426, %swap3A_427], %mul3A_425 {strides = array<i32>} : memref<64x64xf32, #tpu.memory_space<vmem>>, vector<16xf32>,
        %slice3A_429 = vector.extract_strided_slice %get3A_256 {offsets = [5], sizes = [1], strides = [1]} : vector<16xf32> to vector<1xf32>
        %squeeze3A_430 = vector.extract %slice3A_429[0] : f32 from vector<1xf32>
        %broadcast_in_dim3A_431 = vector.broadcast %squeeze3A_430 : f32 to vector<16xf32>
        %mul3A_432 = arith.constant 16 : i32
        %mul3A_433 = arith.muli %scan3A_252, %mul3A_432 : i32
        %add3A_434 = arith.constant 5 : i32
        %add3A_435 = arith.addi %mul3A_433, %add3A_434 : i32
        %get3A_436 = arith.index_cast %add3A_435 : i32 to index
        %get3A_437 = arith.constant 0 : index
        %get3A_438 = tpu.vector_load %arg10[%get3A_436, %get3A_437] {strides = array<i32>} : memref<64x64xf32, #tpu.memory_space<vmem>>, vector<16xf32>,
        %mul3A_439 = arith.mulf %get3A_438, %broadcast_in_dim3A_431 : vector<16xf32>
        %swap3A_440 = arith.index_cast %add3A_435 : i32 to index
        %swap3A_441 = arith.constant 0 : index
        %swap3A_442 = tpu.vector_load %arg10[%swap3A_440, %swap3A_441] {strides = array<i32>} : memref<64x64xf32, #tpu.memory_space<vmem>>, vector<16xf32>,
        tpu.vector_store %arg10[%swap3A_440, %swap3A_441], %mul3A_439 {strides = array<i32>} : memref<64x64xf32, #tpu.memory_space<vmem>>, vector<16xf32>,
        %get3A_443 = arith.index_cast %add3A_435 : i32 to index
        %get3A_444 = arith.constant 16 : index
        %get3A_445 = tpu.vector_load %arg10[%get3A_443, %get3A_444] {strides = array<i32>} : memref<64x64xf32, #tpu.memory_space<vmem>>, vector<16xf32>,
        %mul3A_446 = arith.mulf %get3A_445, %broadcast_in_dim3A_431 : vector<16xf32>
        %swap3A_447 = arith.index_cast %add3A_435 : i32 to index
        %swap3A_448 = arith.constant 16 : index
        %swap3A_449 = tpu.vector_load %arg10[%swap3A_447, %swap3A_448] {strides = array<i32>} : memref<64x64xf32, #tpu.memory_space<vmem>>, vector<16xf32>,
        tpu.vector_store %arg10[%swap3A_447, %swap3A_448], %mul3A_446 {strides = array<i32>} : memref<64x64xf32, #tpu.memory_space<vmem>>, vector<16xf32>,
        %get3A_450 = arith.index_cast %add3A_435 : i32 to index
        %get3A_451 = arith.constant 32 : index
        %get3A_452 = tpu.vector_load %arg10[%get3A_450, %get3A_451] {strides = array<i32>} : memref<64x64xf32, #tpu.memory_space<vmem>>, vector<16xf32>,
        %mul3A_453 = arith.mulf %get3A_452, %broadcast_in_dim3A_431 : vector<16xf32>
        %swap3A_454 = arith.index_cast %add3A_435 : i32 to index
        %swap3A_455 = arith.constant 32 : index
        %swap3A_456 = tpu.vector_load %arg10[%swap3A_454, %swap3A_455] {strides = array<i32>} : memref<64x64xf32, #tpu.memory_space<vmem>>, vector<16xf32>,
        tpu.vector_store %arg10[%swap3A_454, %swap3A_455], %mul3A_453 {strides = array<i32>} : memref<64x64xf32, #tpu.memory_space<vmem>>, vector<16xf32>,
        %get3A_457 = arith.index_cast %add3A_435 : i32 to index
        %get3A_458 = arith.constant 48 : index
        %get3A_459 = tpu.vector_load %arg10[%get3A_457, %get3A_458] {strides = array<i32>} : memref<64x64xf32, #tpu.memory_space<vmem>>, vector<16xf32>,
        %mul3A_460 = arith.mulf %get3A_459, %broadcast_in_dim3A_431 : vector<16xf32>
        %swap3A_461 = arith.index_cast %add3A_435 : i32 to index
        %swap3A_462 = arith.constant 48 : index
        %swap3A_463 = tpu.vector_load %arg10[%swap3A_461, %swap3A_462] {strides = array<i32>} : memref<64x64xf32, #tpu.memory_space<vmem>>, vector<16xf32>,
        tpu.vector_store %arg10[%swap3A_461, %swap3A_462], %mul3A_460 {strides = array<i32>} : memref<64x64xf32, #tpu.memory_space<vmem>>, vector<16xf32>,
        %slice3A_464 = vector.extract_strided_slice %get3A_256 {offsets = [6], sizes = [1], strides = [1]} : vector<16xf32> to vector<1xf32>
        %squeeze3A_465 = vector.extract %slice3A_464[0] : f32 from vector<1xf32>
        %broadcast_in_dim3A_466 = vector.broadcast %squeeze3A_465 : f32 to vector<16xf32>
        %mul3A_467 = arith.constant 16 : i32
        %mul3A_468 = arith.muli %scan3A_252, %mul3A_467 : i32
        %add3A_469 = arith.constant 6 : i32
        %add3A_470 = arith.addi %mul3A_468, %add3A_469 : i32
        %get3A_471 = arith.index_cast %add3A_470 : i32 to index
        %get3A_472 = arith.constant 0 : index
        %get3A_473 = tpu.vector_load %arg10[%get3A_471, %get3A_472] {strides = array<i32>} : memref<64x64xf32, #tpu.memory_space<vmem>>, vector<16xf32>,
        %mul3A_474 = arith.mulf %get3A_473, %broadcast_in_dim3A_466 : vector<16xf32>
        %swap3A_475 = arith.index_cast %add3A_470 : i32 to index
        %swap3A_476 = arith.constant 0 : index
        %swap3A_477 = tpu.vector_load %arg10[%swap3A_475, %swap3A_476] {strides = array<i32>} : memref<64x64xf32, #tpu.memory_space<vmem>>, vector<16xf32>,
        tpu.vector_store %arg10[%swap3A_475, %swap3A_476], %mul3A_474 {strides = array<i32>} : memref<64x64xf32, #tpu.memory_space<vmem>>, vector<16xf32>,
        %get3A_478 = arith.index_cast %add3A_470 : i32 to index
        %get3A_479 = arith.constant 16 : index
        %get3A_480 = tpu.vector_load %arg10[%get3A_478, %get3A_479] {strides = array<i32>} : memref<64x64xf32, #tpu.memory_space<vmem>>, vector<16xf32>,
        %mul3A_481 = arith.mulf %get3A_480, %broadcast_in_dim3A_466 : vector<16xf32>
        %swap3A_482 = arith.index_cast %add3A_470 : i32 to index
        %swap3A_483 = arith.constant 16 : index
        %swap3A_484 = tpu.vector_load %arg10[%swap3A_482, %swap3A_483] {strides = array<i32>} : memref<64x64xf32, #tpu.memory_space<vmem>>, vector<16xf32>,
        tpu.vector_store %arg10[%swap3A_482, %swap3A_483], %mul3A_481 {strides = array<i32>} : memref<64x64xf32, #tpu.memory_space<vmem>>, vector<16xf32>,
        %get3A_485 = arith.index_cast %add3A_470 : i32 to index
        %get3A_486 = arith.constant 32 : index
        %get3A_487 = tpu.vector_load %arg10[%get3A_485, %get3A_486] {strides = array<i32>} : memref<64x64xf32, #tpu.memory_space<vmem>>, vector<16xf32>,
        %mul3A_488 = arith.mulf %get3A_487, %broadcast_in_dim3A_466 : vector<16xf32>
        %swap3A_489 = arith.index_cast %add3A_470 : i32 to index
        %swap3A_490 = arith.constant 32 : index
        %swap3A_491 = tpu.vector_load %arg10[%swap3A_489, %swap3A_490] {strides = array<i32>} : memref<64x64xf32, #tpu.memory_space<vmem>>, vector<16xf32>,
        tpu.vector_store %arg10[%swap3A_489, %swap3A_490], %mul3A_488 {strides = array<i32>} : memref<64x64xf32, #tpu.memory_space<vmem>>, vector<16xf32>,
        %get3A_492 = arith.index_cast %add3A_470 : i32 to index
        %get3A_493 = arith.constant 48 : index
        %get3A_494 = tpu.vector_load %arg10[%get3A_492, %get3A_493] {strides = array<i32>} : memref<64x64xf32, #tpu.memory_space<vmem>>, vector<16xf32>,
        %mul3A_495 = arith.mulf %get3A_494, %broadcast_in_dim3A_466 : vector<16xf32>
        %swap3A_496 = arith.index_cast %add3A_470 : i32 to index
        %swap3A_497 = arith.constant 48 : index
        %swap3A_498 = tpu.vector_load %arg10[%swap3A_496, %swap3A_497] {strides = array<i32>} : memref<64x64xf32, #tpu.memory_space<vmem>>, vector<16xf32>,
        tpu.vector_store %arg10[%swap3A_496, %swap3A_497], %mul3A_495 {strides = array<i32>} : memref<64x64xf32, #tpu.memory_space<vmem>>, vector<16xf32>,
        %slice3A_499 = vector.extract_strided_slice %get3A_256 {offsets = [7], sizes = [1], strides = [1]} : vector<16xf32> to vector<1xf32>
        %squeeze3A_500 = vector.extract %slice3A_499[0] : f32 from vector<1xf32>
        %broadcast_in_dim3A_501 = vector.broadcast %squeeze3A_500 : f32 to vector<16xf32>
        %mul3A_502 = arith.constant 16 : i32
        %mul3A_503 = arith.muli %scan3A_252, %mul3A_502 : i32
        %add3A_504 = arith.constant 7 : i32
        %add3A_505 = arith.addi %mul3A_503, %add3A_504 : i32
        %get3A_506 = arith.index_cast %add3A_505 : i32 to index
        %get3A_507 = arith.constant 0 : index
        %get3A_508 = tpu.vector_load %arg10[%get3A_506, %get3A_507] {strides = array<i32>} : memref<64x64xf32, #tpu.memory_space<vmem>>, vector<16xf32>,
        %mul3A_509 = arith.mulf %get3A_508, %broadcast_in_dim3A_501 : vector<16xf32>
        %swap3A_510 = arith.index_cast %add3A_505 : i32 to index
        %swap3A_511 = arith.constant 0 : index
        %swap3A_512 = tpu.vector_load %arg10[%swap3A_510, %swap3A_511] {strides = array<i32>} : memref<64x64xf32, #tpu.memory_space<vmem>>, vector<16xf32>,
        tpu.vector_store %arg10[%swap3A_510, %swap3A_511], %mul3A_509 {strides = array<i32>} : memref<64x64xf32, #tpu.memory_space<vmem>>, vector<16xf32>,
        %get3A_513 = arith.index_cast %add3A_505 : i32 to index
        %get3A_514 = arith.constant 16 : index
        %get3A_515 = tpu.vector_load %arg10[%get3A_513, %get3A_514] {strides = array<i32>} : memref<64x64xf32, #tpu.memory_space<vmem>>, vector<16xf32>,
        %mul3A_516 = arith.mulf %get3A_515, %broadcast_in_dim3A_501 : vector<16xf32>
        %swap3A_517 = arith.index_cast %add3A_505 : i32 to index
        %swap3A_518 = arith.constant 16 : index
        %swap3A_519 = tpu.vector_load %arg10[%swap3A_517, %swap3A_518] {strides = array<i32>} : memref<64x64xf32, #tpu.memory_space<vmem>>, vector<16xf32>,
        tpu.vector_store %arg10[%swap3A_517, %swap3A_518], %mul3A_516 {strides = array<i32>} : memref<64x64xf32, #tpu.memory_space<vmem>>, vector<16xf32>,
        %get3A_520 = arith.index_cast %add3A_505 : i32 to index
        %get3A_521 = arith.constant 32 : index
        %get3A_522 = tpu.vector_load %arg10[%get3A_520, %get3A_521] {strides = array<i32>} : memref<64x64xf32, #tpu.memory_space<vmem>>, vector<16xf32>,
        %mul3A_523 = arith.mulf %get3A_522, %broadcast_in_dim3A_501 : vector<16xf32>
        %swap3A_524 = arith.index_cast %add3A_505 : i32 to index
        %swap3A_525 = arith.constant 32 : index
        %swap3A_526 = tpu.vector_load %arg10[%swap3A_524, %swap3A_525] {strides = array<i32>} : memref<64x64xf32, #tpu.memory_space<vmem>>, vector<16xf32>,
        tpu.vector_store %arg10[%swap3A_524, %swap3A_525], %mul3A_523 {strides = array<i32>} : memref<64x64xf32, #tpu.memory_space<vmem>>, vector<16xf32>,
        %get3A_527 = arith.index_cast %add3A_505 : i32 to index
        %get3A_528 = arith.constant 48 : index
        %get3A_529 = tpu.vector_load %arg10[%get3A_527, %get3A_528] {strides = array<i32>} : memref<64x64xf32, #tpu.memory_space<vmem>>, vector<16xf32>,
        %mul3A_530 = arith.mulf %get3A_529, %broadcast_in_dim3A_501 : vector<16xf32>
        %swap3A_531 = arith.index_cast %add3A_505 : i32 to index
        %swap3A_532 = arith.constant 48 : index
        %swap3A_533 = tpu.vector_load %arg10[%swap3A_531, %swap3A_532] {strides = array<i32>} : memref<64x64xf32, #tpu.memory_space<vmem>>, vector<16xf32>,
        tpu.vector_store %arg10[%swap3A_531, %swap3A_532], %mul3A_530 {strides = array<i32>} : memref<64x64xf32, #tpu.memory_space<vmem>>, vector<16xf32>,
        %slice3A_534 = vector.extract_strided_slice %get3A_256 {offsets = [8], sizes = [1], strides = [1]} : vector<16xf32> to vector<1xf32>
        %squeeze3A_535 = vector.extract %slice3A_534[0] : f32 from vector<1xf32>
        %broadcast_in_dim3A_536 = vector.broadcast %squeeze3A_535 : f32 to vector<16xf32>
        %mul3A_537 = arith.constant 16 : i32
        %mul3A_538 = arith.muli %scan3A_252, %mul3A_537 : i32
        %add3A_539 = arith.constant 8 : i32
        %add3A_540 = arith.addi %mul3A_538, %add3A_539 : i32
        %get3A_541 = arith.index_cast %add3A_540 : i32 to index
        %get3A_542 = arith.constant 0 : index
        %get3A_543 = tpu.vector_load %arg10[%get3A_541, %get3A_542] {strides = array<i32>} : memref<64x64xf32, #tpu.memory_space<vmem>>, vector<16xf32>,
        %mul3A_544 = arith.mulf %get3A_543, %broadcast_in_dim3A_536 : vector<16xf32>
        %swap3A_545 = arith.index_cast %add3A_540 : i32 to index
        %swap3A_546 = arith.constant 0 : index
        %swap3A_547 = tpu.vector_load %arg10[%swap3A_545, %swap3A_546] {strides = array<i32>} : memref<64x64xf32, #tpu.memory_space<vmem>>, vector<16xf32>,
        tpu.vector_store %arg10[%swap3A_545, %swap3A_546], %mul3A_544 {strides = array<i32>} : memref<64x64xf32, #tpu.memory_space<vmem>>, vector<16xf32>,
        %get3A_548 = arith.index_cast %add3A_540 : i32 to index
        %get3A_549 = arith.constant 16 : index
        %get3A_550 = tpu.vector_load %arg10[%get3A_548, %get3A_549] {strides = array<i32>} : memref<64x64xf32, #tpu.memory_space<vmem>>, vector<16xf32>,
        %mul3A_551 = arith.mulf %get3A_550, %broadcast_in_dim3A_536 : vector<16xf32>
        %swap3A_552 = arith.index_cast %add3A_540 : i32 to index
        %swap3A_553 = arith.constant 16 : index
        %swap3A_554 = tpu.vector_load %arg10[%swap3A_552, %swap3A_553] {strides = array<i32>} : memref<64x64xf32, #tpu.memory_space<vmem>>, vector<16xf32>,
        tpu.vector_store %arg10[%swap3A_552, %swap3A_553], %mul3A_551 {strides = array<i32>} : memref<64x64xf32, #tpu.memory_space<vmem>>, vector<16xf32>,
        %get3A_555 = arith.index_cast %add3A_540 : i32 to index
        %get3A_556 = arith.constant 32 : index
        %get3A_557 = tpu.vector_load %arg10[%get3A_555, %get3A_556] {strides = array<i32>} : memref<64x64xf32, #tpu.memory_space<vmem>>, vector<16xf32>,
        %mul3A_558 = arith.mulf %get3A_557, %broadcast_in_dim3A_536 : vector<16xf32>
        %swap3A_559 = arith.index_cast %add3A_540 : i32 to index
        %swap3A_560 = arith.constant 32 : index
        %swap3A_561 = tpu.vector_load %arg10[%swap3A_559, %swap3A_560] {strides = array<i32>} : memref<64x64xf32, #tpu.memory_space<vmem>>, vector<16xf32>,
        tpu.vector_store %arg10[%swap3A_559, %swap3A_560], %mul3A_558 {strides = array<i32>} : memref<64x64xf32, #tpu.memory_space<vmem>>, vector<16xf32>,
        %get3A_562 = arith.index_cast %add3A_540 : i32 to index
        %get3A_563 = arith.constant 48 : index
        %get3A_564 = tpu.vector_load %arg10[%get3A_562, %get3A_563] {strides = array<i32>} : memref<64x64xf32, #tpu.memory_space<vmem>>, vector<16xf32>,
        %mul3A_565 = arith.mulf %get3A_564, %broadcast_in_dim3A_536 : vector<16xf32>
        %swap3A_566 = arith.index_cast %add3A_540 : i32 to index
        %swap3A_567 = arith.constant 48 : index
        %swap3A_568 = tpu.vector_load %arg10[%swap3A_566, %swap3A_567] {strides = array<i32>} : memref<64x64xf32, #tpu.memory_space<vmem>>, vector<16xf32>,
        tpu.vector_store %arg10[%swap3A_566, %swap3A_567], %mul3A_565 {strides = array<i32>} : memref<64x64xf32, #tpu.memory_space<vmem>>, vector<16xf32>,
        %slice3A_569 = vector.extract_strided_slice %get3A_256 {offsets = [9], sizes = [1], strides = [1]} : vector<16xf32> to vector<1xf32>
        %squeeze3A_570 = vector.extract %slice3A_569[0] : f32 from vector<1xf32>
        %broadcast_in_dim3A_571 = vector.broadcast %squeeze3A_570 : f32 to vector<16xf32>
        %mul3A_572 = arith.constant 16 : i32
        %mul3A_573 = arith.muli %scan3A_252, %mul3A_572 : i32
        %add3A_574 = arith.constant 9 : i32
        %add3A_575 = arith.addi %mul3A_573, %add3A_574 : i32
        %get3A_576 = arith.index_cast %add3A_575 : i32 to index
        %get3A_577 = arith.constant 0 : index
        %get3A_578 = tpu.vector_load %arg10[%get3A_576, %get3A_577] {strides = array<i32>} : memref<64x64xf32, #tpu.memory_space<vmem>>, vector<16xf32>,
        %mul3A_579 = arith.mulf %get3A_578, %broadcast_in_dim3A_571 : vector<16xf32>
        %swap3A_580 = arith.index_cast %add3A_575 : i32 to index
        %swap3A_581 = arith.constant 0 : index
        %swap3A_582 = tpu.vector_load %arg10[%swap3A_580, %swap3A_581] {strides = array<i32>} : memref<64x64xf32, #tpu.memory_space<vmem>>, vector<16xf32>,
        tpu.vector_store %arg10[%swap3A_580, %swap3A_581], %mul3A_579 {strides = array<i32>} : memref<64x64xf32, #tpu.memory_space<vmem>>, vector<16xf32>,
        %get3A_583 = arith.index_cast %add3A_575 : i32 to index
        %get3A_584 = arith.constant 16 : index
        %get3A_585 = tpu.vector_load %arg10[%get3A_583, %get3A_584] {strides = array<i32>} : memref<64x64xf32, #tpu.memory_space<vmem>>, vector<16xf32>,
        %mul3A_586 = arith.mulf %get3A_585, %broadcast_in_dim3A_571 : vector<16xf32>
        %swap3A_587 = arith.index_cast %add3A_575 : i32 to index
        %swap3A_588 = arith.constant 16 : index
        %swap3A_589 = tpu.vector_load %arg10[%swap3A_587, %swap3A_588] {strides = array<i32>} : memref<64x64xf32, #tpu.memory_space<vmem>>, vector<16xf32>,
        tpu.vector_store %arg10[%swap3A_587, %swap3A_588], %mul3A_586 {strides = array<i32>} : memref<64x64xf32, #tpu.memory_space<vmem>>, vector<16xf32>,
        %get3A_590 = arith.index_cast %add3A_575 : i32 to index
        %get3A_591 = arith.constant 32 : index
        %get3A_592 = tpu.vector_load %arg10[%get3A_590, %get3A_591] {strides = array<i32>} : memref<64x64xf32, #tpu.memory_space<vmem>>, vector<16xf32>,
        %mul3A_593 = arith.mulf %get3A_592, %broadcast_in_dim3A_571 : vector<16xf32>
        %swap3A_594 = arith.index_cast %add3A_575 : i32 to index
        %swap3A_595 = arith.constant 32 : index
        %swap3A_596 = tpu.vector_load %arg10[%swap3A_594, %swap3A_595] {strides = array<i32>} : memref<64x64xf32, #tpu.memory_space<vmem>>, vector<16xf32>,
        tpu.vector_store %arg10[%swap3A_594, %swap3A_595], %mul3A_593 {strides = array<i32>} : memref<64x64xf32, #tpu.memory_space<vmem>>, vector<16xf32>,
        %get3A_597 = arith.index_cast %add3A_575 : i32 to index
        %get3A_598 = arith.constant 48 : index
        %get3A_599 = tpu.vector_load %arg10[%get3A_597, %get3A_598] {strides = array<i32>} : memref<64x64xf32, #tpu.memory_space<vmem>>, vector<16xf32>,
        %mul3A_600 = arith.mulf %get3A_599, %broadcast_in_dim3A_571 : vector<16xf32>
        %swap3A_601 = arith.index_cast %add3A_575 : i32 to index
        %swap3A_602 = arith.constant 48 : index
        %swap3A_603 = tpu.vector_load %arg10[%swap3A_601, %swap3A_602] {strides = array<i32>} : memref<64x64xf32, #tpu.memory_space<vmem>>, vector<16xf32>,
        tpu.vector_store %arg10[%swap3A_601, %swap3A_602], %mul3A_600 {strides = array<i32>} : memref<64x64xf32, #tpu.memory_space<vmem>>, vector<16xf32>,
        %slice3A_604 = vector.extract_strided_slice %get3A_256 {offsets = [10], sizes = [1], strides = [1]} : vector<16xf32> to vector<1xf32>
        %squeeze3A_605 = vector.extract %slice3A_604[0] : f32 from vector<1xf32>
        %broadcast_in_dim3A_606 = vector.broadcast %squeeze3A_605 : f32 to vector<16xf32>
        %mul3A_607 = arith.constant 16 : i32
        %mul3A_608 = arith.muli %scan3A_252, %mul3A_607 : i32
        %add3A_609 = arith.constant 10 : i32
        %add3A_610 = arith.addi %mul3A_608, %add3A_609 : i32
        %get3A_611 = arith.index_cast %add3A_610 : i32 to index
        %get3A_612 = arith.constant 0 : index
        %get3A_613 = tpu.vector_load %arg10[%get3A_611, %get3A_612] {strides = array<i32>} : memref<64x64xf32, #tpu.memory_space<vmem>>, vector<16xf32>,
        %mul3A_614 = arith.mulf %get3A_613, %broadcast_in_dim3A_606 : vector<16xf32>
        %swap3A_615 = arith.index_cast %add3A_610 : i32 to index
        %swap3A_616 = arith.constant 0 : index
        %swap3A_617 = tpu.vector_load %arg10[%swap3A_615, %swap3A_616] {strides = array<i32>} : memref<64x64xf32, #tpu.memory_space<vmem>>, vector<16xf32>,
        tpu.vector_store %arg10[%swap3A_615, %swap3A_616], %mul3A_614 {strides = array<i32>} : memref<64x64xf32, #tpu.memory_space<vmem>>, vector<16xf32>,
        %get3A_618 = arith.index_cast %add3A_610 : i32 to index
        %get3A_619 = arith.constant 16 : index
        %get3A_620 = tpu.vector_load %arg10[%get3A_618, %get3A_619] {strides = array<i32>} : memref<64x64xf32, #tpu.memory_space<vmem>>, vector<16xf32>,
        %mul3A_621 = arith.mulf %get3A_620, %broadcast_in_dim3A_606 : vector<16xf32>
        %swap3A_622 = arith.index_cast %add3A_610 : i32 to index
        %swap3A_623 = arith.constant 16 : index
        %swap3A_624 = tpu.vector_load %arg10[%swap3A_622, %swap3A_623] {strides = array<i32>} : memref<64x64xf32, #tpu.memory_space<vmem>>, vector<16xf32>,
        tpu.vector_store %arg10[%swap3A_622, %swap3A_623], %mul3A_621 {strides = array<i32>} : memref<64x64xf32, #tpu.memory_space<vmem>>, vector<16xf32>,
        %get3A_625 = arith.index_cast %add3A_610 : i32 to index
        %get3A_626 = arith.constant 32 : index
        %get3A_627 = tpu.vector_load %arg10[%get3A_625, %get3A_626] {strides = array<i32>} : memref<64x64xf32, #tpu.memory_space<vmem>>, vector<16xf32>,
        %mul3A_628 = arith.mulf %get3A_627, %broadcast_in_dim3A_606 : vector<16xf32>
        %swap3A_629 = arith.index_cast %add3A_610 : i32 to index
        %swap3A_630 = arith.constant 32 : index
        %swap3A_631 = tpu.vector_load %arg10[%swap3A_629, %swap3A_630] {strides = array<i32>} : memref<64x64xf32, #tpu.memory_space<vmem>>, vector<16xf32>,
        tpu.vector_store %arg10[%swap3A_629, %swap3A_630], %mul3A_628 {strides = array<i32>} : memref<64x64xf32, #tpu.memory_space<vmem>>, vector<16xf32>,
        %get3A_632 = arith.index_cast %add3A_610 : i32 to index
        %get3A_633 = arith.constant 48 : index
        %get3A_634 = tpu.vector_load %arg10[%get3A_632, %get3A_633] {strides = array<i32>} : memref<64x64xf32, #tpu.memory_space<vmem>>, vector<16xf32>,
        %mul3A_635 = arith.mulf %get3A_634, %broadcast_in_dim3A_606 : vector<16xf32>
        %swap3A_636 = arith.index_cast %add3A_610 : i32 to index
        %swap3A_637 = arith.constant 48 : index
        %swap3A_638 = tpu.vector_load %arg10[%swap3A_636, %swap3A_637] {strides = array<i32>} : memref<64x64xf32, #tpu.memory_space<vmem>>, vector<16xf32>,
        tpu.vector_store %arg10[%swap3A_636, %swap3A_637], %mul3A_635 {strides = array<i32>} : memref<64x64xf32, #tpu.memory_space<vmem>>, vector<16xf32>,
        %slice3A_639 = vector.extract_strided_slice %get3A_256 {offsets = [11], sizes = [1], strides = [1]} : vector<16xf32> to vector<1xf32>
        %squeeze3A_640 = vector.extract %slice3A_639[0] : f32 from vector<1xf32>
        %broadcast_in_dim3A_641 = vector.broadcast %squeeze3A_640 : f32 to vector<16xf32>
        %mul3A_642 = arith.constant 16 : i32
        %mul3A_643 = arith.muli %scan3A_252, %mul3A_642 : i32
        %add3A_644 = arith.constant 11 : i32
        %add3A_645 = arith.addi %mul3A_643, %add3A_644 : i32
        %get3A_646 = arith.index_cast %add3A_645 : i32 to index
        %get3A_647 = arith.constant 0 : index
        %get3A_648 = tpu.vector_load %arg10[%get3A_646, %get3A_647] {strides = array<i32>} : memref<64x64xf32, #tpu.memory_space<vmem>>, vector<16xf32>,
        %mul3A_649 = arith.mulf %get3A_648, %broadcast_in_dim3A_641 : vector<16xf32>
        %swap3A_650 = arith.index_cast %add3A_645 : i32 to index
        %swap3A_651 = arith.constant 0 : index
        %swap3A_652 = tpu.vector_load %arg10[%swap3A_650, %swap3A_651] {strides = array<i32>} : memref<64x64xf32, #tpu.memory_space<vmem>>, vector<16xf32>,
        tpu.vector_store %arg10[%swap3A_650, %swap3A_651], %mul3A_649 {strides = array<i32>} : memref<64x64xf32, #tpu.memory_space<vmem>>, vector<16xf32>,
        %get3A_653 = arith.index_cast %add3A_645 : i32 to index
        %get3A_654 = arith.constant 16 : index
        %get3A_655 = tpu.vector_load %arg10[%get3A_653, %get3A_654] {strides = array<i32>} : memref<64x64xf32, #tpu.memory_space<vmem>>, vector<16xf32>,
        %mul3A_656 = arith.mulf %get3A_655, %broadcast_in_dim3A_641 : vector<16xf32>
        %swap3A_657 = arith.index_cast %add3A_645 : i32 to index
        %swap3A_658 = arith.constant 16 : index
        %swap3A_659 = tpu.vector_load %arg10[%swap3A_657, %swap3A_658] {strides = array<i32>} : memref<64x64xf32, #tpu.memory_space<vmem>>, vector<16xf32>,
        tpu.vector_store %arg10[%swap3A_657, %swap3A_658], %mul3A_656 {strides = array<i32>} : memref<64x64xf32, #tpu.memory_space<vmem>>, vector<16xf32>,
        %get3A_660 = arith.index_cast %add3A_645 : i32 to index
        %get3A_661 = arith.constant 32 : index
        %get3A_662 = tpu.vector_load %arg10[%get3A_660, %get3A_661] {strides = array<i32>} : memref<64x64xf32, #tpu.memory_space<vmem>>, vector<16xf32>,
        %mul3A_663 = arith.mulf %get3A_662, %broadcast_in_dim3A_641 : vector<16xf32>
        %swap3A_664 = arith.index_cast %add3A_645 : i32 to index
        %swap3A_665 = arith.constant 32 : index
        %swap3A_666 = tpu.vector_load %arg10[%swap3A_664, %swap3A_665] {strides = array<i32>} : memref<64x64xf32, #tpu.memory_space<vmem>>, vector<16xf32>,
        tpu.vector_store %arg10[%swap3A_664, %swap3A_665], %mul3A_663 {strides = array<i32>} : memref<64x64xf32, #tpu.memory_space<vmem>>, vector<16xf32>,
        %get3A_667 = arith.index_cast %add3A_645 : i32 to index
        %get3A_668 = arith.constant 48 : index
        %get3A_669 = tpu.vector_load %arg10[%get3A_667, %get3A_668] {strides = array<i32>} : memref<64x64xf32, #tpu.memory_space<vmem>>, vector<16xf32>,
        %mul3A_670 = arith.mulf %get3A_669, %broadcast_in_dim3A_641 : vector<16xf32>
        %swap3A_671 = arith.index_cast %add3A_645 : i32 to index
        %swap3A_672 = arith.constant 48 : index
        %swap3A_673 = tpu.vector_load %arg10[%swap3A_671, %swap3A_672] {strides = array<i32>} : memref<64x64xf32, #tpu.memory_space<vmem>>, vector<16xf32>,
        tpu.vector_store %arg10[%swap3A_671, %swap3A_672], %mul3A_670 {strides = array<i32>} : memref<64x64xf32, #tpu.memory_space<vmem>>, vector<16xf32>,
        %slice3A_674 = vector.extract_strided_slice %get3A_256 {offsets = [12], sizes = [1], strides = [1]} : vector<16xf32> to vector<1xf32>
        %squeeze3A_675 = vector.extract %slice3A_674[0] : f32 from vector<1xf32>
        %broadcast_in_dim3A_676 = vector.broadcast %squeeze3A_675 : f32 to vector<16xf32>
        %mul3A_677 = arith.constant 16 : i32
        %mul3A_678 = arith.muli %scan3A_252, %mul3A_677 : i32
        %add3A_679 = arith.constant 12 : i32
        %add3A_680 = arith.addi %mul3A_678, %add3A_679 : i32
        %get3A_681 = arith.index_cast %add3A_680 : i32 to index
        %get3A_682 = arith.constant 0 : index
        %get3A_683 = tpu.vector_load %arg10[%get3A_681, %get3A_682] {strides = array<i32>} : memref<64x64xf32, #tpu.memory_space<vmem>>, vector<16xf32>,
        %mul3A_684 = arith.mulf %get3A_683, %broadcast_in_dim3A_676 : vector<16xf32>
        %swap3A_685 = arith.index_cast %add3A_680 : i32 to index
        %swap3A_686 = arith.constant 0 : index
        %swap3A_687 = tpu.vector_load %arg10[%swap3A_685, %swap3A_686] {strides = array<i32>} : memref<64x64xf32, #tpu.memory_space<vmem>>, vector<16xf32>,
        tpu.vector_store %arg10[%swap3A_685, %swap3A_686], %mul3A_684 {strides = array<i32>} : memref<64x64xf32, #tpu.memory_space<vmem>>, vector<16xf32>,
        %get3A_688 = arith.index_cast %add3A_680 : i32 to index
        %get3A_689 = arith.constant 16 : index
        %get3A_690 = tpu.vector_load %arg10[%get3A_688, %get3A_689] {strides = array<i32>} : memref<64x64xf32, #tpu.memory_space<vmem>>, vector<16xf32>,
        %mul3A_691 = arith.mulf %get3A_690, %broadcast_in_dim3A_676 : vector<16xf32>
        %swap3A_692 = arith.index_cast %add3A_680 : i32 to index
        %swap3A_693 = arith.constant 16 : index
        %swap3A_694 = tpu.vector_load %arg10[%swap3A_692, %swap3A_693] {strides = array<i32>} : memref<64x64xf32, #tpu.memory_space<vmem>>, vector<16xf32>,
        tpu.vector_store %arg10[%swap3A_692, %swap3A_693], %mul3A_691 {strides = array<i32>} : memref<64x64xf32, #tpu.memory_space<vmem>>, vector<16xf32>,
        %get3A_695 = arith.index_cast %add3A_680 : i32 to index
        %get3A_696 = arith.constant 32 : index
        %get3A_697 = tpu.vector_load %arg10[%get3A_695, %get3A_696] {strides = array<i32>} : memref<64x64xf32, #tpu.memory_space<vmem>>, vector<16xf32>,
        %mul3A_698 = arith.mulf %get3A_697, %broadcast_in_dim3A_676 : vector<16xf32>
        %swap3A_699 = arith.index_cast %add3A_680 : i32 to index
        %swap3A_700 = arith.constant 32 : index
        %swap3A_701 = tpu.vector_load %arg10[%swap3A_699, %swap3A_700] {strides = array<i32>} : memref<64x64xf32, #tpu.memory_space<vmem>>, vector<16xf32>,
        tpu.vector_store %arg10[%swap3A_699, %swap3A_700], %mul3A_698 {strides = array<i32>} : memref<64x64xf32, #tpu.memory_space<vmem>>, vector<16xf32>,
        %get3A_702 = arith.index_cast %add3A_680 : i32 to index
        %get3A_703 = arith.constant 48 : index
        %get3A_704 = tpu.vector_load %arg10[%get3A_702, %get3A_703] {strides = array<i32>} : memref<64x64xf32, #tpu.memory_space<vmem>>, vector<16xf32>,
        %mul3A_705 = arith.mulf %get3A_704, %broadcast_in_dim3A_676 : vector<16xf32>
        %swap3A_706 = arith.index_cast %add3A_680 : i32 to index
        %swap3A_707 = arith.constant 48 : index
        %swap3A_708 = tpu.vector_load %arg10[%swap3A_706, %swap3A_707] {strides = array<i32>} : memref<64x64xf32, #tpu.memory_space<vmem>>, vector<16xf32>,
        tpu.vector_store %arg10[%swap3A_706, %swap3A_707], %mul3A_705 {strides = array<i32>} : memref<64x64xf32, #tpu.memory_space<vmem>>, vector<16xf32>,
        %slice3A_709 = vector.extract_strided_slice %get3A_256 {offsets = [13], sizes = [1], strides = [1]} : vector<16xf32> to vector<1xf32>
        %squeeze3A_710 = vector.extract %slice3A_709[0] : f32 from vector<1xf32>
        %broadcast_in_dim3A_711 = vector.broadcast %squeeze3A_710 : f32 to vector<16xf32>
        %mul3A_712 = arith.constant 16 : i32
        %mul3A_713 = arith.muli %scan3A_252, %mul3A_712 : i32
        %add3A_714 = arith.constant 13 : i32
        %add3A_715 = arith.addi %mul3A_713, %add3A_714 : i32
        %get3A_716 = arith.index_cast %add3A_715 : i32 to index
        %get3A_717 = arith.constant 0 : index
        %get3A_718 = tpu.vector_load %arg10[%get3A_716, %get3A_717] {strides = array<i32>} : memref<64x64xf32, #tpu.memory_space<vmem>>, vector<16xf32>,
        %mul3A_719 = arith.mulf %get3A_718, %broadcast_in_dim3A_711 : vector<16xf32>
        %swap3A_720 = arith.index_cast %add3A_715 : i32 to index
        %swap3A_721 = arith.constant 0 : index
        %swap3A_722 = tpu.vector_load %arg10[%swap3A_720, %swap3A_721] {strides = array<i32>} : memref<64x64xf32, #tpu.memory_space<vmem>>, vector<16xf32>,
        tpu.vector_store %arg10[%swap3A_720, %swap3A_721], %mul3A_719 {strides = array<i32>} : memref<64x64xf32, #tpu.memory_space<vmem>>, vector<16xf32>,
        %get3A_723 = arith.index_cast %add3A_715 : i32 to index
        %get3A_724 = arith.constant 16 : index
        %get3A_725 = tpu.vector_load %arg10[%get3A_723, %get3A_724] {strides = array<i32>} : memref<64x64xf32, #tpu.memory_space<vmem>>, vector<16xf32>,
        %mul3A_726 = arith.mulf %get3A_725, %broadcast_in_dim3A_711 : vector<16xf32>
        %swap3A_727 = arith.index_cast %add3A_715 : i32 to index
        %swap3A_728 = arith.constant 16 : index
        %swap3A_729 = tpu.vector_load %arg10[%swap3A_727, %swap3A_728] {strides = array<i32>} : memref<64x64xf32, #tpu.memory_space<vmem>>, vector<16xf32>,
        tpu.vector_store %arg10[%swap3A_727, %swap3A_728], %mul3A_726 {strides = array<i32>} : memref<64x64xf32, #tpu.memory_space<vmem>>, vector<16xf32>,
        %get3A_730 = arith.index_cast %add3A_715 : i32 to index
        %get3A_731 = arith.constant 32 : index
        %get3A_732 = tpu.vector_load %arg10[%get3A_730, %get3A_731] {strides = array<i32>} : memref<64x64xf32, #tpu.memory_space<vmem>>, vector<16xf32>,
        %mul3A_733 = arith.mulf %get3A_732, %broadcast_in_dim3A_711 : vector<16xf32>
        %swap3A_734 = arith.index_cast %add3A_715 : i32 to index
        %swap3A_735 = arith.constant 32 : index
        %swap3A_736 = tpu.vector_load %arg10[%swap3A_734, %swap3A_735] {strides = array<i32>} : memref<64x64xf32, #tpu.memory_space<vmem>>, vector<16xf32>,
        tpu.vector_store %arg10[%swap3A_734, %swap3A_735], %mul3A_733 {strides = array<i32>} : memref<64x64xf32, #tpu.memory_space<vmem>>, vector<16xf32>,
        %get3A_737 = arith.index_cast %add3A_715 : i32 to index
        %get3A_738 = arith.constant 48 : index
        %get3A_739 = tpu.vector_load %arg10[%get3A_737, %get3A_738] {strides = array<i32>} : memref<64x64xf32, #tpu.memory_space<vmem>>, vector<16xf32>,
        %mul3A_740 = arith.mulf %get3A_739, %broadcast_in_dim3A_711 : vector<16xf32>
        %swap3A_741 = arith.index_cast %add3A_715 : i32 to index
        %swap3A_742 = arith.constant 48 : index
        %swap3A_743 = tpu.vector_load %arg10[%swap3A_741, %swap3A_742] {strides = array<i32>} : memref<64x64xf32, #tpu.memory_space<vmem>>, vector<16xf32>,
        tpu.vector_store %arg10[%swap3A_741, %swap3A_742], %mul3A_740 {strides = array<i32>} : memref<64x64xf32, #tpu.memory_space<vmem>>, vector<16xf32>,
        %slice3A_744 = vector.extract_strided_slice %get3A_256 {offsets = [14], sizes = [1], strides = [1]} : vector<16xf32> to vector<1xf32>
        %squeeze3A_745 = vector.extract %slice3A_744[0] : f32 from vector<1xf32>
        %broadcast_in_dim3A_746 = vector.broadcast %squeeze3A_745 : f32 to vector<16xf32>
        %mul3A_747 = arith.constant 16 : i32
        %mul3A_748 = arith.muli %scan3A_252, %mul3A_747 : i32
        %add3A_749 = arith.constant 14 : i32
        %add3A_750 = arith.addi %mul3A_748, %add3A_749 : i32
        %get3A_751 = arith.index_cast %add3A_750 : i32 to index
        %get3A_752 = arith.constant 0 : index
        %get3A_753 = tpu.vector_load %arg10[%get3A_751, %get3A_752] {strides = array<i32>} : memref<64x64xf32, #tpu.memory_space<vmem>>, vector<16xf32>,
        %mul3A_754 = arith.mulf %get3A_753, %broadcast_in_dim3A_746 : vector<16xf32>
        %swap3A_755 = arith.index_cast %add3A_750 : i32 to index
        %swap3A_756 = arith.constant 0 : index
        %swap3A_757 = tpu.vector_load %arg10[%swap3A_755, %swap3A_756] {strides = array<i32>} : memref<64x64xf32, #tpu.memory_space<vmem>>, vector<16xf32>,
        tpu.vector_store %arg10[%swap3A_755, %swap3A_756], %mul3A_754 {strides = array<i32>} : memref<64x64xf32, #tpu.memory_space<vmem>>, vector<16xf32>,
        %get3A_758 = arith.index_cast %add3A_750 : i32 to index
        %get3A_759 = arith.constant 16 : index
        %get3A_760 = tpu.vector_load %arg10[%get3A_758, %get3A_759] {strides = array<i32>} : memref<64x64xf32, #tpu.memory_space<vmem>>, vector<16xf32>,
        %mul3A_761 = arith.mulf %get3A_760, %broadcast_in_dim3A_746 : vector<16xf32>
        %swap3A_762 = arith.index_cast %add3A_750 : i32 to index
        %swap3A_763 = arith.constant 16 : index
        %swap3A_764 = tpu.vector_load %arg10[%swap3A_762, %swap3A_763] {strides = array<i32>} : memref<64x64xf32, #tpu.memory_space<vmem>>, vector<16xf32>,
        tpu.vector_store %arg10[%swap3A_762, %swap3A_763], %mul3A_761 {strides = array<i32>} : memref<64x64xf32, #tpu.memory_space<vmem>>, vector<16xf32>,
        %get3A_765 = arith.index_cast %add3A_750 : i32 to index
        %get3A_766 = arith.constant 32 : index
        %get3A_767 = tpu.vector_load %arg10[%get3A_765, %get3A_766] {strides = array<i32>} : memref<64x64xf32, #tpu.memory_space<vmem>>, vector<16xf32>,
        %mul3A_768 = arith.mulf %get3A_767, %broadcast_in_dim3A_746 : vector<16xf32>
        %swap3A_769 = arith.index_cast %add3A_750 : i32 to index
        %swap3A_770 = arith.constant 32 : index
        %swap3A_771 = tpu.vector_load %arg10[%swap3A_769, %swap3A_770] {strides = array<i32>} : memref<64x64xf32, #tpu.memory_space<vmem>>, vector<16xf32>,
        tpu.vector_store %arg10[%swap3A_769, %swap3A_770], %mul3A_768 {strides = array<i32>} : memref<64x64xf32, #tpu.memory_space<vmem>>, vector<16xf32>,
        %get3A_772 = arith.index_cast %add3A_750 : i32 to index
        %get3A_773 = arith.constant 48 : index
        %get3A_774 = tpu.vector_load %arg10[%get3A_772, %get3A_773] {strides = array<i32>} : memref<64x64xf32, #tpu.memory_space<vmem>>, vector<16xf32>,
        %mul3A_775 = arith.mulf %get3A_774, %broadcast_in_dim3A_746 : vector<16xf32>
        %swap3A_776 = arith.index_cast %add3A_750 : i32 to index
        %swap3A_777 = arith.constant 48 : index
        %swap3A_778 = tpu.vector_load %arg10[%swap3A_776, %swap3A_777] {strides = array<i32>} : memref<64x64xf32, #tpu.memory_space<vmem>>, vector<16xf32>,
        tpu.vector_store %arg10[%swap3A_776, %swap3A_777], %mul3A_775 {strides = array<i32>} : memref<64x64xf32, #tpu.memory_space<vmem>>, vector<16xf32>,
        %slice3A_779 = vector.extract_strided_slice %get3A_256 {offsets = [15], sizes = [1], strides = [1]} : vector<16xf32> to vector<1xf32>
        %squeeze3A_780 = vector.extract %slice3A_779[0] : f32 from vector<1xf32>
        %broadcast_in_dim3A_781 = vector.broadcast %squeeze3A_780 : f32 to vector<16xf32>
        %mul3A_782 = arith.constant 16 : i32
        %mul3A_783 = arith.muli %scan3A_252, %mul3A_782 : i32
        %add3A_784 = arith.constant 15 : i32
        %add3A_785 = arith.addi %mul3A_783, %add3A_784 : i32
        %get3A_786 = arith.index_cast %add3A_785 : i32 to index
        %get3A_787 = arith.constant 0 : index
        %get3A_788 = tpu.vector_load %arg10[%get3A_786, %get3A_787] {strides = array<i32>} : memref<64x64xf32, #tpu.memory_space<vmem>>, vector<16xf32>,
        %mul3A_789 = arith.mulf %get3A_788, %broadcast_in_dim3A_781 : vector<16xf32>
        %swap3A_790 = arith.index_cast %add3A_785 : i32 to index
        %swap3A_791 = arith.constant 0 : index
        %swap3A_792 = tpu.vector_load %arg10[%swap3A_790, %swap3A_791] {strides = array<i32>} : memref<64x64xf32, #tpu.memory_space<vmem>>, vector<16xf32>,
        tpu.vector_store %arg10[%swap3A_790, %swap3A_791], %mul3A_789 {strides = array<i32>} : memref<64x64xf32, #tpu.memory_space<vmem>>, vector<16xf32>,
        %get3A_793 = arith.index_cast %add3A_785 : i32 to index
        %get3A_794 = arith.constant 16 : index
        %get3A_795 = tpu.vector_load %arg10[%get3A_793, %get3A_794] {strides = array<i32>} : memref<64x64xf32, #tpu.memory_space<vmem>>, vector<16xf32>,
        %mul3A_796 = arith.mulf %get3A_795, %broadcast_in_dim3A_781 : vector<16xf32>
        %swap3A_797 = arith.index_cast %add3A_785 : i32 to index
        %swap3A_798 = arith.constant 16 : index
        %swap3A_799 = tpu.vector_load %arg10[%swap3A_797, %swap3A_798] {strides = array<i32>} : memref<64x64xf32, #tpu.memory_space<vmem>>, vector<16xf32>,
        tpu.vector_store %arg10[%swap3A_797, %swap3A_798], %mul3A_796 {strides = array<i32>} : memref<64x64xf32, #tpu.memory_space<vmem>>, vector<16xf32>,
        %get3A_800 = arith.index_cast %add3A_785 : i32 to index
        %get3A_801 = arith.constant 32 : index
        %get3A_802 = tpu.vector_load %arg10[%get3A_800, %get3A_801] {strides = array<i32>} : memref<64x64xf32, #tpu.memory_space<vmem>>, vector<16xf32>,
        %mul3A_803 = arith.mulf %get3A_802, %broadcast_in_dim3A_781 : vector<16xf32>
        %swap3A_804 = arith.index_cast %add3A_785 : i32 to index
        %swap3A_805 = arith.constant 32 : index
        %swap3A_806 = tpu.vector_load %arg10[%swap3A_804, %swap3A_805] {strides = array<i32>} : memref<64x64xf32, #tpu.memory_space<vmem>>, vector<16xf32>,
        tpu.vector_store %arg10[%swap3A_804, %swap3A_805], %mul3A_803 {strides = array<i32>} : memref<64x64xf32, #tpu.memory_space<vmem>>, vector<16xf32>,
        %get3A_807 = arith.index_cast %add3A_785 : i32 to index
        %get3A_808 = arith.constant 48 : index
        %get3A_809 = tpu.vector_load %arg10[%get3A_807, %get3A_808] {strides = array<i32>} : memref<64x64xf32, #tpu.memory_space<vmem>>, vector<16xf32>,
        %mul3A_810 = arith.mulf %get3A_809, %broadcast_in_dim3A_781 : vector<16xf32>
        %swap3A_811 = arith.index_cast %add3A_785 : i32 to index
        %swap3A_812 = arith.constant 48 : index
        %swap3A_813 = tpu.vector_load %arg10[%swap3A_811, %swap3A_812] {strides = array<i32>} : memref<64x64xf32, #tpu.memory_space<vmem>>, vector<16xf32>,
        tpu.vector_store %arg10[%swap3A_811, %swap3A_812], %mul3A_810 {strides = array<i32>} : memref<64x64xf32, #tpu.memory_space<vmem>>, vector<16xf32>,
      }
      %scan3A_125 = arith.constant 4 : i32
      %add3A_126 = arith.constant 0 : i32
      %add3A_127 = arith.addi %mul3A_73, %add3A_126 : i32
      %dma_start3A_128 = arith.constant 0 : i32
      %dma_start3A_129 = tpu.memref_slice %arg7[%add3A_127, %dma_start3A_128] : memref<320x64xi32, #tpu.memory_space<vmem>> -> memref<1x64xi32, #tpu.memory_space<vmem>>
      %dma_start3A_130 = tpu.memref_squeeze %dma_start3A_129 : memref<1x64xi32, #tpu.memory_space<vmem>> -> memref<64xi32, #tpu.memory_space<vmem>>
      %dma_start3A_131 = arith.constant 0 : i32
      %dma_start3A_132 = arith.constant 0 : i32
      %dma_start3A_133 = tpu.memref_slice %arg9[%dma_start3A_131, %dma_start3A_132] : memref<10240x64xf32, #tpu.memory_space<vmem_shared>> -> memref<10240x64xf32, #tpu.memory_space<vmem_shared>>
      tpu.enqueue_indirect_dma source(%arg10 : memref<64x64xf32, #tpu.memory_space<vmem>>) target(%dma_start3A_133 : memref<10240x64xf32, #tpu.memory_space<vmem_shared>>) offsets(%dma_start3A_130 : memref<64xi32, #tpu.memory_space<vmem>>) semaphore(%arg20 : memref<!tpu.dma_semaphore, #tpu.memory_space<semaphore_mem>>) {add = true}
      %dma_wait3A_134 = arith.constant 0 : i32
      %dma_wait3A_135 = tpu.memref_slice %arg6[%add3A_82, %dma_wait3A_134] : memref<320x64xi32, #tpu.memory_space<vmem>> -> memref<1x64xi32, #tpu.memory_space<vmem>>
      %dma_wait3A_136 = tpu.memref_squeeze %dma_wait3A_135 : memref<1x64xi32, #tpu.memory_space<vmem>> -> memref<64xi32, #tpu.memory_space<vmem>>
      %dma_wait3A_137 = arith.constant 0 : i32
      %dma_wait3A_138 = arith.constant 0 : i32
      %dma_wait3A_139 = tpu.memref_slice %arg2[%dma_wait3A_137, %dma_wait3A_138] : memref<20480x64xf32, #tpu.memory_space<hbm>> -> memref<20480x64xf32, #tpu.memory_space<hbm>>
      tpu.wait_indirect_dma semaphore(%arg16 : memref<!tpu.dma_semaphore, #tpu.memory_space<semaphore_mem>>) src(%dma_wait3A_139 : memref<20480x64xf32, #tpu.memory_space<hbm>>) dst(%arg11 : memref<64x64xf32, #tpu.memory_space<vmem>>)
      %add3A_140 = arith.constant 1 : i32
      %add3A_141 = arith.addi %mul3A_73, %add3A_140 : i32
      %scan3A_142 = arith.constant 0 : i32
      %scan3A_143 = arith.constant 0 : i32
      %scan3A_144 = arith.constant 4 : i32
      %scan3A_145 = arith.addi %scan3A_143, %scan3A_144 : i32
      %scan3A_146 = arith.constant 1 : i32
      scf.for %scan3A_252 = %scan3A_143 to %scan3A_145 step %scan3A_146  : i32 {
        %mul3A_253 = arith.constant 16 : i32
        %mul3A_254 = arith.muli %scan3A_252, %mul3A_253 : i32
        %get3A = arith.index_cast %add3A_141 : i32 to index
        %get3A_255 = arith.index_cast %mul3A_254 : i32 to index
        %get3A_256 = tpu.vector_load %arg8[%get3A, %get3A_255] {strides = array<i32>} : memref<320x64xf32, #tpu.memory_space<vmem>>, vector<16xf32>,
        %slice3A = vector.extract_strided_slice %get3A_256 {offsets = [0], sizes = [1], strides = [1]} : vector<16xf32> to vector<1xf32>
        %squeeze3A = vector.extract %slice3A[0] : f32 from vector<1xf32>
        %broadcast_in_dim3A_257 = vector.broadcast %squeeze3A : f32 to vector<16xf32>
        %mul3A_258 = arith.constant 16 : i32
        %mul3A_259 = arith.muli %scan3A_252, %mul3A_258 : i32
        %add3A_260 = arith.constant 0 : i32
        %add3A_261 = arith.addi %mul3A_259, %add3A_260 : i32
        %get3A_262 = arith.index_cast %add3A_261 : i32 to index
        %get3A_263 = arith.constant 0 : index
        %get3A_264 = tpu.vector_load %arg11[%get3A_262, %get3A_263] {strides = array<i32>} : memref<64x64xf32, #tpu.memory_space<vmem>>, vector<16xf32>,
        %mul3A_265 = arith.mulf %get3A_264, %broadcast_in_dim3A_257 : vector<16xf32>
        %swap3A = arith.index_cast %add3A_261 : i32 to index
        %swap3A_266 = arith.constant 0 : index
        %swap3A_267 = tpu.vector_load %arg11[%swap3A, %swap3A_266] {strides = array<i32>} : memref<64x64xf32, #tpu.memory_space<vmem>>, vector<16xf32>,
        tpu.vector_store %arg11[%swap3A, %swap3A_266], %mul3A_265 {strides = array<i32>} : memref<64x64xf32, #tpu.memory_space<vmem>>, vector<16xf32>,
        %get3A_268 = arith.index_cast %add3A_261 : i32 to index
        %get3A_269 = arith.constant 16 : index
        %get3A_270 = tpu.vector_load %arg11[%get3A_268, %get3A_269] {strides = array<i32>} : memref<64x64xf32, #tpu.memory_space<vmem>>, vector<16xf32>,
        %mul3A_271 = arith.mulf %get3A_270, %broadcast_in_dim3A_257 : vector<16xf32>
        %swap3A_272 = arith.index_cast %add3A_261 : i32 to index
        %swap3A_273 = arith.constant 16 : index
        %swap3A_274 = tpu.vector_load %arg11[%swap3A_272, %swap3A_273] {strides = array<i32>} : memref<64x64xf32, #tpu.memory_space<vmem>>, vector<16xf32>,
        tpu.vector_store %arg11[%swap3A_272, %swap3A_273], %mul3A_271 {strides = array<i32>} : memref<64x64xf32, #tpu.memory_space<vmem>>, vector<16xf32>,
        %get3A_275 = arith.index_cast %add3A_261 : i32 to index
        %get3A_276 = arith.constant 32 : index
        %get3A_277 = tpu.vector_load %arg11[%get3A_275, %get3A_276] {strides = array<i32>} : memref<64x64xf32, #tpu.memory_space<vmem>>, vector<16xf32>,
        %mul3A_278 = arith.mulf %get3A_277, %broadcast_in_dim3A_257 : vector<16xf32>
        %swap3A_279 = arith.index_cast %add3A_261 : i32 to index
        %swap3A_280 = arith.constant 32 : index
        %swap3A_281 = tpu.vector_load %arg11[%swap3A_279, %swap3A_280] {strides = array<i32>} : memref<64x64xf32, #tpu.memory_space<vmem>>, vector<16xf32>,
        tpu.vector_store %arg11[%swap3A_279, %swap3A_280], %mul3A_278 {strides = array<i32>} : memref<64x64xf32, #tpu.memory_space<vmem>>, vector<16xf32>,
        %get3A_282 = arith.index_cast %add3A_261 : i32 to index
        %get3A_283 = arith.constant 48 : index
        %get3A_284 = tpu.vector_load %arg11[%get3A_282, %get3A_283] {strides = array<i32>} : memref<64x64xf32, #tpu.memory_space<vmem>>, vector<16xf32>,
        %mul3A_285 = arith.mulf %get3A_284, %broadcast_in_dim3A_257 : vector<16xf32>
        %swap3A_286 = arith.index_cast %add3A_261 : i32 to index
        %swap3A_287 = arith.constant 48 : index
        %swap3A_288 = tpu.vector_load %arg11[%swap3A_286, %swap3A_287] {strides = array<i32>} : memref<64x64xf32, #tpu.memory_space<vmem>>, vector<16xf32>,
        tpu.vector_store %arg11[%swap3A_286, %swap3A_287], %mul3A_285 {strides = array<i32>} : memref<64x64xf32, #tpu.memory_space<vmem>>, vector<16xf32>,
        %slice3A_289 = vector.extract_strided_slice %get3A_256 {offsets = [1], sizes = [1], strides = [1]} : vector<16xf32> to vector<1xf32>
        %squeeze3A_290 = vector.extract %slice3A_289[0] : f32 from vector<1xf32>
        %broadcast_in_dim3A_291 = vector.broadcast %squeeze3A_290 : f32 to vector<16xf32>
        %mul3A_292 = arith.constant 16 : i32
        %mul3A_293 = arith.muli %scan3A_252, %mul3A_292 : i32
        %add3A_294 = arith.constant 1 : i32
        %add3A_295 = arith.addi %mul3A_293, %add3A_294 : i32
        %get3A_296 = arith.index_cast %add3A_295 : i32 to index
        %get3A_297 = arith.constant 0 : index
        %get3A_298 = tpu.vector_load %arg11[%get3A_296, %get3A_297] {strides = array<i32>} : memref<64x64xf32, #tpu.memory_space<vmem>>, vector<16xf32>,
        %mul3A_299 = arith.mulf %get3A_298, %broadcast_in_dim3A_291 : vector<16xf32>
        %swap3A_300 = arith.index_cast %add3A_295 : i32 to index
        %swap3A_301 = arith.constant 0 : index
        %swap3A_302 = tpu.vector_load %arg11[%swap3A_300, %swap3A_301] {strides = array<i32>} : memref<64x64xf32, #tpu.memory_space<vmem>>, vector<16xf32>,
        tpu.vector_store %arg11[%swap3A_300, %swap3A_301], %mul3A_299 {strides = array<i32>} : memref<64x64xf32, #tpu.memory_space<vmem>>, vector<16xf32>,
        %get3A_303 = arith.index_cast %add3A_295 : i32 to index
        %get3A_304 = arith.constant 16 : index
        %get3A_305 = tpu.vector_load %arg11[%get3A_303, %get3A_304] {strides = array<i32>} : memref<64x64xf32, #tpu.memory_space<vmem>>, vector<16xf32>,
        %mul3A_306 = arith.mulf %get3A_305, %broadcast_in_dim3A_291 : vector<16xf32>
        %swap3A_307 = arith.index_cast %add3A_295 : i32 to index
        %swap3A_308 = arith.constant 16 : index
        %swap3A_309 = tpu.vector_load %arg11[%swap3A_307, %swap3A_308] {strides = array<i32>} : memref<64x64xf32, #tpu.memory_space<vmem>>, vector<16xf32>,
        tpu.vector_store %arg11[%swap3A_307, %swap3A_308], %mul3A_306 {strides = array<i32>} : memref<64x64xf32, #tpu.memory_space<vmem>>, vector<16xf32>,
        %get3A_310 = arith.index_cast %add3A_295 : i32 to index
        %get3A_311 = arith.constant 32 : index
        %get3A_312 = tpu.vector_load %arg11[%get3A_310, %get3A_311] {strides = array<i32>} : memref<64x64xf32, #tpu.memory_space<vmem>>, vector<16xf32>,
        %mul3A_313 = arith.mulf %get3A_312, %broadcast_in_dim3A_291 : vector<16xf32>
        %swap3A_314 = arith.index_cast %add3A_295 : i32 to index
        %swap3A_315 = arith.constant 32 : index
        %swap3A_316 = tpu.vector_load %arg11[%swap3A_314, %swap3A_315] {strides = array<i32>} : memref<64x64xf32, #tpu.memory_space<vmem>>, vector<16xf32>,
        tpu.vector_store %arg11[%swap3A_314, %swap3A_315], %mul3A_313 {strides = array<i32>} : memref<64x64xf32, #tpu.memory_space<vmem>>, vector<16xf32>,
        %get3A_317 = arith.index_cast %add3A_295 : i32 to index
        %get3A_318 = arith.constant 48 : index
        %get3A_319 = tpu.vector_load %arg11[%get3A_317, %get3A_318] {strides = array<i32>} : memref<64x64xf32, #tpu.memory_space<vmem>>, vector<16xf32>,
        %mul3A_320 = arith.mulf %get3A_319, %broadcast_in_dim3A_291 : vector<16xf32>
        %swap3A_321 = arith.index_cast %add3A_295 : i32 to index
        %swap3A_322 = arith.constant 48 : index
        %swap3A_323 = tpu.vector_load %arg11[%swap3A_321, %swap3A_322] {strides = array<i32>} : memref<64x64xf32, #tpu.memory_space<vmem>>, vector<16xf32>,
        tpu.vector_store %arg11[%swap3A_321, %swap3A_322], %mul3A_320 {strides = array<i32>} : memref<64x64xf32, #tpu.memory_space<vmem>>, vector<16xf32>,
        %slice3A_324 = vector.extract_strided_slice %get3A_256 {offsets = [2], sizes = [1], strides = [1]} : vector<16xf32> to vector<1xf32>
        %squeeze3A_325 = vector.extract %slice3A_324[0] : f32 from vector<1xf32>
        %broadcast_in_dim3A_326 = vector.broadcast %squeeze3A_325 : f32 to vector<16xf32>
        %mul3A_327 = arith.constant 16 : i32
        %mul3A_328 = arith.muli %scan3A_252, %mul3A_327 : i32
        %add3A_329 = arith.constant 2 : i32
        %add3A_330 = arith.addi %mul3A_328, %add3A_329 : i32
        %get3A_331 = arith.index_cast %add3A_330 : i32 to index
        %get3A_332 = arith.constant 0 : index
        %get3A_333 = tpu.vector_load %arg11[%get3A_331, %get3A_332] {strides = array<i32>} : memref<64x64xf32, #tpu.memory_space<vmem>>, vector<16xf32>,
        %mul3A_334 = arith.mulf %get3A_333, %broadcast_in_dim3A_326 : vector<16xf32>
        %swap3A_335 = arith.index_cast %add3A_330 : i32 to index
        %swap3A_336 = arith.constant 0 : index
        %swap3A_337 = tpu.vector_load %arg11[%swap3A_335, %swap3A_336] {strides = array<i32>} : memref<64x64xf32, #tpu.memory_space<vmem>>, vector<16xf32>,
        tpu.vector_store %arg11[%swap3A_335, %swap3A_336], %mul3A_334 {strides = array<i32>} : memref<64x64xf32, #tpu.memory_space<vmem>>, vector<16xf32>,
        %get3A_338 = arith.index_cast %add3A_330 : i32 to index
        %get3A_339 = arith.constant 16 : index
        %get3A_340 = tpu.vector_load %arg11[%get3A_338, %get3A_339] {strides = array<i32>} : memref<64x64xf32, #tpu.memory_space<vmem>>, vector<16xf32>,
        %mul3A_341 = arith.mulf %get3A_340, %broadcast_in_dim3A_326 : vector<16xf32>
        %swap3A_342 = arith.index_cast %add3A_330 : i32 to index
        %swap3A_343 = arith.constant 16 : index
        %swap3A_344 = tpu.vector_load %arg11[%swap3A_342, %swap3A_343] {strides = array<i32>} : memref<64x64xf32, #tpu.memory_space<vmem>>, vector<16xf32>,
        tpu.vector_store %arg11[%swap3A_342, %swap3A_343], %mul3A_341 {strides = array<i32>} : memref<64x64xf32, #tpu.memory_space<vmem>>, vector<16xf32>,
        %get3A_345 = arith.index_cast %add3A_330 : i32 to index
        %get3A_346 = arith.constant 32 : index
        %get3A_347 = tpu.vector_load %arg11[%get3A_345, %get3A_346] {strides = array<i32>} : memref<64x64xf32, #tpu.memory_space<vmem>>, vector<16xf32>,
        %mul3A_348 = arith.mulf %get3A_347, %broadcast_in_dim3A_326 : vector<16xf32>
        %swap3A_349 = arith.index_cast %add3A_330 : i32 to index
        %swap3A_350 = arith.constant 32 : index
        %swap3A_351 = tpu.vector_load %arg11[%swap3A_349, %swap3A_350] {strides = array<i32>} : memref<64x64xf32, #tpu.memory_space<vmem>>, vector<16xf32>,
        tpu.vector_store %arg11[%swap3A_349, %swap3A_350], %mul3A_348 {strides = array<i32>} : memref<64x64xf32, #tpu.memory_space<vmem>>, vector<16xf32>,
        %get3A_352 = arith.index_cast %add3A_330 : i32 to index
        %get3A_353 = arith.constant 48 : index
        %get3A_354 = tpu.vector_load %arg11[%get3A_352, %get3A_353] {strides = array<i32>} : memref<64x64xf32, #tpu.memory_space<vmem>>, vector<16xf32>,
        %mul3A_355 = arith.mulf %get3A_354, %broadcast_in_dim3A_326 : vector<16xf32>
        %swap3A_356 = arith.index_cast %add3A_330 : i32 to index
        %swap3A_357 = arith.constant 48 : index
        %swap3A_358 = tpu.vector_load %arg11[%swap3A_356, %swap3A_357] {strides = array<i32>} : memref<64x64xf32, #tpu.memory_space<vmem>>, vector<16xf32>,
        tpu.vector_store %arg11[%swap3A_356, %swap3A_357], %mul3A_355 {strides = array<i32>} : memref<64x64xf32, #tpu.memory_space<vmem>>, vector<16xf32>,
        %slice3A_359 = vector.extract_strided_slice %get3A_256 {offsets = [3], sizes = [1], strides = [1]} : vector<16xf32> to vector<1xf32>
        %squeeze3A_360 = vector.extract %slice3A_359[0] : f32 from vector<1xf32>
        %broadcast_in_dim3A_361 = vector.broadcast %squeeze3A_360 : f32 to vector<16xf32>
        %mul3A_362 = arith.constant 16 : i32
        %mul3A_363 = arith.muli %scan3A_252, %mul3A_362 : i32
        %add3A_364 = arith.constant 3 : i32
        %add3A_365 = arith.addi %mul3A_363, %add3A_364 : i32
        %get3A_366 = arith.index_cast %add3A_365 : i32 to index
        %get3A_367 = arith.constant 0 : index
        %get3A_368 = tpu.vector_load %arg11[%get3A_366, %get3A_367] {strides = array<i32>} : memref<64x64xf32, #tpu.memory_space<vmem>>, vector<16xf32>,
        %mul3A_369 = arith.mulf %get3A_368, %broadcast_in_dim3A_361 : vector<16xf32>
        %swap3A_370 = arith.index_cast %add3A_365 : i32 to index
        %swap3A_371 = arith.constant 0 : index
        %swap3A_372 = tpu.vector_load %arg11[%swap3A_370, %swap3A_371] {strides = array<i32>} : memref<64x64xf32, #tpu.memory_space<vmem>>, vector<16xf32>,
        tpu.vector_store %arg11[%swap3A_370, %swap3A_371], %mul3A_369 {strides = array<i32>} : memref<64x64xf32, #tpu.memory_space<vmem>>, vector<16xf32>,
        %get3A_373 = arith.index_cast %add3A_365 : i32 to index
        %get3A_374 = arith.constant 16 : index
        %get3A_375 = tpu.vector_load %arg11[%get3A_373, %get3A_374] {strides = array<i32>} : memref<64x64xf32, #tpu.memory_space<vmem>>, vector<16xf32>,
        %mul3A_376 = arith.mulf %get3A_375, %broadcast_in_dim3A_361 : vector<16xf32>
        %swap3A_377 = arith.index_cast %add3A_365 : i32 to index
        %swap3A_378 = arith.constant 16 : index
        %swap3A_379 = tpu.vector_load %arg11[%swap3A_377, %swap3A_378] {strides = array<i32>} : memref<64x64xf32, #tpu.memory_space<vmem>>, vector<16xf32>,
        tpu.vector_store %arg11[%swap3A_377, %swap3A_378], %mul3A_376 {strides = array<i32>} : memref<64x64xf32, #tpu.memory_space<vmem>>, vector<16xf32>,
        %get3A_380 = arith.index_cast %add3A_365 : i32 to index
        %get3A_381 = arith.constant 32 : index
        %get3A_382 = tpu.vector_load %arg11[%get3A_380, %get3A_381] {strides = array<i32>} : memref<64x64xf32, #tpu.memory_space<vmem>>, vector<16xf32>,
        %mul3A_383 = arith.mulf %get3A_382, %broadcast_in_dim3A_361 : vector<16xf32>
        %swap3A_384 = arith.index_cast %add3A_365 : i32 to index
        %swap3A_385 = arith.constant 32 : index
        %swap3A_386 = tpu.vector_load %arg11[%swap3A_384, %swap3A_385] {strides = array<i32>} : memref<64x64xf32, #tpu.memory_space<vmem>>, vector<16xf32>,
        tpu.vector_store %arg11[%swap3A_384, %swap3A_385], %mul3A_383 {strides = array<i32>} : memref<64x64xf32, #tpu.memory_space<vmem>>, vector<16xf32>,
        %get3A_387 = arith.index_cast %add3A_365 : i32 to index
        %get3A_388 = arith.constant 48 : index
        %get3A_389 = tpu.vector_load %arg11[%get3A_387, %get3A_388] {strides = array<i32>} : memref<64x64xf32, #tpu.memory_space<vmem>>, vector<16xf32>,
        %mul3A_390 = arith.mulf %get3A_389, %broadcast_in_dim3A_361 : vector<16xf32>
        %swap3A_391 = arith.index_cast %add3A_365 : i32 to index
        %swap3A_392 = arith.constant 48 : index
        %swap3A_393 = tpu.vector_load %arg11[%swap3A_391, %swap3A_392] {strides = array<i32>} : memref<64x64xf32, #tpu.memory_space<vmem>>, vector<16xf32>,
        tpu.vector_store %arg11[%swap3A_391, %swap3A_392], %mul3A_390 {strides = array<i32>} : memref<64x64xf32, #tpu.memory_space<vmem>>, vector<16xf32>,
        %slice3A_394 = vector.extract_strided_slice %get3A_256 {offsets = [4], sizes = [1], strides = [1]} : vector<16xf32> to vector<1xf32>
        %squeeze3A_395 = vector.extract %slice3A_394[0] : f32 from vector<1xf32>
        %broadcast_in_dim3A_396 = vector.broadcast %squeeze3A_395 : f32 to vector<16xf32>
        %mul3A_397 = arith.constant 16 : i32
        %mul3A_398 = arith.muli %scan3A_252, %mul3A_397 : i32
        %add3A_399 = arith.constant 4 : i32
        %add3A_400 = arith.addi %mul3A_398, %add3A_399 : i32
        %get3A_401 = arith.index_cast %add3A_400 : i32 to index
        %get3A_402 = arith.constant 0 : index
        %get3A_403 = tpu.vector_load %arg11[%get3A_401, %get3A_402] {strides = array<i32>} : memref<64x64xf32, #tpu.memory_space<vmem>>, vector<16xf32>,
        %mul3A_404 = arith.mulf %get3A_403, %broadcast_in_dim3A_396 : vector<16xf32>
        %swap3A_405 = arith.index_cast %add3A_400 : i32 to index
        %swap3A_406 = arith.constant 0 : index
        %swap3A_407 = tpu.vector_load %arg11[%swap3A_405, %swap3A_406] {strides = array<i32>} : memref<64x64xf32, #tpu.memory_space<vmem>>, vector<16xf32>,
        tpu.vector_store %arg11[%swap3A_405, %swap3A_406], %mul3A_404 {strides = array<i32>} : memref<64x64xf32, #tpu.memory_space<vmem>>, vector<16xf32>,
        %get3A_408 = arith.index_cast %add3A_400 : i32 to index
        %get3A_409 = arith.constant 16 : index
        %get3A_410 = tpu.vector_load %arg11[%get3A_408, %get3A_409] {strides = array<i32>} : memref<64x64xf32, #tpu.memory_space<vmem>>, vector<16xf32>,
        %mul3A_411 = arith.mulf %get3A_410, %broadcast_in_dim3A_396 : vector<16xf32>
        %swap3A_412 = arith.index_cast %add3A_400 : i32 to index
        %swap3A_413 = arith.constant 16 : index
        %swap3A_414 = tpu.vector_load %arg11[%swap3A_412, %swap3A_413] {strides = array<i32>} : memref<64x64xf32, #tpu.memory_space<vmem>>, vector<16xf32>,
        tpu.vector_store %arg11[%swap3A_412, %swap3A_413], %mul3A_411 {strides = array<i32>} : memref<64x64xf32, #tpu.memory_space<vmem>>, vector<16xf32>,
        %get3A_415 = arith.index_cast %add3A_400 : i32 to index
        %get3A_416 = arith.constant 32 : index
        %get3A_417 = tpu.vector_load %arg11[%get3A_415, %get3A_416] {strides = array<i32>} : memref<64x64xf32, #tpu.memory_space<vmem>>, vector<16xf32>,
        %mul3A_418 = arith.mulf %get3A_417, %broadcast_in_dim3A_396 : vector<16xf32>
        %swap3A_419 = arith.index_cast %add3A_400 : i32 to index
        %swap3A_420 = arith.constant 32 : index
        %swap3A_421 = tpu.vector_load %arg11[%swap3A_419, %swap3A_420] {strides = array<i32>} : memref<64x64xf32, #tpu.memory_space<vmem>>, vector<16xf32>,
        tpu.vector_store %arg11[%swap3A_419, %swap3A_420], %mul3A_418 {strides = array<i32>} : memref<64x64xf32, #tpu.memory_space<vmem>>, vector<16xf32>,
        %get3A_422 = arith.index_cast %add3A_400 : i32 to index
        %get3A_423 = arith.constant 48 : index
        %get3A_424 = tpu.vector_load %arg11[%get3A_422, %get3A_423] {strides = array<i32>} : memref<64x64xf32, #tpu.memory_space<vmem>>, vector<16xf32>,
        %mul3A_425 = arith.mulf %get3A_424, %broadcast_in_dim3A_396 : vector<16xf32>
        %swap3A_426 = arith.index_cast %add3A_400 : i32 to index
        %swap3A_427 = arith.constant 48 : index
        %swap3A_428 = tpu.vector_load %arg11[%swap3A_426, %swap3A_427] {strides = array<i32>} : memref<64x64xf32, #tpu.memory_space<vmem>>, vector<16xf32>,
        tpu.vector_store %arg11[%swap3A_426, %swap3A_427], %mul3A_425 {strides = array<i32>} : memref<64x64xf32, #tpu.memory_space<vmem>>, vector<16xf32>,
        %slice3A_429 = vector.extract_strided_slice %get3A_256 {offsets = [5], sizes = [1], strides = [1]} : vector<16xf32> to vector<1xf32>
        %squeeze3A_430 = vector.extract %slice3A_429[0] : f32 from vector<1xf32>
        %broadcast_in_dim3A_431 = vector.broadcast %squeeze3A_430 : f32 to vector<16xf32>
        %mul3A_432 = arith.constant 16 : i32
        %mul3A_433 = arith.muli %scan3A_252, %mul3A_432 : i32
        %add3A_434 = arith.constant 5 : i32
        %add3A_435 = arith.addi %mul3A_433, %add3A_434 : i32
        %get3A_436 = arith.index_cast %add3A_435 : i32 to index
        %get3A_437 = arith.constant 0 : index
        %get3A_438 = tpu.vector_load %arg11[%get3A_436, %get3A_437] {strides = array<i32>} : memref<64x64xf32, #tpu.memory_space<vmem>>, vector<16xf32>,
        %mul3A_439 = arith.mulf %get3A_438, %broadcast_in_dim3A_431 : vector<16xf32>
        %swap3A_440 = arith.index_cast %add3A_435 : i32 to index
        %swap3A_441 = arith.constant 0 : index
        %swap3A_442 = tpu.vector_load %arg11[%swap3A_440, %swap3A_441] {strides = array<i32>} : memref<64x64xf32, #tpu.memory_space<vmem>>, vector<16xf32>,
        tpu.vector_store %arg11[%swap3A_440, %swap3A_441], %mul3A_439 {strides = array<i32>} : memref<64x64xf32, #tpu.memory_space<vmem>>, vector<16xf32>,
        %get3A_443 = arith.index_cast %add3A_435 : i32 to index
        %get3A_444 = arith.constant 16 : index
        %get3A_445 = tpu.vector_load %arg11[%get3A_443, %get3A_444] {strides = array<i32>} : memref<64x64xf32, #tpu.memory_space<vmem>>, vector<16xf32>,
        %mul3A_446 = arith.mulf %get3A_445, %broadcast_in_dim3A_431 : vector<16xf32>
        %swap3A_447 = arith.index_cast %add3A_435 : i32 to index
        %swap3A_448 = arith.constant 16 : index
        %swap3A_449 = tpu.vector_load %arg11[%swap3A_447, %swap3A_448] {strides = array<i32>} : memref<64x64xf32, #tpu.memory_space<vmem>>, vector<16xf32>,
        tpu.vector_store %arg11[%swap3A_447, %swap3A_448], %mul3A_446 {strides = array<i32>} : memref<64x64xf32, #tpu.memory_space<vmem>>, vector<16xf32>,
        %get3A_450 = arith.index_cast %add3A_435 : i32 to index
        %get3A_451 = arith.constant 32 : index
        %get3A_452 = tpu.vector_load %arg11[%get3A_450, %get3A_451] {strides = array<i32>} : memref<64x64xf32, #tpu.memory_space<vmem>>, vector<16xf32>,
        %mul3A_453 = arith.mulf %get3A_452, %broadcast_in_dim3A_431 : vector<16xf32>
        %swap3A_454 = arith.index_cast %add3A_435 : i32 to index
        %swap3A_455 = arith.constant 32 : index
        %swap3A_456 = tpu.vector_load %arg11[%swap3A_454, %swap3A_455] {strides = array<i32>} : memref<64x64xf32, #tpu.memory_space<vmem>>, vector<16xf32>,
        tpu.vector_store %arg11[%swap3A_454, %swap3A_455], %mul3A_453 {strides = array<i32>} : memref<64x64xf32, #tpu.memory_space<vmem>>, vector<16xf32>,
        %get3A_457 = arith.index_cast %add3A_435 : i32 to index
        %get3A_458 = arith.constant 48 : index
        %get3A_459 = tpu.vector_load %arg11[%get3A_457, %get3A_458] {strides = array<i32>} : memref<64x64xf32, #tpu.memory_space<vmem>>, vector<16xf32>,
        %mul3A_460 = arith.mulf %get3A_459, %broadcast_in_dim3A_431 : vector<16xf32>
        %swap3A_461 = arith.index_cast %add3A_435 : i32 to index
        %swap3A_462 = arith.constant 48 : index
        %swap3A_463 = tpu.vector_load %arg11[%swap3A_461, %swap3A_462] {strides = array<i32>} : memref<64x64xf32, #tpu.memory_space<vmem>>, vector<16xf32>,
        tpu.vector_store %arg11[%swap3A_461, %swap3A_462], %mul3A_460 {strides = array<i32>} : memref<64x64xf32, #tpu.memory_space<vmem>>, vector<16xf32>,
        %slice3A_464 = vector.extract_strided_slice %get3A_256 {offsets = [6], sizes = [1], strides = [1]} : vector<16xf32> to vector<1xf32>
        %squeeze3A_465 = vector.extract %slice3A_464[0] : f32 from vector<1xf32>
        %broadcast_in_dim3A_466 = vector.broadcast %squeeze3A_465 : f32 to vector<16xf32>
        %mul3A_467 = arith.constant 16 : i32
        %mul3A_468 = arith.muli %scan3A_252, %mul3A_467 : i32
        %add3A_469 = arith.constant 6 : i32
        %add3A_470 = arith.addi %mul3A_468, %add3A_469 : i32
        %get3A_471 = arith.index_cast %add3A_470 : i32 to index
        %get3A_472 = arith.constant 0 : index
        %get3A_473 = tpu.vector_load %arg11[%get3A_471, %get3A_472] {strides = array<i32>} : memref<64x64xf32, #tpu.memory_space<vmem>>, vector<16xf32>,
        %mul3A_474 = arith.mulf %get3A_473, %broadcast_in_dim3A_466 : vector<16xf32>
        %swap3A_475 = arith.index_cast %add3A_470 : i32 to index
        %swap3A_476 = arith.constant 0 : index
        %swap3A_477 = tpu.vector_load %arg11[%swap3A_475, %swap3A_476] {strides = array<i32>} : memref<64x64xf32, #tpu.memory_space<vmem>>, vector<16xf32>,
        tpu.vector_store %arg11[%swap3A_475, %swap3A_476], %mul3A_474 {strides = array<i32>} : memref<64x64xf32, #tpu.memory_space<vmem>>, vector<16xf32>,
        %get3A_478 = arith.index_cast %add3A_470 : i32 to index
        %get3A_479 = arith.constant 16 : index
        %get3A_480 = tpu.vector_load %arg11[%get3A_478, %get3A_479] {strides = array<i32>} : memref<64x64xf32, #tpu.memory_space<vmem>>, vector<16xf32>,
        %mul3A_481 = arith.mulf %get3A_480, %broadcast_in_dim3A_466 : vector<16xf32>
        %swap3A_482 = arith.index_cast %add3A_470 : i32 to index
        %swap3A_483 = arith.constant 16 : index
        %swap3A_484 = tpu.vector_load %arg11[%swap3A_482, %swap3A_483] {strides = array<i32>} : memref<64x64xf32, #tpu.memory_space<vmem>>, vector<16xf32>,
        tpu.vector_store %arg11[%swap3A_482, %swap3A_483], %mul3A_481 {strides = array<i32>} : memref<64x64xf32, #tpu.memory_space<vmem>>, vector<16xf32>,
        %get3A_485 = arith.index_cast %add3A_470 : i32 to index
        %get3A_486 = arith.constant 32 : index
        %get3A_487 = tpu.vector_load %arg11[%get3A_485, %get3A_486] {strides = array<i32>} : memref<64x64xf32, #tpu.memory_space<vmem>>, vector<16xf32>,
        %mul3A_488 = arith.mulf %get3A_487, %broadcast_in_dim3A_466 : vector<16xf32>
        %swap3A_489 = arith.index_cast %add3A_470 : i32 to index
        %swap3A_490 = arith.constant 32 : index
        %swap3A_491 = tpu.vector_load %arg11[%swap3A_489, %swap3A_490] {strides = array<i32>} : memref<64x64xf32, #tpu.memory_space<vmem>>, vector<16xf32>,
        tpu.vector_store %arg11[%swap3A_489, %swap3A_490], %mul3A_488 {strides = array<i32>} : memref<64x64xf32, #tpu.memory_space<vmem>>, vector<16xf32>,
        %get3A_492 = arith.index_cast %add3A_470 : i32 to index
        %get3A_493 = arith.constant 48 : index
        %get3A_494 = tpu.vector_load %arg11[%get3A_492, %get3A_493] {strides = array<i32>} : memref<64x64xf32, #tpu.memory_space<vmem>>, vector<16xf32>,
        %mul3A_495 = arith.mulf %get3A_494, %broadcast_in_dim3A_466 : vector<16xf32>
        %swap3A_496 = arith.index_cast %add3A_470 : i32 to index
        %swap3A_497 = arith.constant 48 : index
        %swap3A_498 = tpu.vector_load %arg11[%swap3A_496, %swap3A_497] {strides = array<i32>} : memref<64x64xf32, #tpu.memory_space<vmem>>, vector<16xf32>,
        tpu.vector_store %arg11[%swap3A_496, %swap3A_497], %mul3A_495 {strides = array<i32>} : memref<64x64xf32, #tpu.memory_space<vmem>>, vector<16xf32>,
        %slice3A_499 = vector.extract_strided_slice %get3A_256 {offsets = [7], sizes = [1], strides = [1]} : vector<16xf32> to vector<1xf32>
        %squeeze3A_500 = vector.extract %slice3A_499[0] : f32 from vector<1xf32>
        %broadcast_in_dim3A_501 = vector.broadcast %squeeze3A_500 : f32 to vector<16xf32>
        %mul3A_502 = arith.constant 16 : i32
        %mul3A_503 = arith.muli %scan3A_252, %mul3A_502 : i32
        %add3A_504 = arith.constant 7 : i32
        %add3A_505 = arith.addi %mul3A_503, %add3A_504 : i32
        %get3A_506 = arith.index_cast %add3A_505 : i32 to index
        %get3A_507 = arith.constant 0 : index
        %get3A_508 = tpu.vector_load %arg11[%get3A_506, %get3A_507] {strides = array<i32>} : memref<64x64xf32, #tpu.memory_space<vmem>>, vector<16xf32>,
        %mul3A_509 = arith.mulf %get3A_508, %broadcast_in_dim3A_501 : vector<16xf32>
        %swap3A_510 = arith.index_cast %add3A_505 : i32 to index
        %swap3A_511 = arith.constant 0 : index
        %swap3A_512 = tpu.vector_load %arg11[%swap3A_510, %swap3A_511] {strides = array<i32>} : memref<64x64xf32, #tpu.memory_space<vmem>>, vector<16xf32>,
        tpu.vector_store %arg11[%swap3A_510, %swap3A_511], %mul3A_509 {strides = array<i32>} : memref<64x64xf32, #tpu.memory_space<vmem>>, vector<16xf32>,
        %get3A_513 = arith.index_cast %add3A_505 : i32 to index
        %get3A_514 = arith.constant 16 : index
        %get3A_515 = tpu.vector_load %arg11[%get3A_513, %get3A_514] {strides = array<i32>} : memref<64x64xf32, #tpu.memory_space<vmem>>, vector<16xf32>,
        %mul3A_516 = arith.mulf %get3A_515, %broadcast_in_dim3A_501 : vector<16xf32>
        %swap3A_517 = arith.index_cast %add3A_505 : i32 to index
        %swap3A_518 = arith.constant 16 : index
        %swap3A_519 = tpu.vector_load %arg11[%swap3A_517, %swap3A_518] {strides = array<i32>} : memref<64x64xf32, #tpu.memory_space<vmem>>, vector<16xf32>,
        tpu.vector_store %arg11[%swap3A_517, %swap3A_518], %mul3A_516 {strides = array<i32>} : memref<64x64xf32, #tpu.memory_space<vmem>>, vector<16xf32>,
        %get3A_520 = arith.index_cast %add3A_505 : i32 to index
        %get3A_521 = arith.constant 32 : index
        %get3A_522 = tpu.vector_load %arg11[%get3A_520, %get3A_521] {strides = array<i32>} : memref<64x64xf32, #tpu.memory_space<vmem>>, vector<16xf32>,
        %mul3A_523 = arith.mulf %get3A_522, %broadcast_in_dim3A_501 : vector<16xf32>
        %swap3A_524 = arith.index_cast %add3A_505 : i32 to index
        %swap3A_525 = arith.constant 32 : index
        %swap3A_526 = tpu.vector_load %arg11[%swap3A_524, %swap3A_525] {strides = array<i32>} : memref<64x64xf32, #tpu.memory_space<vmem>>, vector<16xf32>,
        tpu.vector_store %arg11[%swap3A_524, %swap3A_525], %mul3A_523 {strides = array<i32>} : memref<64x64xf32, #tpu.memory_space<vmem>>, vector<16xf32>,
        %get3A_527 = arith.index_cast %add3A_505 : i32 to index
        %get3A_528 = arith.constant 48 : index
        %get3A_529 = tpu.vector_load %arg11[%get3A_527, %get3A_528] {strides = array<i32>} : memref<64x64xf32, #tpu.memory_space<vmem>>, vector<16xf32>,
        %mul3A_530 = arith.mulf %get3A_529, %broadcast_in_dim3A_501 : vector<16xf32>
        %swap3A_531 = arith.index_cast %add3A_505 : i32 to index
        %swap3A_532 = arith.constant 48 : index
        %swap3A_533 = tpu.vector_load %arg11[%swap3A_531, %swap3A_532] {strides = array<i32>} : memref<64x64xf32, #tpu.memory_space<vmem>>, vector<16xf32>,
        tpu.vector_store %arg11[%swap3A_531, %swap3A_532], %mul3A_530 {strides = array<i32>} : memref<64x64xf32, #tpu.memory_space<vmem>>, vector<16xf32>,
        %slice3A_534 = vector.extract_strided_slice %get3A_256 {offsets = [8], sizes = [1], strides = [1]} : vector<16xf32> to vector<1xf32>
        %squeeze3A_535 = vector.extract %slice3A_534[0] : f32 from vector<1xf32>
        %broadcast_in_dim3A_536 = vector.broadcast %squeeze3A_535 : f32 to vector<16xf32>
        %mul3A_537 = arith.constant 16 : i32
        %mul3A_538 = arith.muli %scan3A_252, %mul3A_537 : i32
        %add3A_539 = arith.constant 8 : i32
        %add3A_540 = arith.addi %mul3A_538, %add3A_539 : i32
        %get3A_541 = arith.index_cast %add3A_540 : i32 to index
        %get3A_542 = arith.constant 0 : index
        %get3A_543 = tpu.vector_load %arg11[%get3A_541, %get3A_542] {strides = array<i32>} : memref<64x64xf32, #tpu.memory_space<vmem>>, vector<16xf32>,
        %mul3A_544 = arith.mulf %get3A_543, %broadcast_in_dim3A_536 : vector<16xf32>
        %swap3A_545 = arith.index_cast %add3A_540 : i32 to index
        %swap3A_546 = arith.constant 0 : index
        %swap3A_547 = tpu.vector_load %arg11[%swap3A_545, %swap3A_546] {strides = array<i32>} : memref<64x64xf32, #tpu.memory_space<vmem>>, vector<16xf32>,
        tpu.vector_store %arg11[%swap3A_545, %swap3A_546], %mul3A_544 {strides = array<i32>} : memref<64x64xf32, #tpu.memory_space<vmem>>, vector<16xf32>,
        %get3A_548 = arith.index_cast %add3A_540 : i32 to index
        %get3A_549 = arith.constant 16 : index
        %get3A_550 = tpu.vector_load %arg11[%get3A_548, %get3A_549] {strides = array<i32>} : memref<64x64xf32, #tpu.memory_space<vmem>>, vector<16xf32>,
        %mul3A_551 = arith.mulf %get3A_550, %broadcast_in_dim3A_536 : vector<16xf32>
        %swap3A_552 = arith.index_cast %add3A_540 : i32 to index
        %swap3A_553 = arith.constant 16 : index
        %swap3A_554 = tpu.vector_load %arg11[%swap3A_552, %swap3A_553] {strides = array<i32>} : memref<64x64xf32, #tpu.memory_space<vmem>>, vector<16xf32>,
        tpu.vector_store %arg11[%swap3A_552, %swap3A_553], %mul3A_551 {strides = array<i32>} : memref<64x64xf32, #tpu.memory_space<vmem>>, vector<16xf32>,
        %get3A_555 = arith.index_cast %add3A_540 : i32 to index
        %get3A_556 = arith.constant 32 : index
        %get3A_557 = tpu.vector_load %arg11[%get3A_555, %get3A_556] {strides = array<i32>} : memref<64x64xf32, #tpu.memory_space<vmem>>, vector<16xf32>,
        %mul3A_558 = arith.mulf %get3A_557, %broadcast_in_dim3A_536 : vector<16xf32>
        %swap3A_559 = arith.index_cast %add3A_540 : i32 to index
        %swap3A_560 = arith.constant 32 : index
        %swap3A_561 = tpu.vector_load %arg11[%swap3A_559, %swap3A_560] {strides = array<i32>} : memref<64x64xf32, #tpu.memory_space<vmem>>, vector<16xf32>,
        tpu.vector_store %arg11[%swap3A_559, %swap3A_560], %mul3A_558 {strides = array<i32>} : memref<64x64xf32, #tpu.memory_space<vmem>>, vector<16xf32>,
        %get3A_562 = arith.index_cast %add3A_540 : i32 to index
        %get3A_563 = arith.constant 48 : index
        %get3A_564 = tpu.vector_load %arg11[%get3A_562, %get3A_563] {strides = array<i32>} : memref<64x64xf32, #tpu.memory_space<vmem>>, vector<16xf32>,
        %mul3A_565 = arith.mulf %get3A_564, %broadcast_in_dim3A_536 : vector<16xf32>
        %swap3A_566 = arith.index_cast %add3A_540 : i32 to index
        %swap3A_567 = arith.constant 48 : index
        %swap3A_568 = tpu.vector_load %arg11[%swap3A_566, %swap3A_567] {strides = array<i32>} : memref<64x64xf32, #tpu.memory_space<vmem>>, vector<16xf32>,
        tpu.vector_store %arg11[%swap3A_566, %swap3A_567], %mul3A_565 {strides = array<i32>} : memref<64x64xf32, #tpu.memory_space<vmem>>, vector<16xf32>,
        %slice3A_569 = vector.extract_strided_slice %get3A_256 {offsets = [9], sizes = [1], strides = [1]} : vector<16xf32> to vector<1xf32>
        %squeeze3A_570 = vector.extract %slice3A_569[0] : f32 from vector<1xf32>
        %broadcast_in_dim3A_571 = vector.broadcast %squeeze3A_570 : f32 to vector<16xf32>
        %mul3A_572 = arith.constant 16 : i32
        %mul3A_573 = arith.muli %scan3A_252, %mul3A_572 : i32
        %add3A_574 = arith.constant 9 : i32
        %add3A_575 = arith.addi %mul3A_573, %add3A_574 : i32
        %get3A_576 = arith.index_cast %add3A_575 : i32 to index
        %get3A_577 = arith.constant 0 : index
        %get3A_578 = tpu.vector_load %arg11[%get3A_576, %get3A_577] {strides = array<i32>} : memref<64x64xf32, #tpu.memory_space<vmem>>, vector<16xf32>,
        %mul3A_579 = arith.mulf %get3A_578, %broadcast_in_dim3A_571 : vector<16xf32>
        %swap3A_580 = arith.index_cast %add3A_575 : i32 to index
        %swap3A_581 = arith.constant 0 : index
        %swap3A_582 = tpu.vector_load %arg11[%swap3A_580, %swap3A_581] {strides = array<i32>} : memref<64x64xf32, #tpu.memory_space<vmem>>, vector<16xf32>,
        tpu.vector_store %arg11[%swap3A_580, %swap3A_581], %mul3A_579 {strides = array<i32>} : memref<64x64xf32, #tpu.memory_space<vmem>>, vector<16xf32>,
        %get3A_583 = arith.index_cast %add3A_575 : i32 to index
        %get3A_584 = arith.constant 16 : index
        %get3A_585 = tpu.vector_load %arg11[%get3A_583, %get3A_584] {strides = array<i32>} : memref<64x64xf32, #tpu.memory_space<vmem>>, vector<16xf32>,
        %mul3A_586 = arith.mulf %get3A_585, %broadcast_in_dim3A_571 : vector<16xf32>
        %swap3A_587 = arith.index_cast %add3A_575 : i32 to index
        %swap3A_588 = arith.constant 16 : index
        %swap3A_589 = tpu.vector_load %arg11[%swap3A_587, %swap3A_588] {strides = array<i32>} : memref<64x64xf32, #tpu.memory_space<vmem>>, vector<16xf32>,
        tpu.vector_store %arg11[%swap3A_587, %swap3A_588], %mul3A_586 {strides = array<i32>} : memref<64x64xf32, #tpu.memory_space<vmem>>, vector<16xf32>,
        %get3A_590 = arith.index_cast %add3A_575 : i32 to index
        %get3A_591 = arith.constant 32 : index
        %get3A_592 = tpu.vector_load %arg11[%get3A_590, %get3A_591] {strides = array<i32>} : memref<64x64xf32, #tpu.memory_space<vmem>>, vector<16xf32>,
        %mul3A_593 = arith.mulf %get3A_592, %broadcast_in_dim3A_571 : vector<16xf32>
        %swap3A_594 = arith.index_cast %add3A_575 : i32 to index
        %swap3A_595 = arith.constant 32 : index
        %swap3A_596 = tpu.vector_load %arg11[%swap3A_594, %swap3A_595] {strides = array<i32>} : memref<64x64xf32, #tpu.memory_space<vmem>>, vector<16xf32>,
        tpu.vector_store %arg11[%swap3A_594, %swap3A_595], %mul3A_593 {strides = array<i32>} : memref<64x64xf32, #tpu.memory_space<vmem>>, vector<16xf32>,
        %get3A_597 = arith.index_cast %add3A_575 : i32 to index
        %get3A_598 = arith.constant 48 : index
        %get3A_599 = tpu.vector_load %arg11[%get3A_597, %get3A_598] {strides = array<i32>} : memref<64x64xf32, #tpu.memory_space<vmem>>, vector<16xf32>,
        %mul3A_600 = arith.mulf %get3A_599, %broadcast_in_dim3A_571 : vector<16xf32>
        %swap3A_601 = arith.index_cast %add3A_575 : i32 to index
        %swap3A_602 = arith.constant 48 : index
        %swap3A_603 = tpu.vector_load %arg11[%swap3A_601, %swap3A_602] {strides = array<i32>} : memref<64x64xf32, #tpu.memory_space<vmem>>, vector<16xf32>,
        tpu.vector_store %arg11[%swap3A_601, %swap3A_602], %mul3A_600 {strides = array<i32>} : memref<64x64xf32, #tpu.memory_space<vmem>>, vector<16xf32>,
        %slice3A_604 = vector.extract_strided_slice %get3A_256 {offsets = [10], sizes = [1], strides = [1]} : vector<16xf32> to vector<1xf32>
        %squeeze3A_605 = vector.extract %slice3A_604[0] : f32 from vector<1xf32>
        %broadcast_in_dim3A_606 = vector.broadcast %squeeze3A_605 : f32 to vector<16xf32>
        %mul3A_607 = arith.constant 16 : i32
        %mul3A_608 = arith.muli %scan3A_252, %mul3A_607 : i32
        %add3A_609 = arith.constant 10 : i32
        %add3A_610 = arith.addi %mul3A_608, %add3A_609 : i32
        %get3A_611 = arith.index_cast %add3A_610 : i32 to index
        %get3A_612 = arith.constant 0 : index
        %get3A_613 = tpu.vector_load %arg11[%get3A_611, %get3A_612] {strides = array<i32>} : memref<64x64xf32, #tpu.memory_space<vmem>>, vector<16xf32>,
        %mul3A_614 = arith.mulf %get3A_613, %broadcast_in_dim3A_606 : vector<16xf32>
        %swap3A_615 = arith.index_cast %add3A_610 : i32 to index
        %swap3A_616 = arith.constant 0 : index
        %swap3A_617 = tpu.vector_load %arg11[%swap3A_615, %swap3A_616] {strides = array<i32>} : memref<64x64xf32, #tpu.memory_space<vmem>>, vector<16xf32>,
        tpu.vector_store %arg11[%swap3A_615, %swap3A_616], %mul3A_614 {strides = array<i32>} : memref<64x64xf32, #tpu.memory_space<vmem>>, vector<16xf32>,
        %get3A_618 = arith.index_cast %add3A_610 : i32 to index
        %get3A_619 = arith.constant 16 : index
        %get3A_620 = tpu.vector_load %arg11[%get3A_618, %get3A_619] {strides = array<i32>} : memref<64x64xf32, #tpu.memory_space<vmem>>, vector<16xf32>,
        %mul3A_621 = arith.mulf %get3A_620, %broadcast_in_dim3A_606 : vector<16xf32>
        %swap3A_622 = arith.index_cast %add3A_610 : i32 to index
        %swap3A_623 = arith.constant 16 : index
        %swap3A_624 = tpu.vector_load %arg11[%swap3A_622, %swap3A_623] {strides = array<i32>} : memref<64x64xf32, #tpu.memory_space<vmem>>, vector<16xf32>,
        tpu.vector_store %arg11[%swap3A_622, %swap3A_623], %mul3A_621 {strides = array<i32>} : memref<64x64xf32, #tpu.memory_space<vmem>>, vector<16xf32>,
        %get3A_625 = arith.index_cast %add3A_610 : i32 to index
        %get3A_626 = arith.constant 32 : index
        %get3A_627 = tpu.vector_load %arg11[%get3A_625, %get3A_626] {strides = array<i32>} : memref<64x64xf32, #tpu.memory_space<vmem>>, vector<16xf32>,
        %mul3A_628 = arith.mulf %get3A_627, %broadcast_in_dim3A_606 : vector<16xf32>
        %swap3A_629 = arith.index_cast %add3A_610 : i32 to index
        %swap3A_630 = arith.constant 32 : index
        %swap3A_631 = tpu.vector_load %arg11[%swap3A_629, %swap3A_630] {strides = array<i32>} : memref<64x64xf32, #tpu.memory_space<vmem>>, vector<16xf32>,
        tpu.vector_store %arg11[%swap3A_629, %swap3A_630], %mul3A_628 {strides = array<i32>} : memref<64x64xf32, #tpu.memory_space<vmem>>, vector<16xf32>,
        %get3A_632 = arith.index_cast %add3A_610 : i32 to index
        %get3A_633 = arith.constant 48 : index
        %get3A_634 = tpu.vector_load %arg11[%get3A_632, %get3A_633] {strides = array<i32>} : memref<64x64xf32, #tpu.memory_space<vmem>>, vector<16xf32>,
        %mul3A_635 = arith.mulf %get3A_634, %broadcast_in_dim3A_606 : vector<16xf32>
        %swap3A_636 = arith.index_cast %add3A_610 : i32 to index
        %swap3A_637 = arith.constant 48 : index
        %swap3A_638 = tpu.vector_load %arg11[%swap3A_636, %swap3A_637] {strides = array<i32>} : memref<64x64xf32, #tpu.memory_space<vmem>>, vector<16xf32>,
        tpu.vector_store %arg11[%swap3A_636, %swap3A_637], %mul3A_635 {strides = array<i32>} : memref<64x64xf32, #tpu.memory_space<vmem>>, vector<16xf32>,
        %slice3A_639 = vector.extract_strided_slice %get3A_256 {offsets = [11], sizes = [1], strides = [1]} : vector<16xf32> to vector<1xf32>
        %squeeze3A_640 = vector.extract %slice3A_639[0] : f32 from vector<1xf32>
        %broadcast_in_dim3A_641 = vector.broadcast %squeeze3A_640 : f32 to vector<16xf32>
        %mul3A_642 = arith.constant 16 : i32
        %mul3A_643 = arith.muli %scan3A_252, %mul3A_642 : i32
        %add3A_644 = arith.constant 11 : i32
        %add3A_645 = arith.addi %mul3A_643, %add3A_644 : i32
        %get3A_646 = arith.index_cast %add3A_645 : i32 to index
        %get3A_647 = arith.constant 0 : index
        %get3A_648 = tpu.vector_load %arg11[%get3A_646, %get3A_647] {strides = array<i32>} : memref<64x64xf32, #tpu.memory_space<vmem>>, vector<16xf32>,
        %mul3A_649 = arith.mulf %get3A_648, %broadcast_in_dim3A_641 : vector<16xf32>
        %swap3A_650 = arith.index_cast %add3A_645 : i32 to index
        %swap3A_651 = arith.constant 0 : index
        %swap3A_652 = tpu.vector_load %arg11[%swap3A_650, %swap3A_651] {strides = array<i32>} : memref<64x64xf32, #tpu.memory_space<vmem>>, vector<16xf32>,
        tpu.vector_store %arg11[%swap3A_650, %swap3A_651], %mul3A_649 {strides = array<i32>} : memref<64x64xf32, #tpu.memory_space<vmem>>, vector<16xf32>,
        %get3A_653 = arith.index_cast %add3A_645 : i32 to index
        %get3A_654 = arith.constant 16 : index
        %get3A_655 = tpu.vector_load %arg11[%get3A_653, %get3A_654] {strides = array<i32>} : memref<64x64xf32, #tpu.memory_space<vmem>>, vector<16xf32>,
        %mul3A_656 = arith.mulf %get3A_655, %broadcast_in_dim3A_641 : vector<16xf32>
        %swap3A_657 = arith.index_cast %add3A_645 : i32 to index
        %swap3A_658 = arith.constant 16 : index
        %swap3A_659 = tpu.vector_load %arg11[%swap3A_657, %swap3A_658] {strides = array<i32>} : memref<64x64xf32, #tpu.memory_space<vmem>>, vector<16xf32>,
        tpu.vector_store %arg11[%swap3A_657, %swap3A_658], %mul3A_656 {strides = array<i32>} : memref<64x64xf32, #tpu.memory_space<vmem>>, vector<16xf32>,
        %get3A_660 = arith.index_cast %add3A_645 : i32 to index
        %get3A_661 = arith.constant 32 : index
        %get3A_662 = tpu.vector_load %arg11[%get3A_660, %get3A_661] {strides = array<i32>} : memref<64x64xf32, #tpu.memory_space<vmem>>, vector<16xf32>,
        %mul3A_663 = arith.mulf %get3A_662, %broadcast_in_dim3A_641 : vector<16xf32>
        %swap3A_664 = arith.index_cast %add3A_645 : i32 to index
        %swap3A_665 = arith.constant 32 : index
        %swap3A_666 = tpu.vector_load %arg11[%swap3A_664, %swap3A_665] {strides = array<i32>} : memref<64x64xf32, #tpu.memory_space<vmem>>, vector<16xf32>,
        tpu.vector_store %arg11[%swap3A_664, %swap3A_665], %mul3A_663 {strides = array<i32>} : memref<64x64xf32, #tpu.memory_space<vmem>>, vector<16xf32>,
        %get3A_667 = arith.index_cast %add3A_645 : i32 to index
        %get3A_668 = arith.constant 48 : index
        %get3A_669 = tpu.vector_load %arg11[%get3A_667, %get3A_668] {strides = array<i32>} : memref<64x64xf32, #tpu.memory_space<vmem>>, vector<16xf32>,
        %mul3A_670 = arith.mulf %get3A_669, %broadcast_in_dim3A_641 : vector<16xf32>
        %swap3A_671 = arith.index_cast %add3A_645 : i32 to index
        %swap3A_672 = arith.constant 48 : index
        %swap3A_673 = tpu.vector_load %arg11[%swap3A_671, %swap3A_672] {strides = array<i32>} : memref<64x64xf32, #tpu.memory_space<vmem>>, vector<16xf32>,
        tpu.vector_store %arg11[%swap3A_671, %swap3A_672], %mul3A_670 {strides = array<i32>} : memref<64x64xf32, #tpu.memory_space<vmem>>, vector<16xf32>,
        %slice3A_674 = vector.extract_strided_slice %get3A_256 {offsets = [12], sizes = [1], strides = [1]} : vector<16xf32> to vector<1xf32>
        %squeeze3A_675 = vector.extract %slice3A_674[0] : f32 from vector<1xf32>
        %broadcast_in_dim3A_676 = vector.broadcast %squeeze3A_675 : f32 to vector<16xf32>
        %mul3A_677 = arith.constant 16 : i32
        %mul3A_678 = arith.muli %scan3A_252, %mul3A_677 : i32
        %add3A_679 = arith.constant 12 : i32
        %add3A_680 = arith.addi %mul3A_678, %add3A_679 : i32
        %get3A_681 = arith.index_cast %add3A_680 : i32 to index
        %get3A_682 = arith.constant 0 : index
        %get3A_683 = tpu.vector_load %arg11[%get3A_681, %get3A_682] {strides = array<i32>} : memref<64x64xf32, #tpu.memory_space<vmem>>, vector<16xf32>,
        %mul3A_684 = arith.mulf %get3A_683, %broadcast_in_dim3A_676 : vector<16xf32>
        %swap3A_685 = arith.index_cast %add3A_680 : i32 to index
        %swap3A_686 = arith.constant 0 : index
        %swap3A_687 = tpu.vector_load %arg11[%swap3A_685, %swap3A_686] {strides = array<i32>} : memref<64x64xf32, #tpu.memory_space<vmem>>, vector<16xf32>,
        tpu.vector_store %arg11[%swap3A_685, %swap3A_686], %mul3A_684 {strides = array<i32>} : memref<64x64xf32, #tpu.memory_space<vmem>>, vector<16xf32>,
        %get3A_688 = arith.index_cast %add3A_680 : i32 to index
        %get3A_689 = arith.constant 16 : index
        %get3A_690 = tpu.vector_load %arg11[%get3A_688, %get3A_689] {strides = array<i32>} : memref<64x64xf32, #tpu.memory_space<vmem>>, vector<16xf32>,
        %mul3A_691 = arith.mulf %get3A_690, %broadcast_in_dim3A_676 : vector<16xf32>
        %swap3A_692 = arith.index_cast %add3A_680 : i32 to index
        %swap3A_693 = arith.constant 16 : index
        %swap3A_694 = tpu.vector_load %arg11[%swap3A_692, %swap3A_693] {strides = array<i32>} : memref<64x64xf32, #tpu.memory_space<vmem>>, vector<16xf32>,
        tpu.vector_store %arg11[%swap3A_692, %swap3A_693], %mul3A_691 {strides = array<i32>} : memref<64x64xf32, #tpu.memory_space<vmem>>, vector<16xf32>,
        %get3A_695 = arith.index_cast %add3A_680 : i32 to index
        %get3A_696 = arith.constant 32 : index
        %get3A_697 = tpu.vector_load %arg11[%get3A_695, %get3A_696] {strides = array<i32>} : memref<64x64xf32, #tpu.memory_space<vmem>>, vector<16xf32>,
        %mul3A_698 = arith.mulf %get3A_697, %broadcast_in_dim3A_676 : vector<16xf32>
        %swap3A_699 = arith.index_cast %add3A_680 : i32 to index
        %swap3A_700 = arith.constant 32 : index
        %swap3A_701 = tpu.vector_load %arg11[%swap3A_699, %swap3A_700] {strides = array<i32>} : memref<64x64xf32, #tpu.memory_space<vmem>>, vector<16xf32>,
        tpu.vector_store %arg11[%swap3A_699, %swap3A_700], %mul3A_698 {strides = array<i32>} : memref<64x64xf32, #tpu.memory_space<vmem>>, vector<16xf32>,
        %get3A_702 = arith.index_cast %add3A_680 : i32 to index
        %get3A_703 = arith.constant 48 : index
        %get3A_704 = tpu.vector_load %arg11[%get3A_702, %get3A_703] {strides = array<i32>} : memref<64x64xf32, #tpu.memory_space<vmem>>, vector<16xf32>,
        %mul3A_705 = arith.mulf %get3A_704, %broadcast_in_dim3A_676 : vector<16xf32>
        %swap3A_706 = arith.index_cast %add3A_680 : i32 to index
        %swap3A_707 = arith.constant 48 : index
        %swap3A_708 = tpu.vector_load %arg11[%swap3A_706, %swap3A_707] {strides = array<i32>} : memref<64x64xf32, #tpu.memory_space<vmem>>, vector<16xf32>,
        tpu.vector_store %arg11[%swap3A_706, %swap3A_707], %mul3A_705 {strides = array<i32>} : memref<64x64xf32, #tpu.memory_space<vmem>>, vector<16xf32>,
        %slice3A_709 = vector.extract_strided_slice %get3A_256 {offsets = [13], sizes = [1], strides = [1]} : vector<16xf32> to vector<1xf32>
        %squeeze3A_710 = vector.extract %slice3A_709[0] : f32 from vector<1xf32>
        %broadcast_in_dim3A_711 = vector.broadcast %squeeze3A_710 : f32 to vector<16xf32>
        %mul3A_712 = arith.constant 16 : i32
        %mul3A_713 = arith.muli %scan3A_252, %mul3A_712 : i32
        %add3A_714 = arith.constant 13 : i32
        %add3A_715 = arith.addi %mul3A_713, %add3A_714 : i32
        %get3A_716 = arith.index_cast %add3A_715 : i32 to index
        %get3A_717 = arith.constant 0 : index
        %get3A_718 = tpu.vector_load %arg11[%get3A_716, %get3A_717] {strides = array<i32>} : memref<64x64xf32, #tpu.memory_space<vmem>>, vector<16xf32>,
        %mul3A_719 = arith.mulf %get3A_718, %broadcast_in_dim3A_711 : vector<16xf32>
        %swap3A_720 = arith.index_cast %add3A_715 : i32 to index
        %swap3A_721 = arith.constant 0 : index
        %swap3A_722 = tpu.vector_load %arg11[%swap3A_720, %swap3A_721] {strides = array<i32>} : memref<64x64xf32, #tpu.memory_space<vmem>>, vector<16xf32>,
        tpu.vector_store %arg11[%swap3A_720, %swap3A_721], %mul3A_719 {strides = array<i32>} : memref<64x64xf32, #tpu.memory_space<vmem>>, vector<16xf32>,
        %get3A_723 = arith.index_cast %add3A_715 : i32 to index
        %get3A_724 = arith.constant 16 : index
        %get3A_725 = tpu.vector_load %arg11[%get3A_723, %get3A_724] {strides = array<i32>} : memref<64x64xf32, #tpu.memory_space<vmem>>, vector<16xf32>,
        %mul3A_726 = arith.mulf %get3A_725, %broadcast_in_dim3A_711 : vector<16xf32>
        %swap3A_727 = arith.index_cast %add3A_715 : i32 to index
        %swap3A_728 = arith.constant 16 : index
        %swap3A_729 = tpu.vector_load %arg11[%swap3A_727, %swap3A_728] {strides = array<i32>} : memref<64x64xf32, #tpu.memory_space<vmem>>, vector<16xf32>,
        tpu.vector_store %arg11[%swap3A_727, %swap3A_728], %mul3A_726 {strides = array<i32>} : memref<64x64xf32, #tpu.memory_space<vmem>>, vector<16xf32>,
        %get3A_730 = arith.index_cast %add3A_715 : i32 to index
        %get3A_731 = arith.constant 32 : index
        %get3A_732 = tpu.vector_load %arg11[%get3A_730, %get3A_731] {strides = array<i32>} : memref<64x64xf32, #tpu.memory_space<vmem>>, vector<16xf32>,
        %mul3A_733 = arith.mulf %get3A_732, %broadcast_in_dim3A_711 : vector<16xf32>
        %swap3A_734 = arith.index_cast %add3A_715 : i32 to index
        %swap3A_735 = arith.constant 32 : index
        %swap3A_736 = tpu.vector_load %arg11[%swap3A_734, %swap3A_735] {strides = array<i32>} : memref<64x64xf32, #tpu.memory_space<vmem>>, vector<16xf32>,
        tpu.vector_store %arg11[%swap3A_734, %swap3A_735], %mul3A_733 {strides = array<i32>} : memref<64x64xf32, #tpu.memory_space<vmem>>, vector<16xf32>,
        %get3A_737 = arith.index_cast %add3A_715 : i32 to index
        %get3A_738 = arith.constant 48 : index
        %get3A_739 = tpu.vector_load %arg11[%get3A_737, %get3A_738] {strides = array<i32>} : memref<64x64xf32, #tpu.memory_space<vmem>>, vector<16xf32>,
        %mul3A_740 = arith.mulf %get3A_739, %broadcast_in_dim3A_711 : vector<16xf32>
        %swap3A_741 = arith.index_cast %add3A_715 : i32 to index
        %swap3A_742 = arith.constant 48 : index
        %swap3A_743 = tpu.vector_load %arg11[%swap3A_741, %swap3A_742] {strides = array<i32>} : memref<64x64xf32, #tpu.memory_space<vmem>>, vector<16xf32>,
        tpu.vector_store %arg11[%swap3A_741, %swap3A_742], %mul3A_740 {strides = array<i32>} : memref<64x64xf32, #tpu.memory_space<vmem>>, vector<16xf32>,
        %slice3A_744 = vector.extract_strided_slice %get3A_256 {offsets = [14], sizes = [1], strides = [1]} : vector<16xf32> to vector<1xf32>
        %squeeze3A_745 = vector.extract %slice3A_744[0] : f32 from vector<1xf32>
        %broadcast_in_dim3A_746 = vector.broadcast %squeeze3A_745 : f32 to vector<16xf32>
        %mul3A_747 = arith.constant 16 : i32
        %mul3A_748 = arith.muli %scan3A_252, %mul3A_747 : i32
        %add3A_749 = arith.constant 14 : i32
        %add3A_750 = arith.addi %mul3A_748, %add3A_749 : i32
        %get3A_751 = arith.index_cast %add3A_750 : i32 to index
        %get3A_752 = arith.constant 0 : index
        %get3A_753 = tpu.vector_load %arg11[%get3A_751, %get3A_752] {strides = array<i32>} : memref<64x64xf32, #tpu.memory_space<vmem>>, vector<16xf32>,
        %mul3A_754 = arith.mulf %get3A_753, %broadcast_in_dim3A_746 : vector<16xf32>
        %swap3A_755 = arith.index_cast %add3A_750 : i32 to index
        %swap3A_756 = arith.constant 0 : index
        %swap3A_757 = tpu.vector_load %arg11[%swap3A_755, %swap3A_756] {strides = array<i32>} : memref<64x64xf32, #tpu.memory_space<vmem>>, vector<16xf32>,
        tpu.vector_store %arg11[%swap3A_755, %swap3A_756], %mul3A_754 {strides = array<i32>} : memref<64x64xf32, #tpu.memory_space<vmem>>, vector<16xf32>,
        %get3A_758 = arith.index_cast %add3A_750 : i32 to index
        %get3A_759 = arith.constant 16 : index
        %get3A_760 = tpu.vector_load %arg11[%get3A_758, %get3A_759] {strides = array<i32>} : memref<64x64xf32, #tpu.memory_space<vmem>>, vector<16xf32>,
        %mul3A_761 = arith.mulf %get3A_760, %broadcast_in_dim3A_746 : vector<16xf32>
        %swap3A_762 = arith.index_cast %add3A_750 : i32 to index
        %swap3A_763 = arith.constant 16 : index
        %swap3A_764 = tpu.vector_load %arg11[%swap3A_762, %swap3A_763] {strides = array<i32>} : memref<64x64xf32, #tpu.memory_space<vmem>>, vector<16xf32>,
        tpu.vector_store %arg11[%swap3A_762, %swap3A_763], %mul3A_761 {strides = array<i32>} : memref<64x64xf32, #tpu.memory_space<vmem>>, vector<16xf32>,
        %get3A_765 = arith.index_cast %add3A_750 : i32 to index
        %get3A_766 = arith.constant 32 : index
        %get3A_767 = tpu.vector_load %arg11[%get3A_765, %get3A_766] {strides = array<i32>} : memref<64x64xf32, #tpu.memory_space<vmem>>, vector<16xf32>,
        %mul3A_768 = arith.mulf %get3A_767, %broadcast_in_dim3A_746 : vector<16xf32>
        %swap3A_769 = arith.index_cast %add3A_750 : i32 to index
        %swap3A_770 = arith.constant 32 : index
        %swap3A_771 = tpu.vector_load %arg11[%swap3A_769, %swap3A_770] {strides = array<i32>} : memref<64x64xf32, #tpu.memory_space<vmem>>, vector<16xf32>,
        tpu.vector_store %arg11[%swap3A_769, %swap3A_770], %mul3A_768 {strides = array<i32>} : memref<64x64xf32, #tpu.memory_space<vmem>>, vector<16xf32>,
        %get3A_772 = arith.index_cast %add3A_750 : i32 to index
        %get3A_773 = arith.constant 48 : index
        %get3A_774 = tpu.vector_load %arg11[%get3A_772, %get3A_773] {strides = array<i32>} : memref<64x64xf32, #tpu.memory_space<vmem>>, vector<16xf32>,
        %mul3A_775 = arith.mulf %get3A_774, %broadcast_in_dim3A_746 : vector<16xf32>
        %swap3A_776 = arith.index_cast %add3A_750 : i32 to index
        %swap3A_777 = arith.constant 48 : index
        %swap3A_778 = tpu.vector_load %arg11[%swap3A_776, %swap3A_777] {strides = array<i32>} : memref<64x64xf32, #tpu.memory_space<vmem>>, vector<16xf32>,
        tpu.vector_store %arg11[%swap3A_776, %swap3A_777], %mul3A_775 {strides = array<i32>} : memref<64x64xf32, #tpu.memory_space<vmem>>, vector<16xf32>,
        %slice3A_779 = vector.extract_strided_slice %get3A_256 {offsets = [15], sizes = [1], strides = [1]} : vector<16xf32> to vector<1xf32>
        %squeeze3A_780 = vector.extract %slice3A_779[0] : f32 from vector<1xf32>
        %broadcast_in_dim3A_781 = vector.broadcast %squeeze3A_780 : f32 to vector<16xf32>
        %mul3A_782 = arith.constant 16 : i32
        %mul3A_783 = arith.muli %scan3A_252, %mul3A_782 : i32
        %add3A_784 = arith.constant 15 : i32
        %add3A_785 = arith.addi %mul3A_783, %add3A_784 : i32
        %get3A_786 = arith.index_cast %add3A_785 : i32 to index
        %get3A_787 = arith.constant 0 : index
        %get3A_788 = tpu.vector_load %arg11[%get3A_786, %get3A_787] {strides = array<i32>} : memref<64x64xf32, #tpu.memory_space<vmem>>, vector<16xf32>,
        %mul3A_789 = arith.mulf %get3A_788, %broadcast_in_dim3A_781 : vector<16xf32>
        %swap3A_790 = arith.index_cast %add3A_785 : i32 to index
        %swap3A_791 = arith.constant 0 : index
        %swap3A_792 = tpu.vector_load %arg11[%swap3A_790, %swap3A_791] {strides = array<i32>} : memref<64x64xf32, #tpu.memory_space<vmem>>, vector<16xf32>,
        tpu.vector_store %arg11[%swap3A_790, %swap3A_791], %mul3A_789 {strides = array<i32>} : memref<64x64xf32, #tpu.memory_space<vmem>>, vector<16xf32>,
        %get3A_793 = arith.index_cast %add3A_785 : i32 to index
        %get3A_794 = arith.constant 16 : index
        %get3A_795 = tpu.vector_load %arg11[%get3A_793, %get3A_794] {strides = array<i32>} : memref<64x64xf32, #tpu.memory_space<vmem>>, vector<16xf32>,
        %mul3A_796 = arith.mulf %get3A_795, %broadcast_in_dim3A_781 : vector<16xf32>
        %swap3A_797 = arith.index_cast %add3A_785 : i32 to index
        %swap3A_798 = arith.constant 16 : index
        %swap3A_799 = tpu.vector_load %arg11[%swap3A_797, %swap3A_798] {strides = array<i32>} : memref<64x64xf32, #tpu.memory_space<vmem>>, vector<16xf32>,
        tpu.vector_store %arg11[%swap3A_797, %swap3A_798], %mul3A_796 {strides = array<i32>} : memref<64x64xf32, #tpu.memory_space<vmem>>, vector<16xf32>,
        %get3A_800 = arith.index_cast %add3A_785 : i32 to index
        %get3A_801 = arith.constant 32 : index
        %get3A_802 = tpu.vector_load %arg11[%get3A_800, %get3A_801] {strides = array<i32>} : memref<64x64xf32, #tpu.memory_space<vmem>>, vector<16xf32>,
        %mul3A_803 = arith.mulf %get3A_802, %broadcast_in_dim3A_781 : vector<16xf32>
        %swap3A_804 = arith.index_cast %add3A_785 : i32 to index
        %swap3A_805 = arith.constant 32 : index
        %swap3A_806 = tpu.vector_load %arg11[%swap3A_804, %swap3A_805] {strides = array<i32>} : memref<64x64xf32, #tpu.memory_space<vmem>>, vector<16xf32>,
        tpu.vector_store %arg11[%swap3A_804, %swap3A_805], %mul3A_803 {strides = array<i32>} : memref<64x64xf32, #tpu.memory_space<vmem>>, vector<16xf32>,
        %get3A_807 = arith.index_cast %add3A_785 : i32 to index
        %get3A_808 = arith.constant 48 : index
        %get3A_809 = tpu.vector_load %arg11[%get3A_807, %get3A_808] {strides = array<i32>} : memref<64x64xf32, #tpu.memory_space<vmem>>, vector<16xf32>,
        %mul3A_810 = arith.mulf %get3A_809, %broadcast_in_dim3A_781 : vector<16xf32>
        %swap3A_811 = arith.index_cast %add3A_785 : i32 to index
        %swap3A_812 = arith.constant 48 : index
        %swap3A_813 = tpu.vector_load %arg11[%swap3A_811, %swap3A_812] {strides = array<i32>} : memref<64x64xf32, #tpu.memory_space<vmem>>, vector<16xf32>,
        tpu.vector_store %arg11[%swap3A_811, %swap3A_812], %mul3A_810 {strides = array<i32>} : memref<64x64xf32, #tpu.memory_space<vmem>>, vector<16xf32>,
      }
      %scan3A_147 = arith.constant 4 : i32
      %add3A_148 = arith.constant 1 : i32
      %add3A_149 = arith.addi %mul3A_73, %add3A_148 : i32
      %dma_start3A_150 = arith.constant 0 : i32
      %dma_start3A_151 = tpu.memref_slice %arg7[%add3A_149, %dma_start3A_150] : memref<320x64xi32, #tpu.memory_space<vmem>> -> memref<1x64xi32, #tpu.memory_space<vmem>>
      %dma_start3A_152 = tpu.memref_squeeze %dma_start3A_151 : memref<1x64xi32, #tpu.memory_space<vmem>> -> memref<64xi32, #tpu.memory_space<vmem>>
      %dma_start3A_153 = arith.constant 0 : i32
      %dma_start3A_154 = arith.constant 0 : i32
      %dma_start3A_155 = tpu.memref_slice %arg9[%dma_start3A_153, %dma_start3A_154] : memref<10240x64xf32, #tpu.memory_space<vmem_shared>> -> memref<10240x64xf32, #tpu.memory_space<vmem_shared>>
      tpu.enqueue_indirect_dma source(%arg11 : memref<64x64xf32, #tpu.memory_space<vmem>>) target(%dma_start3A_155 : memref<10240x64xf32, #tpu.memory_space<vmem_shared>>) offsets(%dma_start3A_152 : memref<64xi32, #tpu.memory_space<vmem>>) semaphore(%arg21 : memref<!tpu.dma_semaphore, #tpu.memory_space<semaphore_mem>>) {add = true}
      %dma_wait3A_156 = arith.constant 0 : i32
      %dma_wait3A_157 = tpu.memref_slice %arg6[%add3A_90, %dma_wait3A_156] : memref<320x64xi32, #tpu.memory_space<vmem>> -> memref<1x64xi32, #tpu.memory_space<vmem>>
      %dma_wait3A_158 = tpu.memref_squeeze %dma_wait3A_157 : memref<1x64xi32, #tpu.memory_space<vmem>> -> memref<64xi32, #tpu.memory_space<vmem>>
      %dma_wait3A_159 = arith.constant 0 : i32
      %dma_wait3A_160 = arith.constant 0 : i32
      %dma_wait3A_161 = tpu.memref_slice %arg2[%dma_wait3A_159, %dma_wait3A_160] : memref<20480x64xf32, #tpu.memory_space<hbm>> -> memref<20480x64xf32, #tpu.memory_space<hbm>>
      tpu.wait_indirect_dma semaphore(%arg17 : memref<!tpu.dma_semaphore, #tpu.memory_space<semaphore_mem>>) src(%dma_wait3A_161 : memref<20480x64xf32, #tpu.memory_space<hbm>>) dst(%arg12 : memref<64x64xf32, #tpu.memory_space<vmem>>)
      %add3A_162 = arith.constant 2 : i32
      %add3A_163 = arith.addi %mul3A_73, %add3A_162 : i32
      %scan3A_164 = arith.constant 0 : i32
      %scan3A_165 = arith.constant 0 : i32
      %scan3A_166 = arith.constant 4 : i32
      %scan3A_167 = arith.addi %scan3A_165, %scan3A_166 : i32
      %scan3A_168 = arith.constant 1 : i32
      scf.for %scan3A_252 = %scan3A_165 to %scan3A_167 step %scan3A_168  : i32 {
        %mul3A_253 = arith.constant 16 : i32
        %mul3A_254 = arith.muli %scan3A_252, %mul3A_253 : i32
        %get3A = arith.index_cast %add3A_163 : i32 to index
        %get3A_255 = arith.index_cast %mul3A_254 : i32 to index
        %get3A_256 = tpu.vector_load %arg8[%get3A, %get3A_255] {strides = array<i32>} : memref<320x64xf32, #tpu.memory_space<vmem>>, vector<16xf32>,
        %slice3A = vector.extract_strided_slice %get3A_256 {offsets = [0], sizes = [1], strides = [1]} : vector<16xf32> to vector<1xf32>
        %squeeze3A = vector.extract %slice3A[0] : f32 from vector<1xf32>
        %broadcast_in_dim3A_257 = vector.broadcast %squeeze3A : f32 to vector<16xf32>
        %mul3A_258 = arith.constant 16 : i32
        %mul3A_259 = arith.muli %scan3A_252, %mul3A_258 : i32
        %add3A_260 = arith.constant 0 : i32
        %add3A_261 = arith.addi %mul3A_259, %add3A_260 : i32
        %get3A_262 = arith.index_cast %add3A_261 : i32 to index
        %get3A_263 = arith.constant 0 : index
        %get3A_264 = tpu.vector_load %arg12[%get3A_262, %get3A_263] {strides = array<i32>} : memref<64x64xf32, #tpu.memory_space<vmem>>, vector<16xf32>,
        %mul3A_265 = arith.mulf %get3A_264, %broadcast_in_dim3A_257 : vector<16xf32>
        %swap3A = arith.index_cast %add3A_261 : i32 to index
        %swap3A_266 = arith.constant 0 : index
        %swap3A_267 = tpu.vector_load %arg12[%swap3A, %swap3A_266] {strides = array<i32>} : memref<64x64xf32, #tpu.memory_space<vmem>>, vector<16xf32>,
        tpu.vector_store %arg12[%swap3A, %swap3A_266], %mul3A_265 {strides = array<i32>} : memref<64x64xf32, #tpu.memory_space<vmem>>, vector<16xf32>,
        %get3A_268 = arith.index_cast %add3A_261 : i32 to index
        %get3A_269 = arith.constant 16 : index
        %get3A_270 = tpu.vector_load %arg12[%get3A_268, %get3A_269] {strides = array<i32>} : memref<64x64xf32, #tpu.memory_space<vmem>>, vector<16xf32>,
        %mul3A_271 = arith.mulf %get3A_270, %broadcast_in_dim3A_257 : vector<16xf32>
        %swap3A_272 = arith.index_cast %add3A_261 : i32 to index
        %swap3A_273 = arith.constant 16 : index
        %swap3A_274 = tpu.vector_load %arg12[%swap3A_272, %swap3A_273] {strides = array<i32>} : memref<64x64xf32, #tpu.memory_space<vmem>>, vector<16xf32>,
        tpu.vector_store %arg12[%swap3A_272, %swap3A_273], %mul3A_271 {strides = array<i32>} : memref<64x64xf32, #tpu.memory_space<vmem>>, vector<16xf32>,
        %get3A_275 = arith.index_cast %add3A_261 : i32 to index
        %get3A_276 = arith.constant 32 : index
        %get3A_277 = tpu.vector_load %arg12[%get3A_275, %get3A_276] {strides = array<i32>} : memref<64x64xf32, #tpu.memory_space<vmem>>, vector<16xf32>,
        %mul3A_278 = arith.mulf %get3A_277, %broadcast_in_dim3A_257 : vector<16xf32>
        %swap3A_279 = arith.index_cast %add3A_261 : i32 to index
        %swap3A_280 = arith.constant 32 : index
        %swap3A_281 = tpu.vector_load %arg12[%swap3A_279, %swap3A_280] {strides = array<i32>} : memref<64x64xf32, #tpu.memory_space<vmem>>, vector<16xf32>,
        tpu.vector_store %arg12[%swap3A_279, %swap3A_280], %mul3A_278 {strides = array<i32>} : memref<64x64xf32, #tpu.memory_space<vmem>>, vector<16xf32>,
        %get3A_282 = arith.index_cast %add3A_261 : i32 to index
        %get3A_283 = arith.constant 48 : index
        %get3A_284 = tpu.vector_load %arg12[%get3A_282, %get3A_283] {strides = array<i32>} : memref<64x64xf32, #tpu.memory_space<vmem>>, vector<16xf32>,
        %mul3A_285 = arith.mulf %get3A_284, %broadcast_in_dim3A_257 : vector<16xf32>
        %swap3A_286 = arith.index_cast %add3A_261 : i32 to index
        %swap3A_287 = arith.constant 48 : index
        %swap3A_288 = tpu.vector_load %arg12[%swap3A_286, %swap3A_287] {strides = array<i32>} : memref<64x64xf32, #tpu.memory_space<vmem>>, vector<16xf32>,
        tpu.vector_store %arg12[%swap3A_286, %swap3A_287], %mul3A_285 {strides = array<i32>} : memref<64x64xf32, #tpu.memory_space<vmem>>, vector<16xf32>,
        %slice3A_289 = vector.extract_strided_slice %get3A_256 {offsets = [1], sizes = [1], strides = [1]} : vector<16xf32> to vector<1xf32>
        %squeeze3A_290 = vector.extract %slice3A_289[0] : f32 from vector<1xf32>
        %broadcast_in_dim3A_291 = vector.broadcast %squeeze3A_290 : f32 to vector<16xf32>
        %mul3A_292 = arith.constant 16 : i32
        %mul3A_293 = arith.muli %scan3A_252, %mul3A_292 : i32
        %add3A_294 = arith.constant 1 : i32
        %add3A_295 = arith.addi %mul3A_293, %add3A_294 : i32
        %get3A_296 = arith.index_cast %add3A_295 : i32 to index
        %get3A_297 = arith.constant 0 : index
        %get3A_298 = tpu.vector_load %arg12[%get3A_296, %get3A_297] {strides = array<i32>} : memref<64x64xf32, #tpu.memory_space<vmem>>, vector<16xf32>,
        %mul3A_299 = arith.mulf %get3A_298, %broadcast_in_dim3A_291 : vector<16xf32>
        %swap3A_300 = arith.index_cast %add3A_295 : i32 to index
        %swap3A_301 = arith.constant 0 : index
        %swap3A_302 = tpu.vector_load %arg12[%swap3A_300, %swap3A_301] {strides = array<i32>} : memref<64x64xf32, #tpu.memory_space<vmem>>, vector<16xf32>,
        tpu.vector_store %arg12[%swap3A_300, %swap3A_301], %mul3A_299 {strides = array<i32>} : memref<64x64xf32, #tpu.memory_space<vmem>>, vector<16xf32>,
        %get3A_303 = arith.index_cast %add3A_295 : i32 to index
        %get3A_304 = arith.constant 16 : index
        %get3A_305 = tpu.vector_load %arg12[%get3A_303, %get3A_304] {strides = array<i32>} : memref<64x64xf32, #tpu.memory_space<vmem>>, vector<16xf32>,
        %mul3A_306 = arith.mulf %get3A_305, %broadcast_in_dim3A_291 : vector<16xf32>
        %swap3A_307 = arith.index_cast %add3A_295 : i32 to index
        %swap3A_308 = arith.constant 16 : index
        %swap3A_309 = tpu.vector_load %arg12[%swap3A_307, %swap3A_308] {strides = array<i32>} : memref<64x64xf32, #tpu.memory_space<vmem>>, vector<16xf32>,
        tpu.vector_store %arg12[%swap3A_307, %swap3A_308], %mul3A_306 {strides = array<i32>} : memref<64x64xf32, #tpu.memory_space<vmem>>, vector<16xf32>,
        %get3A_310 = arith.index_cast %add3A_295 : i32 to index
        %get3A_311 = arith.constant 32 : index
        %get3A_312 = tpu.vector_load %arg12[%get3A_310, %get3A_311] {strides = array<i32>} : memref<64x64xf32, #tpu.memory_space<vmem>>, vector<16xf32>,
        %mul3A_313 = arith.mulf %get3A_312, %broadcast_in_dim3A_291 : vector<16xf32>
        %swap3A_314 = arith.index_cast %add3A_295 : i32 to index
        %swap3A_315 = arith.constant 32 : index
        %swap3A_316 = tpu.vector_load %arg12[%swap3A_314, %swap3A_315] {strides = array<i32>} : memref<64x64xf32, #tpu.memory_space<vmem>>, vector<16xf32>,
        tpu.vector_store %arg12[%swap3A_314, %swap3A_315], %mul3A_313 {strides = array<i32>} : memref<64x64xf32, #tpu.memory_space<vmem>>, vector<16xf32>,
        %get3A_317 = arith.index_cast %add3A_295 : i32 to index
        %get3A_318 = arith.constant 48 : index
        %get3A_319 = tpu.vector_load %arg12[%get3A_317, %get3A_318] {strides = array<i32>} : memref<64x64xf32, #tpu.memory_space<vmem>>, vector<16xf32>,
        %mul3A_320 = arith.mulf %get3A_319, %broadcast_in_dim3A_291 : vector<16xf32>
        %swap3A_321 = arith.index_cast %add3A_295 : i32 to index
        %swap3A_322 = arith.constant 48 : index
        %swap3A_323 = tpu.vector_load %arg12[%swap3A_321, %swap3A_322] {strides = array<i32>} : memref<64x64xf32, #tpu.memory_space<vmem>>, vector<16xf32>,
        tpu.vector_store %arg12[%swap3A_321, %swap3A_322], %mul3A_320 {strides = array<i32>} : memref<64x64xf32, #tpu.memory_space<vmem>>, vector<16xf32>,
        %slice3A_324 = vector.extract_strided_slice %get3A_256 {offsets = [2], sizes = [1], strides = [1]} : vector<16xf32> to vector<1xf32>
        %squeeze3A_325 = vector.extract %slice3A_324[0] : f32 from vector<1xf32>
        %broadcast_in_dim3A_326 = vector.broadcast %squeeze3A_325 : f32 to vector<16xf32>
        %mul3A_327 = arith.constant 16 : i32
        %mul3A_328 = arith.muli %scan3A_252, %mul3A_327 : i32
        %add3A_329 = arith.constant 2 : i32
        %add3A_330 = arith.addi %mul3A_328, %add3A_329 : i32
        %get3A_331 = arith.index_cast %add3A_330 : i32 to index
        %get3A_332 = arith.constant 0 : index
        %get3A_333 = tpu.vector_load %arg12[%get3A_331, %get3A_332] {strides = array<i32>} : memref<64x64xf32, #tpu.memory_space<vmem>>, vector<16xf32>,
        %mul3A_334 = arith.mulf %get3A_333, %broadcast_in_dim3A_326 : vector<16xf32>
        %swap3A_335 = arith.index_cast %add3A_330 : i32 to index
        %swap3A_336 = arith.constant 0 : index
        %swap3A_337 = tpu.vector_load %arg12[%swap3A_335, %swap3A_336] {strides = array<i32>} : memref<64x64xf32, #tpu.memory_space<vmem>>, vector<16xf32>,
        tpu.vector_store %arg12[%swap3A_335, %swap3A_336], %mul3A_334 {strides = array<i32>} : memref<64x64xf32, #tpu.memory_space<vmem>>, vector<16xf32>,
        %get3A_338 = arith.index_cast %add3A_330 : i32 to index
        %get3A_339 = arith.constant 16 : index
        %get3A_340 = tpu.vector_load %arg12[%get3A_338, %get3A_339] {strides = array<i32>} : memref<64x64xf32, #tpu.memory_space<vmem>>, vector<16xf32>,
        %mul3A_341 = arith.mulf %get3A_340, %broadcast_in_dim3A_326 : vector<16xf32>
        %swap3A_342 = arith.index_cast %add3A_330 : i32 to index
        %swap3A_343 = arith.constant 16 : index
        %swap3A_344 = tpu.vector_load %arg12[%swap3A_342, %swap3A_343] {strides = array<i32>} : memref<64x64xf32, #tpu.memory_space<vmem>>, vector<16xf32>,
        tpu.vector_store %arg12[%swap3A_342, %swap3A_343], %mul3A_341 {strides = array<i32>} : memref<64x64xf32, #tpu.memory_space<vmem>>, vector<16xf32>,
        %get3A_345 = arith.index_cast %add3A_330 : i32 to index
        %get3A_346 = arith.constant 32 : index
        %get3A_347 = tpu.vector_load %arg12[%get3A_345, %get3A_346] {strides = array<i32>} : memref<64x64xf32, #tpu.memory_space<vmem>>, vector<16xf32>,
        %mul3A_348 = arith.mulf %get3A_347, %broadcast_in_dim3A_326 : vector<16xf32>
        %swap3A_349 = arith.index_cast %add3A_330 : i32 to index
        %swap3A_350 = arith.constant 32 : index
        %swap3A_351 = tpu.vector_load %arg12[%swap3A_349, %swap3A_350] {strides = array<i32>} : memref<64x64xf32, #tpu.memory_space<vmem>>, vector<16xf32>,
        tpu.vector_store %arg12[%swap3A_349, %swap3A_350], %mul3A_348 {strides = array<i32>} : memref<64x64xf32, #tpu.memory_space<vmem>>, vector<16xf32>,
        %get3A_352 = arith.index_cast %add3A_330 : i32 to index
        %get3A_353 = arith.constant 48 : index
        %get3A_354 = tpu.vector_load %arg12[%get3A_352, %get3A_353] {strides = array<i32>} : memref<64x64xf32, #tpu.memory_space<vmem>>, vector<16xf32>,
        %mul3A_355 = arith.mulf %get3A_354, %broadcast_in_dim3A_326 : vector<16xf32>
        %swap3A_356 = arith.index_cast %add3A_330 : i32 to index
        %swap3A_357 = arith.constant 48 : index
        %swap3A_358 = tpu.vector_load %arg12[%swap3A_356, %swap3A_357] {strides = array<i32>} : memref<64x64xf32, #tpu.memory_space<vmem>>, vector<16xf32>,
        tpu.vector_store %arg12[%swap3A_356, %swap3A_357], %mul3A_355 {strides = array<i32>} : memref<64x64xf32, #tpu.memory_space<vmem>>, vector<16xf32>,
        %slice3A_359 = vector.extract_strided_slice %get3A_256 {offsets = [3], sizes = [1], strides = [1]} : vector<16xf32> to vector<1xf32>
        %squeeze3A_360 = vector.extract %slice3A_359[0] : f32 from vector<1xf32>
        %broadcast_in_dim3A_361 = vector.broadcast %squeeze3A_360 : f32 to vector<16xf32>
        %mul3A_362 = arith.constant 16 : i32
        %mul3A_363 = arith.muli %scan3A_252, %mul3A_362 : i32
        %add3A_364 = arith.constant 3 : i32
        %add3A_365 = arith.addi %mul3A_363, %add3A_364 : i32
        %get3A_366 = arith.index_cast %add3A_365 : i32 to index
        %get3A_367 = arith.constant 0 : index
        %get3A_368 = tpu.vector_load %arg12[%get3A_366, %get3A_367] {strides = array<i32>} : memref<64x64xf32, #tpu.memory_space<vmem>>, vector<16xf32>,
        %mul3A_369 = arith.mulf %get3A_368, %broadcast_in_dim3A_361 : vector<16xf32>
        %swap3A_370 = arith.index_cast %add3A_365 : i32 to index
        %swap3A_371 = arith.constant 0 : index
        %swap3A_372 = tpu.vector_load %arg12[%swap3A_370, %swap3A_371] {strides = array<i32>} : memref<64x64xf32, #tpu.memory_space<vmem>>, vector<16xf32>,
        tpu.vector_store %arg12[%swap3A_370, %swap3A_371], %mul3A_369 {strides = array<i32>} : memref<64x64xf32, #tpu.memory_space<vmem>>, vector<16xf32>,
        %get3A_373 = arith.index_cast %add3A_365 : i32 to index
        %get3A_374 = arith.constant 16 : index
        %get3A_375 = tpu.vector_load %arg12[%get3A_373, %get3A_374] {strides = array<i32>} : memref<64x64xf32, #tpu.memory_space<vmem>>, vector<16xf32>,
        %mul3A_376 = arith.mulf %get3A_375, %broadcast_in_dim3A_361 : vector<16xf32>
        %swap3A_377 = arith.index_cast %add3A_365 : i32 to index
        %swap3A_378 = arith.constant 16 : index
        %swap3A_379 = tpu.vector_load %arg12[%swap3A_377, %swap3A_378] {strides = array<i32>} : memref<64x64xf32, #tpu.memory_space<vmem>>, vector<16xf32>,
        tpu.vector_store %arg12[%swap3A_377, %swap3A_378], %mul3A_376 {strides = array<i32>} : memref<64x64xf32, #tpu.memory_space<vmem>>, vector<16xf32>,
        %get3A_380 = arith.index_cast %add3A_365 : i32 to index
        %get3A_381 = arith.constant 32 : index
        %get3A_382 = tpu.vector_load %arg12[%get3A_380, %get3A_381] {strides = array<i32>} : memref<64x64xf32, #tpu.memory_space<vmem>>, vector<16xf32>,
        %mul3A_383 = arith.mulf %get3A_382, %broadcast_in_dim3A_361 : vector<16xf32>
        %swap3A_384 = arith.index_cast %add3A_365 : i32 to index
        %swap3A_385 = arith.constant 32 : index
        %swap3A_386 = tpu.vector_load %arg12[%swap3A_384, %swap3A_385] {strides = array<i32>} : memref<64x64xf32, #tpu.memory_space<vmem>>, vector<16xf32>,
        tpu.vector_store %arg12[%swap3A_384, %swap3A_385], %mul3A_383 {strides = array<i32>} : memref<64x64xf32, #tpu.memory_space<vmem>>, vector<16xf32>,
        %get3A_387 = arith.index_cast %add3A_365 : i32 to index
        %get3A_388 = arith.constant 48 : index
        %get3A_389 = tpu.vector_load %arg12[%get3A_387, %get3A_388] {strides = array<i32>} : memref<64x64xf32, #tpu.memory_space<vmem>>, vector<16xf32>,
        %mul3A_390 = arith.mulf %get3A_389, %broadcast_in_dim3A_361 : vector<16xf32>
        %swap3A_391 = arith.index_cast %add3A_365 : i32 to index
        %swap3A_392 = arith.constant 48 : index
        %swap3A_393 = tpu.vector_load %arg12[%swap3A_391, %swap3A_392] {strides = array<i32>} : memref<64x64xf32, #tpu.memory_space<vmem>>, vector<16xf32>,
        tpu.vector_store %arg12[%swap3A_391, %swap3A_392], %mul3A_390 {strides = array<i32>} : memref<64x64xf32, #tpu.memory_space<vmem>>, vector<16xf32>,
        %slice3A_394 = vector.extract_strided_slice %get3A_256 {offsets = [4], sizes = [1], strides = [1]} : vector<16xf32> to vector<1xf32>
        %squeeze3A_395 = vector.extract %slice3A_394[0] : f32 from vector<1xf32>
        %broadcast_in_dim3A_396 = vector.broadcast %squeeze3A_395 : f32 to vector<16xf32>
        %mul3A_397 = arith.constant 16 : i32
        %mul3A_398 = arith.muli %scan3A_252, %mul3A_397 : i32
        %add3A_399 = arith.constant 4 : i32
        %add3A_400 = arith.addi %mul3A_398, %add3A_399 : i32
        %get3A_401 = arith.index_cast %add3A_400 : i32 to index
        %get3A_402 = arith.constant 0 : index
        %get3A_403 = tpu.vector_load %arg12[%get3A_401, %get3A_402] {strides = array<i32>} : memref<64x64xf32, #tpu.memory_space<vmem>>, vector<16xf32>,
        %mul3A_404 = arith.mulf %get3A_403, %broadcast_in_dim3A_396 : vector<16xf32>
        %swap3A_405 = arith.index_cast %add3A_400 : i32 to index
        %swap3A_406 = arith.constant 0 : index
        %swap3A_407 = tpu.vector_load %arg12[%swap3A_405, %swap3A_406] {strides = array<i32>} : memref<64x64xf32, #tpu.memory_space<vmem>>, vector<16xf32>,
        tpu.vector_store %arg12[%swap3A_405, %swap3A_406], %mul3A_404 {strides = array<i32>} : memref<64x64xf32, #tpu.memory_space<vmem>>, vector<16xf32>,
        %get3A_408 = arith.index_cast %add3A_400 : i32 to index
        %get3A_409 = arith.constant 16 : index
        %get3A_410 = tpu.vector_load %arg12[%get3A_408, %get3A_409] {strides = array<i32>} : memref<64x64xf32, #tpu.memory_space<vmem>>, vector<16xf32>,
        %mul3A_411 = arith.mulf %get3A_410, %broadcast_in_dim3A_396 : vector<16xf32>
        %swap3A_412 = arith.index_cast %add3A_400 : i32 to index
        %swap3A_413 = arith.constant 16 : index
        %swap3A_414 = tpu.vector_load %arg12[%swap3A_412, %swap3A_413] {strides = array<i32>} : memref<64x64xf32, #tpu.memory_space<vmem>>, vector<16xf32>,
        tpu.vector_store %arg12[%swap3A_412, %swap3A_413], %mul3A_411 {strides = array<i32>} : memref<64x64xf32, #tpu.memory_space<vmem>>, vector<16xf32>,
        %get3A_415 = arith.index_cast %add3A_400 : i32 to index
        %get3A_416 = arith.constant 32 : index
        %get3A_417 = tpu.vector_load %arg12[%get3A_415, %get3A_416] {strides = array<i32>} : memref<64x64xf32, #tpu.memory_space<vmem>>, vector<16xf32>,
        %mul3A_418 = arith.mulf %get3A_417, %broadcast_in_dim3A_396 : vector<16xf32>
        %swap3A_419 = arith.index_cast %add3A_400 : i32 to index
        %swap3A_420 = arith.constant 32 : index
        %swap3A_421 = tpu.vector_load %arg12[%swap3A_419, %swap3A_420] {strides = array<i32>} : memref<64x64xf32, #tpu.memory_space<vmem>>, vector<16xf32>,
        tpu.vector_store %arg12[%swap3A_419, %swap3A_420], %mul3A_418 {strides = array<i32>} : memref<64x64xf32, #tpu.memory_space<vmem>>, vector<16xf32>,
        %get3A_422 = arith.index_cast %add3A_400 : i32 to index
        %get3A_423 = arith.constant 48 : index
        %get3A_424 = tpu.vector_load %arg12[%get3A_422, %get3A_423] {strides = array<i32>} : memref<64x64xf32, #tpu.memory_space<vmem>>, vector<16xf32>,
        %mul3A_425 = arith.mulf %get3A_424, %broadcast_in_dim3A_396 : vector<16xf32>
        %swap3A_426 = arith.index_cast %add3A_400 : i32 to index
        %swap3A_427 = arith.constant 48 : index
        %swap3A_428 = tpu.vector_load %arg12[%swap3A_426, %swap3A_427] {strides = array<i32>} : memref<64x64xf32, #tpu.memory_space<vmem>>, vector<16xf32>,
        tpu.vector_store %arg12[%swap3A_426, %swap3A_427], %mul3A_425 {strides = array<i32>} : memref<64x64xf32, #tpu.memory_space<vmem>>, vector<16xf32>,
        %slice3A_429 = vector.extract_strided_slice %get3A_256 {offsets = [5], sizes = [1], strides = [1]} : vector<16xf32> to vector<1xf32>
        %squeeze3A_430 = vector.extract %slice3A_429[0] : f32 from vector<1xf32>
        %broadcast_in_dim3A_431 = vector.broadcast %squeeze3A_430 : f32 to vector<16xf32>
        %mul3A_432 = arith.constant 16 : i32
        %mul3A_433 = arith.muli %scan3A_252, %mul3A_432 : i32
        %add3A_434 = arith.constant 5 : i32
        %add3A_435 = arith.addi %mul3A_433, %add3A_434 : i32
        %get3A_436 = arith.index_cast %add3A_435 : i32 to index
        %get3A_437 = arith.constant 0 : index
        %get3A_438 = tpu.vector_load %arg12[%get3A_436, %get3A_437] {strides = array<i32>} : memref<64x64xf32, #tpu.memory_space<vmem>>, vector<16xf32>,
        %mul3A_439 = arith.mulf %get3A_438, %broadcast_in_dim3A_431 : vector<16xf32>
        %swap3A_440 = arith.index_cast %add3A_435 : i32 to index
        %swap3A_441 = arith.constant 0 : index
        %swap3A_442 = tpu.vector_load %arg12[%swap3A_440, %swap3A_441] {strides = array<i32>} : memref<64x64xf32, #tpu.memory_space<vmem>>, vector<16xf32>,
        tpu.vector_store %arg12[%swap3A_440, %swap3A_441], %mul3A_439 {strides = array<i32>} : memref<64x64xf32, #tpu.memory_space<vmem>>, vector<16xf32>,
        %get3A_443 = arith.index_cast %add3A_435 : i32 to index
        %get3A_444 = arith.constant 16 : index
        %get3A_445 = tpu.vector_load %arg12[%get3A_443, %get3A_444] {strides = array<i32>} : memref<64x64xf32, #tpu.memory_space<vmem>>, vector<16xf32>,
        %mul3A_446 = arith.mulf %get3A_445, %broadcast_in_dim3A_431 : vector<16xf32>
        %swap3A_447 = arith.index_cast %add3A_435 : i32 to index
        %swap3A_448 = arith.constant 16 : index
        %swap3A_449 = tpu.vector_load %arg12[%swap3A_447, %swap3A_448] {strides = array<i32>} : memref<64x64xf32, #tpu.memory_space<vmem>>, vector<16xf32>,
        tpu.vector_store %arg12[%swap3A_447, %swap3A_448], %mul3A_446 {strides = array<i32>} : memref<64x64xf32, #tpu.memory_space<vmem>>, vector<16xf32>,
        %get3A_450 = arith.index_cast %add3A_435 : i32 to index
        %get3A_451 = arith.constant 32 : index
        %get3A_452 = tpu.vector_load %arg12[%get3A_450, %get3A_451] {strides = array<i32>} : memref<64x64xf32, #tpu.memory_space<vmem>>, vector<16xf32>,
        %mul3A_453 = arith.mulf %get3A_452, %broadcast_in_dim3A_431 : vector<16xf32>
        %swap3A_454 = arith.index_cast %add3A_435 : i32 to index
        %swap3A_455 = arith.constant 32 : index
        %swap3A_456 = tpu.vector_load %arg12[%swap3A_454, %swap3A_455] {strides = array<i32>} : memref<64x64xf32, #tpu.memory_space<vmem>>, vector<16xf32>,
        tpu.vector_store %arg12[%swap3A_454, %swap3A_455], %mul3A_453 {strides = array<i32>} : memref<64x64xf32, #tpu.memory_space<vmem>>, vector<16xf32>,
        %get3A_457 = arith.index_cast %add3A_435 : i32 to index
        %get3A_458 = arith.constant 48 : index
        %get3A_459 = tpu.vector_load %arg12[%get3A_457, %get3A_458] {strides = array<i32>} : memref<64x64xf32, #tpu.memory_space<vmem>>, vector<16xf32>,
        %mul3A_460 = arith.mulf %get3A_459, %broadcast_in_dim3A_431 : vector<16xf32>
        %swap3A_461 = arith.index_cast %add3A_435 : i32 to index
        %swap3A_462 = arith.constant 48 : index
        %swap3A_463 = tpu.vector_load %arg12[%swap3A_461, %swap3A_462] {strides = array<i32>} : memref<64x64xf32, #tpu.memory_space<vmem>>, vector<16xf32>,
        tpu.vector_store %arg12[%swap3A_461, %swap3A_462], %mul3A_460 {strides = array<i32>} : memref<64x64xf32, #tpu.memory_space<vmem>>, vector<16xf32>,
        %slice3A_464 = vector.extract_strided_slice %get3A_256 {offsets = [6], sizes = [1], strides = [1]} : vector<16xf32> to vector<1xf32>
        %squeeze3A_465 = vector.extract %slice3A_464[0] : f32 from vector<1xf32>
        %broadcast_in_dim3A_466 = vector.broadcast %squeeze3A_465 : f32 to vector<16xf32>
        %mul3A_467 = arith.constant 16 : i32
        %mul3A_468 = arith.muli %scan3A_252, %mul3A_467 : i32
        %add3A_469 = arith.constant 6 : i32
        %add3A_470 = arith.addi %mul3A_468, %add3A_469 : i32
        %get3A_471 = arith.index_cast %add3A_470 : i32 to index
        %get3A_472 = arith.constant 0 : index
        %get3A_473 = tpu.vector_load %arg12[%get3A_471, %get3A_472] {strides = array<i32>} : memref<64x64xf32, #tpu.memory_space<vmem>>, vector<16xf32>,
        %mul3A_474 = arith.mulf %get3A_473, %broadcast_in_dim3A_466 : vector<16xf32>
        %swap3A_475 = arith.index_cast %add3A_470 : i32 to index
        %swap3A_476 = arith.constant 0 : index
        %swap3A_477 = tpu.vector_load %arg12[%swap3A_475, %swap3A_476] {strides = array<i32>} : memref<64x64xf32, #tpu.memory_space<vmem>>, vector<16xf32>,
        tpu.vector_store %arg12[%swap3A_475, %swap3A_476], %mul3A_474 {strides = array<i32>} : memref<64x64xf32, #tpu.memory_space<vmem>>, vector<16xf32>,
        %get3A_478 = arith.index_cast %add3A_470 : i32 to index
        %get3A_479 = arith.constant 16 : index
        %get3A_480 = tpu.vector_load %arg12[%get3A_478, %get3A_479] {strides = array<i32>} : memref<64x64xf32, #tpu.memory_space<vmem>>, vector<16xf32>,
        %mul3A_481 = arith.mulf %get3A_480, %broadcast_in_dim3A_466 : vector<16xf32>
        %swap3A_482 = arith.index_cast %add3A_470 : i32 to index
        %swap3A_483 = arith.constant 16 : index
        %swap3A_484 = tpu.vector_load %arg12[%swap3A_482, %swap3A_483] {strides = array<i32>} : memref<64x64xf32, #tpu.memory_space<vmem>>, vector<16xf32>,
        tpu.vector_store %arg12[%swap3A_482, %swap3A_483], %mul3A_481 {strides = array<i32>} : memref<64x64xf32, #tpu.memory_space<vmem>>, vector<16xf32>,
        %get3A_485 = arith.index_cast %add3A_470 : i32 to index
        %get3A_486 = arith.constant 32 : index
        %get3A_487 = tpu.vector_load %arg12[%get3A_485, %get3A_486] {strides = array<i32>} : memref<64x64xf32, #tpu.memory_space<vmem>>, vector<16xf32>,
        %mul3A_488 = arith.mulf %get3A_487, %broadcast_in_dim3A_466 : vector<16xf32>
        %swap3A_489 = arith.index_cast %add3A_470 : i32 to index
        %swap3A_490 = arith.constant 32 : index
        %swap3A_491 = tpu.vector_load %arg12[%swap3A_489, %swap3A_490] {strides = array<i32>} : memref<64x64xf32, #tpu.memory_space<vmem>>, vector<16xf32>,
        tpu.vector_store %arg12[%swap3A_489, %swap3A_490], %mul3A_488 {strides = array<i32>} : memref<64x64xf32, #tpu.memory_space<vmem>>, vector<16xf32>,
        %get3A_492 = arith.index_cast %add3A_470 : i32 to index
        %get3A_493 = arith.constant 48 : index
        %get3A_494 = tpu.vector_load %arg12[%get3A_492, %get3A_493] {strides = array<i32>} : memref<64x64xf32, #tpu.memory_space<vmem>>, vector<16xf32>,
        %mul3A_495 = arith.mulf %get3A_494, %broadcast_in_dim3A_466 : vector<16xf32>
        %swap3A_496 = arith.index_cast %add3A_470 : i32 to index
        %swap3A_497 = arith.constant 48 : index
        %swap3A_498 = tpu.vector_load %arg12[%swap3A_496, %swap3A_497] {strides = array<i32>} : memref<64x64xf32, #tpu.memory_space<vmem>>, vector<16xf32>,
        tpu.vector_store %arg12[%swap3A_496, %swap3A_497], %mul3A_495 {strides = array<i32>} : memref<64x64xf32, #tpu.memory_space<vmem>>, vector<16xf32>,
        %slice3A_499 = vector.extract_strided_slice %get3A_256 {offsets = [7], sizes = [1], strides = [1]} : vector<16xf32> to vector<1xf32>
        %squeeze3A_500 = vector.extract %slice3A_499[0] : f32 from vector<1xf32>
        %broadcast_in_dim3A_501 = vector.broadcast %squeeze3A_500 : f32 to vector<16xf32>
        %mul3A_502 = arith.constant 16 : i32
        %mul3A_503 = arith.muli %scan3A_252, %mul3A_502 : i32
        %add3A_504 = arith.constant 7 : i32
        %add3A_505 = arith.addi %mul3A_503, %add3A_504 : i32
        %get3A_506 = arith.index_cast %add3A_505 : i32 to index
        %get3A_507 = arith.constant 0 : index
        %get3A_508 = tpu.vector_load %arg12[%get3A_506, %get3A_507] {strides = array<i32>} : memref<64x64xf32, #tpu.memory_space<vmem>>, vector<16xf32>,
        %mul3A_509 = arith.mulf %get3A_508, %broadcast_in_dim3A_501 : vector<16xf32>
        %swap3A_510 = arith.index_cast %add3A_505 : i32 to index
        %swap3A_511 = arith.constant 0 : index
        %swap3A_512 = tpu.vector_load %arg12[%swap3A_510, %swap3A_511] {strides = array<i32>} : memref<64x64xf32, #tpu.memory_space<vmem>>, vector<16xf32>,
        tpu.vector_store %arg12[%swap3A_510, %swap3A_511], %mul3A_509 {strides = array<i32>} : memref<64x64xf32, #tpu.memory_space<vmem>>, vector<16xf32>,
        %get3A_513 = arith.index_cast %add3A_505 : i32 to index
        %get3A_514 = arith.constant 16 : index
        %get3A_515 = tpu.vector_load %arg12[%get3A_513, %get3A_514] {strides = array<i32>} : memref<64x64xf32, #tpu.memory_space<vmem>>, vector<16xf32>,
        %mul3A_516 = arith.mulf %get3A_515, %broadcast_in_dim3A_501 : vector<16xf32>
        %swap3A_517 = arith.index_cast %add3A_505 : i32 to index
        %swap3A_518 = arith.constant 16 : index
        %swap3A_519 = tpu.vector_load %arg12[%swap3A_517, %swap3A_518] {strides = array<i32>} : memref<64x64xf32, #tpu.memory_space<vmem>>, vector<16xf32>,
        tpu.vector_store %arg12[%swap3A_517, %swap3A_518], %mul3A_516 {strides = array<i32>} : memref<64x64xf32, #tpu.memory_space<vmem>>, vector<16xf32>,
        %get3A_520 = arith.index_cast %add3A_505 : i32 to index
        %get3A_521 = arith.constant 32 : index
        %get3A_522 = tpu.vector_load %arg12[%get3A_520, %get3A_521] {strides = array<i32>} : memref<64x64xf32, #tpu.memory_space<vmem>>, vector<16xf32>,
        %mul3A_523 = arith.mulf %get3A_522, %broadcast_in_dim3A_501 : vector<16xf32>
        %swap3A_524 = arith.index_cast %add3A_505 : i32 to index
        %swap3A_525 = arith.constant 32 : index
        %swap3A_526 = tpu.vector_load %arg12[%swap3A_524, %swap3A_525] {strides = array<i32>} : memref<64x64xf32, #tpu.memory_space<vmem>>, vector<16xf32>,
        tpu.vector_store %arg12[%swap3A_524, %swap3A_525], %mul3A_523 {strides = array<i32>} : memref<64x64xf32, #tpu.memory_space<vmem>>, vector<16xf32>,
        %get3A_527 = arith.index_cast %add3A_505 : i32 to index
        %get3A_528 = arith.constant 48 : index
        %get3A_529 = tpu.vector_load %arg12[%get3A_527, %get3A_528] {strides = array<i32>} : memref<64x64xf32, #tpu.memory_space<vmem>>, vector<16xf32>,
        %mul3A_530 = arith.mulf %get3A_529, %broadcast_in_dim3A_501 : vector<16xf32>
        %swap3A_531 = arith.index_cast %add3A_505 : i32 to index
        %swap3A_532 = arith.constant 48 : index
        %swap3A_533 = tpu.vector_load %arg12[%swap3A_531, %swap3A_532] {strides = array<i32>} : memref<64x64xf32, #tpu.memory_space<vmem>>, vector<16xf32>,
        tpu.vector_store %arg12[%swap3A_531, %swap3A_532], %mul3A_530 {strides = array<i32>} : memref<64x64xf32, #tpu.memory_space<vmem>>, vector<16xf32>,
        %slice3A_534 = vector.extract_strided_slice %get3A_256 {offsets = [8], sizes = [1], strides = [1]} : vector<16xf32> to vector<1xf32>
        %squeeze3A_535 = vector.extract %slice3A_534[0] : f32 from vector<1xf32>
        %broadcast_in_dim3A_536 = vector.broadcast %squeeze3A_535 : f32 to vector<16xf32>
        %mul3A_537 = arith.constant 16 : i32
        %mul3A_538 = arith.muli %scan3A_252, %mul3A_537 : i32
        %add3A_539 = arith.constant 8 : i32
        %add3A_540 = arith.addi %mul3A_538, %add3A_539 : i32
        %get3A_541 = arith.index_cast %add3A_540 : i32 to index
        %get3A_542 = arith.constant 0 : index
        %get3A_543 = tpu.vector_load %arg12[%get3A_541, %get3A_542] {strides = array<i32>} : memref<64x64xf32, #tpu.memory_space<vmem>>, vector<16xf32>,
        %mul3A_544 = arith.mulf %get3A_543, %broadcast_in_dim3A_536 : vector<16xf32>
        %swap3A_545 = arith.index_cast %add3A_540 : i32 to index
        %swap3A_546 = arith.constant 0 : index
        %swap3A_547 = tpu.vector_load %arg12[%swap3A_545, %swap3A_546] {strides = array<i32>} : memref<64x64xf32, #tpu.memory_space<vmem>>, vector<16xf32>,
        tpu.vector_store %arg12[%swap3A_545, %swap3A_546], %mul3A_544 {strides = array<i32>} : memref<64x64xf32, #tpu.memory_space<vmem>>, vector<16xf32>,
        %get3A_548 = arith.index_cast %add3A_540 : i32 to index
        %get3A_549 = arith.constant 16 : index
        %get3A_550 = tpu.vector_load %arg12[%get3A_548, %get3A_549] {strides = array<i32>} : memref<64x64xf32, #tpu.memory_space<vmem>>, vector<16xf32>,
        %mul3A_551 = arith.mulf %get3A_550, %broadcast_in_dim3A_536 : vector<16xf32>
        %swap3A_552 = arith.index_cast %add3A_540 : i32 to index
        %swap3A_553 = arith.constant 16 : index
        %swap3A_554 = tpu.vector_load %arg12[%swap3A_552, %swap3A_553] {strides = array<i32>} : memref<64x64xf32, #tpu.memory_space<vmem>>, vector<16xf32>,
        tpu.vector_store %arg12[%swap3A_552, %swap3A_553], %mul3A_551 {strides = array<i32>} : memref<64x64xf32, #tpu.memory_space<vmem>>, vector<16xf32>,
        %get3A_555 = arith.index_cast %add3A_540 : i32 to index
        %get3A_556 = arith.constant 32 : index
        %get3A_557 = tpu.vector_load %arg12[%get3A_555, %get3A_556] {strides = array<i32>} : memref<64x64xf32, #tpu.memory_space<vmem>>, vector<16xf32>,
        %mul3A_558 = arith.mulf %get3A_557, %broadcast_in_dim3A_536 : vector<16xf32>
        %swap3A_559 = arith.index_cast %add3A_540 : i32 to index
        %swap3A_560 = arith.constant 32 : index
        %swap3A_561 = tpu.vector_load %arg12[%swap3A_559, %swap3A_560] {strides = array<i32>} : memref<64x64xf32, #tpu.memory_space<vmem>>, vector<16xf32>,
        tpu.vector_store %arg12[%swap3A_559, %swap3A_560], %mul3A_558 {strides = array<i32>} : memref<64x64xf32, #tpu.memory_space<vmem>>, vector<16xf32>,
        %get3A_562 = arith.index_cast %add3A_540 : i32 to index
        %get3A_563 = arith.constant 48 : index
        %get3A_564 = tpu.vector_load %arg12[%get3A_562, %get3A_563] {strides = array<i32>} : memref<64x64xf32, #tpu.memory_space<vmem>>, vector<16xf32>,
        %mul3A_565 = arith.mulf %get3A_564, %broadcast_in_dim3A_536 : vector<16xf32>
        %swap3A_566 = arith.index_cast %add3A_540 : i32 to index
        %swap3A_567 = arith.constant 48 : index
        %swap3A_568 = tpu.vector_load %arg12[%swap3A_566, %swap3A_567] {strides = array<i32>} : memref<64x64xf32, #tpu.memory_space<vmem>>, vector<16xf32>,
        tpu.vector_store %arg12[%swap3A_566, %swap3A_567], %mul3A_565 {strides = array<i32>} : memref<64x64xf32, #tpu.memory_space<vmem>>, vector<16xf32>,
        %slice3A_569 = vector.extract_strided_slice %get3A_256 {offsets = [9], sizes = [1], strides = [1]} : vector<16xf32> to vector<1xf32>
        %squeeze3A_570 = vector.extract %slice3A_569[0] : f32 from vector<1xf32>
        %broadcast_in_dim3A_571 = vector.broadcast %squeeze3A_570 : f32 to vector<16xf32>
        %mul3A_572 = arith.constant 16 : i32
        %mul3A_573 = arith.muli %scan3A_252, %mul3A_572 : i32
        %add3A_574 = arith.constant 9 : i32
        %add3A_575 = arith.addi %mul3A_573, %add3A_574 : i32
        %get3A_576 = arith.index_cast %add3A_575 : i32 to index
        %get3A_577 = arith.constant 0 : index
        %get3A_578 = tpu.vector_load %arg12[%get3A_576, %get3A_577] {strides = array<i32>} : memref<64x64xf32, #tpu.memory_space<vmem>>, vector<16xf32>,
        %mul3A_579 = arith.mulf %get3A_578, %broadcast_in_dim3A_571 : vector<16xf32>
        %swap3A_580 = arith.index_cast %add3A_575 : i32 to index
        %swap3A_581 = arith.constant 0 : index
        %swap3A_582 = tpu.vector_load %arg12[%swap3A_580, %swap3A_581] {strides = array<i32>} : memref<64x64xf32, #tpu.memory_space<vmem>>, vector<16xf32>,
        tpu.vector_store %arg12[%swap3A_580, %swap3A_581], %mul3A_579 {strides = array<i32>} : memref<64x64xf32, #tpu.memory_space<vmem>>, vector<16xf32>,
        %get3A_583 = arith.index_cast %add3A_575 : i32 to index
        %get3A_584 = arith.constant 16 : index
        %get3A_585 = tpu.vector_load %arg12[%get3A_583, %get3A_584] {strides = array<i32>} : memref<64x64xf32, #tpu.memory_space<vmem>>, vector<16xf32>,
        %mul3A_586 = arith.mulf %get3A_585, %broadcast_in_dim3A_571 : vector<16xf32>
        %swap3A_587 = arith.index_cast %add3A_575 : i32 to index
        %swap3A_588 = arith.constant 16 : index
        %swap3A_589 = tpu.vector_load %arg12[%swap3A_587, %swap3A_588] {strides = array<i32>} : memref<64x64xf32, #tpu.memory_space<vmem>>, vector<16xf32>,
        tpu.vector_store %arg12[%swap3A_587, %swap3A_588], %mul3A_586 {strides = array<i32>} : memref<64x64xf32, #tpu.memory_space<vmem>>, vector<16xf32>,
        %get3A_590 = arith.index_cast %add3A_575 : i32 to index
        %get3A_591 = arith.constant 32 : index
        %get3A_592 = tpu.vector_load %arg12[%get3A_590, %get3A_591] {strides = array<i32>} : memref<64x64xf32, #tpu.memory_space<vmem>>, vector<16xf32>,
        %mul3A_593 = arith.mulf %get3A_592, %broadcast_in_dim3A_571 : vector<16xf32>
        %swap3A_594 = arith.index_cast %add3A_575 : i32 to index
        %swap3A_595 = arith.constant 32 : index
        %swap3A_596 = tpu.vector_load %arg12[%swap3A_594, %swap3A_595] {strides = array<i32>} : memref<64x64xf32, #tpu.memory_space<vmem>>, vector<16xf32>,
        tpu.vector_store %arg12[%swap3A_594, %swap3A_595], %mul3A_593 {strides = array<i32>} : memref<64x64xf32, #tpu.memory_space<vmem>>, vector<16xf32>,
        %get3A_597 = arith.index_cast %add3A_575 : i32 to index
        %get3A_598 = arith.constant 48 : index
        %get3A_599 = tpu.vector_load %arg12[%get3A_597, %get3A_598] {strides = array<i32>} : memref<64x64xf32, #tpu.memory_space<vmem>>, vector<16xf32>,
        %mul3A_600 = arith.mulf %get3A_599, %broadcast_in_dim3A_571 : vector<16xf32>
        %swap3A_601 = arith.index_cast %add3A_575 : i32 to index
        %swap3A_602 = arith.constant 48 : index
        %swap3A_603 = tpu.vector_load %arg12[%swap3A_601, %swap3A_602] {strides = array<i32>} : memref<64x64xf32, #tpu.memory_space<vmem>>, vector<16xf32>,
        tpu.vector_store %arg12[%swap3A_601, %swap3A_602], %mul3A_600 {strides = array<i32>} : memref<64x64xf32, #tpu.memory_space<vmem>>, vector<16xf32>,
        %slice3A_604 = vector.extract_strided_slice %get3A_256 {offsets = [10], sizes = [1], strides = [1]} : vector<16xf32> to vector<1xf32>
        %squeeze3A_605 = vector.extract %slice3A_604[0] : f32 from vector<1xf32>
        %broadcast_in_dim3A_606 = vector.broadcast %squeeze3A_605 : f32 to vector<16xf32>
        %mul3A_607 = arith.constant 16 : i32
        %mul3A_608 = arith.muli %scan3A_252, %mul3A_607 : i32
        %add3A_609 = arith.constant 10 : i32
        %add3A_610 = arith.addi %mul3A_608, %add3A_609 : i32
        %get3A_611 = arith.index_cast %add3A_610 : i32 to index
        %get3A_612 = arith.constant 0 : index
        %get3A_613 = tpu.vector_load %arg12[%get3A_611, %get3A_612] {strides = array<i32>} : memref<64x64xf32, #tpu.memory_space<vmem>>, vector<16xf32>,
        %mul3A_614 = arith.mulf %get3A_613, %broadcast_in_dim3A_606 : vector<16xf32>
        %swap3A_615 = arith.index_cast %add3A_610 : i32 to index
        %swap3A_616 = arith.constant 0 : index
        %swap3A_617 = tpu.vector_load %arg12[%swap3A_615, %swap3A_616] {strides = array<i32>} : memref<64x64xf32, #tpu.memory_space<vmem>>, vector<16xf32>,
        tpu.vector_store %arg12[%swap3A_615, %swap3A_616], %mul3A_614 {strides = array<i32>} : memref<64x64xf32, #tpu.memory_space<vmem>>, vector<16xf32>,
        %get3A_618 = arith.index_cast %add3A_610 : i32 to index
        %get3A_619 = arith.constant 16 : index
        %get3A_620 = tpu.vector_load %arg12[%get3A_618, %get3A_619] {strides = array<i32>} : memref<64x64xf32, #tpu.memory_space<vmem>>, vector<16xf32>,
        %mul3A_621 = arith.mulf %get3A_620, %broadcast_in_dim3A_606 : vector<16xf32>
        %swap3A_622 = arith.index_cast %add3A_610 : i32 to index
        %swap3A_623 = arith.constant 16 : index
        %swap3A_624 = tpu.vector_load %arg12[%swap3A_622, %swap3A_623] {strides = array<i32>} : memref<64x64xf32, #tpu.memory_space<vmem>>, vector<16xf32>,
        tpu.vector_store %arg12[%swap3A_622, %swap3A_623], %mul3A_621 {strides = array<i32>} : memref<64x64xf32, #tpu.memory_space<vmem>>, vector<16xf32>,
        %get3A_625 = arith.index_cast %add3A_610 : i32 to index
        %get3A_626 = arith.constant 32 : index
        %get3A_627 = tpu.vector_load %arg12[%get3A_625, %get3A_626] {strides = array<i32>} : memref<64x64xf32, #tpu.memory_space<vmem>>, vector<16xf32>,
        %mul3A_628 = arith.mulf %get3A_627, %broadcast_in_dim3A_606 : vector<16xf32>
        %swap3A_629 = arith.index_cast %add3A_610 : i32 to index
        %swap3A_630 = arith.constant 32 : index
        %swap3A_631 = tpu.vector_load %arg12[%swap3A_629, %swap3A_630] {strides = array<i32>} : memref<64x64xf32, #tpu.memory_space<vmem>>, vector<16xf32>,
        tpu.vector_store %arg12[%swap3A_629, %swap3A_630], %mul3A_628 {strides = array<i32>} : memref<64x64xf32, #tpu.memory_space<vmem>>, vector<16xf32>,
        %get3A_632 = arith.index_cast %add3A_610 : i32 to index
        %get3A_633 = arith.constant 48 : index
        %get3A_634 = tpu.vector_load %arg12[%get3A_632, %get3A_633] {strides = array<i32>} : memref<64x64xf32, #tpu.memory_space<vmem>>, vector<16xf32>,
        %mul3A_635 = arith.mulf %get3A_634, %broadcast_in_dim3A_606 : vector<16xf32>
        %swap3A_636 = arith.index_cast %add3A_610 : i32 to index
        %swap3A_637 = arith.constant 48 : index
        %swap3A_638 = tpu.vector_load %arg12[%swap3A_636, %swap3A_637] {strides = array<i32>} : memref<64x64xf32, #tpu.memory_space<vmem>>, vector<16xf32>,
        tpu.vector_store %arg12[%swap3A_636, %swap3A_637], %mul3A_635 {strides = array<i32>} : memref<64x64xf32, #tpu.memory_space<vmem>>, vector<16xf32>,
        %slice3A_639 = vector.extract_strided_slice %get3A_256 {offsets = [11], sizes = [1], strides = [1]} : vector<16xf32> to vector<1xf32>
        %squeeze3A_640 = vector.extract %slice3A_639[0] : f32 from vector<1xf32>
        %broadcast_in_dim3A_641 = vector.broadcast %squeeze3A_640 : f32 to vector<16xf32>
        %mul3A_642 = arith.constant 16 : i32
        %mul3A_643 = arith.muli %scan3A_252, %mul3A_642 : i32
        %add3A_644 = arith.constant 11 : i32
        %add3A_645 = arith.addi %mul3A_643, %add3A_644 : i32
        %get3A_646 = arith.index_cast %add3A_645 : i32 to index
        %get3A_647 = arith.constant 0 : index
        %get3A_648 = tpu.vector_load %arg12[%get3A_646, %get3A_647] {strides = array<i32>} : memref<64x64xf32, #tpu.memory_space<vmem>>, vector<16xf32>,
        %mul3A_649 = arith.mulf %get3A_648, %broadcast_in_dim3A_641 : vector<16xf32>
        %swap3A_650 = arith.index_cast %add3A_645 : i32 to index
        %swap3A_651 = arith.constant 0 : index
        %swap3A_652 = tpu.vector_load %arg12[%swap3A_650, %swap3A_651] {strides = array<i32>} : memref<64x64xf32, #tpu.memory_space<vmem>>, vector<16xf32>,
        tpu.vector_store %arg12[%swap3A_650, %swap3A_651], %mul3A_649 {strides = array<i32>} : memref<64x64xf32, #tpu.memory_space<vmem>>, vector<16xf32>,
        %get3A_653 = arith.index_cast %add3A_645 : i32 to index
        %get3A_654 = arith.constant 16 : index
        %get3A_655 = tpu.vector_load %arg12[%get3A_653, %get3A_654] {strides = array<i32>} : memref<64x64xf32, #tpu.memory_space<vmem>>, vector<16xf32>,
        %mul3A_656 = arith.mulf %get3A_655, %broadcast_in_dim3A_641 : vector<16xf32>
        %swap3A_657 = arith.index_cast %add3A_645 : i32 to index
        %swap3A_658 = arith.constant 16 : index
        %swap3A_659 = tpu.vector_load %arg12[%swap3A_657, %swap3A_658] {strides = array<i32>} : memref<64x64xf32, #tpu.memory_space<vmem>>, vector<16xf32>,
        tpu.vector_store %arg12[%swap3A_657, %swap3A_658], %mul3A_656 {strides = array<i32>} : memref<64x64xf32, #tpu.memory_space<vmem>>, vector<16xf32>,
        %get3A_660 = arith.index_cast %add3A_645 : i32 to index
        %get3A_661 = arith.constant 32 : index
        %get3A_662 = tpu.vector_load %arg12[%get3A_660, %get3A_661] {strides = array<i32>} : memref<64x64xf32, #tpu.memory_space<vmem>>, vector<16xf32>,
        %mul3A_663 = arith.mulf %get3A_662, %broadcast_in_dim3A_641 : vector<16xf32>
        %swap3A_664 = arith.index_cast %add3A_645 : i32 to index
        %swap3A_665 = arith.constant 32 : index
        %swap3A_666 = tpu.vector_load %arg12[%swap3A_664, %swap3A_665] {strides = array<i32>} : memref<64x64xf32, #tpu.memory_space<vmem>>, vector<16xf32>,
        tpu.vector_store %arg12[%swap3A_664, %swap3A_665], %mul3A_663 {strides = array<i32>} : memref<64x64xf32, #tpu.memory_space<vmem>>, vector<16xf32>,
        %get3A_667 = arith.index_cast %add3A_645 : i32 to index
        %get3A_668 = arith.constant 48 : index
        %get3A_669 = tpu.vector_load %arg12[%get3A_667, %get3A_668] {strides = array<i32>} : memref<64x64xf32, #tpu.memory_space<vmem>>, vector<16xf32>,
        %mul3A_670 = arith.mulf %get3A_669, %broadcast_in_dim3A_641 : vector<16xf32>
        %swap3A_671 = arith.index_cast %add3A_645 : i32 to index
        %swap3A_672 = arith.constant 48 : index
        %swap3A_673 = tpu.vector_load %arg12[%swap3A_671, %swap3A_672] {strides = array<i32>} : memref<64x64xf32, #tpu.memory_space<vmem>>, vector<16xf32>,
        tpu.vector_store %arg12[%swap3A_671, %swap3A_672], %mul3A_670 {strides = array<i32>} : memref<64x64xf32, #tpu.memory_space<vmem>>, vector<16xf32>,
        %slice3A_674 = vector.extract_strided_slice %get3A_256 {offsets = [12], sizes = [1], strides = [1]} : vector<16xf32> to vector<1xf32>
        %squeeze3A_675 = vector.extract %slice3A_674[0] : f32 from vector<1xf32>
        %broadcast_in_dim3A_676 = vector.broadcast %squeeze3A_675 : f32 to vector<16xf32>
        %mul3A_677 = arith.constant 16 : i32
        %mul3A_678 = arith.muli %scan3A_252, %mul3A_677 : i32
        %add3A_679 = arith.constant 12 : i32
        %add3A_680 = arith.addi %mul3A_678, %add3A_679 : i32
        %get3A_681 = arith.index_cast %add3A_680 : i32 to index
        %get3A_682 = arith.constant 0 : index
        %get3A_683 = tpu.vector_load %arg12[%get3A_681, %get3A_682] {strides = array<i32>} : memref<64x64xf32, #tpu.memory_space<vmem>>, vector<16xf32>,
        %mul3A_684 = arith.mulf %get3A_683, %broadcast_in_dim3A_676 : vector<16xf32>
        %swap3A_685 = arith.index_cast %add3A_680 : i32 to index
        %swap3A_686 = arith.constant 0 : index
        %swap3A_687 = tpu.vector_load %arg12[%swap3A_685, %swap3A_686] {strides = array<i32>} : memref<64x64xf32, #tpu.memory_space<vmem>>, vector<16xf32>,
        tpu.vector_store %arg12[%swap3A_685, %swap3A_686], %mul3A_684 {strides = array<i32>} : memref<64x64xf32, #tpu.memory_space<vmem>>, vector<16xf32>,
        %get3A_688 = arith.index_cast %add3A_680 : i32 to index
        %get3A_689 = arith.constant 16 : index
        %get3A_690 = tpu.vector_load %arg12[%get3A_688, %get3A_689] {strides = array<i32>} : memref<64x64xf32, #tpu.memory_space<vmem>>, vector<16xf32>,
        %mul3A_691 = arith.mulf %get3A_690, %broadcast_in_dim3A_676 : vector<16xf32>
        %swap3A_692 = arith.index_cast %add3A_680 : i32 to index
        %swap3A_693 = arith.constant 16 : index
        %swap3A_694 = tpu.vector_load %arg12[%swap3A_692, %swap3A_693] {strides = array<i32>} : memref<64x64xf32, #tpu.memory_space<vmem>>, vector<16xf32>,
        tpu.vector_store %arg12[%swap3A_692, %swap3A_693], %mul3A_691 {strides = array<i32>} : memref<64x64xf32, #tpu.memory_space<vmem>>, vector<16xf32>,
        %get3A_695 = arith.index_cast %add3A_680 : i32 to index
        %get3A_696 = arith.constant 32 : index
        %get3A_697 = tpu.vector_load %arg12[%get3A_695, %get3A_696] {strides = array<i32>} : memref<64x64xf32, #tpu.memory_space<vmem>>, vector<16xf32>,
        %mul3A_698 = arith.mulf %get3A_697, %broadcast_in_dim3A_676 : vector<16xf32>
        %swap3A_699 = arith.index_cast %add3A_680 : i32 to index
        %swap3A_700 = arith.constant 32 : index
        %swap3A_701 = tpu.vector_load %arg12[%swap3A_699, %swap3A_700] {strides = array<i32>} : memref<64x64xf32, #tpu.memory_space<vmem>>, vector<16xf32>,
        tpu.vector_store %arg12[%swap3A_699, %swap3A_700], %mul3A_698 {strides = array<i32>} : memref<64x64xf32, #tpu.memory_space<vmem>>, vector<16xf32>,
        %get3A_702 = arith.index_cast %add3A_680 : i32 to index
        %get3A_703 = arith.constant 48 : index
        %get3A_704 = tpu.vector_load %arg12[%get3A_702, %get3A_703] {strides = array<i32>} : memref<64x64xf32, #tpu.memory_space<vmem>>, vector<16xf32>,
        %mul3A_705 = arith.mulf %get3A_704, %broadcast_in_dim3A_676 : vector<16xf32>
        %swap3A_706 = arith.index_cast %add3A_680 : i32 to index
        %swap3A_707 = arith.constant 48 : index
        %swap3A_708 = tpu.vector_load %arg12[%swap3A_706, %swap3A_707] {strides = array<i32>} : memref<64x64xf32, #tpu.memory_space<vmem>>, vector<16xf32>,
        tpu.vector_store %arg12[%swap3A_706, %swap3A_707], %mul3A_705 {strides = array<i32>} : memref<64x64xf32, #tpu.memory_space<vmem>>, vector<16xf32>,
        %slice3A_709 = vector.extract_strided_slice %get3A_256 {offsets = [13], sizes = [1], strides = [1]} : vector<16xf32> to vector<1xf32>
        %squeeze3A_710 = vector.extract %slice3A_709[0] : f32 from vector<1xf32>
        %broadcast_in_dim3A_711 = vector.broadcast %squeeze3A_710 : f32 to vector<16xf32>
        %mul3A_712 = arith.constant 16 : i32
        %mul3A_713 = arith.muli %scan3A_252, %mul3A_712 : i32
        %add3A_714 = arith.constant 13 : i32
        %add3A_715 = arith.addi %mul3A_713, %add3A_714 : i32
        %get3A_716 = arith.index_cast %add3A_715 : i32 to index
        %get3A_717 = arith.constant 0 : index
        %get3A_718 = tpu.vector_load %arg12[%get3A_716, %get3A_717] {strides = array<i32>} : memref<64x64xf32, #tpu.memory_space<vmem>>, vector<16xf32>,
        %mul3A_719 = arith.mulf %get3A_718, %broadcast_in_dim3A_711 : vector<16xf32>
        %swap3A_720 = arith.index_cast %add3A_715 : i32 to index
        %swap3A_721 = arith.constant 0 : index
        %swap3A_722 = tpu.vector_load %arg12[%swap3A_720, %swap3A_721] {strides = array<i32>} : memref<64x64xf32, #tpu.memory_space<vmem>>, vector<16xf32>,
        tpu.vector_store %arg12[%swap3A_720, %swap3A_721], %mul3A_719 {strides = array<i32>} : memref<64x64xf32, #tpu.memory_space<vmem>>, vector<16xf32>,
        %get3A_723 = arith.index_cast %add3A_715 : i32 to index
        %get3A_724 = arith.constant 16 : index
        %get3A_725 = tpu.vector_load %arg12[%get3A_723, %get3A_724] {strides = array<i32>} : memref<64x64xf32, #tpu.memory_space<vmem>>, vector<16xf32>,
        %mul3A_726 = arith.mulf %get3A_725, %broadcast_in_dim3A_711 : vector<16xf32>
        %swap3A_727 = arith.index_cast %add3A_715 : i32 to index
        %swap3A_728 = arith.constant 16 : index
        %swap3A_729 = tpu.vector_load %arg12[%swap3A_727, %swap3A_728] {strides = array<i32>} : memref<64x64xf32, #tpu.memory_space<vmem>>, vector<16xf32>,
        tpu.vector_store %arg12[%swap3A_727, %swap3A_728], %mul3A_726 {strides = array<i32>} : memref<64x64xf32, #tpu.memory_space<vmem>>, vector<16xf32>,
        %get3A_730 = arith.index_cast %add3A_715 : i32 to index
        %get3A_731 = arith.constant 32 : index
        %get3A_732 = tpu.vector_load %arg12[%get3A_730, %get3A_731] {strides = array<i32>} : memref<64x64xf32, #tpu.memory_space<vmem>>, vector<16xf32>,
        %mul3A_733 = arith.mulf %get3A_732, %broadcast_in_dim3A_711 : vector<16xf32>
        %swap3A_734 = arith.index_cast %add3A_715 : i32 to index
        %swap3A_735 = arith.constant 32 : index
        %swap3A_736 = tpu.vector_load %arg12[%swap3A_734, %swap3A_735] {strides = array<i32>} : memref<64x64xf32, #tpu.memory_space<vmem>>, vector<16xf32>,
        tpu.vector_store %arg12[%swap3A_734, %swap3A_735], %mul3A_733 {strides = array<i32>} : memref<64x64xf32, #tpu.memory_space<vmem>>, vector<16xf32>,
        %get3A_737 = arith.index_cast %add3A_715 : i32 to index
        %get3A_738 = arith.constant 48 : index
        %get3A_739 = tpu.vector_load %arg12[%get3A_737, %get3A_738] {strides = array<i32>} : memref<64x64xf32, #tpu.memory_space<vmem>>, vector<16xf32>,
        %mul3A_740 = arith.mulf %get3A_739, %broadcast_in_dim3A_711 : vector<16xf32>
        %swap3A_741 = arith.index_cast %add3A_715 : i32 to index
        %swap3A_742 = arith.constant 48 : index
        %swap3A_743 = tpu.vector_load %arg12[%swap3A_741, %swap3A_742] {strides = array<i32>} : memref<64x64xf32, #tpu.memory_space<vmem>>, vector<16xf32>,
        tpu.vector_store %arg12[%swap3A_741, %swap3A_742], %mul3A_740 {strides = array<i32>} : memref<64x64xf32, #tpu.memory_space<vmem>>, vector<16xf32>,
        %slice3A_744 = vector.extract_strided_slice %get3A_256 {offsets = [14], sizes = [1], strides = [1]} : vector<16xf32> to vector<1xf32>
        %squeeze3A_745 = vector.extract %slice3A_744[0] : f32 from vector<1xf32>
        %broadcast_in_dim3A_746 = vector.broadcast %squeeze3A_745 : f32 to vector<16xf32>
        %mul3A_747 = arith.constant 16 : i32
        %mul3A_748 = arith.muli %scan3A_252, %mul3A_747 : i32
        %add3A_749 = arith.constant 14 : i32
        %add3A_750 = arith.addi %mul3A_748, %add3A_749 : i32
        %get3A_751 = arith.index_cast %add3A_750 : i32 to index
        %get3A_752 = arith.constant 0 : index
        %get3A_753 = tpu.vector_load %arg12[%get3A_751, %get3A_752] {strides = array<i32>} : memref<64x64xf32, #tpu.memory_space<vmem>>, vector<16xf32>,
        %mul3A_754 = arith.mulf %get3A_753, %broadcast_in_dim3A_746 : vector<16xf32>
        %swap3A_755 = arith.index_cast %add3A_750 : i32 to index
        %swap3A_756 = arith.constant 0 : index
        %swap3A_757 = tpu.vector_load %arg12[%swap3A_755, %swap3A_756] {strides = array<i32>} : memref<64x64xf32, #tpu.memory_space<vmem>>, vector<16xf32>,
        tpu.vector_store %arg12[%swap3A_755, %swap3A_756], %mul3A_754 {strides = array<i32>} : memref<64x64xf32, #tpu.memory_space<vmem>>, vector<16xf32>,
        %get3A_758 = arith.index_cast %add3A_750 : i32 to index
        %get3A_759 = arith.constant 16 : index
        %get3A_760 = tpu.vector_load %arg12[%get3A_758, %get3A_759] {strides = array<i32>} : memref<64x64xf32, #tpu.memory_space<vmem>>, vector<16xf32>,
        %mul3A_761 = arith.mulf %get3A_760, %broadcast_in_dim3A_746 : vector<16xf32>
        %swap3A_762 = arith.index_cast %add3A_750 : i32 to index
        %swap3A_763 = arith.constant 16 : index
        %swap3A_764 = tpu.vector_load %arg12[%swap3A_762, %swap3A_763] {strides = array<i32>} : memref<64x64xf32, #tpu.memory_space<vmem>>, vector<16xf32>,
        tpu.vector_store %arg12[%swap3A_762, %swap3A_763], %mul3A_761 {strides = array<i32>} : memref<64x64xf32, #tpu.memory_space<vmem>>, vector<16xf32>,
        %get3A_765 = arith.index_cast %add3A_750 : i32 to index
        %get3A_766 = arith.constant 32 : index
        %get3A_767 = tpu.vector_load %arg12[%get3A_765, %get3A_766] {strides = array<i32>} : memref<64x64xf32, #tpu.memory_space<vmem>>, vector<16xf32>,
        %mul3A_768 = arith.mulf %get3A_767, %broadcast_in_dim3A_746 : vector<16xf32>
        %swap3A_769 = arith.index_cast %add3A_750 : i32 to index
        %swap3A_770 = arith.constant 32 : index
        %swap3A_771 = tpu.vector_load %arg12[%swap3A_769, %swap3A_770] {strides = array<i32>} : memref<64x64xf32, #tpu.memory_space<vmem>>, vector<16xf32>,
        tpu.vector_store %arg12[%swap3A_769, %swap3A_770], %mul3A_768 {strides = array<i32>} : memref<64x64xf32, #tpu.memory_space<vmem>>, vector<16xf32>,
        %get3A_772 = arith.index_cast %add3A_750 : i32 to index
        %get3A_773 = arith.constant 48 : index
        %get3A_774 = tpu.vector_load %arg12[%get3A_772, %get3A_773] {strides = array<i32>} : memref<64x64xf32, #tpu.memory_space<vmem>>, vector<16xf32>,
        %mul3A_775 = arith.mulf %get3A_774, %broadcast_in_dim3A_746 : vector<16xf32>
        %swap3A_776 = arith.index_cast %add3A_750 : i32 to index
        %swap3A_777 = arith.constant 48 : index
        %swap3A_778 = tpu.vector_load %arg12[%swap3A_776, %swap3A_777] {strides = array<i32>} : memref<64x64xf32, #tpu.memory_space<vmem>>, vector<16xf32>,
        tpu.vector_store %arg12[%swap3A_776, %swap3A_777], %mul3A_775 {strides = array<i32>} : memref<64x64xf32, #tpu.memory_space<vmem>>, vector<16xf32>,
        %slice3A_779 = vector.extract_strided_slice %get3A_256 {offsets = [15], sizes = [1], strides = [1]} : vector<16xf32> to vector<1xf32>
        %squeeze3A_780 = vector.extract %slice3A_779[0] : f32 from vector<1xf32>
        %broadcast_in_dim3A_781 = vector.broadcast %squeeze3A_780 : f32 to vector<16xf32>
        %mul3A_782 = arith.constant 16 : i32
        %mul3A_783 = arith.muli %scan3A_252, %mul3A_782 : i32
        %add3A_784 = arith.constant 15 : i32
        %add3A_785 = arith.addi %mul3A_783, %add3A_784 : i32
        %get3A_786 = arith.index_cast %add3A_785 : i32 to index
        %get3A_787 = arith.constant 0 : index
        %get3A_788 = tpu.vector_load %arg12[%get3A_786, %get3A_787] {strides = array<i32>} : memref<64x64xf32, #tpu.memory_space<vmem>>, vector<16xf32>,
        %mul3A_789 = arith.mulf %get3A_788, %broadcast_in_dim3A_781 : vector<16xf32>
        %swap3A_790 = arith.index_cast %add3A_785 : i32 to index
        %swap3A_791 = arith.constant 0 : index
        %swap3A_792 = tpu.vector_load %arg12[%swap3A_790, %swap3A_791] {strides = array<i32>} : memref<64x64xf32, #tpu.memory_space<vmem>>, vector<16xf32>,
        tpu.vector_store %arg12[%swap3A_790, %swap3A_791], %mul3A_789 {strides = array<i32>} : memref<64x64xf32, #tpu.memory_space<vmem>>, vector<16xf32>,
        %get3A_793 = arith.index_cast %add3A_785 : i32 to index
        %get3A_794 = arith.constant 16 : index
        %get3A_795 = tpu.vector_load %arg12[%get3A_793, %get3A_794] {strides = array<i32>} : memref<64x64xf32, #tpu.memory_space<vmem>>, vector<16xf32>,
        %mul3A_796 = arith.mulf %get3A_795, %broadcast_in_dim3A_781 : vector<16xf32>
        %swap3A_797 = arith.index_cast %add3A_785 : i32 to index
        %swap3A_798 = arith.constant 16 : index
        %swap3A_799 = tpu.vector_load %arg12[%swap3A_797, %swap3A_798] {strides = array<i32>} : memref<64x64xf32, #tpu.memory_space<vmem>>, vector<16xf32>,
        tpu.vector_store %arg12[%swap3A_797, %swap3A_798], %mul3A_796 {strides = array<i32>} : memref<64x64xf32, #tpu.memory_space<vmem>>, vector<16xf32>,
        %get3A_800 = arith.index_cast %add3A_785 : i32 to index
        %get3A_801 = arith.constant 32 : index
        %get3A_802 = tpu.vector_load %arg12[%get3A_800, %get3A_801] {strides = array<i32>} : memref<64x64xf32, #tpu.memory_space<vmem>>, vector<16xf32>,
        %mul3A_803 = arith.mulf %get3A_802, %broadcast_in_dim3A_781 : vector<16xf32>
        %swap3A_804 = arith.index_cast %add3A_785 : i32 to index
        %swap3A_805 = arith.constant 32 : index
        %swap3A_806 = tpu.vector_load %arg12[%swap3A_804, %swap3A_805] {strides = array<i32>} : memref<64x64xf32, #tpu.memory_space<vmem>>, vector<16xf32>,
        tpu.vector_store %arg12[%swap3A_804, %swap3A_805], %mul3A_803 {strides = array<i32>} : memref<64x64xf32, #tpu.memory_space<vmem>>, vector<16xf32>,
        %get3A_807 = arith.index_cast %add3A_785 : i32 to index
        %get3A_808 = arith.constant 48 : index
        %get3A_809 = tpu.vector_load %arg12[%get3A_807, %get3A_808] {strides = array<i32>} : memref<64x64xf32, #tpu.memory_space<vmem>>, vector<16xf32>,
        %mul3A_810 = arith.mulf %get3A_809, %broadcast_in_dim3A_781 : vector<16xf32>
        %swap3A_811 = arith.index_cast %add3A_785 : i32 to index
        %swap3A_812 = arith.constant 48 : index
        %swap3A_813 = tpu.vector_load %arg12[%swap3A_811, %swap3A_812] {strides = array<i32>} : memref<64x64xf32, #tpu.memory_space<vmem>>, vector<16xf32>,
        tpu.vector_store %arg12[%swap3A_811, %swap3A_812], %mul3A_810 {strides = array<i32>} : memref<64x64xf32, #tpu.memory_space<vmem>>, vector<16xf32>,
      }
      %scan3A_169 = arith.constant 4 : i32
      %add3A_170 = arith.constant 2 : i32
      %add3A_171 = arith.addi %mul3A_73, %add3A_170 : i32
      %dma_start3A_172 = arith.constant 0 : i32
      %dma_start3A_173 = tpu.memref_slice %arg7[%add3A_171, %dma_start3A_172] : memref<320x64xi32, #tpu.memory_space<vmem>> -> memref<1x64xi32, #tpu.memory_space<vmem>>
      %dma_start3A_174 = tpu.memref_squeeze %dma_start3A_173 : memref<1x64xi32, #tpu.memory_space<vmem>> -> memref<64xi32, #tpu.memory_space<vmem>>
      %dma_start3A_175 = arith.constant 0 : i32
      %dma_start3A_176 = arith.constant 0 : i32
      %dma_start3A_177 = tpu.memref_slice %arg9[%dma_start3A_175, %dma_start3A_176] : memref<10240x64xf32, #tpu.memory_space<vmem_shared>> -> memref<10240x64xf32, #tpu.memory_space<vmem_shared>>
      tpu.enqueue_indirect_dma source(%arg12 : memref<64x64xf32, #tpu.memory_space<vmem>>) target(%dma_start3A_177 : memref<10240x64xf32, #tpu.memory_space<vmem_shared>>) offsets(%dma_start3A_174 : memref<64xi32, #tpu.memory_space<vmem>>) semaphore(%arg22 : memref<!tpu.dma_semaphore, #tpu.memory_space<semaphore_mem>>) {add = true}
      %dma_wait3A_178 = arith.constant 0 : i32
      %dma_wait3A_179 = tpu.memref_slice %arg6[%add3A_98, %dma_wait3A_178] : memref<320x64xi32, #tpu.memory_space<vmem>> -> memref<1x64xi32, #tpu.memory_space<vmem>>
      %dma_wait3A_180 = tpu.memref_squeeze %dma_wait3A_179 : memref<1x64xi32, #tpu.memory_space<vmem>> -> memref<64xi32, #tpu.memory_space<vmem>>
      %dma_wait3A_181 = arith.constant 0 : i32
      %dma_wait3A_182 = arith.constant 0 : i32
      %dma_wait3A_183 = tpu.memref_slice %arg2[%dma_wait3A_181, %dma_wait3A_182] : memref<20480x64xf32, #tpu.memory_space<hbm>> -> memref<20480x64xf32, #tpu.memory_space<hbm>>
      tpu.wait_indirect_dma semaphore(%arg18 : memref<!tpu.dma_semaphore, #tpu.memory_space<semaphore_mem>>) src(%dma_wait3A_183 : memref<20480x64xf32, #tpu.memory_space<hbm>>) dst(%arg13 : memref<64x64xf32, #tpu.memory_space<vmem>>)
      %add3A_184 = arith.constant 3 : i32
      %add3A_185 = arith.addi %mul3A_73, %add3A_184 : i32
      %scan3A_186 = arith.constant 0 : i32
      %scan3A_187 = arith.constant 0 : i32
      %scan3A_188 = arith.constant 4 : i32
      %scan3A_189 = arith.addi %scan3A_187, %scan3A_188 : i32
      %scan3A_190 = arith.constant 1 : i32
      scf.for %scan3A_252 = %scan3A_187 to %scan3A_189 step %scan3A_190  : i32 {
        %mul3A_253 = arith.constant 16 : i32
        %mul3A_254 = arith.muli %scan3A_252, %mul3A_253 : i32
        %get3A = arith.index_cast %add3A_185 : i32 to index
        %get3A_255 = arith.index_cast %mul3A_254 : i32 to index
        %get3A_256 = tpu.vector_load %arg8[%get3A, %get3A_255] {strides = array<i32>} : memref<320x64xf32, #tpu.memory_space<vmem>>, vector<16xf32>,
        %slice3A = vector.extract_strided_slice %get3A_256 {offsets = [0], sizes = [1], strides = [1]} : vector<16xf32> to vector<1xf32>
        %squeeze3A = vector.extract %slice3A[0] : f32 from vector<1xf32>
        %broadcast_in_dim3A_257 = vector.broadcast %squeeze3A : f32 to vector<16xf32>
        %mul3A_258 = arith.constant 16 : i32
        %mul3A_259 = arith.muli %scan3A_252, %mul3A_258 : i32
        %add3A_260 = arith.constant 0 : i32
        %add3A_261 = arith.addi %mul3A_259, %add3A_260 : i32
        %get3A_262 = arith.index_cast %add3A_261 : i32 to index
        %get3A_263 = arith.constant 0 : index
        %get3A_264 = tpu.vector_load %arg13[%get3A_262, %get3A_263] {strides = array<i32>} : memref<64x64xf32, #tpu.memory_space<vmem>>, vector<16xf32>,
        %mul3A_265 = arith.mulf %get3A_264, %broadcast_in_dim3A_257 : vector<16xf32>
        %swap3A = arith.index_cast %add3A_261 : i32 to index
        %swap3A_266 = arith.constant 0 : index
        %swap3A_267 = tpu.vector_load %arg13[%swap3A, %swap3A_266] {strides = array<i32>} : memref<64x64xf32, #tpu.memory_space<vmem>>, vector<16xf32>,
        tpu.vector_store %arg13[%swap3A, %swap3A_266], %mul3A_265 {strides = array<i32>} : memref<64x64xf32, #tpu.memory_space<vmem>>, vector<16xf32>,
        %get3A_268 = arith.index_cast %add3A_261 : i32 to index
        %get3A_269 = arith.constant 16 : index
        %get3A_270 = tpu.vector_load %arg13[%get3A_268, %get3A_269] {strides = array<i32>} : memref<64x64xf32, #tpu.memory_space<vmem>>, vector<16xf32>,
        %mul3A_271 = arith.mulf %get3A_270, %broadcast_in_dim3A_257 : vector<16xf32>
        %swap3A_272 = arith.index_cast %add3A_261 : i32 to index
        %swap3A_273 = arith.constant 16 : index
        %swap3A_274 = tpu.vector_load %arg13[%swap3A_272, %swap3A_273] {strides = array<i32>} : memref<64x64xf32, #tpu.memory_space<vmem>>, vector<16xf32>,
        tpu.vector_store %arg13[%swap3A_272, %swap3A_273], %mul3A_271 {strides = array<i32>} : memref<64x64xf32, #tpu.memory_space<vmem>>, vector<16xf32>,
        %get3A_275 = arith.index_cast %add3A_261 : i32 to index
        %get3A_276 = arith.constant 32 : index
        %get3A_277 = tpu.vector_load %arg13[%get3A_275, %get3A_276] {strides = array<i32>} : memref<64x64xf32, #tpu.memory_space<vmem>>, vector<16xf32>,
        %mul3A_278 = arith.mulf %get3A_277, %broadcast_in_dim3A_257 : vector<16xf32>
        %swap3A_279 = arith.index_cast %add3A_261 : i32 to index
        %swap3A_280 = arith.constant 32 : index
        %swap3A_281 = tpu.vector_load %arg13[%swap3A_279, %swap3A_280] {strides = array<i32>} : memref<64x64xf32, #tpu.memory_space<vmem>>, vector<16xf32>,
        tpu.vector_store %arg13[%swap3A_279, %swap3A_280], %mul3A_278 {strides = array<i32>} : memref<64x64xf32, #tpu.memory_space<vmem>>, vector<16xf32>,
        %get3A_282 = arith.index_cast %add3A_261 : i32 to index
        %get3A_283 = arith.constant 48 : index
        %get3A_284 = tpu.vector_load %arg13[%get3A_282, %get3A_283] {strides = array<i32>} : memref<64x64xf32, #tpu.memory_space<vmem>>, vector<16xf32>,
        %mul3A_285 = arith.mulf %get3A_284, %broadcast_in_dim3A_257 : vector<16xf32>
        %swap3A_286 = arith.index_cast %add3A_261 : i32 to index
        %swap3A_287 = arith.constant 48 : index
        %swap3A_288 = tpu.vector_load %arg13[%swap3A_286, %swap3A_287] {strides = array<i32>} : memref<64x64xf32, #tpu.memory_space<vmem>>, vector<16xf32>,
        tpu.vector_store %arg13[%swap3A_286, %swap3A_287], %mul3A_285 {strides = array<i32>} : memref<64x64xf32, #tpu.memory_space<vmem>>, vector<16xf32>,
        %slice3A_289 = vector.extract_strided_slice %get3A_256 {offsets = [1], sizes = [1], strides = [1]} : vector<16xf32> to vector<1xf32>
        %squeeze3A_290 = vector.extract %slice3A_289[0] : f32 from vector<1xf32>
        %broadcast_in_dim3A_291 = vector.broadcast %squeeze3A_290 : f32 to vector<16xf32>
        %mul3A_292 = arith.constant 16 : i32
        %mul3A_293 = arith.muli %scan3A_252, %mul3A_292 : i32
        %add3A_294 = arith.constant 1 : i32
        %add3A_295 = arith.addi %mul3A_293, %add3A_294 : i32
        %get3A_296 = arith.index_cast %add3A_295 : i32 to index
        %get3A_297 = arith.constant 0 : index
        %get3A_298 = tpu.vector_load %arg13[%get3A_296, %get3A_297] {strides = array<i32>} : memref<64x64xf32, #tpu.memory_space<vmem>>, vector<16xf32>,
        %mul3A_299 = arith.mulf %get3A_298, %broadcast_in_dim3A_291 : vector<16xf32>
        %swap3A_300 = arith.index_cast %add3A_295 : i32 to index
        %swap3A_301 = arith.constant 0 : index
        %swap3A_302 = tpu.vector_load %arg13[%swap3A_300, %swap3A_301] {strides = array<i32>} : memref<64x64xf32, #tpu.memory_space<vmem>>, vector<16xf32>,
        tpu.vector_store %arg13[%swap3A_300, %swap3A_301], %mul3A_299 {strides = array<i32>} : memref<64x64xf32, #tpu.memory_space<vmem>>, vector<16xf32>,
        %get3A_303 = arith.index_cast %add3A_295 : i32 to index
        %get3A_304 = arith.constant 16 : index
        %get3A_305 = tpu.vector_load %arg13[%get3A_303, %get3A_304] {strides = array<i32>} : memref<64x64xf32, #tpu.memory_space<vmem>>, vector<16xf32>,
        %mul3A_306 = arith.mulf %get3A_305, %broadcast_in_dim3A_291 : vector<16xf32>
        %swap3A_307 = arith.index_cast %add3A_295 : i32 to index
        %swap3A_308 = arith.constant 16 : index
        %swap3A_309 = tpu.vector_load %arg13[%swap3A_307, %swap3A_308] {strides = array<i32>} : memref<64x64xf32, #tpu.memory_space<vmem>>, vector<16xf32>,
        tpu.vector_store %arg13[%swap3A_307, %swap3A_308], %mul3A_306 {strides = array<i32>} : memref<64x64xf32, #tpu.memory_space<vmem>>, vector<16xf32>,
        %get3A_310 = arith.index_cast %add3A_295 : i32 to index
        %get3A_311 = arith.constant 32 : index
        %get3A_312 = tpu.vector_load %arg13[%get3A_310, %get3A_311] {strides = array<i32>} : memref<64x64xf32, #tpu.memory_space<vmem>>, vector<16xf32>,
        %mul3A_313 = arith.mulf %get3A_312, %broadcast_in_dim3A_291 : vector<16xf32>
        %swap3A_314 = arith.index_cast %add3A_295 : i32 to index
        %swap3A_315 = arith.constant 32 : index
        %swap3A_316 = tpu.vector_load %arg13[%swap3A_314, %swap3A_315] {strides = array<i32>} : memref<64x64xf32, #tpu.memory_space<vmem>>, vector<16xf32>,
        tpu.vector_store %arg13[%swap3A_314, %swap3A_315], %mul3A_313 {strides = array<i32>} : memref<64x64xf32, #tpu.memory_space<vmem>>, vector<16xf32>,
        %get3A_317 = arith.index_cast %add3A_295 : i32 to index
        %get3A_318 = arith.constant 48 : index
        %get3A_319 = tpu.vector_load %arg13[%get3A_317, %get3A_318] {strides = array<i32>} : memref<64x64xf32, #tpu.memory_space<vmem>>, vector<16xf32>,
        %mul3A_320 = arith.mulf %get3A_319, %broadcast_in_dim3A_291 : vector<16xf32>
        %swap3A_321 = arith.index_cast %add3A_295 : i32 to index
        %swap3A_322 = arith.constant 48 : index
        %swap3A_323 = tpu.vector_load %arg13[%swap3A_321, %swap3A_322] {strides = array<i32>} : memref<64x64xf32, #tpu.memory_space<vmem>>, vector<16xf32>,
        tpu.vector_store %arg13[%swap3A_321, %swap3A_322], %mul3A_320 {strides = array<i32>} : memref<64x64xf32, #tpu.memory_space<vmem>>, vector<16xf32>,
        %slice3A_324 = vector.extract_strided_slice %get3A_256 {offsets = [2], sizes = [1], strides = [1]} : vector<16xf32> to vector<1xf32>
        %squeeze3A_325 = vector.extract %slice3A_324[0] : f32 from vector<1xf32>
        %broadcast_in_dim3A_326 = vector.broadcast %squeeze3A_325 : f32 to vector<16xf32>
        %mul3A_327 = arith.constant 16 : i32
        %mul3A_328 = arith.muli %scan3A_252, %mul3A_327 : i32
        %add3A_329 = arith.constant 2 : i32
        %add3A_330 = arith.addi %mul3A_328, %add3A_329 : i32
        %get3A_331 = arith.index_cast %add3A_330 : i32 to index
        %get3A_332 = arith.constant 0 : index
        %get3A_333 = tpu.vector_load %arg13[%get3A_331, %get3A_332] {strides = array<i32>} : memref<64x64xf32, #tpu.memory_space<vmem>>, vector<16xf32>,
        %mul3A_334 = arith.mulf %get3A_333, %broadcast_in_dim3A_326 : vector<16xf32>
        %swap3A_335 = arith.index_cast %add3A_330 : i32 to index
        %swap3A_336 = arith.constant 0 : index
        %swap3A_337 = tpu.vector_load %arg13[%swap3A_335, %swap3A_336] {strides = array<i32>} : memref<64x64xf32, #tpu.memory_space<vmem>>, vector<16xf32>,
        tpu.vector_store %arg13[%swap3A_335, %swap3A_336], %mul3A_334 {strides = array<i32>} : memref<64x64xf32, #tpu.memory_space<vmem>>, vector<16xf32>,
        %get3A_338 = arith.index_cast %add3A_330 : i32 to index
        %get3A_339 = arith.constant 16 : index
        %get3A_340 = tpu.vector_load %arg13[%get3A_338, %get3A_339] {strides = array<i32>} : memref<64x64xf32, #tpu.memory_space<vmem>>, vector<16xf32>,
        %mul3A_341 = arith.mulf %get3A_340, %broadcast_in_dim3A_326 : vector<16xf32>
        %swap3A_342 = arith.index_cast %add3A_330 : i32 to index
        %swap3A_343 = arith.constant 16 : index
        %swap3A_344 = tpu.vector_load %arg13[%swap3A_342, %swap3A_343] {strides = array<i32>} : memref<64x64xf32, #tpu.memory_space<vmem>>, vector<16xf32>,
        tpu.vector_store %arg13[%swap3A_342, %swap3A_343], %mul3A_341 {strides = array<i32>} : memref<64x64xf32, #tpu.memory_space<vmem>>, vector<16xf32>,
        %get3A_345 = arith.index_cast %add3A_330 : i32 to index
        %get3A_346 = arith.constant 32 : index
        %get3A_347 = tpu.vector_load %arg13[%get3A_345, %get3A_346] {strides = array<i32>} : memref<64x64xf32, #tpu.memory_space<vmem>>, vector<16xf32>,
        %mul3A_348 = arith.mulf %get3A_347, %broadcast_in_dim3A_326 : vector<16xf32>
        %swap3A_349 = arith.index_cast %add3A_330 : i32 to index
        %swap3A_350 = arith.constant 32 : index
        %swap3A_351 = tpu.vector_load %arg13[%swap3A_349, %swap3A_350] {strides = array<i32>} : memref<64x64xf32, #tpu.memory_space<vmem>>, vector<16xf32>,
        tpu.vector_store %arg13[%swap3A_349, %swap3A_350], %mul3A_348 {strides = array<i32>} : memref<64x64xf32, #tpu.memory_space<vmem>>, vector<16xf32>,
        %get3A_352 = arith.index_cast %add3A_330 : i32 to index
        %get3A_353 = arith.constant 48 : index
        %get3A_354 = tpu.vector_load %arg13[%get3A_352, %get3A_353] {strides = array<i32>} : memref<64x64xf32, #tpu.memory_space<vmem>>, vector<16xf32>,
        %mul3A_355 = arith.mulf %get3A_354, %broadcast_in_dim3A_326 : vector<16xf32>
        %swap3A_356 = arith.index_cast %add3A_330 : i32 to index
        %swap3A_357 = arith.constant 48 : index
        %swap3A_358 = tpu.vector_load %arg13[%swap3A_356, %swap3A_357] {strides = array<i32>} : memref<64x64xf32, #tpu.memory_space<vmem>>, vector<16xf32>,
        tpu.vector_store %arg13[%swap3A_356, %swap3A_357], %mul3A_355 {strides = array<i32>} : memref<64x64xf32, #tpu.memory_space<vmem>>, vector<16xf32>,
        %slice3A_359 = vector.extract_strided_slice %get3A_256 {offsets = [3], sizes = [1], strides = [1]} : vector<16xf32> to vector<1xf32>
        %squeeze3A_360 = vector.extract %slice3A_359[0] : f32 from vector<1xf32>
        %broadcast_in_dim3A_361 = vector.broadcast %squeeze3A_360 : f32 to vector<16xf32>
        %mul3A_362 = arith.constant 16 : i32
        %mul3A_363 = arith.muli %scan3A_252, %mul3A_362 : i32
        %add3A_364 = arith.constant 3 : i32
        %add3A_365 = arith.addi %mul3A_363, %add3A_364 : i32
        %get3A_366 = arith.index_cast %add3A_365 : i32 to index
        %get3A_367 = arith.constant 0 : index
        %get3A_368 = tpu.vector_load %arg13[%get3A_366, %get3A_367] {strides = array<i32>} : memref<64x64xf32, #tpu.memory_space<vmem>>, vector<16xf32>,
        %mul3A_369 = arith.mulf %get3A_368, %broadcast_in_dim3A_361 : vector<16xf32>
        %swap3A_370 = arith.index_cast %add3A_365 : i32 to index
        %swap3A_371 = arith.constant 0 : index
        %swap3A_372 = tpu.vector_load %arg13[%swap3A_370, %swap3A_371] {strides = array<i32>} : memref<64x64xf32, #tpu.memory_space<vmem>>, vector<16xf32>,
        tpu.vector_store %arg13[%swap3A_370, %swap3A_371], %mul3A_369 {strides = array<i32>} : memref<64x64xf32, #tpu.memory_space<vmem>>, vector<16xf32>,
        %get3A_373 = arith.index_cast %add3A_365 : i32 to index
        %get3A_374 = arith.constant 16 : index
        %get3A_375 = tpu.vector_load %arg13[%get3A_373, %get3A_374] {strides = array<i32>} : memref<64x64xf32, #tpu.memory_space<vmem>>, vector<16xf32>,
        %mul3A_376 = arith.mulf %get3A_375, %broadcast_in_dim3A_361 : vector<16xf32>
        %swap3A_377 = arith.index_cast %add3A_365 : i32 to index
        %swap3A_378 = arith.constant 16 : index
        %swap3A_379 = tpu.vector_load %arg13[%swap3A_377, %swap3A_378] {strides = array<i32>} : memref<64x64xf32, #tpu.memory_space<vmem>>, vector<16xf32>,
        tpu.vector_store %arg13[%swap3A_377, %swap3A_378], %mul3A_376 {strides = array<i32>} : memref<64x64xf32, #tpu.memory_space<vmem>>, vector<16xf32>,
        %get3A_380 = arith.index_cast %add3A_365 : i32 to index
        %get3A_381 = arith.constant 32 : index
        %get3A_382 = tpu.vector_load %arg13[%get3A_380, %get3A_381] {strides = array<i32>} : memref<64x64xf32, #tpu.memory_space<vmem>>, vector<16xf32>,
        %mul3A_383 = arith.mulf %get3A_382, %broadcast_in_dim3A_361 : vector<16xf32>
        %swap3A_384 = arith.index_cast %add3A_365 : i32 to index
        %swap3A_385 = arith.constant 32 : index
        %swap3A_386 = tpu.vector_load %arg13[%swap3A_384, %swap3A_385] {strides = array<i32>} : memref<64x64xf32, #tpu.memory_space<vmem>>, vector<16xf32>,
        tpu.vector_store %arg13[%swap3A_384, %swap3A_385], %mul3A_383 {strides = array<i32>} : memref<64x64xf32, #tpu.memory_space<vmem>>, vector<16xf32>,
        %get3A_387 = arith.index_cast %add3A_365 : i32 to index
        %get3A_388 = arith.constant 48 : index
        %get3A_389 = tpu.vector_load %arg13[%get3A_387, %get3A_388] {strides = array<i32>} : memref<64x64xf32, #tpu.memory_space<vmem>>, vector<16xf32>,
        %mul3A_390 = arith.mulf %get3A_389, %broadcast_in_dim3A_361 : vector<16xf32>
        %swap3A_391 = arith.index_cast %add3A_365 : i32 to index
        %swap3A_392 = arith.constant 48 : index
        %swap3A_393 = tpu.vector_load %arg13[%swap3A_391, %swap3A_392] {strides = array<i32>} : memref<64x64xf32, #tpu.memory_space<vmem>>, vector<16xf32>,
        tpu.vector_store %arg13[%swap3A_391, %swap3A_392], %mul3A_390 {strides = array<i32>} : memref<64x64xf32, #tpu.memory_space<vmem>>, vector<16xf32>,
        %slice3A_394 = vector.extract_strided_slice %get3A_256 {offsets = [4], sizes = [1], strides = [1]} : vector<16xf32> to vector<1xf32>
        %squeeze3A_395 = vector.extract %slice3A_394[0] : f32 from vector<1xf32>
        %broadcast_in_dim3A_396 = vector.broadcast %squeeze3A_395 : f32 to vector<16xf32>
        %mul3A_397 = arith.constant 16 : i32
        %mul3A_398 = arith.muli %scan3A_252, %mul3A_397 : i32
        %add3A_399 = arith.constant 4 : i32
        %add3A_400 = arith.addi %mul3A_398, %add3A_399 : i32
        %get3A_401 = arith.index_cast %add3A_400 : i32 to index
        %get3A_402 = arith.constant 0 : index
        %get3A_403 = tpu.vector_load %arg13[%get3A_401, %get3A_402] {strides = array<i32>} : memref<64x64xf32, #tpu.memory_space<vmem>>, vector<16xf32>,
        %mul3A_404 = arith.mulf %get3A_403, %broadcast_in_dim3A_396 : vector<16xf32>
        %swap3A_405 = arith.index_cast %add3A_400 : i32 to index
        %swap3A_406 = arith.constant 0 : index
        %swap3A_407 = tpu.vector_load %arg13[%swap3A_405, %swap3A_406] {strides = array<i32>} : memref<64x64xf32, #tpu.memory_space<vmem>>, vector<16xf32>,
        tpu.vector_store %arg13[%swap3A_405, %swap3A_406], %mul3A_404 {strides = array<i32>} : memref<64x64xf32, #tpu.memory_space<vmem>>, vector<16xf32>,
        %get3A_408 = arith.index_cast %add3A_400 : i32 to index
        %get3A_409 = arith.constant 16 : index
        %get3A_410 = tpu.vector_load %arg13[%get3A_408, %get3A_409] {strides = array<i32>} : memref<64x64xf32, #tpu.memory_space<vmem>>, vector<16xf32>,
        %mul3A_411 = arith.mulf %get3A_410, %broadcast_in_dim3A_396 : vector<16xf32>
        %swap3A_412 = arith.index_cast %add3A_400 : i32 to index
        %swap3A_413 = arith.constant 16 : index
        %swap3A_414 = tpu.vector_load %arg13[%swap3A_412, %swap3A_413] {strides = array<i32>} : memref<64x64xf32, #tpu.memory_space<vmem>>, vector<16xf32>,
        tpu.vector_store %arg13[%swap3A_412, %swap3A_413], %mul3A_411 {strides = array<i32>} : memref<64x64xf32, #tpu.memory_space<vmem>>, vector<16xf32>,
        %get3A_415 = arith.index_cast %add3A_400 : i32 to index
        %get3A_416 = arith.constant 32 : index
        %get3A_417 = tpu.vector_load %arg13[%get3A_415, %get3A_416] {strides = array<i32>} : memref<64x64xf32, #tpu.memory_space<vmem>>, vector<16xf32>,
        %mul3A_418 = arith.mulf %get3A_417, %broadcast_in_dim3A_396 : vector<16xf32>
        %swap3A_419 = arith.index_cast %add3A_400 : i32 to index
        %swap3A_420 = arith.constant 32 : index
        %swap3A_421 = tpu.vector_load %arg13[%swap3A_419, %swap3A_420] {strides = array<i32>} : memref<64x64xf32, #tpu.memory_space<vmem>>, vector<16xf32>,
        tpu.vector_store %arg13[%swap3A_419, %swap3A_420], %mul3A_418 {strides = array<i32>} : memref<64x64xf32, #tpu.memory_space<vmem>>, vector<16xf32>,
        %get3A_422 = arith.index_cast %add3A_400 : i32 to index
        %get3A_423 = arith.constant 48 : index
        %get3A_424 = tpu.vector_load %arg13[%get3A_422, %get3A_423] {strides = array<i32>} : memref<64x64xf32, #tpu.memory_space<vmem>>, vector<16xf32>,
        %mul3A_425 = arith.mulf %get3A_424, %broadcast_in_dim3A_396 : vector<16xf32>
        %swap3A_426 = arith.index_cast %add3A_400 : i32 to index
        %swap3A_427 = arith.constant 48 : index
        %swap3A_428 = tpu.vector_load %arg13[%swap3A_426, %swap3A_427] {strides = array<i32>} : memref<64x64xf32, #tpu.memory_space<vmem>>, vector<16xf32>,
        tpu.vector_store %arg13[%swap3A_426, %swap3A_427], %mul3A_425 {strides = array<i32>} : memref<64x64xf32, #tpu.memory_space<vmem>>, vector<16xf32>,
        %slice3A_429 = vector.extract_strided_slice %get3A_256 {offsets = [5], sizes = [1], strides = [1]} : vector<16xf32> to vector<1xf32>
        %squeeze3A_430 = vector.extract %slice3A_429[0] : f32 from vector<1xf32>
        %broadcast_in_dim3A_431 = vector.broadcast %squeeze3A_430 : f32 to vector<16xf32>
        %mul3A_432 = arith.constant 16 : i32
        %mul3A_433 = arith.muli %scan3A_252, %mul3A_432 : i32
        %add3A_434 = arith.constant 5 : i32
        %add3A_435 = arith.addi %mul3A_433, %add3A_434 : i32
        %get3A_436 = arith.index_cast %add3A_435 : i32 to index
        %get3A_437 = arith.constant 0 : index
        %get3A_438 = tpu.vector_load %arg13[%get3A_436, %get3A_437] {strides = array<i32>} : memref<64x64xf32, #tpu.memory_space<vmem>>, vector<16xf32>,
        %mul3A_439 = arith.mulf %get3A_438, %broadcast_in_dim3A_431 : vector<16xf32>
        %swap3A_440 = arith.index_cast %add3A_435 : i32 to index
        %swap3A_441 = arith.constant 0 : index
        %swap3A_442 = tpu.vector_load %arg13[%swap3A_440, %swap3A_441] {strides = array<i32>} : memref<64x64xf32, #tpu.memory_space<vmem>>, vector<16xf32>,
        tpu.vector_store %arg13[%swap3A_440, %swap3A_441], %mul3A_439 {strides = array<i32>} : memref<64x64xf32, #tpu.memory_space<vmem>>, vector<16xf32>,
        %get3A_443 = arith.index_cast %add3A_435 : i32 to index
        %get3A_444 = arith.constant 16 : index
        %get3A_445 = tpu.vector_load %arg13[%get3A_443, %get3A_444] {strides = array<i32>} : memref<64x64xf32, #tpu.memory_space<vmem>>, vector<16xf32>,
        %mul3A_446 = arith.mulf %get3A_445, %broadcast_in_dim3A_431 : vector<16xf32>
        %swap3A_447 = arith.index_cast %add3A_435 : i32 to index
        %swap3A_448 = arith.constant 16 : index
        %swap3A_449 = tpu.vector_load %arg13[%swap3A_447, %swap3A_448] {strides = array<i32>} : memref<64x64xf32, #tpu.memory_space<vmem>>, vector<16xf32>,
        tpu.vector_store %arg13[%swap3A_447, %swap3A_448], %mul3A_446 {strides = array<i32>} : memref<64x64xf32, #tpu.memory_space<vmem>>, vector<16xf32>,
        %get3A_450 = arith.index_cast %add3A_435 : i32 to index
        %get3A_451 = arith.constant 32 : index
        %get3A_452 = tpu.vector_load %arg13[%get3A_450, %get3A_451] {strides = array<i32>} : memref<64x64xf32, #tpu.memory_space<vmem>>, vector<16xf32>,
        %mul3A_453 = arith.mulf %get3A_452, %broadcast_in_dim3A_431 : vector<16xf32>
        %swap3A_454 = arith.index_cast %add3A_435 : i32 to index
        %swap3A_455 = arith.constant 32 : index
        %swap3A_456 = tpu.vector_load %arg13[%swap3A_454, %swap3A_455] {strides = array<i32>} : memref<64x64xf32, #tpu.memory_space<vmem>>, vector<16xf32>,
        tpu.vector_store %arg13[%swap3A_454, %swap3A_455], %mul3A_453 {strides = array<i32>} : memref<64x64xf32, #tpu.memory_space<vmem>>, vector<16xf32>,
        %get3A_457 = arith.index_cast %add3A_435 : i32 to index
        %get3A_458 = arith.constant 48 : index
        %get3A_459 = tpu.vector_load %arg13[%get3A_457, %get3A_458] {strides = array<i32>} : memref<64x64xf32, #tpu.memory_space<vmem>>, vector<16xf32>,
        %mul3A_460 = arith.mulf %get3A_459, %broadcast_in_dim3A_431 : vector<16xf32>
        %swap3A_461 = arith.index_cast %add3A_435 : i32 to index
        %swap3A_462 = arith.constant 48 : index
        %swap3A_463 = tpu.vector_load %arg13[%swap3A_461, %swap3A_462] {strides = array<i32>} : memref<64x64xf32, #tpu.memory_space<vmem>>, vector<16xf32>,
        tpu.vector_store %arg13[%swap3A_461, %swap3A_462], %mul3A_460 {strides = array<i32>} : memref<64x64xf32, #tpu.memory_space<vmem>>, vector<16xf32>,
        %slice3A_464 = vector.extract_strided_slice %get3A_256 {offsets = [6], sizes = [1], strides = [1]} : vector<16xf32> to vector<1xf32>
        %squeeze3A_465 = vector.extract %slice3A_464[0] : f32 from vector<1xf32>
        %broadcast_in_dim3A_466 = vector.broadcast %squeeze3A_465 : f32 to vector<16xf32>
        %mul3A_467 = arith.constant 16 : i32
        %mul3A_468 = arith.muli %scan3A_252, %mul3A_467 : i32
        %add3A_469 = arith.constant 6 : i32
        %add3A_470 = arith.addi %mul3A_468, %add3A_469 : i32
        %get3A_471 = arith.index_cast %add3A_470 : i32 to index
        %get3A_472 = arith.constant 0 : index
        %get3A_473 = tpu.vector_load %arg13[%get3A_471, %get3A_472] {strides = array<i32>} : memref<64x64xf32, #tpu.memory_space<vmem>>, vector<16xf32>,
        %mul3A_474 = arith.mulf %get3A_473, %broadcast_in_dim3A_466 : vector<16xf32>
        %swap3A_475 = arith.index_cast %add3A_470 : i32 to index
        %swap3A_476 = arith.constant 0 : index
        %swap3A_477 = tpu.vector_load %arg13[%swap3A_475, %swap3A_476] {strides = array<i32>} : memref<64x64xf32, #tpu.memory_space<vmem>>, vector<16xf32>,
        tpu.vector_store %arg13[%swap3A_475, %swap3A_476], %mul3A_474 {strides = array<i32>} : memref<64x64xf32, #tpu.memory_space<vmem>>, vector<16xf32>,
        %get3A_478 = arith.index_cast %add3A_470 : i32 to index
        %get3A_479 = arith.constant 16 : index
        %get3A_480 = tpu.vector_load %arg13[%get3A_478, %get3A_479] {strides = array<i32>} : memref<64x64xf32, #tpu.memory_space<vmem>>, vector<16xf32>,
        %mul3A_481 = arith.mulf %get3A_480, %broadcast_in_dim3A_466 : vector<16xf32>
        %swap3A_482 = arith.index_cast %add3A_470 : i32 to index
        %swap3A_483 = arith.constant 16 : index
        %swap3A_484 = tpu.vector_load %arg13[%swap3A_482, %swap3A_483] {strides = array<i32>} : memref<64x64xf32, #tpu.memory_space<vmem>>, vector<16xf32>,
        tpu.vector_store %arg13[%swap3A_482, %swap3A_483], %mul3A_481 {strides = array<i32>} : memref<64x64xf32, #tpu.memory_space<vmem>>, vector<16xf32>,
        %get3A_485 = arith.index_cast %add3A_470 : i32 to index
        %get3A_486 = arith.constant 32 : index
        %get3A_487 = tpu.vector_load %arg13[%get3A_485, %get3A_486] {strides = array<i32>} : memref<64x64xf32, #tpu.memory_space<vmem>>, vector<16xf32>,
        %mul3A_488 = arith.mulf %get3A_487, %broadcast_in_dim3A_466 : vector<16xf32>
        %swap3A_489 = arith.index_cast %add3A_470 : i32 to index
        %swap3A_490 = arith.constant 32 : index
        %swap3A_491 = tpu.vector_load %arg13[%swap3A_489, %swap3A_490] {strides = array<i32>} : memref<64x64xf32, #tpu.memory_space<vmem>>, vector<16xf32>,
        tpu.vector_store %arg13[%swap3A_489, %swap3A_490], %mul3A_488 {strides = array<i32>} : memref<64x64xf32, #tpu.memory_space<vmem>>, vector<16xf32>,
        %get3A_492 = arith.index_cast %add3A_470 : i32 to index
        %get3A_493 = arith.constant 48 : index
        %get3A_494 = tpu.vector_load %arg13[%get3A_492, %get3A_493] {strides = array<i32>} : memref<64x64xf32, #tpu.memory_space<vmem>>, vector<16xf32>,
        %mul3A_495 = arith.mulf %get3A_494, %broadcast_in_dim3A_466 : vector<16xf32>
        %swap3A_496 = arith.index_cast %add3A_470 : i32 to index
        %swap3A_497 = arith.constant 48 : index
        %swap3A_498 = tpu.vector_load %arg13[%swap3A_496, %swap3A_497] {strides = array<i32>} : memref<64x64xf32, #tpu.memory_space<vmem>>, vector<16xf32>,
        tpu.vector_store %arg13[%swap3A_496, %swap3A_497], %mul3A_495 {strides = array<i32>} : memref<64x64xf32, #tpu.memory_space<vmem>>, vector<16xf32>,
        %slice3A_499 = vector.extract_strided_slice %get3A_256 {offsets = [7], sizes = [1], strides = [1]} : vector<16xf32> to vector<1xf32>
        %squeeze3A_500 = vector.extract %slice3A_499[0] : f32 from vector<1xf32>
        %broadcast_in_dim3A_501 = vector.broadcast %squeeze3A_500 : f32 to vector<16xf32>
        %mul3A_502 = arith.constant 16 : i32
        %mul3A_503 = arith.muli %scan3A_252, %mul3A_502 : i32
        %add3A_504 = arith.constant 7 : i32
        %add3A_505 = arith.addi %mul3A_503, %add3A_504 : i32
        %get3A_506 = arith.index_cast %add3A_505 : i32 to index
        %get3A_507 = arith.constant 0 : index
        %get3A_508 = tpu.vector_load %arg13[%get3A_506, %get3A_507] {strides = array<i32>} : memref<64x64xf32, #tpu.memory_space<vmem>>, vector<16xf32>,
        %mul3A_509 = arith.mulf %get3A_508, %broadcast_in_dim3A_501 : vector<16xf32>
        %swap3A_510 = arith.index_cast %add3A_505 : i32 to index
        %swap3A_511 = arith.constant 0 : index
        %swap3A_512 = tpu.vector_load %arg13[%swap3A_510, %swap3A_511] {strides = array<i32>} : memref<64x64xf32, #tpu.memory_space<vmem>>, vector<16xf32>,
        tpu.vector_store %arg13[%swap3A_510, %swap3A_511], %mul3A_509 {strides = array<i32>} : memref<64x64xf32, #tpu.memory_space<vmem>>, vector<16xf32>,
        %get3A_513 = arith.index_cast %add3A_505 : i32 to index
        %get3A_514 = arith.constant 16 : index
        %get3A_515 = tpu.vector_load %arg13[%get3A_513, %get3A_514] {strides = array<i32>} : memref<64x64xf32, #tpu.memory_space<vmem>>, vector<16xf32>,
        %mul3A_516 = arith.mulf %get3A_515, %broadcast_in_dim3A_501 : vector<16xf32>
        %swap3A_517 = arith.index_cast %add3A_505 : i32 to index
        %swap3A_518 = arith.constant 16 : index
        %swap3A_519 = tpu.vector_load %arg13[%swap3A_517, %swap3A_518] {strides = array<i32>} : memref<64x64xf32, #tpu.memory_space<vmem>>, vector<16xf32>,
        tpu.vector_store %arg13[%swap3A_517, %swap3A_518], %mul3A_516 {strides = array<i32>} : memref<64x64xf32, #tpu.memory_space<vmem>>, vector<16xf32>,
        %get3A_520 = arith.index_cast %add3A_505 : i32 to index
        %get3A_521 = arith.constant 32 : index
        %get3A_522 = tpu.vector_load %arg13[%get3A_520, %get3A_521] {strides = array<i32>} : memref<64x64xf32, #tpu.memory_space<vmem>>, vector<16xf32>,
        %mul3A_523 = arith.mulf %get3A_522, %broadcast_in_dim3A_501 : vector<16xf32>
        %swap3A_524 = arith.index_cast %add3A_505 : i32 to index
        %swap3A_525 = arith.constant 32 : index
        %swap3A_526 = tpu.vector_load %arg13[%swap3A_524, %swap3A_525] {strides = array<i32>} : memref<64x64xf32, #tpu.memory_space<vmem>>, vector<16xf32>,
        tpu.vector_store %arg13[%swap3A_524, %swap3A_525], %mul3A_523 {strides = array<i32>} : memref<64x64xf32, #tpu.memory_space<vmem>>, vector<16xf32>,
        %get3A_527 = arith.index_cast %add3A_505 : i32 to index
        %get3A_528 = arith.constant 48 : index
        %get3A_529 = tpu.vector_load %arg13[%get3A_527, %get3A_528] {strides = array<i32>} : memref<64x64xf32, #tpu.memory_space<vmem>>, vector<16xf32>,
        %mul3A_530 = arith.mulf %get3A_529, %broadcast_in_dim3A_501 : vector<16xf32>
        %swap3A_531 = arith.index_cast %add3A_505 : i32 to index
        %swap3A_532 = arith.constant 48 : index
        %swap3A_533 = tpu.vector_load %arg13[%swap3A_531, %swap3A_532] {strides = array<i32>} : memref<64x64xf32, #tpu.memory_space<vmem>>, vector<16xf32>,
        tpu.vector_store %arg13[%swap3A_531, %swap3A_532], %mul3A_530 {strides = array<i32>} : memref<64x64xf32, #tpu.memory_space<vmem>>, vector<16xf32>,
        %slice3A_534 = vector.extract_strided_slice %get3A_256 {offsets = [8], sizes = [1], strides = [1]} : vector<16xf32> to vector<1xf32>
        %squeeze3A_535 = vector.extract %slice3A_534[0] : f32 from vector<1xf32>
        %broadcast_in_dim3A_536 = vector.broadcast %squeeze3A_535 : f32 to vector<16xf32>
        %mul3A_537 = arith.constant 16 : i32
        %mul3A_538 = arith.muli %scan3A_252, %mul3A_537 : i32
        %add3A_539 = arith.constant 8 : i32
        %add3A_540 = arith.addi %mul3A_538, %add3A_539 : i32
        %get3A_541 = arith.index_cast %add3A_540 : i32 to index
        %get3A_542 = arith.constant 0 : index
        %get3A_543 = tpu.vector_load %arg13[%get3A_541, %get3A_542] {strides = array<i32>} : memref<64x64xf32, #tpu.memory_space<vmem>>, vector<16xf32>,
        %mul3A_544 = arith.mulf %get3A_543, %broadcast_in_dim3A_536 : vector<16xf32>
        %swap3A_545 = arith.index_cast %add3A_540 : i32 to index
        %swap3A_546 = arith.constant 0 : index
        %swap3A_547 = tpu.vector_load %arg13[%swap3A_545, %swap3A_546] {strides = array<i32>} : memref<64x64xf32, #tpu.memory_space<vmem>>, vector<16xf32>,
        tpu.vector_store %arg13[%swap3A_545, %swap3A_546], %mul3A_544 {strides = array<i32>} : memref<64x64xf32, #tpu.memory_space<vmem>>, vector<16xf32>,
        %get3A_548 = arith.index_cast %add3A_540 : i32 to index
        %get3A_549 = arith.constant 16 : index
        %get3A_550 = tpu.vector_load %arg13[%get3A_548, %get3A_549] {strides = array<i32>} : memref<64x64xf32, #tpu.memory_space<vmem>>, vector<16xf32>,
        %mul3A_551 = arith.mulf %get3A_550, %broadcast_in_dim3A_536 : vector<16xf32>
        %swap3A_552 = arith.index_cast %add3A_540 : i32 to index
        %swap3A_553 = arith.constant 16 : index
        %swap3A_554 = tpu.vector_load %arg13[%swap3A_552, %swap3A_553] {strides = array<i32>} : memref<64x64xf32, #tpu.memory_space<vmem>>, vector<16xf32>,
        tpu.vector_store %arg13[%swap3A_552, %swap3A_553], %mul3A_551 {strides = array<i32>} : memref<64x64xf32, #tpu.memory_space<vmem>>, vector<16xf32>,
        %get3A_555 = arith.index_cast %add3A_540 : i32 to index
        %get3A_556 = arith.constant 32 : index
        %get3A_557 = tpu.vector_load %arg13[%get3A_555, %get3A_556] {strides = array<i32>} : memref<64x64xf32, #tpu.memory_space<vmem>>, vector<16xf32>,
        %mul3A_558 = arith.mulf %get3A_557, %broadcast_in_dim3A_536 : vector<16xf32>
        %swap3A_559 = arith.index_cast %add3A_540 : i32 to index
        %swap3A_560 = arith.constant 32 : index
        %swap3A_561 = tpu.vector_load %arg13[%swap3A_559, %swap3A_560] {strides = array<i32>} : memref<64x64xf32, #tpu.memory_space<vmem>>, vector<16xf32>,
        tpu.vector_store %arg13[%swap3A_559, %swap3A_560], %mul3A_558 {strides = array<i32>} : memref<64x64xf32, #tpu.memory_space<vmem>>, vector<16xf32>,
        %get3A_562 = arith.index_cast %add3A_540 : i32 to index
        %get3A_563 = arith.constant 48 : index
        %get3A_564 = tpu.vector_load %arg13[%get3A_562, %get3A_563] {strides = array<i32>} : memref<64x64xf32, #tpu.memory_space<vmem>>, vector<16xf32>,
        %mul3A_565 = arith.mulf %get3A_564, %broadcast_in_dim3A_536 : vector<16xf32>
        %swap3A_566 = arith.index_cast %add3A_540 : i32 to index
        %swap3A_567 = arith.constant 48 : index
        %swap3A_568 = tpu.vector_load %arg13[%swap3A_566, %swap3A_567] {strides = array<i32>} : memref<64x64xf32, #tpu.memory_space<vmem>>, vector<16xf32>,
        tpu.vector_store %arg13[%swap3A_566, %swap3A_567], %mul3A_565 {strides = array<i32>} : memref<64x64xf32, #tpu.memory_space<vmem>>, vector<16xf32>,
        %slice3A_569 = vector.extract_strided_slice %get3A_256 {offsets = [9], sizes = [1], strides = [1]} : vector<16xf32> to vector<1xf32>
        %squeeze3A_570 = vector.extract %slice3A_569[0] : f32 from vector<1xf32>
        %broadcast_in_dim3A_571 = vector.broadcast %squeeze3A_570 : f32 to vector<16xf32>
        %mul3A_572 = arith.constant 16 : i32
        %mul3A_573 = arith.muli %scan3A_252, %mul3A_572 : i32
        %add3A_574 = arith.constant 9 : i32
        %add3A_575 = arith.addi %mul3A_573, %add3A_574 : i32
        %get3A_576 = arith.index_cast %add3A_575 : i32 to index
        %get3A_577 = arith.constant 0 : index
        %get3A_578 = tpu.vector_load %arg13[%get3A_576, %get3A_577] {strides = array<i32>} : memref<64x64xf32, #tpu.memory_space<vmem>>, vector<16xf32>,
        %mul3A_579 = arith.mulf %get3A_578, %broadcast_in_dim3A_571 : vector<16xf32>
        %swap3A_580 = arith.index_cast %add3A_575 : i32 to index
        %swap3A_581 = arith.constant 0 : index
        %swap3A_582 = tpu.vector_load %arg13[%swap3A_580, %swap3A_581] {strides = array<i32>} : memref<64x64xf32, #tpu.memory_space<vmem>>, vector<16xf32>,
        tpu.vector_store %arg13[%swap3A_580, %swap3A_581], %mul3A_579 {strides = array<i32>} : memref<64x64xf32, #tpu.memory_space<vmem>>, vector<16xf32>,
        %get3A_583 = arith.index_cast %add3A_575 : i32 to index
        %get3A_584 = arith.constant 16 : index
        %get3A_585 = tpu.vector_load %arg13[%get3A_583, %get3A_584] {strides = array<i32>} : memref<64x64xf32, #tpu.memory_space<vmem>>, vector<16xf32>,
        %mul3A_586 = arith.mulf %get3A_585, %broadcast_in_dim3A_571 : vector<16xf32>
        %swap3A_587 = arith.index_cast %add3A_575 : i32 to index
        %swap3A_588 = arith.constant 16 : index
        %swap3A_589 = tpu.vector_load %arg13[%swap3A_587, %swap3A_588] {strides = array<i32>} : memref<64x64xf32, #tpu.memory_space<vmem>>, vector<16xf32>,
        tpu.vector_store %arg13[%swap3A_587, %swap3A_588], %mul3A_586 {strides = array<i32>} : memref<64x64xf32, #tpu.memory_space<vmem>>, vector<16xf32>,
        %get3A_590 = arith.index_cast %add3A_575 : i32 to index
        %get3A_591 = arith.constant 32 : index
        %get3A_592 = tpu.vector_load %arg13[%get3A_590, %get3A_591] {strides = array<i32>} : memref<64x64xf32, #tpu.memory_space<vmem>>, vector<16xf32>,
        %mul3A_593 = arith.mulf %get3A_592, %broadcast_in_dim3A_571 : vector<16xf32>
        %swap3A_594 = arith.index_cast %add3A_575 : i32 to index
        %swap3A_595 = arith.constant 32 : index
        %swap3A_596 = tpu.vector_load %arg13[%swap3A_594, %swap3A_595] {strides = array<i32>} : memref<64x64xf32, #tpu.memory_space<vmem>>, vector<16xf32>,
        tpu.vector_store %arg13[%swap3A_594, %swap3A_595], %mul3A_593 {strides = array<i32>} : memref<64x64xf32, #tpu.memory_space<vmem>>, vector<16xf32>,
        %get3A_597 = arith.index_cast %add3A_575 : i32 to index
        %get3A_598 = arith.constant 48 : index
        %get3A_599 = tpu.vector_load %arg13[%get3A_597, %get3A_598] {strides = array<i32>} : memref<64x64xf32, #tpu.memory_space<vmem>>, vector<16xf32>,
        %mul3A_600 = arith.mulf %get3A_599, %broadcast_in_dim3A_571 : vector<16xf32>
        %swap3A_601 = arith.index_cast %add3A_575 : i32 to index
        %swap3A_602 = arith.constant 48 : index
        %swap3A_603 = tpu.vector_load %arg13[%swap3A_601, %swap3A_602] {strides = array<i32>} : memref<64x64xf32, #tpu.memory_space<vmem>>, vector<16xf32>,
        tpu.vector_store %arg13[%swap3A_601, %swap3A_602], %mul3A_600 {strides = array<i32>} : memref<64x64xf32, #tpu.memory_space<vmem>>, vector<16xf32>,
        %slice3A_604 = vector.extract_strided_slice %get3A_256 {offsets = [10], sizes = [1], strides = [1]} : vector<16xf32> to vector<1xf32>
        %squeeze3A_605 = vector.extract %slice3A_604[0] : f32 from vector<1xf32>
        %broadcast_in_dim3A_606 = vector.broadcast %squeeze3A_605 : f32 to vector<16xf32>
        %mul3A_607 = arith.constant 16 : i32
        %mul3A_608 = arith.muli %scan3A_252, %mul3A_607 : i32
        %add3A_609 = arith.constant 10 : i32
        %add3A_610 = arith.addi %mul3A_608, %add3A_609 : i32
        %get3A_611 = arith.index_cast %add3A_610 : i32 to index
        %get3A_612 = arith.constant 0 : index
        %get3A_613 = tpu.vector_load %arg13[%get3A_611, %get3A_612] {strides = array<i32>} : memref<64x64xf32, #tpu.memory_space<vmem>>, vector<16xf32>,
        %mul3A_614 = arith.mulf %get3A_613, %broadcast_in_dim3A_606 : vector<16xf32>
        %swap3A_615 = arith.index_cast %add3A_610 : i32 to index
        %swap3A_616 = arith.constant 0 : index
        %swap3A_617 = tpu.vector_load %arg13[%swap3A_615, %swap3A_616] {strides = array<i32>} : memref<64x64xf32, #tpu.memory_space<vmem>>, vector<16xf32>,
        tpu.vector_store %arg13[%swap3A_615, %swap3A_616], %mul3A_614 {strides = array<i32>} : memref<64x64xf32, #tpu.memory_space<vmem>>, vector<16xf32>,
        %get3A_618 = arith.index_cast %add3A_610 : i32 to index
        %get3A_619 = arith.constant 16 : index
        %get3A_620 = tpu.vector_load %arg13[%get3A_618, %get3A_619] {strides = array<i32>} : memref<64x64xf32, #tpu.memory_space<vmem>>, vector<16xf32>,
        %mul3A_621 = arith.mulf %get3A_620, %broadcast_in_dim3A_606 : vector<16xf32>
        %swap3A_622 = arith.index_cast %add3A_610 : i32 to index
        %swap3A_623 = arith.constant 16 : index
        %swap3A_624 = tpu.vector_load %arg13[%swap3A_622, %swap3A_623] {strides = array<i32>} : memref<64x64xf32, #tpu.memory_space<vmem>>, vector<16xf32>,
        tpu.vector_store %arg13[%swap3A_622, %swap3A_623], %mul3A_621 {strides = array<i32>} : memref<64x64xf32, #tpu.memory_space<vmem>>, vector<16xf32>,
        %get3A_625 = arith.index_cast %add3A_610 : i32 to index
        %get3A_626 = arith.constant 32 : index
        %get3A_627 = tpu.vector_load %arg13[%get3A_625, %get3A_626] {strides = array<i32>} : memref<64x64xf32, #tpu.memory_space<vmem>>, vector<16xf32>,
        %mul3A_628 = arith.mulf %get3A_627, %broadcast_in_dim3A_606 : vector<16xf32>
        %swap3A_629 = arith.index_cast %add3A_610 : i32 to index
        %swap3A_630 = arith.constant 32 : index
        %swap3A_631 = tpu.vector_load %arg13[%swap3A_629, %swap3A_630] {strides = array<i32>} : memref<64x64xf32, #tpu.memory_space<vmem>>, vector<16xf32>,
        tpu.vector_store %arg13[%swap3A_629, %swap3A_630], %mul3A_628 {strides = array<i32>} : memref<64x64xf32, #tpu.memory_space<vmem>>, vector<16xf32>,
        %get3A_632 = arith.index_cast %add3A_610 : i32 to index
        %get3A_633 = arith.constant 48 : index
        %get3A_634 = tpu.vector_load %arg13[%get3A_632, %get3A_633] {strides = array<i32>} : memref<64x64xf32, #tpu.memory_space<vmem>>, vector<16xf32>,
        %mul3A_635 = arith.mulf %get3A_634, %broadcast_in_dim3A_606 : vector<16xf32>
        %swap3A_636 = arith.index_cast %add3A_610 : i32 to index
        %swap3A_637 = arith.constant 48 : index
        %swap3A_638 = tpu.vector_load %arg13[%swap3A_636, %swap3A_637] {strides = array<i32>} : memref<64x64xf32, #tpu.memory_space<vmem>>, vector<16xf32>,
        tpu.vector_store %arg13[%swap3A_636, %swap3A_637], %mul3A_635 {strides = array<i32>} : memref<64x64xf32, #tpu.memory_space<vmem>>, vector<16xf32>,
        %slice3A_639 = vector.extract_strided_slice %get3A_256 {offsets = [11], sizes = [1], strides = [1]} : vector<16xf32> to vector<1xf32>
        %squeeze3A_640 = vector.extract %slice3A_639[0] : f32 from vector<1xf32>
        %broadcast_in_dim3A_641 = vector.broadcast %squeeze3A_640 : f32 to vector<16xf32>
        %mul3A_642 = arith.constant 16 : i32
        %mul3A_643 = arith.muli %scan3A_252, %mul3A_642 : i32
        %add3A_644 = arith.constant 11 : i32
        %add3A_645 = arith.addi %mul3A_643, %add3A_644 : i32
        %get3A_646 = arith.index_cast %add3A_645 : i32 to index
        %get3A_647 = arith.constant 0 : index
        %get3A_648 = tpu.vector_load %arg13[%get3A_646, %get3A_647] {strides = array<i32>} : memref<64x64xf32, #tpu.memory_space<vmem>>, vector<16xf32>,
        %mul3A_649 = arith.mulf %get3A_648, %broadcast_in_dim3A_641 : vector<16xf32>
        %swap3A_650 = arith.index_cast %add3A_645 : i32 to index
        %swap3A_651 = arith.constant 0 : index
        %swap3A_652 = tpu.vector_load %arg13[%swap3A_650, %swap3A_651] {strides = array<i32>} : memref<64x64xf32, #tpu.memory_space<vmem>>, vector<16xf32>,
        tpu.vector_store %arg13[%swap3A_650, %swap3A_651], %mul3A_649 {strides = array<i32>} : memref<64x64xf32, #tpu.memory_space<vmem>>, vector<16xf32>,
        %get3A_653 = arith.index_cast %add3A_645 : i32 to index
        %get3A_654 = arith.constant 16 : index
        %get3A_655 = tpu.vector_load %arg13[%get3A_653, %get3A_654] {strides = array<i32>} : memref<64x64xf32, #tpu.memory_space<vmem>>, vector<16xf32>,
        %mul3A_656 = arith.mulf %get3A_655, %broadcast_in_dim3A_641 : vector<16xf32>
        %swap3A_657 = arith.index_cast %add3A_645 : i32 to index
        %swap3A_658 = arith.constant 16 : index
        %swap3A_659 = tpu.vector_load %arg13[%swap3A_657, %swap3A_658] {strides = array<i32>} : memref<64x64xf32, #tpu.memory_space<vmem>>, vector<16xf32>,
        tpu.vector_store %arg13[%swap3A_657, %swap3A_658], %mul3A_656 {strides = array<i32>} : memref<64x64xf32, #tpu.memory_space<vmem>>, vector<16xf32>,
        %get3A_660 = arith.index_cast %add3A_645 : i32 to index
        %get3A_661 = arith.constant 32 : index
        %get3A_662 = tpu.vector_load %arg13[%get3A_660, %get3A_661] {strides = array<i32>} : memref<64x64xf32, #tpu.memory_space<vmem>>, vector<16xf32>,
        %mul3A_663 = arith.mulf %get3A_662, %broadcast_in_dim3A_641 : vector<16xf32>
        %swap3A_664 = arith.index_cast %add3A_645 : i32 to index
        %swap3A_665 = arith.constant 32 : index
        %swap3A_666 = tpu.vector_load %arg13[%swap3A_664, %swap3A_665] {strides = array<i32>} : memref<64x64xf32, #tpu.memory_space<vmem>>, vector<16xf32>,
        tpu.vector_store %arg13[%swap3A_664, %swap3A_665], %mul3A_663 {strides = array<i32>} : memref<64x64xf32, #tpu.memory_space<vmem>>, vector<16xf32>,
        %get3A_667 = arith.index_cast %add3A_645 : i32 to index
        %get3A_668 = arith.constant 48 : index
        %get3A_669 = tpu.vector_load %arg13[%get3A_667, %get3A_668] {strides = array<i32>} : memref<64x64xf32, #tpu.memory_space<vmem>>, vector<16xf32>,
        %mul3A_670 = arith.mulf %get3A_669, %broadcast_in_dim3A_641 : vector<16xf32>
        %swap3A_671 = arith.index_cast %add3A_645 : i32 to index
        %swap3A_672 = arith.constant 48 : index
        %swap3A_673 = tpu.vector_load %arg13[%swap3A_671, %swap3A_672] {strides = array<i32>} : memref<64x64xf32, #tpu.memory_space<vmem>>, vector<16xf32>,
        tpu.vector_store %arg13[%swap3A_671, %swap3A_672], %mul3A_670 {strides = array<i32>} : memref<64x64xf32, #tpu.memory_space<vmem>>, vector<16xf32>,
        %slice3A_674 = vector.extract_strided_slice %get3A_256 {offsets = [12], sizes = [1], strides = [1]} : vector<16xf32> to vector<1xf32>
        %squeeze3A_675 = vector.extract %slice3A_674[0] : f32 from vector<1xf32>
        %broadcast_in_dim3A_676 = vector.broadcast %squeeze3A_675 : f32 to vector<16xf32>
        %mul3A_677 = arith.constant 16 : i32
        %mul3A_678 = arith.muli %scan3A_252, %mul3A_677 : i32
        %add3A_679 = arith.constant 12 : i32
        %add3A_680 = arith.addi %mul3A_678, %add3A_679 : i32
        %get3A_681 = arith.index_cast %add3A_680 : i32 to index
        %get3A_682 = arith.constant 0 : index
        %get3A_683 = tpu.vector_load %arg13[%get3A_681, %get3A_682] {strides = array<i32>} : memref<64x64xf32, #tpu.memory_space<vmem>>, vector<16xf32>,
        %mul3A_684 = arith.mulf %get3A_683, %broadcast_in_dim3A_676 : vector<16xf32>
        %swap3A_685 = arith.index_cast %add3A_680 : i32 to index
        %swap3A_686 = arith.constant 0 : index
        %swap3A_687 = tpu.vector_load %arg13[%swap3A_685, %swap3A_686] {strides = array<i32>} : memref<64x64xf32, #tpu.memory_space<vmem>>, vector<16xf32>,
        tpu.vector_store %arg13[%swap3A_685, %swap3A_686], %mul3A_684 {strides = array<i32>} : memref<64x64xf32, #tpu.memory_space<vmem>>, vector<16xf32>,
        %get3A_688 = arith.index_cast %add3A_680 : i32 to index
        %get3A_689 = arith.constant 16 : index
        %get3A_690 = tpu.vector_load %arg13[%get3A_688, %get3A_689] {strides = array<i32>} : memref<64x64xf32, #tpu.memory_space<vmem>>, vector<16xf32>,
        %mul3A_691 = arith.mulf %get3A_690, %broadcast_in_dim3A_676 : vector<16xf32>
        %swap3A_692 = arith.index_cast %add3A_680 : i32 to index
        %swap3A_693 = arith.constant 16 : index
        %swap3A_694 = tpu.vector_load %arg13[%swap3A_692, %swap3A_693] {strides = array<i32>} : memref<64x64xf32, #tpu.memory_space<vmem>>, vector<16xf32>,
        tpu.vector_store %arg13[%swap3A_692, %swap3A_693], %mul3A_691 {strides = array<i32>} : memref<64x64xf32, #tpu.memory_space<vmem>>, vector<16xf32>,
        %get3A_695 = arith.index_cast %add3A_680 : i32 to index
        %get3A_696 = arith.constant 32 : index
        %get3A_697 = tpu.vector_load %arg13[%get3A_695, %get3A_696] {strides = array<i32>} : memref<64x64xf32, #tpu.memory_space<vmem>>, vector<16xf32>,
        %mul3A_698 = arith.mulf %get3A_697, %broadcast_in_dim3A_676 : vector<16xf32>
        %swap3A_699 = arith.index_cast %add3A_680 : i32 to index
        %swap3A_700 = arith.constant 32 : index
        %swap3A_701 = tpu.vector_load %arg13[%swap3A_699, %swap3A_700] {strides = array<i32>} : memref<64x64xf32, #tpu.memory_space<vmem>>, vector<16xf32>,
        tpu.vector_store %arg13[%swap3A_699, %swap3A_700], %mul3A_698 {strides = array<i32>} : memref<64x64xf32, #tpu.memory_space<vmem>>, vector<16xf32>,
        %get3A_702 = arith.index_cast %add3A_680 : i32 to index
        %get3A_703 = arith.constant 48 : index
        %get3A_704 = tpu.vector_load %arg13[%get3A_702, %get3A_703] {strides = array<i32>} : memref<64x64xf32, #tpu.memory_space<vmem>>, vector<16xf32>,
        %mul3A_705 = arith.mulf %get3A_704, %broadcast_in_dim3A_676 : vector<16xf32>
        %swap3A_706 = arith.index_cast %add3A_680 : i32 to index
        %swap3A_707 = arith.constant 48 : index
        %swap3A_708 = tpu.vector_load %arg13[%swap3A_706, %swap3A_707] {strides = array<i32>} : memref<64x64xf32, #tpu.memory_space<vmem>>, vector<16xf32>,
        tpu.vector_store %arg13[%swap3A_706, %swap3A_707], %mul3A_705 {strides = array<i32>} : memref<64x64xf32, #tpu.memory_space<vmem>>, vector<16xf32>,
        %slice3A_709 = vector.extract_strided_slice %get3A_256 {offsets = [13], sizes = [1], strides = [1]} : vector<16xf32> to vector<1xf32>
        %squeeze3A_710 = vector.extract %slice3A_709[0] : f32 from vector<1xf32>
        %broadcast_in_dim3A_711 = vector.broadcast %squeeze3A_710 : f32 to vector<16xf32>
        %mul3A_712 = arith.constant 16 : i32
        %mul3A_713 = arith.muli %scan3A_252, %mul3A_712 : i32
        %add3A_714 = arith.constant 13 : i32
        %add3A_715 = arith.addi %mul3A_713, %add3A_714 : i32
        %get3A_716 = arith.index_cast %add3A_715 : i32 to index
        %get3A_717 = arith.constant 0 : index
        %get3A_718 = tpu.vector_load %arg13[%get3A_716, %get3A_717] {strides = array<i32>} : memref<64x64xf32, #tpu.memory_space<vmem>>, vector<16xf32>,
        %mul3A_719 = arith.mulf %get3A_718, %broadcast_in_dim3A_711 : vector<16xf32>
        %swap3A_720 = arith.index_cast %add3A_715 : i32 to index
        %swap3A_721 = arith.constant 0 : index
        %swap3A_722 = tpu.vector_load %arg13[%swap3A_720, %swap3A_721] {strides = array<i32>} : memref<64x64xf32, #tpu.memory_space<vmem>>, vector<16xf32>,
        tpu.vector_store %arg13[%swap3A_720, %swap3A_721], %mul3A_719 {strides = array<i32>} : memref<64x64xf32, #tpu.memory_space<vmem>>, vector<16xf32>,
        %get3A_723 = arith.index_cast %add3A_715 : i32 to index
        %get3A_724 = arith.constant 16 : index
        %get3A_725 = tpu.vector_load %arg13[%get3A_723, %get3A_724] {strides = array<i32>} : memref<64x64xf32, #tpu.memory_space<vmem>>, vector<16xf32>,
        %mul3A_726 = arith.mulf %get3A_725, %broadcast_in_dim3A_711 : vector<16xf32>
        %swap3A_727 = arith.index_cast %add3A_715 : i32 to index
        %swap3A_728 = arith.constant 16 : index
        %swap3A_729 = tpu.vector_load %arg13[%swap3A_727, %swap3A_728] {strides = array<i32>} : memref<64x64xf32, #tpu.memory_space<vmem>>, vector<16xf32>,
        tpu.vector_store %arg13[%swap3A_727, %swap3A_728], %mul3A_726 {strides = array<i32>} : memref<64x64xf32, #tpu.memory_space<vmem>>, vector<16xf32>,
        %get3A_730 = arith.index_cast %add3A_715 : i32 to index
        %get3A_731 = arith.constant 32 : index
        %get3A_732 = tpu.vector_load %arg13[%get3A_730, %get3A_731] {strides = array<i32>} : memref<64x64xf32, #tpu.memory_space<vmem>>, vector<16xf32>,
        %mul3A_733 = arith.mulf %get3A_732, %broadcast_in_dim3A_711 : vector<16xf32>
        %swap3A_734 = arith.index_cast %add3A_715 : i32 to index
        %swap3A_735 = arith.constant 32 : index
        %swap3A_736 = tpu.vector_load %arg13[%swap3A_734, %swap3A_735] {strides = array<i32>} : memref<64x64xf32, #tpu.memory_space<vmem>>, vector<16xf32>,
        tpu.vector_store %arg13[%swap3A_734, %swap3A_735], %mul3A_733 {strides = array<i32>} : memref<64x64xf32, #tpu.memory_space<vmem>>, vector<16xf32>,
        %get3A_737 = arith.index_cast %add3A_715 : i32 to index
        %get3A_738 = arith.constant 48 : index
        %get3A_739 = tpu.vector_load %arg13[%get3A_737, %get3A_738] {strides = array<i32>} : memref<64x64xf32, #tpu.memory_space<vmem>>, vector<16xf32>,
        %mul3A_740 = arith.mulf %get3A_739, %broadcast_in_dim3A_711 : vector<16xf32>
        %swap3A_741 = arith.index_cast %add3A_715 : i32 to index
        %swap3A_742 = arith.constant 48 : index
        %swap3A_743 = tpu.vector_load %arg13[%swap3A_741, %swap3A_742] {strides = array<i32>} : memref<64x64xf32, #tpu.memory_space<vmem>>, vector<16xf32>,
        tpu.vector_store %arg13[%swap3A_741, %swap3A_742], %mul3A_740 {strides = array<i32>} : memref<64x64xf32, #tpu.memory_space<vmem>>, vector<16xf32>,
        %slice3A_744 = vector.extract_strided_slice %get3A_256 {offsets = [14], sizes = [1], strides = [1]} : vector<16xf32> to vector<1xf32>
        %squeeze3A_745 = vector.extract %slice3A_744[0] : f32 from vector<1xf32>
        %broadcast_in_dim3A_746 = vector.broadcast %squeeze3A_745 : f32 to vector<16xf32>
        %mul3A_747 = arith.constant 16 : i32
        %mul3A_748 = arith.muli %scan3A_252, %mul3A_747 : i32
        %add3A_749 = arith.constant 14 : i32
        %add3A_750 = arith.addi %mul3A_748, %add3A_749 : i32
        %get3A_751 = arith.index_cast %add3A_750 : i32 to index
        %get3A_752 = arith.constant 0 : index
        %get3A_753 = tpu.vector_load %arg13[%get3A_751, %get3A_752] {strides = array<i32>} : memref<64x64xf32, #tpu.memory_space<vmem>>, vector<16xf32>,
        %mul3A_754 = arith.mulf %get3A_753, %broadcast_in_dim3A_746 : vector<16xf32>
        %swap3A_755 = arith.index_cast %add3A_750 : i32 to index
        %swap3A_756 = arith.constant 0 : index
        %swap3A_757 = tpu.vector_load %arg13[%swap3A_755, %swap3A_756] {strides = array<i32>} : memref<64x64xf32, #tpu.memory_space<vmem>>, vector<16xf32>,
        tpu.vector_store %arg13[%swap3A_755, %swap3A_756], %mul3A_754 {strides = array<i32>} : memref<64x64xf32, #tpu.memory_space<vmem>>, vector<16xf32>,
        %get3A_758 = arith.index_cast %add3A_750 : i32 to index
        %get3A_759 = arith.constant 16 : index
        %get3A_760 = tpu.vector_load %arg13[%get3A_758, %get3A_759] {strides = array<i32>} : memref<64x64xf32, #tpu.memory_space<vmem>>, vector<16xf32>,
        %mul3A_761 = arith.mulf %get3A_760, %broadcast_in_dim3A_746 : vector<16xf32>
        %swap3A_762 = arith.index_cast %add3A_750 : i32 to index
        %swap3A_763 = arith.constant 16 : index
        %swap3A_764 = tpu.vector_load %arg13[%swap3A_762, %swap3A_763] {strides = array<i32>} : memref<64x64xf32, #tpu.memory_space<vmem>>, vector<16xf32>,
        tpu.vector_store %arg13[%swap3A_762, %swap3A_763], %mul3A_761 {strides = array<i32>} : memref<64x64xf32, #tpu.memory_space<vmem>>, vector<16xf32>,
        %get3A_765 = arith.index_cast %add3A_750 : i32 to index
        %get3A_766 = arith.constant 32 : index
        %get3A_767 = tpu.vector_load %arg13[%get3A_765, %get3A_766] {strides = array<i32>} : memref<64x64xf32, #tpu.memory_space<vmem>>, vector<16xf32>,
        %mul3A_768 = arith.mulf %get3A_767, %broadcast_in_dim3A_746 : vector<16xf32>
        %swap3A_769 = arith.index_cast %add3A_750 : i32 to index
        %swap3A_770 = arith.constant 32 : index
        %swap3A_771 = tpu.vector_load %arg13[%swap3A_769, %swap3A_770] {strides = array<i32>} : memref<64x64xf32, #tpu.memory_space<vmem>>, vector<16xf32>,
        tpu.vector_store %arg13[%swap3A_769, %swap3A_770], %mul3A_768 {strides = array<i32>} : memref<64x64xf32, #tpu.memory_space<vmem>>, vector<16xf32>,
        %get3A_772 = arith.index_cast %add3A_750 : i32 to index
        %get3A_773 = arith.constant 48 : index
        %get3A_774 = tpu.vector_load %arg13[%get3A_772, %get3A_773] {strides = array<i32>} : memref<64x64xf32, #tpu.memory_space<vmem>>, vector<16xf32>,
        %mul3A_775 = arith.mulf %get3A_774, %broadcast_in_dim3A_746 : vector<16xf32>
        %swap3A_776 = arith.index_cast %add3A_750 : i32 to index
        %swap3A_777 = arith.constant 48 : index
        %swap3A_778 = tpu.vector_load %arg13[%swap3A_776, %swap3A_777] {strides = array<i32>} : memref<64x64xf32, #tpu.memory_space<vmem>>, vector<16xf32>,
        tpu.vector_store %arg13[%swap3A_776, %swap3A_777], %mul3A_775 {strides = array<i32>} : memref<64x64xf32, #tpu.memory_space<vmem>>, vector<16xf32>,
        %slice3A_779 = vector.extract_strided_slice %get3A_256 {offsets = [15], sizes = [1], strides = [1]} : vector<16xf32> to vector<1xf32>
        %squeeze3A_780 = vector.extract %slice3A_779[0] : f32 from vector<1xf32>
        %broadcast_in_dim3A_781 = vector.broadcast %squeeze3A_780 : f32 to vector<16xf32>
        %mul3A_782 = arith.constant 16 : i32
        %mul3A_783 = arith.muli %scan3A_252, %mul3A_782 : i32
        %add3A_784 = arith.constant 15 : i32
        %add3A_785 = arith.addi %mul3A_783, %add3A_784 : i32
        %get3A_786 = arith.index_cast %add3A_785 : i32 to index
        %get3A_787 = arith.constant 0 : index
        %get3A_788 = tpu.vector_load %arg13[%get3A_786, %get3A_787] {strides = array<i32>} : memref<64x64xf32, #tpu.memory_space<vmem>>, vector<16xf32>,
        %mul3A_789 = arith.mulf %get3A_788, %broadcast_in_dim3A_781 : vector<16xf32>
        %swap3A_790 = arith.index_cast %add3A_785 : i32 to index
        %swap3A_791 = arith.constant 0 : index
        %swap3A_792 = tpu.vector_load %arg13[%swap3A_790, %swap3A_791] {strides = array<i32>} : memref<64x64xf32, #tpu.memory_space<vmem>>, vector<16xf32>,
        tpu.vector_store %arg13[%swap3A_790, %swap3A_791], %mul3A_789 {strides = array<i32>} : memref<64x64xf32, #tpu.memory_space<vmem>>, vector<16xf32>,
        %get3A_793 = arith.index_cast %add3A_785 : i32 to index
        %get3A_794 = arith.constant 16 : index
        %get3A_795 = tpu.vector_load %arg13[%get3A_793, %get3A_794] {strides = array<i32>} : memref<64x64xf32, #tpu.memory_space<vmem>>, vector<16xf32>,
        %mul3A_796 = arith.mulf %get3A_795, %broadcast_in_dim3A_781 : vector<16xf32>
        %swap3A_797 = arith.index_cast %add3A_785 : i32 to index
        %swap3A_798 = arith.constant 16 : index
        %swap3A_799 = tpu.vector_load %arg13[%swap3A_797, %swap3A_798] {strides = array<i32>} : memref<64x64xf32, #tpu.memory_space<vmem>>, vector<16xf32>,
        tpu.vector_store %arg13[%swap3A_797, %swap3A_798], %mul3A_796 {strides = array<i32>} : memref<64x64xf32, #tpu.memory_space<vmem>>, vector<16xf32>,
        %get3A_800 = arith.index_cast %add3A_785 : i32 to index
        %get3A_801 = arith.constant 32 : index
        %get3A_802 = tpu.vector_load %arg13[%get3A_800, %get3A_801] {strides = array<i32>} : memref<64x64xf32, #tpu.memory_space<vmem>>, vector<16xf32>,
        %mul3A_803 = arith.mulf %get3A_802, %broadcast_in_dim3A_781 : vector<16xf32>
        %swap3A_804 = arith.index_cast %add3A_785 : i32 to index
        %swap3A_805 = arith.constant 32 : index
        %swap3A_806 = tpu.vector_load %arg13[%swap3A_804, %swap3A_805] {strides = array<i32>} : memref<64x64xf32, #tpu.memory_space<vmem>>, vector<16xf32>,
        tpu.vector_store %arg13[%swap3A_804, %swap3A_805], %mul3A_803 {strides = array<i32>} : memref<64x64xf32, #tpu.memory_space<vmem>>, vector<16xf32>,
        %get3A_807 = arith.index_cast %add3A_785 : i32 to index
        %get3A_808 = arith.constant 48 : index
        %get3A_809 = tpu.vector_load %arg13[%get3A_807, %get3A_808] {strides = array<i32>} : memref<64x64xf32, #tpu.memory_space<vmem>>, vector<16xf32>,
        %mul3A_810 = arith.mulf %get3A_809, %broadcast_in_dim3A_781 : vector<16xf32>
        %swap3A_811 = arith.index_cast %add3A_785 : i32 to index
        %swap3A_812 = arith.constant 48 : index
        %swap3A_813 = tpu.vector_load %arg13[%swap3A_811, %swap3A_812] {strides = array<i32>} : memref<64x64xf32, #tpu.memory_space<vmem>>, vector<16xf32>,
        tpu.vector_store %arg13[%swap3A_811, %swap3A_812], %mul3A_810 {strides = array<i32>} : memref<64x64xf32, #tpu.memory_space<vmem>>, vector<16xf32>,
      }
      %scan3A_191 = arith.constant 4 : i32
      %add3A_192 = arith.constant 3 : i32
      %add3A_193 = arith.addi %mul3A_73, %add3A_192 : i32
      %dma_start3A_194 = arith.constant 0 : i32
      %dma_start3A_195 = tpu.memref_slice %arg7[%add3A_193, %dma_start3A_194] : memref<320x64xi32, #tpu.memory_space<vmem>> -> memref<1x64xi32, #tpu.memory_space<vmem>>
      %dma_start3A_196 = tpu.memref_squeeze %dma_start3A_195 : memref<1x64xi32, #tpu.memory_space<vmem>> -> memref<64xi32, #tpu.memory_space<vmem>>
      %dma_start3A_197 = arith.constant 0 : i32
      %dma_start3A_198 = arith.constant 0 : i32
      %dma_start3A_199 = tpu.memref_slice %arg9[%dma_start3A_197, %dma_start3A_198] : memref<10240x64xf32, #tpu.memory_space<vmem_shared>> -> memref<10240x64xf32, #tpu.memory_space<vmem_shared>>
      tpu.enqueue_indirect_dma source(%arg13 : memref<64x64xf32, #tpu.memory_space<vmem>>) target(%dma_start3A_199 : memref<10240x64xf32, #tpu.memory_space<vmem_shared>>) offsets(%dma_start3A_196 : memref<64xi32, #tpu.memory_space<vmem>>) semaphore(%arg23 : memref<!tpu.dma_semaphore, #tpu.memory_space<semaphore_mem>>) {add = true}
      %dma_wait3A_200 = arith.constant 0 : i32
      %dma_wait3A_201 = tpu.memref_slice %arg6[%add3A_106, %dma_wait3A_200] : memref<320x64xi32, #tpu.memory_space<vmem>> -> memref<1x64xi32, #tpu.memory_space<vmem>>
      %dma_wait3A_202 = tpu.memref_squeeze %dma_wait3A_201 : memref<1x64xi32, #tpu.memory_space<vmem>> -> memref<64xi32, #tpu.memory_space<vmem>>
      %dma_wait3A_203 = arith.constant 0 : i32
      %dma_wait3A_204 = arith.constant 0 : i32
      %dma_wait3A_205 = tpu.memref_slice %arg2[%dma_wait3A_203, %dma_wait3A_204] : memref<20480x64xf32, #tpu.memory_space<hbm>> -> memref<20480x64xf32, #tpu.memory_space<hbm>>
      tpu.wait_indirect_dma semaphore(%arg19 : memref<!tpu.dma_semaphore, #tpu.memory_space<semaphore_mem>>) src(%dma_wait3A_205 : memref<20480x64xf32, #tpu.memory_space<hbm>>) dst(%arg14 : memref<64x64xf32, #tpu.memory_space<vmem>>)
      %add3A_206 = arith.constant 4 : i32
      %add3A_207 = arith.addi %mul3A_73, %add3A_206 : i32
      %scan3A_208 = arith.constant 0 : i32
      %scan3A_209 = arith.constant 0 : i32
      %scan3A_210 = arith.constant 4 : i32
      %scan3A_211 = arith.addi %scan3A_209, %scan3A_210 : i32
      %scan3A_212 = arith.constant 1 : i32
      scf.for %scan3A_252 = %scan3A_209 to %scan3A_211 step %scan3A_212  : i32 {
        %mul3A_253 = arith.constant 16 : i32
        %mul3A_254 = arith.muli %scan3A_252, %mul3A_253 : i32
        %get3A = arith.index_cast %add3A_207 : i32 to index
        %get3A_255 = arith.index_cast %mul3A_254 : i32 to index
        %get3A_256 = tpu.vector_load %arg8[%get3A, %get3A_255] {strides = array<i32>} : memref<320x64xf32, #tpu.memory_space<vmem>>, vector<16xf32>,
        %slice3A = vector.extract_strided_slice %get3A_256 {offsets = [0], sizes = [1], strides = [1]} : vector<16xf32> to vector<1xf32>
        %squeeze3A = vector.extract %slice3A[0] : f32 from vector<1xf32>
        %broadcast_in_dim3A_257 = vector.broadcast %squeeze3A : f32 to vector<16xf32>
        %mul3A_258 = arith.constant 16 : i32
        %mul3A_259 = arith.muli %scan3A_252, %mul3A_258 : i32
        %add3A_260 = arith.constant 0 : i32
        %add3A_261 = arith.addi %mul3A_259, %add3A_260 : i32
        %get3A_262 = arith.index_cast %add3A_261 : i32 to index
        %get3A_263 = arith.constant 0 : index
        %get3A_264 = tpu.vector_load %arg14[%get3A_262, %get3A_263] {strides = array<i32>} : memref<64x64xf32, #tpu.memory_space<vmem>>, vector<16xf32>,
        %mul3A_265 = arith.mulf %get3A_264, %broadcast_in_dim3A_257 : vector<16xf32>
        %swap3A = arith.index_cast %add3A_261 : i32 to index
        %swap3A_266 = arith.constant 0 : index
        %swap3A_267 = tpu.vector_load %arg14[%swap3A, %swap3A_266] {strides = array<i32>} : memref<64x64xf32, #tpu.memory_space<vmem>>, vector<16xf32>,
        tpu.vector_store %arg14[%swap3A, %swap3A_266], %mul3A_265 {strides = array<i32>} : memref<64x64xf32, #tpu.memory_space<vmem>>, vector<16xf32>,
        %get3A_268 = arith.index_cast %add3A_261 : i32 to index
        %get3A_269 = arith.constant 16 : index
        %get3A_270 = tpu.vector_load %arg14[%get3A_268, %get3A_269] {strides = array<i32>} : memref<64x64xf32, #tpu.memory_space<vmem>>, vector<16xf32>,
        %mul3A_271 = arith.mulf %get3A_270, %broadcast_in_dim3A_257 : vector<16xf32>
        %swap3A_272 = arith.index_cast %add3A_261 : i32 to index
        %swap3A_273 = arith.constant 16 : index
        %swap3A_274 = tpu.vector_load %arg14[%swap3A_272, %swap3A_273] {strides = array<i32>} : memref<64x64xf32, #tpu.memory_space<vmem>>, vector<16xf32>,
        tpu.vector_store %arg14[%swap3A_272, %swap3A_273], %mul3A_271 {strides = array<i32>} : memref<64x64xf32, #tpu.memory_space<vmem>>, vector<16xf32>,
        %get3A_275 = arith.index_cast %add3A_261 : i32 to index
        %get3A_276 = arith.constant 32 : index
        %get3A_277 = tpu.vector_load %arg14[%get3A_275, %get3A_276] {strides = array<i32>} : memref<64x64xf32, #tpu.memory_space<vmem>>, vector<16xf32>,
        %mul3A_278 = arith.mulf %get3A_277, %broadcast_in_dim3A_257 : vector<16xf32>
        %swap3A_279 = arith.index_cast %add3A_261 : i32 to index
        %swap3A_280 = arith.constant 32 : index
        %swap3A_281 = tpu.vector_load %arg14[%swap3A_279, %swap3A_280] {strides = array<i32>} : memref<64x64xf32, #tpu.memory_space<vmem>>, vector<16xf32>,
        tpu.vector_store %arg14[%swap3A_279, %swap3A_280], %mul3A_278 {strides = array<i32>} : memref<64x64xf32, #tpu.memory_space<vmem>>, vector<16xf32>,
        %get3A_282 = arith.index_cast %add3A_261 : i32 to index
        %get3A_283 = arith.constant 48 : index
        %get3A_284 = tpu.vector_load %arg14[%get3A_282, %get3A_283] {strides = array<i32>} : memref<64x64xf32, #tpu.memory_space<vmem>>, vector<16xf32>,
        %mul3A_285 = arith.mulf %get3A_284, %broadcast_in_dim3A_257 : vector<16xf32>
        %swap3A_286 = arith.index_cast %add3A_261 : i32 to index
        %swap3A_287 = arith.constant 48 : index
        %swap3A_288 = tpu.vector_load %arg14[%swap3A_286, %swap3A_287] {strides = array<i32>} : memref<64x64xf32, #tpu.memory_space<vmem>>, vector<16xf32>,
        tpu.vector_store %arg14[%swap3A_286, %swap3A_287], %mul3A_285 {strides = array<i32>} : memref<64x64xf32, #tpu.memory_space<vmem>>, vector<16xf32>,
        %slice3A_289 = vector.extract_strided_slice %get3A_256 {offsets = [1], sizes = [1], strides = [1]} : vector<16xf32> to vector<1xf32>
        %squeeze3A_290 = vector.extract %slice3A_289[0] : f32 from vector<1xf32>
        %broadcast_in_dim3A_291 = vector.broadcast %squeeze3A_290 : f32 to vector<16xf32>
        %mul3A_292 = arith.constant 16 : i32
        %mul3A_293 = arith.muli %scan3A_252, %mul3A_292 : i32
        %add3A_294 = arith.constant 1 : i32
        %add3A_295 = arith.addi %mul3A_293, %add3A_294 : i32
        %get3A_296 = arith.index_cast %add3A_295 : i32 to index
        %get3A_297 = arith.constant 0 : index
        %get3A_298 = tpu.vector_load %arg14[%get3A_296, %get3A_297] {strides = array<i32>} : memref<64x64xf32, #tpu.memory_space<vmem>>, vector<16xf32>,
        %mul3A_299 = arith.mulf %get3A_298, %broadcast_in_dim3A_291 : vector<16xf32>
        %swap3A_300 = arith.index_cast %add3A_295 : i32 to index
        %swap3A_301 = arith.constant 0 : index
        %swap3A_302 = tpu.vector_load %arg14[%swap3A_300, %swap3A_301] {strides = array<i32>} : memref<64x64xf32, #tpu.memory_space<vmem>>, vector<16xf32>,
        tpu.vector_store %arg14[%swap3A_300, %swap3A_301], %mul3A_299 {strides = array<i32>} : memref<64x64xf32, #tpu.memory_space<vmem>>, vector<16xf32>,
        %get3A_303 = arith.index_cast %add3A_295 : i32 to index
        %get3A_304 = arith.constant 16 : index
        %get3A_305 = tpu.vector_load %arg14[%get3A_303, %get3A_304] {strides = array<i32>} : memref<64x64xf32, #tpu.memory_space<vmem>>, vector<16xf32>,
        %mul3A_306 = arith.mulf %get3A_305, %broadcast_in_dim3A_291 : vector<16xf32>
        %swap3A_307 = arith.index_cast %add3A_295 : i32 to index
        %swap3A_308 = arith.constant 16 : index
        %swap3A_309 = tpu.vector_load %arg14[%swap3A_307, %swap3A_308] {strides = array<i32>} : memref<64x64xf32, #tpu.memory_space<vmem>>, vector<16xf32>,
        tpu.vector_store %arg14[%swap3A_307, %swap3A_308], %mul3A_306 {strides = array<i32>} : memref<64x64xf32, #tpu.memory_space<vmem>>, vector<16xf32>,
        %get3A_310 = arith.index_cast %add3A_295 : i32 to index
        %get3A_311 = arith.constant 32 : index
        %get3A_312 = tpu.vector_load %arg14[%get3A_310, %get3A_311] {strides = array<i32>} : memref<64x64xf32, #tpu.memory_space<vmem>>, vector<16xf32>,
        %mul3A_313 = arith.mulf %get3A_312, %broadcast_in_dim3A_291 : vector<16xf32>
        %swap3A_314 = arith.index_cast %add3A_295 : i32 to index
        %swap3A_315 = arith.constant 32 : index
        %swap3A_316 = tpu.vector_load %arg14[%swap3A_314, %swap3A_315] {strides = array<i32>} : memref<64x64xf32, #tpu.memory_space<vmem>>, vector<16xf32>,
        tpu.vector_store %arg14[%swap3A_314, %swap3A_315], %mul3A_313 {strides = array<i32>} : memref<64x64xf32, #tpu.memory_space<vmem>>, vector<16xf32>,
        %get3A_317 = arith.index_cast %add3A_295 : i32 to index
        %get3A_318 = arith.constant 48 : index
        %get3A_319 = tpu.vector_load %arg14[%get3A_317, %get3A_318] {strides = array<i32>} : memref<64x64xf32, #tpu.memory_space<vmem>>, vector<16xf32>,
        %mul3A_320 = arith.mulf %get3A_319, %broadcast_in_dim3A_291 : vector<16xf32>
        %swap3A_321 = arith.index_cast %add3A_295 : i32 to index
        %swap3A_322 = arith.constant 48 : index
        %swap3A_323 = tpu.vector_load %arg14[%swap3A_321, %swap3A_322] {strides = array<i32>} : memref<64x64xf32, #tpu.memory_space<vmem>>, vector<16xf32>,
        tpu.vector_store %arg14[%swap3A_321, %swap3A_322], %mul3A_320 {strides = array<i32>} : memref<64x64xf32, #tpu.memory_space<vmem>>, vector<16xf32>,
        %slice3A_324 = vector.extract_strided_slice %get3A_256 {offsets = [2], sizes = [1], strides = [1]} : vector<16xf32> to vector<1xf32>
        %squeeze3A_325 = vector.extract %slice3A_324[0] : f32 from vector<1xf32>
        %broadcast_in_dim3A_326 = vector.broadcast %squeeze3A_325 : f32 to vector<16xf32>
        %mul3A_327 = arith.constant 16 : i32
        %mul3A_328 = arith.muli %scan3A_252, %mul3A_327 : i32
        %add3A_329 = arith.constant 2 : i32
        %add3A_330 = arith.addi %mul3A_328, %add3A_329 : i32
        %get3A_331 = arith.index_cast %add3A_330 : i32 to index
        %get3A_332 = arith.constant 0 : index
        %get3A_333 = tpu.vector_load %arg14[%get3A_331, %get3A_332] {strides = array<i32>} : memref<64x64xf32, #tpu.memory_space<vmem>>, vector<16xf32>,
        %mul3A_334 = arith.mulf %get3A_333, %broadcast_in_dim3A_326 : vector<16xf32>
        %swap3A_335 = arith.index_cast %add3A_330 : i32 to index
        %swap3A_336 = arith.constant 0 : index
        %swap3A_337 = tpu.vector_load %arg14[%swap3A_335, %swap3A_336] {strides = array<i32>} : memref<64x64xf32, #tpu.memory_space<vmem>>, vector<16xf32>,
        tpu.vector_store %arg14[%swap3A_335, %swap3A_336], %mul3A_334 {strides = array<i32>} : memref<64x64xf32, #tpu.memory_space<vmem>>, vector<16xf32>,
        %get3A_338 = arith.index_cast %add3A_330 : i32 to index
        %get3A_339 = arith.constant 16 : index
        %get3A_340 = tpu.vector_load %arg14[%get3A_338, %get3A_339] {strides = array<i32>} : memref<64x64xf32, #tpu.memory_space<vmem>>, vector<16xf32>,
        %mul3A_341 = arith.mulf %get3A_340, %broadcast_in_dim3A_326 : vector<16xf32>
        %swap3A_342 = arith.index_cast %add3A_330 : i32 to index
        %swap3A_343 = arith.constant 16 : index
        %swap3A_344 = tpu.vector_load %arg14[%swap3A_342, %swap3A_343] {strides = array<i32>} : memref<64x64xf32, #tpu.memory_space<vmem>>, vector<16xf32>,
        tpu.vector_store %arg14[%swap3A_342, %swap3A_343], %mul3A_341 {strides = array<i32>} : memref<64x64xf32, #tpu.memory_space<vmem>>, vector<16xf32>,
        %get3A_345 = arith.index_cast %add3A_330 : i32 to index
        %get3A_346 = arith.constant 32 : index
        %get3A_347 = tpu.vector_load %arg14[%get3A_345, %get3A_346] {strides = array<i32>} : memref<64x64xf32, #tpu.memory_space<vmem>>, vector<16xf32>,
        %mul3A_348 = arith.mulf %get3A_347, %broadcast_in_dim3A_326 : vector<16xf32>
        %swap3A_349 = arith.index_cast %add3A_330 : i32 to index
        %swap3A_350 = arith.constant 32 : index
        %swap3A_351 = tpu.vector_load %arg14[%swap3A_349, %swap3A_350] {strides = array<i32>} : memref<64x64xf32, #tpu.memory_space<vmem>>, vector<16xf32>,
        tpu.vector_store %arg14[%swap3A_349, %swap3A_350], %mul3A_348 {strides = array<i32>} : memref<64x64xf32, #tpu.memory_space<vmem>>, vector<16xf32>,
        %get3A_352 = arith.index_cast %add3A_330 : i32 to index
        %get3A_353 = arith.constant 48 : index
        %get3A_354 = tpu.vector_load %arg14[%get3A_352, %get3A_353] {strides = array<i32>} : memref<64x64xf32, #tpu.memory_space<vmem>>, vector<16xf32>,
        %mul3A_355 = arith.mulf %get3A_354, %broadcast_in_dim3A_326 : vector<16xf32>
        %swap3A_356 = arith.index_cast %add3A_330 : i32 to index
        %swap3A_357 = arith.constant 48 : index
        %swap3A_358 = tpu.vector_load %arg14[%swap3A_356, %swap3A_357] {strides = array<i32>} : memref<64x64xf32, #tpu.memory_space<vmem>>, vector<16xf32>,
        tpu.vector_store %arg14[%swap3A_356, %swap3A_357], %mul3A_355 {strides = array<i32>} : memref<64x64xf32, #tpu.memory_space<vmem>>, vector<16xf32>,
        %slice3A_359 = vector.extract_strided_slice %get3A_256 {offsets = [3], sizes = [1], strides = [1]} : vector<16xf32> to vector<1xf32>
        %squeeze3A_360 = vector.extract %slice3A_359[0] : f32 from vector<1xf32>
        %broadcast_in_dim3A_361 = vector.broadcast %squeeze3A_360 : f32 to vector<16xf32>
        %mul3A_362 = arith.constant 16 : i32
        %mul3A_363 = arith.muli %scan3A_252, %mul3A_362 : i32
        %add3A_364 = arith.constant 3 : i32
        %add3A_365 = arith.addi %mul3A_363, %add3A_364 : i32
        %get3A_366 = arith.index_cast %add3A_365 : i32 to index
        %get3A_367 = arith.constant 0 : index
        %get3A_368 = tpu.vector_load %arg14[%get3A_366, %get3A_367] {strides = array<i32>} : memref<64x64xf32, #tpu.memory_space<vmem>>, vector<16xf32>,
        %mul3A_369 = arith.mulf %get3A_368, %broadcast_in_dim3A_361 : vector<16xf32>
        %swap3A_370 = arith.index_cast %add3A_365 : i32 to index
        %swap3A_371 = arith.constant 0 : index
        %swap3A_372 = tpu.vector_load %arg14[%swap3A_370, %swap3A_371] {strides = array<i32>} : memref<64x64xf32, #tpu.memory_space<vmem>>, vector<16xf32>,
        tpu.vector_store %arg14[%swap3A_370, %swap3A_371], %mul3A_369 {strides = array<i32>} : memref<64x64xf32, #tpu.memory_space<vmem>>, vector<16xf32>,
        %get3A_373 = arith.index_cast %add3A_365 : i32 to index
        %get3A_374 = arith.constant 16 : index
        %get3A_375 = tpu.vector_load %arg14[%get3A_373, %get3A_374] {strides = array<i32>} : memref<64x64xf32, #tpu.memory_space<vmem>>, vector<16xf32>,
        %mul3A_376 = arith.mulf %get3A_375, %broadcast_in_dim3A_361 : vector<16xf32>
        %swap3A_377 = arith.index_cast %add3A_365 : i32 to index
        %swap3A_378 = arith.constant 16 : index
        %swap3A_379 = tpu.vector_load %arg14[%swap3A_377, %swap3A_378] {strides = array<i32>} : memref<64x64xf32, #tpu.memory_space<vmem>>, vector<16xf32>,
        tpu.vector_store %arg14[%swap3A_377, %swap3A_378], %mul3A_376 {strides = array<i32>} : memref<64x64xf32, #tpu.memory_space<vmem>>, vector<16xf32>,
        %get3A_380 = arith.index_cast %add3A_365 : i32 to index
        %get3A_381 = arith.constant 32 : index
        %get3A_382 = tpu.vector_load %arg14[%get3A_380, %get3A_381] {strides = array<i32>} : memref<64x64xf32, #tpu.memory_space<vmem>>, vector<16xf32>,
        %mul3A_383 = arith.mulf %get3A_382, %broadcast_in_dim3A_361 : vector<16xf32>
        %swap3A_384 = arith.index_cast %add3A_365 : i32 to index
        %swap3A_385 = arith.constant 32 : index
        %swap3A_386 = tpu.vector_load %arg14[%swap3A_384, %swap3A_385] {strides = array<i32>} : memref<64x64xf32, #tpu.memory_space<vmem>>, vector<16xf32>,
        tpu.vector_store %arg14[%swap3A_384, %swap3A_385], %mul3A_383 {strides = array<i32>} : memref<64x64xf32, #tpu.memory_space<vmem>>, vector<16xf32>,
        %get3A_387 = arith.index_cast %add3A_365 : i32 to index
        %get3A_388 = arith.constant 48 : index
        %get3A_389 = tpu.vector_load %arg14[%get3A_387, %get3A_388] {strides = array<i32>} : memref<64x64xf32, #tpu.memory_space<vmem>>, vector<16xf32>,
        %mul3A_390 = arith.mulf %get3A_389, %broadcast_in_dim3A_361 : vector<16xf32>
        %swap3A_391 = arith.index_cast %add3A_365 : i32 to index
        %swap3A_392 = arith.constant 48 : index
        %swap3A_393 = tpu.vector_load %arg14[%swap3A_391, %swap3A_392] {strides = array<i32>} : memref<64x64xf32, #tpu.memory_space<vmem>>, vector<16xf32>,
        tpu.vector_store %arg14[%swap3A_391, %swap3A_392], %mul3A_390 {strides = array<i32>} : memref<64x64xf32, #tpu.memory_space<vmem>>, vector<16xf32>,
        %slice3A_394 = vector.extract_strided_slice %get3A_256 {offsets = [4], sizes = [1], strides = [1]} : vector<16xf32> to vector<1xf32>
        %squeeze3A_395 = vector.extract %slice3A_394[0] : f32 from vector<1xf32>
        %broadcast_in_dim3A_396 = vector.broadcast %squeeze3A_395 : f32 to vector<16xf32>
        %mul3A_397 = arith.constant 16 : i32
        %mul3A_398 = arith.muli %scan3A_252, %mul3A_397 : i32
        %add3A_399 = arith.constant 4 : i32
        %add3A_400 = arith.addi %mul3A_398, %add3A_399 : i32
        %get3A_401 = arith.index_cast %add3A_400 : i32 to index
        %get3A_402 = arith.constant 0 : index
        %get3A_403 = tpu.vector_load %arg14[%get3A_401, %get3A_402] {strides = array<i32>} : memref<64x64xf32, #tpu.memory_space<vmem>>, vector<16xf32>,
        %mul3A_404 = arith.mulf %get3A_403, %broadcast_in_dim3A_396 : vector<16xf32>
        %swap3A_405 = arith.index_cast %add3A_400 : i32 to index
        %swap3A_406 = arith.constant 0 : index
        %swap3A_407 = tpu.vector_load %arg14[%swap3A_405, %swap3A_406] {strides = array<i32>} : memref<64x64xf32, #tpu.memory_space<vmem>>, vector<16xf32>,
        tpu.vector_store %arg14[%swap3A_405, %swap3A_406], %mul3A_404 {strides = array<i32>} : memref<64x64xf32, #tpu.memory_space<vmem>>, vector<16xf32>,
        %get3A_408 = arith.index_cast %add3A_400 : i32 to index
        %get3A_409 = arith.constant 16 : index
        %get3A_410 = tpu.vector_load %arg14[%get3A_408, %get3A_409] {strides = array<i32>} : memref<64x64xf32, #tpu.memory_space<vmem>>, vector<16xf32>,
        %mul3A_411 = arith.mulf %get3A_410, %broadcast_in_dim3A_396 : vector<16xf32>
        %swap3A_412 = arith.index_cast %add3A_400 : i32 to index
        %swap3A_413 = arith.constant 16 : index
        %swap3A_414 = tpu.vector_load %arg14[%swap3A_412, %swap3A_413] {strides = array<i32>} : memref<64x64xf32, #tpu.memory_space<vmem>>, vector<16xf32>,
        tpu.vector_store %arg14[%swap3A_412, %swap3A_413], %mul3A_411 {strides = array<i32>} : memref<64x64xf32, #tpu.memory_space<vmem>>, vector<16xf32>,
        %get3A_415 = arith.index_cast %add3A_400 : i32 to index
        %get3A_416 = arith.constant 32 : index
        %get3A_417 = tpu.vector_load %arg14[%get3A_415, %get3A_416] {strides = array<i32>} : memref<64x64xf32, #tpu.memory_space<vmem>>, vector<16xf32>,
        %mul3A_418 = arith.mulf %get3A_417, %broadcast_in_dim3A_396 : vector<16xf32>
        %swap3A_419 = arith.index_cast %add3A_400 : i32 to index
        %swap3A_420 = arith.constant 32 : index
        %swap3A_421 = tpu.vector_load %arg14[%swap3A_419, %swap3A_420] {strides = array<i32>} : memref<64x64xf32, #tpu.memory_space<vmem>>, vector<16xf32>,
        tpu.vector_store %arg14[%swap3A_419, %swap3A_420], %mul3A_418 {strides = array<i32>} : memref<64x64xf32, #tpu.memory_space<vmem>>, vector<16xf32>,
        %get3A_422 = arith.index_cast %add3A_400 : i32 to index
        %get3A_423 = arith.constant 48 : index
        %get3A_424 = tpu.vector_load %arg14[%get3A_422, %get3A_423] {strides = array<i32>} : memref<64x64xf32, #tpu.memory_space<vmem>>, vector<16xf32>,
        %mul3A_425 = arith.mulf %get3A_424, %broadcast_in_dim3A_396 : vector<16xf32>
        %swap3A_426 = arith.index_cast %add3A_400 : i32 to index
        %swap3A_427 = arith.constant 48 : index
        %swap3A_428 = tpu.vector_load %arg14[%swap3A_426, %swap3A_427] {strides = array<i32>} : memref<64x64xf32, #tpu.memory_space<vmem>>, vector<16xf32>,
        tpu.vector_store %arg14[%swap3A_426, %swap3A_427], %mul3A_425 {strides = array<i32>} : memref<64x64xf32, #tpu.memory_space<vmem>>, vector<16xf32>,
        %slice3A_429 = vector.extract_strided_slice %get3A_256 {offsets = [5], sizes = [1], strides = [1]} : vector<16xf32> to vector<1xf32>
        %squeeze3A_430 = vector.extract %slice3A_429[0] : f32 from vector<1xf32>
        %broadcast_in_dim3A_431 = vector.broadcast %squeeze3A_430 : f32 to vector<16xf32>
        %mul3A_432 = arith.constant 16 : i32
        %mul3A_433 = arith.muli %scan3A_252, %mul3A_432 : i32
        %add3A_434 = arith.constant 5 : i32
        %add3A_435 = arith.addi %mul3A_433, %add3A_434 : i32
        %get3A_436 = arith.index_cast %add3A_435 : i32 to index
        %get3A_437 = arith.constant 0 : index
        %get3A_438 = tpu.vector_load %arg14[%get3A_436, %get3A_437] {strides = array<i32>} : memref<64x64xf32, #tpu.memory_space<vmem>>, vector<16xf32>,
        %mul3A_439 = arith.mulf %get3A_438, %broadcast_in_dim3A_431 : vector<16xf32>
        %swap3A_440 = arith.index_cast %add3A_435 : i32 to index
        %swap3A_441 = arith.constant 0 : index
        %swap3A_442 = tpu.vector_load %arg14[%swap3A_440, %swap3A_441] {strides = array<i32>} : memref<64x64xf32, #tpu.memory_space<vmem>>, vector<16xf32>,
        tpu.vector_store %arg14[%swap3A_440, %swap3A_441], %mul3A_439 {strides = array<i32>} : memref<64x64xf32, #tpu.memory_space<vmem>>, vector<16xf32>,
        %get3A_443 = arith.index_cast %add3A_435 : i32 to index
        %get3A_444 = arith.constant 16 : index
        %get3A_445 = tpu.vector_load %arg14[%get3A_443, %get3A_444] {strides = array<i32>} : memref<64x64xf32, #tpu.memory_space<vmem>>, vector<16xf32>,
        %mul3A_446 = arith.mulf %get3A_445, %broadcast_in_dim3A_431 : vector<16xf32>
        %swap3A_447 = arith.index_cast %add3A_435 : i32 to index
        %swap3A_448 = arith.constant 16 : index
        %swap3A_449 = tpu.vector_load %arg14[%swap3A_447, %swap3A_448] {strides = array<i32>} : memref<64x64xf32, #tpu.memory_space<vmem>>, vector<16xf32>,
        tpu.vector_store %arg14[%swap3A_447, %swap3A_448], %mul3A_446 {strides = array<i32>} : memref<64x64xf32, #tpu.memory_space<vmem>>, vector<16xf32>,
        %get3A_450 = arith.index_cast %add3A_435 : i32 to index
        %get3A_451 = arith.constant 32 : index
        %get3A_452 = tpu.vector_load %arg14[%get3A_450, %get3A_451] {strides = array<i32>} : memref<64x64xf32, #tpu.memory_space<vmem>>, vector<16xf32>,
        %mul3A_453 = arith.mulf %get3A_452, %broadcast_in_dim3A_431 : vector<16xf32>
        %swap3A_454 = arith.index_cast %add3A_435 : i32 to index
        %swap3A_455 = arith.constant 32 : index
        %swap3A_456 = tpu.vector_load %arg14[%swap3A_454, %swap3A_455] {strides = array<i32>} : memref<64x64xf32, #tpu.memory_space<vmem>>, vector<16xf32>,
        tpu.vector_store %arg14[%swap3A_454, %swap3A_455], %mul3A_453 {strides = array<i32>} : memref<64x64xf32, #tpu.memory_space<vmem>>, vector<16xf32>,
        %get3A_457 = arith.index_cast %add3A_435 : i32 to index
        %get3A_458 = arith.constant 48 : index
        %get3A_459 = tpu.vector_load %arg14[%get3A_457, %get3A_458] {strides = array<i32>} : memref<64x64xf32, #tpu.memory_space<vmem>>, vector<16xf32>,
        %mul3A_460 = arith.mulf %get3A_459, %broadcast_in_dim3A_431 : vector<16xf32>
        %swap3A_461 = arith.index_cast %add3A_435 : i32 to index
        %swap3A_462 = arith.constant 48 : index
        %swap3A_463 = tpu.vector_load %arg14[%swap3A_461, %swap3A_462] {strides = array<i32>} : memref<64x64xf32, #tpu.memory_space<vmem>>, vector<16xf32>,
        tpu.vector_store %arg14[%swap3A_461, %swap3A_462], %mul3A_460 {strides = array<i32>} : memref<64x64xf32, #tpu.memory_space<vmem>>, vector<16xf32>,
        %slice3A_464 = vector.extract_strided_slice %get3A_256 {offsets = [6], sizes = [1], strides = [1]} : vector<16xf32> to vector<1xf32>
        %squeeze3A_465 = vector.extract %slice3A_464[0] : f32 from vector<1xf32>
        %broadcast_in_dim3A_466 = vector.broadcast %squeeze3A_465 : f32 to vector<16xf32>
        %mul3A_467 = arith.constant 16 : i32
        %mul3A_468 = arith.muli %scan3A_252, %mul3A_467 : i32
        %add3A_469 = arith.constant 6 : i32
        %add3A_470 = arith.addi %mul3A_468, %add3A_469 : i32
        %get3A_471 = arith.index_cast %add3A_470 : i32 to index
        %get3A_472 = arith.constant 0 : index
        %get3A_473 = tpu.vector_load %arg14[%get3A_471, %get3A_472] {strides = array<i32>} : memref<64x64xf32, #tpu.memory_space<vmem>>, vector<16xf32>,
        %mul3A_474 = arith.mulf %get3A_473, %broadcast_in_dim3A_466 : vector<16xf32>
        %swap3A_475 = arith.index_cast %add3A_470 : i32 to index
        %swap3A_476 = arith.constant 0 : index
        %swap3A_477 = tpu.vector_load %arg14[%swap3A_475, %swap3A_476] {strides = array<i32>} : memref<64x64xf32, #tpu.memory_space<vmem>>, vector<16xf32>,
        tpu.vector_store %arg14[%swap3A_475, %swap3A_476], %mul3A_474 {strides = array<i32>} : memref<64x64xf32, #tpu.memory_space<vmem>>, vector<16xf32>,
        %get3A_478 = arith.index_cast %add3A_470 : i32 to index
        %get3A_479 = arith.constant 16 : index
        %get3A_480 = tpu.vector_load %arg14[%get3A_478, %get3A_479] {strides = array<i32>} : memref<64x64xf32, #tpu.memory_space<vmem>>, vector<16xf32>,
        %mul3A_481 = arith.mulf %get3A_480, %broadcast_in_dim3A_466 : vector<16xf32>
        %swap3A_482 = arith.index_cast %add3A_470 : i32 to index
        %swap3A_483 = arith.constant 16 : index
        %swap3A_484 = tpu.vector_load %arg14[%swap3A_482, %swap3A_483] {strides = array<i32>} : memref<64x64xf32, #tpu.memory_space<vmem>>, vector<16xf32>,
        tpu.vector_store %arg14[%swap3A_482, %swap3A_483], %mul3A_481 {strides = array<i32>} : memref<64x64xf32, #tpu.memory_space<vmem>>, vector<16xf32>,
        %get3A_485 = arith.index_cast %add3A_470 : i32 to index
        %get3A_486 = arith.constant 32 : index
        %get3A_487 = tpu.vector_load %arg14[%get3A_485, %get3A_486] {strides = array<i32>} : memref<64x64xf32, #tpu.memory_space<vmem>>, vector<16xf32>,
        %mul3A_488 = arith.mulf %get3A_487, %broadcast_in_dim3A_466 : vector<16xf32>
        %swap3A_489 = arith.index_cast %add3A_470 : i32 to index
        %swap3A_490 = arith.constant 32 : index
        %swap3A_491 = tpu.vector_load %arg14[%swap3A_489, %swap3A_490] {strides = array<i32>} : memref<64x64xf32, #tpu.memory_space<vmem>>, vector<16xf32>,
        tpu.vector_store %arg14[%swap3A_489, %swap3A_490], %mul3A_488 {strides = array<i32>} : memref<64x64xf32, #tpu.memory_space<vmem>>, vector<16xf32>,
        %get3A_492 = arith.index_cast %add3A_470 : i32 to index
        %get3A_493 = arith.constant 48 : index
        %get3A_494 = tpu.vector_load %arg14[%get3A_492, %get3A_493] {strides = array<i32>} : memref<64x64xf32, #tpu.memory_space<vmem>>, vector<16xf32>,
        %mul3A_495 = arith.mulf %get3A_494, %broadcast_in_dim3A_466 : vector<16xf32>
        %swap3A_496 = arith.index_cast %add3A_470 : i32 to index
        %swap3A_497 = arith.constant 48 : index
        %swap3A_498 = tpu.vector_load %arg14[%swap3A_496, %swap3A_497] {strides = array<i32>} : memref<64x64xf32, #tpu.memory_space<vmem>>, vector<16xf32>,
        tpu.vector_store %arg14[%swap3A_496, %swap3A_497], %mul3A_495 {strides = array<i32>} : memref<64x64xf32, #tpu.memory_space<vmem>>, vector<16xf32>,
        %slice3A_499 = vector.extract_strided_slice %get3A_256 {offsets = [7], sizes = [1], strides = [1]} : vector<16xf32> to vector<1xf32>
        %squeeze3A_500 = vector.extract %slice3A_499[0] : f32 from vector<1xf32>
        %broadcast_in_dim3A_501 = vector.broadcast %squeeze3A_500 : f32 to vector<16xf32>
        %mul3A_502 = arith.constant 16 : i32
        %mul3A_503 = arith.muli %scan3A_252, %mul3A_502 : i32
        %add3A_504 = arith.constant 7 : i32
        %add3A_505 = arith.addi %mul3A_503, %add3A_504 : i32
        %get3A_506 = arith.index_cast %add3A_505 : i32 to index
        %get3A_507 = arith.constant 0 : index
        %get3A_508 = tpu.vector_load %arg14[%get3A_506, %get3A_507] {strides = array<i32>} : memref<64x64xf32, #tpu.memory_space<vmem>>, vector<16xf32>,
        %mul3A_509 = arith.mulf %get3A_508, %broadcast_in_dim3A_501 : vector<16xf32>
        %swap3A_510 = arith.index_cast %add3A_505 : i32 to index
        %swap3A_511 = arith.constant 0 : index
        %swap3A_512 = tpu.vector_load %arg14[%swap3A_510, %swap3A_511] {strides = array<i32>} : memref<64x64xf32, #tpu.memory_space<vmem>>, vector<16xf32>,
        tpu.vector_store %arg14[%swap3A_510, %swap3A_511], %mul3A_509 {strides = array<i32>} : memref<64x64xf32, #tpu.memory_space<vmem>>, vector<16xf32>,
        %get3A_513 = arith.index_cast %add3A_505 : i32 to index
        %get3A_514 = arith.constant 16 : index
        %get3A_515 = tpu.vector_load %arg14[%get3A_513, %get3A_514] {strides = array<i32>} : memref<64x64xf32, #tpu.memory_space<vmem>>, vector<16xf32>,
        %mul3A_516 = arith.mulf %get3A_515, %broadcast_in_dim3A_501 : vector<16xf32>
        %swap3A_517 = arith.index_cast %add3A_505 : i32 to index
        %swap3A_518 = arith.constant 16 : index
        %swap3A_519 = tpu.vector_load %arg14[%swap3A_517, %swap3A_518] {strides = array<i32>} : memref<64x64xf32, #tpu.memory_space<vmem>>, vector<16xf32>,
        tpu.vector_store %arg14[%swap3A_517, %swap3A_518], %mul3A_516 {strides = array<i32>} : memref<64x64xf32, #tpu.memory_space<vmem>>, vector<16xf32>,
        %get3A_520 = arith.index_cast %add3A_505 : i32 to index
        %get3A_521 = arith.constant 32 : index
        %get3A_522 = tpu.vector_load %arg14[%get3A_520, %get3A_521] {strides = array<i32>} : memref<64x64xf32, #tpu.memory_space<vmem>>, vector<16xf32>,
        %mul3A_523 = arith.mulf %get3A_522, %broadcast_in_dim3A_501 : vector<16xf32>
        %swap3A_524 = arith.index_cast %add3A_505 : i32 to index
        %swap3A_525 = arith.constant 32 : index
        %swap3A_526 = tpu.vector_load %arg14[%swap3A_524, %swap3A_525] {strides = array<i32>} : memref<64x64xf32, #tpu.memory_space<vmem>>, vector<16xf32>,
        tpu.vector_store %arg14[%swap3A_524, %swap3A_525], %mul3A_523 {strides = array<i32>} : memref<64x64xf32, #tpu.memory_space<vmem>>, vector<16xf32>,
        %get3A_527 = arith.index_cast %add3A_505 : i32 to index
        %get3A_528 = arith.constant 48 : index
        %get3A_529 = tpu.vector_load %arg14[%get3A_527, %get3A_528] {strides = array<i32>} : memref<64x64xf32, #tpu.memory_space<vmem>>, vector<16xf32>,
        %mul3A_530 = arith.mulf %get3A_529, %broadcast_in_dim3A_501 : vector<16xf32>
        %swap3A_531 = arith.index_cast %add3A_505 : i32 to index
        %swap3A_532 = arith.constant 48 : index
        %swap3A_533 = tpu.vector_load %arg14[%swap3A_531, %swap3A_532] {strides = array<i32>} : memref<64x64xf32, #tpu.memory_space<vmem>>, vector<16xf32>,
        tpu.vector_store %arg14[%swap3A_531, %swap3A_532], %mul3A_530 {strides = array<i32>} : memref<64x64xf32, #tpu.memory_space<vmem>>, vector<16xf32>,
        %slice3A_534 = vector.extract_strided_slice %get3A_256 {offsets = [8], sizes = [1], strides = [1]} : vector<16xf32> to vector<1xf32>
        %squeeze3A_535 = vector.extract %slice3A_534[0] : f32 from vector<1xf32>
        %broadcast_in_dim3A_536 = vector.broadcast %squeeze3A_535 : f32 to vector<16xf32>
        %mul3A_537 = arith.constant 16 : i32
        %mul3A_538 = arith.muli %scan3A_252, %mul3A_537 : i32
        %add3A_539 = arith.constant 8 : i32
        %add3A_540 = arith.addi %mul3A_538, %add3A_539 : i32
        %get3A_541 = arith.index_cast %add3A_540 : i32 to index
        %get3A_542 = arith.constant 0 : index
        %get3A_543 = tpu.vector_load %arg14[%get3A_541, %get3A_542] {strides = array<i32>} : memref<64x64xf32, #tpu.memory_space<vmem>>, vector<16xf32>,
        %mul3A_544 = arith.mulf %get3A_543, %broadcast_in_dim3A_536 : vector<16xf32>
        %swap3A_545 = arith.index_cast %add3A_540 : i32 to index
        %swap3A_546 = arith.constant 0 : index
        %swap3A_547 = tpu.vector_load %arg14[%swap3A_545, %swap3A_546] {strides = array<i32>} : memref<64x64xf32, #tpu.memory_space<vmem>>, vector<16xf32>,
        tpu.vector_store %arg14[%swap3A_545, %swap3A_546], %mul3A_544 {strides = array<i32>} : memref<64x64xf32, #tpu.memory_space<vmem>>, vector<16xf32>,
        %get3A_548 = arith.index_cast %add3A_540 : i32 to index
        %get3A_549 = arith.constant 16 : index
        %get3A_550 = tpu.vector_load %arg14[%get3A_548, %get3A_549] {strides = array<i32>} : memref<64x64xf32, #tpu.memory_space<vmem>>, vector<16xf32>,
        %mul3A_551 = arith.mulf %get3A_550, %broadcast_in_dim3A_536 : vector<16xf32>
        %swap3A_552 = arith.index_cast %add3A_540 : i32 to index
        %swap3A_553 = arith.constant 16 : index
        %swap3A_554 = tpu.vector_load %arg14[%swap3A_552, %swap3A_553] {strides = array<i32>} : memref<64x64xf32, #tpu.memory_space<vmem>>, vector<16xf32>,
        tpu.vector_store %arg14[%swap3A_552, %swap3A_553], %mul3A_551 {strides = array<i32>} : memref<64x64xf32, #tpu.memory_space<vmem>>, vector<16xf32>,
        %get3A_555 = arith.index_cast %add3A_540 : i32 to index
        %get3A_556 = arith.constant 32 : index
        %get3A_557 = tpu.vector_load %arg14[%get3A_555, %get3A_556] {strides = array<i32>} : memref<64x64xf32, #tpu.memory_space<vmem>>, vector<16xf32>,
        %mul3A_558 = arith.mulf %get3A_557, %broadcast_in_dim3A_536 : vector<16xf32>
        %swap3A_559 = arith.index_cast %add3A_540 : i32 to index
        %swap3A_560 = arith.constant 32 : index
        %swap3A_561 = tpu.vector_load %arg14[%swap3A_559, %swap3A_560] {strides = array<i32>} : memref<64x64xf32, #tpu.memory_space<vmem>>, vector<16xf32>,
        tpu.vector_store %arg14[%swap3A_559, %swap3A_560], %mul3A_558 {strides = array<i32>} : memref<64x64xf32, #tpu.memory_space<vmem>>, vector<16xf32>,
        %get3A_562 = arith.index_cast %add3A_540 : i32 to index
        %get3A_563 = arith.constant 48 : index
        %get3A_564 = tpu.vector_load %arg14[%get3A_562, %get3A_563] {strides = array<i32>} : memref<64x64xf32, #tpu.memory_space<vmem>>, vector<16xf32>,
        %mul3A_565 = arith.mulf %get3A_564, %broadcast_in_dim3A_536 : vector<16xf32>
        %swap3A_566 = arith.index_cast %add3A_540 : i32 to index
        %swap3A_567 = arith.constant 48 : index
        %swap3A_568 = tpu.vector_load %arg14[%swap3A_566, %swap3A_567] {strides = array<i32>} : memref<64x64xf32, #tpu.memory_space<vmem>>, vector<16xf32>,
        tpu.vector_store %arg14[%swap3A_566, %swap3A_567], %mul3A_565 {strides = array<i32>} : memref<64x64xf32, #tpu.memory_space<vmem>>, vector<16xf32>,
        %slice3A_569 = vector.extract_strided_slice %get3A_256 {offsets = [9], sizes = [1], strides = [1]} : vector<16xf32> to vector<1xf32>
        %squeeze3A_570 = vector.extract %slice3A_569[0] : f32 from vector<1xf32>
        %broadcast_in_dim3A_571 = vector.broadcast %squeeze3A_570 : f32 to vector<16xf32>
        %mul3A_572 = arith.constant 16 : i32
        %mul3A_573 = arith.muli %scan3A_252, %mul3A_572 : i32
        %add3A_574 = arith.constant 9 : i32
        %add3A_575 = arith.addi %mul3A_573, %add3A_574 : i32
        %get3A_576 = arith.index_cast %add3A_575 : i32 to index
        %get3A_577 = arith.constant 0 : index
        %get3A_578 = tpu.vector_load %arg14[%get3A_576, %get3A_577] {strides = array<i32>} : memref<64x64xf32, #tpu.memory_space<vmem>>, vector<16xf32>,
        %mul3A_579 = arith.mulf %get3A_578, %broadcast_in_dim3A_571 : vector<16xf32>
        %swap3A_580 = arith.index_cast %add3A_575 : i32 to index
        %swap3A_581 = arith.constant 0 : index
        %swap3A_582 = tpu.vector_load %arg14[%swap3A_580, %swap3A_581] {strides = array<i32>} : memref<64x64xf32, #tpu.memory_space<vmem>>, vector<16xf32>,
        tpu.vector_store %arg14[%swap3A_580, %swap3A_581], %mul3A_579 {strides = array<i32>} : memref<64x64xf32, #tpu.memory_space<vmem>>, vector<16xf32>,
        %get3A_583 = arith.index_cast %add3A_575 : i32 to index
        %get3A_584 = arith.constant 16 : index
        %get3A_585 = tpu.vector_load %arg14[%get3A_583, %get3A_584] {strides = array<i32>} : memref<64x64xf32, #tpu.memory_space<vmem>>, vector<16xf32>,
        %mul3A_586 = arith.mulf %get3A_585, %broadcast_in_dim3A_571 : vector<16xf32>
        %swap3A_587 = arith.index_cast %add3A_575 : i32 to index
        %swap3A_588 = arith.constant 16 : index
        %swap3A_589 = tpu.vector_load %arg14[%swap3A_587, %swap3A_588] {strides = array<i32>} : memref<64x64xf32, #tpu.memory_space<vmem>>, vector<16xf32>,
        tpu.vector_store %arg14[%swap3A_587, %swap3A_588], %mul3A_586 {strides = array<i32>} : memref<64x64xf32, #tpu.memory_space<vmem>>, vector<16xf32>,
        %get3A_590 = arith.index_cast %add3A_575 : i32 to index
        %get3A_591 = arith.constant 32 : index
        %get3A_592 = tpu.vector_load %arg14[%get3A_590, %get3A_591] {strides = array<i32>} : memref<64x64xf32, #tpu.memory_space<vmem>>, vector<16xf32>,
        %mul3A_593 = arith.mulf %get3A_592, %broadcast_in_dim3A_571 : vector<16xf32>
        %swap3A_594 = arith.index_cast %add3A_575 : i32 to index
        %swap3A_595 = arith.constant 32 : index
        %swap3A_596 = tpu.vector_load %arg14[%swap3A_594, %swap3A_595] {strides = array<i32>} : memref<64x64xf32, #tpu.memory_space<vmem>>, vector<16xf32>,
        tpu.vector_store %arg14[%swap3A_594, %swap3A_595], %mul3A_593 {strides = array<i32>} : memref<64x64xf32, #tpu.memory_space<vmem>>, vector<16xf32>,
        %get3A_597 = arith.index_cast %add3A_575 : i32 to index
        %get3A_598 = arith.constant 48 : index
        %get3A_599 = tpu.vector_load %arg14[%get3A_597, %get3A_598] {strides = array<i32>} : memref<64x64xf32, #tpu.memory_space<vmem>>, vector<16xf32>,
        %mul3A_600 = arith.mulf %get3A_599, %broadcast_in_dim3A_571 : vector<16xf32>
        %swap3A_601 = arith.index_cast %add3A_575 : i32 to index
        %swap3A_602 = arith.constant 48 : index
        %swap3A_603 = tpu.vector_load %arg14[%swap3A_601, %swap3A_602] {strides = array<i32>} : memref<64x64xf32, #tpu.memory_space<vmem>>, vector<16xf32>,
        tpu.vector_store %arg14[%swap3A_601, %swap3A_602], %mul3A_600 {strides = array<i32>} : memref<64x64xf32, #tpu.memory_space<vmem>>, vector<16xf32>,
        %slice3A_604 = vector.extract_strided_slice %get3A_256 {offsets = [10], sizes = [1], strides = [1]} : vector<16xf32> to vector<1xf32>
        %squeeze3A_605 = vector.extract %slice3A_604[0] : f32 from vector<1xf32>
        %broadcast_in_dim3A_606 = vector.broadcast %squeeze3A_605 : f32 to vector<16xf32>
        %mul3A_607 = arith.constant 16 : i32
        %mul3A_608 = arith.muli %scan3A_252, %mul3A_607 : i32
        %add3A_609 = arith.constant 10 : i32
        %add3A_610 = arith.addi %mul3A_608, %add3A_609 : i32
        %get3A_611 = arith.index_cast %add3A_610 : i32 to index
        %get3A_612 = arith.constant 0 : index
        %get3A_613 = tpu.vector_load %arg14[%get3A_611, %get3A_612] {strides = array<i32>} : memref<64x64xf32, #tpu.memory_space<vmem>>, vector<16xf32>,
        %mul3A_614 = arith.mulf %get3A_613, %broadcast_in_dim3A_606 : vector<16xf32>
        %swap3A_615 = arith.index_cast %add3A_610 : i32 to index
        %swap3A_616 = arith.constant 0 : index
        %swap3A_617 = tpu.vector_load %arg14[%swap3A_615, %swap3A_616] {strides = array<i32>} : memref<64x64xf32, #tpu.memory_space<vmem>>, vector<16xf32>,
        tpu.vector_store %arg14[%swap3A_615, %swap3A_616], %mul3A_614 {strides = array<i32>} : memref<64x64xf32, #tpu.memory_space<vmem>>, vector<16xf32>,
        %get3A_618 = arith.index_cast %add3A_610 : i32 to index
        %get3A_619 = arith.constant 16 : index
        %get3A_620 = tpu.vector_load %arg14[%get3A_618, %get3A_619] {strides = array<i32>} : memref<64x64xf32, #tpu.memory_space<vmem>>, vector<16xf32>,
        %mul3A_621 = arith.mulf %get3A_620, %broadcast_in_dim3A_606 : vector<16xf32>
        %swap3A_622 = arith.index_cast %add3A_610 : i32 to index
        %swap3A_623 = arith.constant 16 : index
        %swap3A_624 = tpu.vector_load %arg14[%swap3A_622, %swap3A_623] {strides = array<i32>} : memref<64x64xf32, #tpu.memory_space<vmem>>, vector<16xf32>,
        tpu.vector_store %arg14[%swap3A_622, %swap3A_623], %mul3A_621 {strides = array<i32>} : memref<64x64xf32, #tpu.memory_space<vmem>>, vector<16xf32>,
        %get3A_625 = arith.index_cast %add3A_610 : i32 to index
        %get3A_626 = arith.constant 32 : index
        %get3A_627 = tpu.vector_load %arg14[%get3A_625, %get3A_626] {strides = array<i32>} : memref<64x64xf32, #tpu.memory_space<vmem>>, vector<16xf32>,
        %mul3A_628 = arith.mulf %get3A_627, %broadcast_in_dim3A_606 : vector<16xf32>
        %swap3A_629 = arith.index_cast %add3A_610 : i32 to index
        %swap3A_630 = arith.constant 32 : index
        %swap3A_631 = tpu.vector_load %arg14[%swap3A_629, %swap3A_630] {strides = array<i32>} : memref<64x64xf32, #tpu.memory_space<vmem>>, vector<16xf32>,
        tpu.vector_store %arg14[%swap3A_629, %swap3A_630], %mul3A_628 {strides = array<i32>} : memref<64x64xf32, #tpu.memory_space<vmem>>, vector<16xf32>,
        %get3A_632 = arith.index_cast %add3A_610 : i32 to index
        %get3A_633 = arith.constant 48 : index
        %get3A_634 = tpu.vector_load %arg14[%get3A_632, %get3A_633] {strides = array<i32>} : memref<64x64xf32, #tpu.memory_space<vmem>>, vector<16xf32>,
        %mul3A_635 = arith.mulf %get3A_634, %broadcast_in_dim3A_606 : vector<16xf32>
        %swap3A_636 = arith.index_cast %add3A_610 : i32 to index
        %swap3A_637 = arith.constant 48 : index
        %swap3A_638 = tpu.vector_load %arg14[%swap3A_636, %swap3A_637] {strides = array<i32>} : memref<64x64xf32, #tpu.memory_space<vmem>>, vector<16xf32>,
        tpu.vector_store %arg14[%swap3A_636, %swap3A_637], %mul3A_635 {strides = array<i32>} : memref<64x64xf32, #tpu.memory_space<vmem>>, vector<16xf32>,
        %slice3A_639 = vector.extract_strided_slice %get3A_256 {offsets = [11], sizes = [1], strides = [1]} : vector<16xf32> to vector<1xf32>
        %squeeze3A_640 = vector.extract %slice3A_639[0] : f32 from vector<1xf32>
        %broadcast_in_dim3A_641 = vector.broadcast %squeeze3A_640 : f32 to vector<16xf32>
        %mul3A_642 = arith.constant 16 : i32
        %mul3A_643 = arith.muli %scan3A_252, %mul3A_642 : i32
        %add3A_644 = arith.constant 11 : i32
        %add3A_645 = arith.addi %mul3A_643, %add3A_644 : i32
        %get3A_646 = arith.index_cast %add3A_645 : i32 to index
        %get3A_647 = arith.constant 0 : index
        %get3A_648 = tpu.vector_load %arg14[%get3A_646, %get3A_647] {strides = array<i32>} : memref<64x64xf32, #tpu.memory_space<vmem>>, vector<16xf32>,
        %mul3A_649 = arith.mulf %get3A_648, %broadcast_in_dim3A_641 : vector<16xf32>
        %swap3A_650 = arith.index_cast %add3A_645 : i32 to index
        %swap3A_651 = arith.constant 0 : index
        %swap3A_652 = tpu.vector_load %arg14[%swap3A_650, %swap3A_651] {strides = array<i32>} : memref<64x64xf32, #tpu.memory_space<vmem>>, vector<16xf32>,
        tpu.vector_store %arg14[%swap3A_650, %swap3A_651], %mul3A_649 {strides = array<i32>} : memref<64x64xf32, #tpu.memory_space<vmem>>, vector<16xf32>,
        %get3A_653 = arith.index_cast %add3A_645 : i32 to index
        %get3A_654 = arith.constant 16 : index
        %get3A_655 = tpu.vector_load %arg14[%get3A_653, %get3A_654] {strides = array<i32>} : memref<64x64xf32, #tpu.memory_space<vmem>>, vector<16xf32>,
        %mul3A_656 = arith.mulf %get3A_655, %broadcast_in_dim3A_641 : vector<16xf32>
        %swap3A_657 = arith.index_cast %add3A_645 : i32 to index
        %swap3A_658 = arith.constant 16 : index
        %swap3A_659 = tpu.vector_load %arg14[%swap3A_657, %swap3A_658] {strides = array<i32>} : memref<64x64xf32, #tpu.memory_space<vmem>>, vector<16xf32>,
        tpu.vector_store %arg14[%swap3A_657, %swap3A_658], %mul3A_656 {strides = array<i32>} : memref<64x64xf32, #tpu.memory_space<vmem>>, vector<16xf32>,
        %get3A_660 = arith.index_cast %add3A_645 : i32 to index
        %get3A_661 = arith.constant 32 : index
        %get3A_662 = tpu.vector_load %arg14[%get3A_660, %get3A_661] {strides = array<i32>} : memref<64x64xf32, #tpu.memory_space<vmem>>, vector<16xf32>,
        %mul3A_663 = arith.mulf %get3A_662, %broadcast_in_dim3A_641 : vector<16xf32>
        %swap3A_664 = arith.index_cast %add3A_645 : i32 to index
        %swap3A_665 = arith.constant 32 : index
        %swap3A_666 = tpu.vector_load %arg14[%swap3A_664, %swap3A_665] {strides = array<i32>} : memref<64x64xf32, #tpu.memory_space<vmem>>, vector<16xf32>,
        tpu.vector_store %arg14[%swap3A_664, %swap3A_665], %mul3A_663 {strides = array<i32>} : memref<64x64xf32, #tpu.memory_space<vmem>>, vector<16xf32>,
        %get3A_667 = arith.index_cast %add3A_645 : i32 to index
        %get3A_668 = arith.constant 48 : index
        %get3A_669 = tpu.vector_load %arg14[%get3A_667, %get3A_668] {strides = array<i32>} : memref<64x64xf32, #tpu.memory_space<vmem>>, vector<16xf32>,
        %mul3A_670 = arith.mulf %get3A_669, %broadcast_in_dim3A_641 : vector<16xf32>
        %swap3A_671 = arith.index_cast %add3A_645 : i32 to index
        %swap3A_672 = arith.constant 48 : index
        %swap3A_673 = tpu.vector_load %arg14[%swap3A_671, %swap3A_672] {strides = array<i32>} : memref<64x64xf32, #tpu.memory_space<vmem>>, vector<16xf32>,
        tpu.vector_store %arg14[%swap3A_671, %swap3A_672], %mul3A_670 {strides = array<i32>} : memref<64x64xf32, #tpu.memory_space<vmem>>, vector<16xf32>,
        %slice3A_674 = vector.extract_strided_slice %get3A_256 {offsets = [12], sizes = [1], strides = [1]} : vector<16xf32> to vector<1xf32>
        %squeeze3A_675 = vector.extract %slice3A_674[0] : f32 from vector<1xf32>
        %broadcast_in_dim3A_676 = vector.broadcast %squeeze3A_675 : f32 to vector<16xf32>
        %mul3A_677 = arith.constant 16 : i32
        %mul3A_678 = arith.muli %scan3A_252, %mul3A_677 : i32
        %add3A_679 = arith.constant 12 : i32
        %add3A_680 = arith.addi %mul3A_678, %add3A_679 : i32
        %get3A_681 = arith.index_cast %add3A_680 : i32 to index
        %get3A_682 = arith.constant 0 : index
        %get3A_683 = tpu.vector_load %arg14[%get3A_681, %get3A_682] {strides = array<i32>} : memref<64x64xf32, #tpu.memory_space<vmem>>, vector<16xf32>,
        %mul3A_684 = arith.mulf %get3A_683, %broadcast_in_dim3A_676 : vector<16xf32>
        %swap3A_685 = arith.index_cast %add3A_680 : i32 to index
        %swap3A_686 = arith.constant 0 : index
        %swap3A_687 = tpu.vector_load %arg14[%swap3A_685, %swap3A_686] {strides = array<i32>} : memref<64x64xf32, #tpu.memory_space<vmem>>, vector<16xf32>,
        tpu.vector_store %arg14[%swap3A_685, %swap3A_686], %mul3A_684 {strides = array<i32>} : memref<64x64xf32, #tpu.memory_space<vmem>>, vector<16xf32>,
        %get3A_688 = arith.index_cast %add3A_680 : i32 to index
        %get3A_689 = arith.constant 16 : index
        %get3A_690 = tpu.vector_load %arg14[%get3A_688, %get3A_689] {strides = array<i32>} : memref<64x64xf32, #tpu.memory_space<vmem>>, vector<16xf32>,
        %mul3A_691 = arith.mulf %get3A_690, %broadcast_in_dim3A_676 : vector<16xf32>
        %swap3A_692 = arith.index_cast %add3A_680 : i32 to index
        %swap3A_693 = arith.constant 16 : index
        %swap3A_694 = tpu.vector_load %arg14[%swap3A_692, %swap3A_693] {strides = array<i32>} : memref<64x64xf32, #tpu.memory_space<vmem>>, vector<16xf32>,
        tpu.vector_store %arg14[%swap3A_692, %swap3A_693], %mul3A_691 {strides = array<i32>} : memref<64x64xf32, #tpu.memory_space<vmem>>, vector<16xf32>,
        %get3A_695 = arith.index_cast %add3A_680 : i32 to index
        %get3A_696 = arith.constant 32 : index
        %get3A_697 = tpu.vector_load %arg14[%get3A_695, %get3A_696] {strides = array<i32>} : memref<64x64xf32, #tpu.memory_space<vmem>>, vector<16xf32>,
        %mul3A_698 = arith.mulf %get3A_697, %broadcast_in_dim3A_676 : vector<16xf32>
        %swap3A_699 = arith.index_cast %add3A_680 : i32 to index
        %swap3A_700 = arith.constant 32 : index
        %swap3A_701 = tpu.vector_load %arg14[%swap3A_699, %swap3A_700] {strides = array<i32>} : memref<64x64xf32, #tpu.memory_space<vmem>>, vector<16xf32>,
        tpu.vector_store %arg14[%swap3A_699, %swap3A_700], %mul3A_698 {strides = array<i32>} : memref<64x64xf32, #tpu.memory_space<vmem>>, vector<16xf32>,
        %get3A_702 = arith.index_cast %add3A_680 : i32 to index
        %get3A_703 = arith.constant 48 : index
        %get3A_704 = tpu.vector_load %arg14[%get3A_702, %get3A_703] {strides = array<i32>} : memref<64x64xf32, #tpu.memory_space<vmem>>, vector<16xf32>,
        %mul3A_705 = arith.mulf %get3A_704, %broadcast_in_dim3A_676 : vector<16xf32>
        %swap3A_706 = arith.index_cast %add3A_680 : i32 to index
        %swap3A_707 = arith.constant 48 : index
        %swap3A_708 = tpu.vector_load %arg14[%swap3A_706, %swap3A_707] {strides = array<i32>} : memref<64x64xf32, #tpu.memory_space<vmem>>, vector<16xf32>,
        tpu.vector_store %arg14[%swap3A_706, %swap3A_707], %mul3A_705 {strides = array<i32>} : memref<64x64xf32, #tpu.memory_space<vmem>>, vector<16xf32>,
        %slice3A_709 = vector.extract_strided_slice %get3A_256 {offsets = [13], sizes = [1], strides = [1]} : vector<16xf32> to vector<1xf32>
        %squeeze3A_710 = vector.extract %slice3A_709[0] : f32 from vector<1xf32>
        %broadcast_in_dim3A_711 = vector.broadcast %squeeze3A_710 : f32 to vector<16xf32>
        %mul3A_712 = arith.constant 16 : i32
        %mul3A_713 = arith.muli %scan3A_252, %mul3A_712 : i32
        %add3A_714 = arith.constant 13 : i32
        %add3A_715 = arith.addi %mul3A_713, %add3A_714 : i32
        %get3A_716 = arith.index_cast %add3A_715 : i32 to index
        %get3A_717 = arith.constant 0 : index
        %get3A_718 = tpu.vector_load %arg14[%get3A_716, %get3A_717] {strides = array<i32>} : memref<64x64xf32, #tpu.memory_space<vmem>>, vector<16xf32>,
        %mul3A_719 = arith.mulf %get3A_718, %broadcast_in_dim3A_711 : vector<16xf32>
        %swap3A_720 = arith.index_cast %add3A_715 : i32 to index
        %swap3A_721 = arith.constant 0 : index
        %swap3A_722 = tpu.vector_load %arg14[%swap3A_720, %swap3A_721] {strides = array<i32>} : memref<64x64xf32, #tpu.memory_space<vmem>>, vector<16xf32>,
        tpu.vector_store %arg14[%swap3A_720, %swap3A_721], %mul3A_719 {strides = array<i32>} : memref<64x64xf32, #tpu.memory_space<vmem>>, vector<16xf32>,
        %get3A_723 = arith.index_cast %add3A_715 : i32 to index
        %get3A_724 = arith.constant 16 : index
        %get3A_725 = tpu.vector_load %arg14[%get3A_723, %get3A_724] {strides = array<i32>} : memref<64x64xf32, #tpu.memory_space<vmem>>, vector<16xf32>,
        %mul3A_726 = arith.mulf %get3A_725, %broadcast_in_dim3A_711 : vector<16xf32>
        %swap3A_727 = arith.index_cast %add3A_715 : i32 to index
        %swap3A_728 = arith.constant 16 : index
        %swap3A_729 = tpu.vector_load %arg14[%swap3A_727, %swap3A_728] {strides = array<i32>} : memref<64x64xf32, #tpu.memory_space<vmem>>, vector<16xf32>,
        tpu.vector_store %arg14[%swap3A_727, %swap3A_728], %mul3A_726 {strides = array<i32>} : memref<64x64xf32, #tpu.memory_space<vmem>>, vector<16xf32>,
        %get3A_730 = arith.index_cast %add3A_715 : i32 to index
        %get3A_731 = arith.constant 32 : index
        %get3A_732 = tpu.vector_load %arg14[%get3A_730, %get3A_731] {strides = array<i32>} : memref<64x64xf32, #tpu.memory_space<vmem>>, vector<16xf32>,
        %mul3A_733 = arith.mulf %get3A_732, %broadcast_in_dim3A_711 : vector<16xf32>
        %swap3A_734 = arith.index_cast %add3A_715 : i32 to index
        %swap3A_735 = arith.constant 32 : index
        %swap3A_736 = tpu.vector_load %arg14[%swap3A_734, %swap3A_735] {strides = array<i32>} : memref<64x64xf32, #tpu.memory_space<vmem>>, vector<16xf32>,
        tpu.vector_store %arg14[%swap3A_734, %swap3A_735], %mul3A_733 {strides = array<i32>} : memref<64x64xf32, #tpu.memory_space<vmem>>, vector<16xf32>,
        %get3A_737 = arith.index_cast %add3A_715 : i32 to index
        %get3A_738 = arith.constant 48 : index
        %get3A_739 = tpu.vector_load %arg14[%get3A_737, %get3A_738] {strides = array<i32>} : memref<64x64xf32, #tpu.memory_space<vmem>>, vector<16xf32>,
        %mul3A_740 = arith.mulf %get3A_739, %broadcast_in_dim3A_711 : vector<16xf32>
        %swap3A_741 = arith.index_cast %add3A_715 : i32 to index
        %swap3A_742 = arith.constant 48 : index
        %swap3A_743 = tpu.vector_load %arg14[%swap3A_741, %swap3A_742] {strides = array<i32>} : memref<64x64xf32, #tpu.memory_space<vmem>>, vector<16xf32>,
        tpu.vector_store %arg14[%swap3A_741, %swap3A_742], %mul3A_740 {strides = array<i32>} : memref<64x64xf32, #tpu.memory_space<vmem>>, vector<16xf32>,
        %slice3A_744 = vector.extract_strided_slice %get3A_256 {offsets = [14], sizes = [1], strides = [1]} : vector<16xf32> to vector<1xf32>
        %squeeze3A_745 = vector.extract %slice3A_744[0] : f32 from vector<1xf32>
        %broadcast_in_dim3A_746 = vector.broadcast %squeeze3A_745 : f32 to vector<16xf32>
        %mul3A_747 = arith.constant 16 : i32
        %mul3A_748 = arith.muli %scan3A_252, %mul3A_747 : i32
        %add3A_749 = arith.constant 14 : i32
        %add3A_750 = arith.addi %mul3A_748, %add3A_749 : i32
        %get3A_751 = arith.index_cast %add3A_750 : i32 to index
        %get3A_752 = arith.constant 0 : index
        %get3A_753 = tpu.vector_load %arg14[%get3A_751, %get3A_752] {strides = array<i32>} : memref<64x64xf32, #tpu.memory_space<vmem>>, vector<16xf32>,
        %mul3A_754 = arith.mulf %get3A_753, %broadcast_in_dim3A_746 : vector<16xf32>
        %swap3A_755 = arith.index_cast %add3A_750 : i32 to index
        %swap3A_756 = arith.constant 0 : index
        %swap3A_757 = tpu.vector_load %arg14[%swap3A_755, %swap3A_756] {strides = array<i32>} : memref<64x64xf32, #tpu.memory_space<vmem>>, vector<16xf32>,
        tpu.vector_store %arg14[%swap3A_755, %swap3A_756], %mul3A_754 {strides = array<i32>} : memref<64x64xf32, #tpu.memory_space<vmem>>, vector<16xf32>,
        %get3A_758 = arith.index_cast %add3A_750 : i32 to index
        %get3A_759 = arith.constant 16 : index
        %get3A_760 = tpu.vector_load %arg14[%get3A_758, %get3A_759] {strides = array<i32>} : memref<64x64xf32, #tpu.memory_space<vmem>>, vector<16xf32>,
        %mul3A_761 = arith.mulf %get3A_760, %broadcast_in_dim3A_746 : vector<16xf32>
        %swap3A_762 = arith.index_cast %add3A_750 : i32 to index
        %swap3A_763 = arith.constant 16 : index
        %swap3A_764 = tpu.vector_load %arg14[%swap3A_762, %swap3A_763] {strides = array<i32>} : memref<64x64xf32, #tpu.memory_space<vmem>>, vector<16xf32>,
        tpu.vector_store %arg14[%swap3A_762, %swap3A_763], %mul3A_761 {strides = array<i32>} : memref<64x64xf32, #tpu.memory_space<vmem>>, vector<16xf32>,
        %get3A_765 = arith.index_cast %add3A_750 : i32 to index
        %get3A_766 = arith.constant 32 : index
        %get3A_767 = tpu.vector_load %arg14[%get3A_765, %get3A_766] {strides = array<i32>} : memref<64x64xf32, #tpu.memory_space<vmem>>, vector<16xf32>,
        %mul3A_768 = arith.mulf %get3A_767, %broadcast_in_dim3A_746 : vector<16xf32>
        %swap3A_769 = arith.index_cast %add3A_750 : i32 to index
        %swap3A_770 = arith.constant 32 : index
        %swap3A_771 = tpu.vector_load %arg14[%swap3A_769, %swap3A_770] {strides = array<i32>} : memref<64x64xf32, #tpu.memory_space<vmem>>, vector<16xf32>,
        tpu.vector_store %arg14[%swap3A_769, %swap3A_770], %mul3A_768 {strides = array<i32>} : memref<64x64xf32, #tpu.memory_space<vmem>>, vector<16xf32>,
        %get3A_772 = arith.index_cast %add3A_750 : i32 to index
        %get3A_773 = arith.constant 48 : index
        %get3A_774 = tpu.vector_load %arg14[%get3A_772, %get3A_773] {strides = array<i32>} : memref<64x64xf32, #tpu.memory_space<vmem>>, vector<16xf32>,
        %mul3A_775 = arith.mulf %get3A_774, %broadcast_in_dim3A_746 : vector<16xf32>
        %swap3A_776 = arith.index_cast %add3A_750 : i32 to index
        %swap3A_777 = arith.constant 48 : index
        %swap3A_778 = tpu.vector_load %arg14[%swap3A_776, %swap3A_777] {strides = array<i32>} : memref<64x64xf32, #tpu.memory_space<vmem>>, vector<16xf32>,
        tpu.vector_store %arg14[%swap3A_776, %swap3A_777], %mul3A_775 {strides = array<i32>} : memref<64x64xf32, #tpu.memory_space<vmem>>, vector<16xf32>,
        %slice3A_779 = vector.extract_strided_slice %get3A_256 {offsets = [15], sizes = [1], strides = [1]} : vector<16xf32> to vector<1xf32>
        %squeeze3A_780 = vector.extract %slice3A_779[0] : f32 from vector<1xf32>
        %broadcast_in_dim3A_781 = vector.broadcast %squeeze3A_780 : f32 to vector<16xf32>
        %mul3A_782 = arith.constant 16 : i32
        %mul3A_783 = arith.muli %scan3A_252, %mul3A_782 : i32
        %add3A_784 = arith.constant 15 : i32
        %add3A_785 = arith.addi %mul3A_783, %add3A_784 : i32
        %get3A_786 = arith.index_cast %add3A_785 : i32 to index
        %get3A_787 = arith.constant 0 : index
        %get3A_788 = tpu.vector_load %arg14[%get3A_786, %get3A_787] {strides = array<i32>} : memref<64x64xf32, #tpu.memory_space<vmem>>, vector<16xf32>,
        %mul3A_789 = arith.mulf %get3A_788, %broadcast_in_dim3A_781 : vector<16xf32>
        %swap3A_790 = arith.index_cast %add3A_785 : i32 to index
        %swap3A_791 = arith.constant 0 : index
        %swap3A_792 = tpu.vector_load %arg14[%swap3A_790, %swap3A_791] {strides = array<i32>} : memref<64x64xf32, #tpu.memory_space<vmem>>, vector<16xf32>,
        tpu.vector_store %arg14[%swap3A_790, %swap3A_791], %mul3A_789 {strides = array<i32>} : memref<64x64xf32, #tpu.memory_space<vmem>>, vector<16xf32>,
        %get3A_793 = arith.index_cast %add3A_785 : i32 to index
        %get3A_794 = arith.constant 16 : index
        %get3A_795 = tpu.vector_load %arg14[%get3A_793, %get3A_794] {strides = array<i32>} : memref<64x64xf32, #tpu.memory_space<vmem>>, vector<16xf32>,
        %mul3A_796 = arith.mulf %get3A_795, %broadcast_in_dim3A_781 : vector<16xf32>
        %swap3A_797 = arith.index_cast %add3A_785 : i32 to index
        %swap3A_798 = arith.constant 16 : index
        %swap3A_799 = tpu.vector_load %arg14[%swap3A_797, %swap3A_798] {strides = array<i32>} : memref<64x64xf32, #tpu.memory_space<vmem>>, vector<16xf32>,
        tpu.vector_store %arg14[%swap3A_797, %swap3A_798], %mul3A_796 {strides = array<i32>} : memref<64x64xf32, #tpu.memory_space<vmem>>, vector<16xf32>,
        %get3A_800 = arith.index_cast %add3A_785 : i32 to index
        %get3A_801 = arith.constant 32 : index
        %get3A_802 = tpu.vector_load %arg14[%get3A_800, %get3A_801] {strides = array<i32>} : memref<64x64xf32, #tpu.memory_space<vmem>>, vector<16xf32>,
        %mul3A_803 = arith.mulf %get3A_802, %broadcast_in_dim3A_781 : vector<16xf32>
        %swap3A_804 = arith.index_cast %add3A_785 : i32 to index
        %swap3A_805 = arith.constant 32 : index
        %swap3A_806 = tpu.vector_load %arg14[%swap3A_804, %swap3A_805] {strides = array<i32>} : memref<64x64xf32, #tpu.memory_space<vmem>>, vector<16xf32>,
        tpu.vector_store %arg14[%swap3A_804, %swap3A_805], %mul3A_803 {strides = array<i32>} : memref<64x64xf32, #tpu.memory_space<vmem>>, vector<16xf32>,
        %get3A_807 = arith.index_cast %add3A_785 : i32 to index
        %get3A_808 = arith.constant 48 : index
        %get3A_809 = tpu.vector_load %arg14[%get3A_807, %get3A_808] {strides = array<i32>} : memref<64x64xf32, #tpu.memory_space<vmem>>, vector<16xf32>,
        %mul3A_810 = arith.mulf %get3A_809, %broadcast_in_dim3A_781 : vector<16xf32>
        %swap3A_811 = arith.index_cast %add3A_785 : i32 to index
        %swap3A_812 = arith.constant 48 : index
        %swap3A_813 = tpu.vector_load %arg14[%swap3A_811, %swap3A_812] {strides = array<i32>} : memref<64x64xf32, #tpu.memory_space<vmem>>, vector<16xf32>,
        tpu.vector_store %arg14[%swap3A_811, %swap3A_812], %mul3A_810 {strides = array<i32>} : memref<64x64xf32, #tpu.memory_space<vmem>>, vector<16xf32>,
      }
      %scan3A_213 = arith.constant 4 : i32
      %add3A_214 = arith.constant 4 : i32
      %add3A_215 = arith.addi %mul3A_73, %add3A_214 : i32
      %dma_start3A_216 = arith.constant 0 : i32
      %dma_start3A_217 = tpu.memref_slice %arg7[%add3A_215, %dma_start3A_216] : memref<320x64xi32, #tpu.memory_space<vmem>> -> memref<1x64xi32, #tpu.memory_space<vmem>>
      %dma_start3A_218 = tpu.memref_squeeze %dma_start3A_217 : memref<1x64xi32, #tpu.memory_space<vmem>> -> memref<64xi32, #tpu.memory_space<vmem>>
      %dma_start3A_219 = arith.constant 0 : i32
      %dma_start3A_220 = arith.constant 0 : i32
      %dma_start3A_221 = tpu.memref_slice %arg9[%dma_start3A_219, %dma_start3A_220] : memref<10240x64xf32, #tpu.memory_space<vmem_shared>> -> memref<10240x64xf32, #tpu.memory_space<vmem_shared>>
      tpu.enqueue_indirect_dma source(%arg14 : memref<64x64xf32, #tpu.memory_space<vmem>>) target(%dma_start3A_221 : memref<10240x64xf32, #tpu.memory_space<vmem_shared>>) offsets(%dma_start3A_218 : memref<64xi32, #tpu.memory_space<vmem>>) semaphore(%arg24 : memref<!tpu.dma_semaphore, #tpu.memory_space<semaphore_mem>>) {add = true}
      %dma_wait3A_222 = arith.constant 0 : i32
      %dma_wait3A_223 = tpu.memref_slice %arg7[%add3A_127, %dma_wait3A_222] : memref<320x64xi32, #tpu.memory_space<vmem>> -> memref<1x64xi32, #tpu.memory_space<vmem>>
      %dma_wait3A_224 = tpu.memref_squeeze %dma_wait3A_223 : memref<1x64xi32, #tpu.memory_space<vmem>> -> memref<64xi32, #tpu.memory_space<vmem>>
      %dma_wait3A_225 = arith.constant 0 : i32
      %dma_wait3A_226 = arith.constant 0 : i32
      %dma_wait3A_227 = tpu.memref_slice %arg9[%dma_wait3A_225, %dma_wait3A_226] : memref<10240x64xf32, #tpu.memory_space<vmem_shared>> -> memref<10240x64xf32, #tpu.memory_space<vmem_shared>>
      tpu.wait_indirect_dma semaphore(%arg20 : memref<!tpu.dma_semaphore, #tpu.memory_space<semaphore_mem>>) src(%arg10 : memref<64x64xf32, #tpu.memory_space<vmem>>) dst(%dma_wait3A_227 : memref<10240x64xf32, #tpu.memory_space<vmem_shared>>)
      %dma_wait3A_228 = arith.constant 0 : i32
      %dma_wait3A_229 = tpu.memref_slice %arg7[%add3A_149, %dma_wait3A_228] : memref<320x64xi32, #tpu.memory_space<vmem>> -> memref<1x64xi32, #tpu.memory_space<vmem>>
      %dma_wait3A_230 = tpu.memref_squeeze %dma_wait3A_229 : memref<1x64xi32, #tpu.memory_space<vmem>> -> memref<64xi32, #tpu.memory_space<vmem>>
      %dma_wait3A_231 = arith.constant 0 : i32
      %dma_wait3A_232 = arith.constant 0 : i32
      %dma_wait3A_233 = tpu.memref_slice %arg9[%dma_wait3A_231, %dma_wait3A_232] : memref<10240x64xf32, #tpu.memory_space<vmem_shared>> -> memref<10240x64xf32, #tpu.memory_space<vmem_shared>>
      tpu.wait_indirect_dma semaphore(%arg21 : memref<!tpu.dma_semaphore, #tpu.memory_space<semaphore_mem>>) src(%arg11 : memref<64x64xf32, #tpu.memory_space<vmem>>) dst(%dma_wait3A_233 : memref<10240x64xf32, #tpu.memory_space<vmem_shared>>)
      %dma_wait3A_234 = arith.constant 0 : i32
      %dma_wait3A_235 = tpu.memref_slice %arg7[%add3A_171, %dma_wait3A_234] : memref<320x64xi32, #tpu.memory_space<vmem>> -> memref<1x64xi32, #tpu.memory_space<vmem>>
      %dma_wait3A_236 = tpu.memref_squeeze %dma_wait3A_235 : memref<1x64xi32, #tpu.memory_space<vmem>> -> memref<64xi32, #tpu.memory_space<vmem>>
      %dma_wait3A_237 = arith.constant 0 : i32
      %dma_wait3A_238 = arith.constant 0 : i32
      %dma_wait3A_239 = tpu.memref_slice %arg9[%dma_wait3A_237, %dma_wait3A_238] : memref<10240x64xf32, #tpu.memory_space<vmem_shared>> -> memref<10240x64xf32, #tpu.memory_space<vmem_shared>>
      tpu.wait_indirect_dma semaphore(%arg22 : memref<!tpu.dma_semaphore, #tpu.memory_space<semaphore_mem>>) src(%arg12 : memref<64x64xf32, #tpu.memory_space<vmem>>) dst(%dma_wait3A_239 : memref<10240x64xf32, #tpu.memory_space<vmem_shared>>)
      %dma_wait3A_240 = arith.constant 0 : i32
      %dma_wait3A_241 = tpu.memref_slice %arg7[%add3A_193, %dma_wait3A_240] : memref<320x64xi32, #tpu.memory_space<vmem>> -> memref<1x64xi32, #tpu.memory_space<vmem>>
      %dma_wait3A_242 = tpu.memref_squeeze %dma_wait3A_241 : memref<1x64xi32, #tpu.memory_space<vmem>> -> memref<64xi32, #tpu.memory_space<vmem>>
      %dma_wait3A_243 = arith.constant 0 : i32
      %dma_wait3A_244 = arith.constant 0 : i32
      %dma_wait3A_245 = tpu.memref_slice %arg9[%dma_wait3A_243, %dma_wait3A_244] : memref<10240x64xf32, #tpu.memory_space<vmem_shared>> -> memref<10240x64xf32, #tpu.memory_space<vmem_shared>>
      tpu.wait_indirect_dma semaphore(%arg23 : memref<!tpu.dma_semaphore, #tpu.memory_space<semaphore_mem>>) src(%arg13 : memref<64x64xf32, #tpu.memory_space<vmem>>) dst(%dma_wait3A_245 : memref<10240x64xf32, #tpu.memory_space<vmem_shared>>)
      %dma_wait3A_246 = arith.constant 0 : i32
      %dma_wait3A_247 = tpu.memref_slice %arg7[%add3A_215, %dma_wait3A_246] : memref<320x64xi32, #tpu.memory_space<vmem>> -> memref<1x64xi32, #tpu.memory_space<vmem>>
      %dma_wait3A_248 = tpu.memref_squeeze %dma_wait3A_247 : memref<1x64xi32, #tpu.memory_space<vmem>> -> memref<64xi32, #tpu.memory_space<vmem>>
      %dma_wait3A_249 = arith.constant 0 : i32
      %dma_wait3A_250 = arith.constant 0 : i32
      %dma_wait3A_251 = tpu.memref_slice %arg9[%dma_wait3A_249, %dma_wait3A_250] : memref<10240x64xf32, #tpu.memory_space<vmem_shared>> -> memref<10240x64xf32, #tpu.memory_space<vmem_shared>>
      tpu.wait_indirect_dma semaphore(%arg24 : memref<!tpu.dma_semaphore, #tpu.memory_space<semaphore_mem>>) src(%arg14 : memref<64x64xf32, #tpu.memory_space<vmem>>) dst(%dma_wait3A_251 : memref<10240x64xf32, #tpu.memory_space<vmem_shared>>)
    }
    %scan3A_62 = arith.constant 64 : i32
    %barrier3A_63 = arith.constant 0 : index
    tpu.barrier barrier_id(%barrier3A_63)
    %mul3A_64 = arith.constant 640 : i32
    %mul3A_65 = arith.muli %arg1, %mul3A_64 : i32
    %mul3A_66 = arith.constant 10240 : i32
    %mul3A_67 = arith.muli %arg0, %mul3A_66 : i32
    %mul3A_68 = arith.constant 640 : i32
    %mul3A_69 = arith.muli %arg1, %mul3A_68 : i32
    %add3A_70 = arith.addi %mul3A_67, %mul3A_69 : i32
    "tpu.region"() ({
      %run_scoped3A = tpu.sem_alloc : memref<!tpu.dma_semaphore, #tpu.memory_space<semaphore_mem>>
      %dma_start3A = arith.constant 0 : i32
      %dma_start3A_71 = tpu.memref_slice %arg5[%add3A_70, %dma_start3A] : memref<20480x64xf32, #tpu.memory_space<hbm>> -> memref<640x64xf32, #tpu.memory_space<hbm>>
      %dma_start3A_72 = arith.constant 0 : i32
      %dma_start3A_73 = tpu.memref_slice %arg9[%mul3A_65, %dma_start3A_72] : memref<10240x64xf32, #tpu.memory_space<vmem_shared>> -> memref<640x64xf32, #tpu.memory_space<vmem_shared>>
      tpu.enqueue_dma source(%dma_start3A_73 : memref<640x64xf32, #tpu.memory_space<vmem_shared>>) target(%dma_start3A_71 : memref<640x64xf32, #tpu.memory_space<hbm>>) target_semaphore(%run_scoped3A : memref<!tpu.dma_semaphore, #tpu.memory_space<semaphore_mem>>)
      %dma_wait3A = arith.constant 0 : i32
      %dma_wait3A_74 = tpu.memref_slice %arg5[%add3A_70, %dma_wait3A] : memref<20480x64xf32, #tpu.memory_space<hbm>> -> memref<640x64xf32, #tpu.memory_space<hbm>>
      %dma_wait3A_75 = arith.constant 0 : i32
      %dma_wait3A_76 = tpu.memref_slice %arg9[%mul3A_65, %dma_wait3A_75] : memref<10240x64xf32, #tpu.memory_space<vmem_shared>> -> memref<640x64xf32, #tpu.memory_space<vmem_shared>>
      tpu.wait_dma2 semaphore(%run_scoped3A : memref<!tpu.dma_semaphore, #tpu.memory_space<semaphore_mem>>) src(%dma_wait3A_76 : memref<640x64xf32, #tpu.memory_space<vmem_shared>>) dst(%dma_wait3A_74 : memref<640x64xf32, #tpu.memory_space<hbm>>)
      tpu.yield
    }) : () -> ()
    return
  }
}

#map = affine_map<(d0, d1) -> (0)>
#map1 = affine_map<(d0, d1) -> (0, 0)>
module attributes {stable_mosaic.version = 14 : i64} {
  func.func @_edge_softmax(%arg0: i32, %arg1: i32, %arg2: memref<81920xf32, #tpu.memory_space<hbm>>, %arg3: memref<640000xi32, #tpu.memory_space<hbm>>, %arg4: memref<327680xf32, #tpu.memory_space<hbm>>, %arg5: memref<320000xf32, #tpu.memory_space<hbm>>, %arg6: memref<32x10240xf32, #tpu.memory_space<hbm>>, %arg7: memref<10240xf32, #tpu.memory_space<vmem>>, %arg8: memref<10240xf32, #tpu.memory_space<vmem>>, %arg9: memref<10000xi32, #tpu.memory_space<vmem>>, %arg10: memref<10000xi32, #tpu.memory_space<vmem>>, %arg11: memref<10000xf32, #tpu.memory_space<vmem>>, %arg12: memref<10000xf32, #tpu.memory_space<vmem>>, %arg13: memref<10240xf32, #tpu.memory_space<vmem>>) attributes {dimension_semantics = [#tpu.dimension_semantics<core_parallel>, #tpu.dimension_semantics<subcore_parallel>], iteration_bounds = array<i64: 2, 16>, scalar_prefetch = 0 : i64, scratch_operands = 7 : i64, tpu.core_type = #tpu.core_type<sc_vector_subcore>, window_params = [{transform_indices = #map}, {transform_indices = #map}, {transform_indices = #map}, {transform_indices = #map}, {transform_indices = #map1}]} {
    %mul3A = arith.constant 2 : i32
    %mul3A_0 = arith.muli %arg1, %mul3A : i32
    %add3A = arith.addi %mul3A_0, %arg0 : i32
    %mul3A_1 = arith.constant 10000 : i32
    %mul3A_2 = arith.muli %add3A, %mul3A_1 : i32
    "tpu.region"() ({
      %run_scoped3A = tpu.sem_alloc : memref<!tpu.dma_semaphore, #tpu.memory_space<semaphore_mem>>
      %dma_start3A = arith.constant 0 : i32
      %dma_start3A_17 = tpu.memref_slice %arg2[%dma_start3A] : memref<81920xf32, #tpu.memory_space<hbm>> -> memref<10240xf32, #tpu.memory_space<hbm>>
      %dma_start3A_18 = arith.constant 0 : i32
      %dma_start3A_19 = tpu.memref_slice %arg2[%dma_start3A_18] : memref<81920xf32, #tpu.memory_space<hbm>> -> memref<10240xf32, #tpu.memory_space<hbm>>
      tpu.enqueue_dma source(%dma_start3A_19 : memref<10240xf32, #tpu.memory_space<hbm>>) target(%arg7 : memref<10240xf32, #tpu.memory_space<vmem>>) target_semaphore(%run_scoped3A : memref<!tpu.dma_semaphore, #tpu.memory_space<semaphore_mem>>)
      %dma_wait3A = arith.constant 0 : i32
      %dma_wait3A_20 = tpu.memref_slice %arg2[%dma_wait3A] : memref<81920xf32, #tpu.memory_space<hbm>> -> memref<10240xf32, #tpu.memory_space<hbm>>
      %dma_wait3A_21 = arith.constant 0 : i32
      %dma_wait3A_22 = tpu.memref_slice %arg2[%dma_wait3A_21] : memref<81920xf32, #tpu.memory_space<hbm>> -> memref<10240xf32, #tpu.memory_space<hbm>>
      tpu.wait_dma2 semaphore(%run_scoped3A : memref<!tpu.dma_semaphore, #tpu.memory_space<semaphore_mem>>) src(%dma_wait3A_22 : memref<10240xf32, #tpu.memory_space<hbm>>) dst(%arg7 : memref<10240xf32, #tpu.memory_space<vmem>>)
      tpu.yield
    }) : () -> ()
    "tpu.region"() ({
      %run_scoped3A = tpu.sem_alloc : memref<!tpu.dma_semaphore, #tpu.memory_space<semaphore_mem>>
      %dma_start3A = arith.constant 10240 : i32
      %dma_start3A_17 = tpu.memref_slice %arg2[%dma_start3A] : memref<81920xf32, #tpu.memory_space<hbm>> -> memref<10240xf32, #tpu.memory_space<hbm>>
      %dma_start3A_18 = arith.constant 10240 : i32
      %dma_start3A_19 = tpu.memref_slice %arg2[%dma_start3A_18] : memref<81920xf32, #tpu.memory_space<hbm>> -> memref<10240xf32, #tpu.memory_space<hbm>>
      tpu.enqueue_dma source(%dma_start3A_19 : memref<10240xf32, #tpu.memory_space<hbm>>) target(%arg8 : memref<10240xf32, #tpu.memory_space<vmem>>) target_semaphore(%run_scoped3A : memref<!tpu.dma_semaphore, #tpu.memory_space<semaphore_mem>>)
      %dma_wait3A = arith.constant 10240 : i32
      %dma_wait3A_20 = tpu.memref_slice %arg2[%dma_wait3A] : memref<81920xf32, #tpu.memory_space<hbm>> -> memref<10240xf32, #tpu.memory_space<hbm>>
      %dma_wait3A_21 = arith.constant 10240 : i32
      %dma_wait3A_22 = tpu.memref_slice %arg2[%dma_wait3A_21] : memref<81920xf32, #tpu.memory_space<hbm>> -> memref<10240xf32, #tpu.memory_space<hbm>>
      tpu.wait_dma2 semaphore(%run_scoped3A : memref<!tpu.dma_semaphore, #tpu.memory_space<semaphore_mem>>) src(%dma_wait3A_22 : memref<10240xf32, #tpu.memory_space<hbm>>) dst(%arg8 : memref<10240xf32, #tpu.memory_space<vmem>>)
      tpu.yield
    }) : () -> ()
    "tpu.region"() ({
      %run_scoped3A = tpu.sem_alloc : memref<!tpu.dma_semaphore, #tpu.memory_space<semaphore_mem>>
      %dma_start3A = tpu.memref_slice %arg3[%mul3A_2] : memref<640000xi32, #tpu.memory_space<hbm>> -> memref<10000xi32, #tpu.memory_space<hbm>>
      %dma_start3A_17 = tpu.memref_slice %arg3[%mul3A_2] : memref<640000xi32, #tpu.memory_space<hbm>> -> memref<10000xi32, #tpu.memory_space<hbm>>
      tpu.enqueue_dma source(%dma_start3A_17 : memref<10000xi32, #tpu.memory_space<hbm>>) target(%arg9 : memref<10000xi32, #tpu.memory_space<vmem>>) target_semaphore(%run_scoped3A : memref<!tpu.dma_semaphore, #tpu.memory_space<semaphore_mem>>)
      %dma_wait3A = tpu.memref_slice %arg3[%mul3A_2] : memref<640000xi32, #tpu.memory_space<hbm>> -> memref<10000xi32, #tpu.memory_space<hbm>>
      %dma_wait3A_18 = tpu.memref_slice %arg3[%mul3A_2] : memref<640000xi32, #tpu.memory_space<hbm>> -> memref<10000xi32, #tpu.memory_space<hbm>>
      tpu.wait_dma2 semaphore(%run_scoped3A : memref<!tpu.dma_semaphore, #tpu.memory_space<semaphore_mem>>) src(%dma_wait3A_18 : memref<10000xi32, #tpu.memory_space<hbm>>) dst(%arg9 : memref<10000xi32, #tpu.memory_space<vmem>>)
      tpu.yield
    }) : () -> ()
    %add3A_3 = arith.constant 320000 : i32
    %add3A_4 = arith.addi %add3A_3, %mul3A_2 : i32
    "tpu.region"() ({
      %run_scoped3A = tpu.sem_alloc : memref<!tpu.dma_semaphore, #tpu.memory_space<semaphore_mem>>
      %dma_start3A = tpu.memref_slice %arg3[%add3A_4] : memref<640000xi32, #tpu.memory_space<hbm>> -> memref<10000xi32, #tpu.memory_space<hbm>>
      %dma_start3A_17 = tpu.memref_slice %arg3[%add3A_4] : memref<640000xi32, #tpu.memory_space<hbm>> -> memref<10000xi32, #tpu.memory_space<hbm>>
      tpu.enqueue_dma source(%dma_start3A_17 : memref<10000xi32, #tpu.memory_space<hbm>>) target(%arg10 : memref<10000xi32, #tpu.memory_space<vmem>>) target_semaphore(%run_scoped3A : memref<!tpu.dma_semaphore, #tpu.memory_space<semaphore_mem>>)
      %dma_wait3A = tpu.memref_slice %arg3[%add3A_4] : memref<640000xi32, #tpu.memory_space<hbm>> -> memref<10000xi32, #tpu.memory_space<hbm>>
      %dma_wait3A_18 = tpu.memref_slice %arg3[%add3A_4] : memref<640000xi32, #tpu.memory_space<hbm>> -> memref<10000xi32, #tpu.memory_space<hbm>>
      tpu.wait_dma2 semaphore(%run_scoped3A : memref<!tpu.dma_semaphore, #tpu.memory_space<semaphore_mem>>) src(%dma_wait3A_18 : memref<10000xi32, #tpu.memory_space<hbm>>) dst(%arg10 : memref<10000xi32, #tpu.memory_space<vmem>>)
      tpu.yield
    }) : () -> ()
    "tpu.region"() ({
      %run_scoped3A = tpu.sem_alloc : memref<!tpu.dma_semaphore, #tpu.memory_space<semaphore_mem>>
      %dma_start3A = tpu.memref_slice %arg4[%mul3A_2] : memref<327680xf32, #tpu.memory_space<hbm>> -> memref<10000xf32, #tpu.memory_space<hbm>>
      %dma_start3A_17 = tpu.memref_slice %arg4[%mul3A_2] : memref<327680xf32, #tpu.memory_space<hbm>> -> memref<10000xf32, #tpu.memory_space<hbm>>
      tpu.enqueue_dma source(%dma_start3A_17 : memref<10000xf32, #tpu.memory_space<hbm>>) target(%arg11 : memref<10000xf32, #tpu.memory_space<vmem>>) target_semaphore(%run_scoped3A : memref<!tpu.dma_semaphore, #tpu.memory_space<semaphore_mem>>)
      %dma_wait3A = tpu.memref_slice %arg4[%mul3A_2] : memref<327680xf32, #tpu.memory_space<hbm>> -> memref<10000xf32, #tpu.memory_space<hbm>>
      %dma_wait3A_18 = tpu.memref_slice %arg4[%mul3A_2] : memref<327680xf32, #tpu.memory_space<hbm>> -> memref<10000xf32, #tpu.memory_space<hbm>>
      tpu.wait_dma2 semaphore(%run_scoped3A : memref<!tpu.dma_semaphore, #tpu.memory_space<semaphore_mem>>) src(%dma_wait3A_18 : memref<10000xf32, #tpu.memory_space<hbm>>) dst(%arg11 : memref<10000xf32, #tpu.memory_space<vmem>>)
      tpu.yield
    }) : () -> ()
    %broadcast_in_dim3A = arith.constant 0.000000e+00 : f32
    %broadcast_in_dim3A_5 = vector.broadcast %broadcast_in_dim3A : f32 to vector<16xf32>
    %scan3A = arith.constant 0 : i32
    %scan3A_6 = arith.constant 0 : i32
    %scan3A_7 = arith.constant 640 : i32
    %scan3A_8 = arith.addi %scan3A_6, %scan3A_7 : i32
    %scan3A_9 = arith.constant 1 : i32
    scf.for %scan3A_17 = %scan3A_6 to %scan3A_8 step %scan3A_9  : i32 {
      %mul3A_18 = arith.constant 16 : i32
      %mul3A_19 = arith.muli %scan3A_17, %mul3A_18 : i32
      %swap3A = arith.index_cast %mul3A_19 : i32 to index
      %swap3A_20 = tpu.vector_load %arg13[%swap3A] {strides = array<i32>} : memref<10240xf32, #tpu.memory_space<vmem>>, vector<16xf32>,
      tpu.vector_store %arg13[%swap3A], %broadcast_in_dim3A_5 {strides = array<i32>} : memref<10240xf32, #tpu.memory_space<vmem>>, vector<16xf32>,
    }
    %scan3A_10 = arith.constant 640 : i32
    %scan3A_11 = arith.constant 0 : i32
    %scan3A_12 = arith.constant 0 : i32
    %scan3A_13 = arith.constant 125 : i32
    %scan3A_14 = arith.addi %scan3A_12, %scan3A_13 : i32
    %scan3A_15 = arith.constant 1 : i32
    scf.for %scan3A_17 = %scan3A_12 to %scan3A_14 step %scan3A_15  : i32 {
      %mul3A_18 = arith.constant 5 : i32
      %mul3A_19 = arith.muli %scan3A_17, %mul3A_18 : i32
      %add3A_20 = arith.constant 0 : i32
      %add3A_21 = arith.addi %mul3A_19, %add3A_20 : i32
      %mul3A_22 = arith.constant 16 : i32
      %mul3A_23 = arith.muli %add3A_21, %mul3A_22 : i32
      %get3A = arith.index_cast %mul3A_23 : i32 to index
      %get3A_24 = tpu.vector_load %arg9[%get3A] {strides = array<i32>} : memref<10000xi32, #tpu.memory_space<vmem>>, vector<16xi32>,
      %get3A_25 = arith.index_cast %mul3A_23 : i32 to index
      %get3A_26 = tpu.vector_load %arg10[%get3A_25] {strides = array<i32>} : memref<10000xi32, #tpu.memory_space<vmem>>, vector<16xi32>,
      %gather3A = tpu.vector_load_idx %arg8[%get3A_24] : memref<10240xf32, #tpu.memory_space<vmem>>[vector<16xi32>], vector<16xf32>,
      %gather3A_27 = tpu.vector_load_idx %arg7[%get3A_26] : memref<10240xf32, #tpu.memory_space<vmem>>[vector<16xi32>], vector<16xf32>,
      %add3A_28 = arith.addf %gather3A, %gather3A_27 : vector<16xf32>
      %get3A_29 = arith.index_cast %mul3A_23 : i32 to index
      %get3A_30 = tpu.vector_load %arg11[%get3A_29] {strides = array<i32>} : memref<10000xf32, #tpu.memory_space<vmem>>, vector<16xf32>,
      %add3A_31 = arith.addf %add3A_28, %get3A_30 : vector<16xf32>
      %ge3A = arith.constant 0.000000e+00 : f32
      %ge3A_32 = vector.broadcast %ge3A : f32 to vector<16xf32>
      %ge3A_33 = arith.cmpf oge, %add3A_31, %ge3A_32 : vector<16xf32>
      %mul3A_34 = arith.constant 2.000000e-01 : f32
      %mul3A_35 = vector.broadcast %mul3A_34 : f32 to vector<16xf32>
      %mul3A_36 = arith.mulf %mul3A_35, %add3A_31 : vector<16xf32>
      %select_n3A = arith.select %ge3A_33, %add3A_31, %mul3A_36 : vector<16xi1>, vector<16xf32>
      %exp3A = math.exp %select_n3A : vector<16xf32>
      %swap3A = arith.index_cast %mul3A_23 : i32 to index
      %swap3A_37 = tpu.vector_load %arg12[%swap3A] {strides = array<i32>} : memref<10000xf32, #tpu.memory_space<vmem>>, vector<16xf32>,
      tpu.vector_store %arg12[%swap3A], %exp3A {strides = array<i32>} : memref<10000xf32, #tpu.memory_space<vmem>>, vector<16xf32>,
      tpu.vector_store_idx %arg13[%get3A_26], %exp3A {add = true} : memref<10240xf32, #tpu.memory_space<vmem>>[vector<16xi32>], vector<16xf32>,
      %mul3A_38 = arith.constant 5 : i32
      %mul3A_39 = arith.muli %scan3A_17, %mul3A_38 : i32
      %add3A_40 = arith.constant 1 : i32
      %add3A_41 = arith.addi %mul3A_39, %add3A_40 : i32
      %mul3A_42 = arith.constant 16 : i32
      %mul3A_43 = arith.muli %add3A_41, %mul3A_42 : i32
      %get3A_44 = arith.index_cast %mul3A_43 : i32 to index
      %get3A_45 = tpu.vector_load %arg9[%get3A_44] {strides = array<i32>} : memref<10000xi32, #tpu.memory_space<vmem>>, vector<16xi32>,
      %get3A_46 = arith.index_cast %mul3A_43 : i32 to index
      %get3A_47 = tpu.vector_load %arg10[%get3A_46] {strides = array<i32>} : memref<10000xi32, #tpu.memory_space<vmem>>, vector<16xi32>,
      %gather3A_48 = tpu.vector_load_idx %arg8[%get3A_45] : memref<10240xf32, #tpu.memory_space<vmem>>[vector<16xi32>], vector<16xf32>,
      %gather3A_49 = tpu.vector_load_idx %arg7[%get3A_47] : memref<10240xf32, #tpu.memory_space<vmem>>[vector<16xi32>], vector<16xf32>,
      %add3A_50 = arith.addf %gather3A_48, %gather3A_49 : vector<16xf32>
      %get3A_51 = arith.index_cast %mul3A_43 : i32 to index
      %get3A_52 = tpu.vector_load %arg11[%get3A_51] {strides = array<i32>} : memref<10000xf32, #tpu.memory_space<vmem>>, vector<16xf32>,
      %add3A_53 = arith.addf %add3A_50, %get3A_52 : vector<16xf32>
      %ge3A_54 = arith.constant 0.000000e+00 : f32
      %ge3A_55 = vector.broadcast %ge3A_54 : f32 to vector<16xf32>
      %ge3A_56 = arith.cmpf oge, %add3A_53, %ge3A_55 : vector<16xf32>
      %mul3A_57 = arith.constant 2.000000e-01 : f32
      %mul3A_58 = vector.broadcast %mul3A_57 : f32 to vector<16xf32>
      %mul3A_59 = arith.mulf %mul3A_58, %add3A_53 : vector<16xf32>
      %select_n3A_60 = arith.select %ge3A_56, %add3A_53, %mul3A_59 : vector<16xi1>, vector<16xf32>
      %exp3A_61 = math.exp %select_n3A_60 : vector<16xf32>
      %swap3A_62 = arith.index_cast %mul3A_43 : i32 to index
      %swap3A_63 = tpu.vector_load %arg12[%swap3A_62] {strides = array<i32>} : memref<10000xf32, #tpu.memory_space<vmem>>, vector<16xf32>,
      tpu.vector_store %arg12[%swap3A_62], %exp3A_61 {strides = array<i32>} : memref<10000xf32, #tpu.memory_space<vmem>>, vector<16xf32>,
      tpu.vector_store_idx %arg13[%get3A_47], %exp3A_61 {add = true} : memref<10240xf32, #tpu.memory_space<vmem>>[vector<16xi32>], vector<16xf32>,
      %mul3A_64 = arith.constant 5 : i32
      %mul3A_65 = arith.muli %scan3A_17, %mul3A_64 : i32
      %add3A_66 = arith.constant 2 : i32
      %add3A_67 = arith.addi %mul3A_65, %add3A_66 : i32
      %mul3A_68 = arith.constant 16 : i32
      %mul3A_69 = arith.muli %add3A_67, %mul3A_68 : i32
      %get3A_70 = arith.index_cast %mul3A_69 : i32 to index
      %get3A_71 = tpu.vector_load %arg9[%get3A_70] {strides = array<i32>} : memref<10000xi32, #tpu.memory_space<vmem>>, vector<16xi32>,
      %get3A_72 = arith.index_cast %mul3A_69 : i32 to index
      %get3A_73 = tpu.vector_load %arg10[%get3A_72] {strides = array<i32>} : memref<10000xi32, #tpu.memory_space<vmem>>, vector<16xi32>,
      %gather3A_74 = tpu.vector_load_idx %arg8[%get3A_71] : memref<10240xf32, #tpu.memory_space<vmem>>[vector<16xi32>], vector<16xf32>,
      %gather3A_75 = tpu.vector_load_idx %arg7[%get3A_73] : memref<10240xf32, #tpu.memory_space<vmem>>[vector<16xi32>], vector<16xf32>,
      %add3A_76 = arith.addf %gather3A_74, %gather3A_75 : vector<16xf32>
      %get3A_77 = arith.index_cast %mul3A_69 : i32 to index
      %get3A_78 = tpu.vector_load %arg11[%get3A_77] {strides = array<i32>} : memref<10000xf32, #tpu.memory_space<vmem>>, vector<16xf32>,
      %add3A_79 = arith.addf %add3A_76, %get3A_78 : vector<16xf32>
      %ge3A_80 = arith.constant 0.000000e+00 : f32
      %ge3A_81 = vector.broadcast %ge3A_80 : f32 to vector<16xf32>
      %ge3A_82 = arith.cmpf oge, %add3A_79, %ge3A_81 : vector<16xf32>
      %mul3A_83 = arith.constant 2.000000e-01 : f32
      %mul3A_84 = vector.broadcast %mul3A_83 : f32 to vector<16xf32>
      %mul3A_85 = arith.mulf %mul3A_84, %add3A_79 : vector<16xf32>
      %select_n3A_86 = arith.select %ge3A_82, %add3A_79, %mul3A_85 : vector<16xi1>, vector<16xf32>
      %exp3A_87 = math.exp %select_n3A_86 : vector<16xf32>
      %swap3A_88 = arith.index_cast %mul3A_69 : i32 to index
      %swap3A_89 = tpu.vector_load %arg12[%swap3A_88] {strides = array<i32>} : memref<10000xf32, #tpu.memory_space<vmem>>, vector<16xf32>,
      tpu.vector_store %arg12[%swap3A_88], %exp3A_87 {strides = array<i32>} : memref<10000xf32, #tpu.memory_space<vmem>>, vector<16xf32>,
      tpu.vector_store_idx %arg13[%get3A_73], %exp3A_87 {add = true} : memref<10240xf32, #tpu.memory_space<vmem>>[vector<16xi32>], vector<16xf32>,
      %mul3A_90 = arith.constant 5 : i32
      %mul3A_91 = arith.muli %scan3A_17, %mul3A_90 : i32
      %add3A_92 = arith.constant 3 : i32
      %add3A_93 = arith.addi %mul3A_91, %add3A_92 : i32
      %mul3A_94 = arith.constant 16 : i32
      %mul3A_95 = arith.muli %add3A_93, %mul3A_94 : i32
      %get3A_96 = arith.index_cast %mul3A_95 : i32 to index
      %get3A_97 = tpu.vector_load %arg9[%get3A_96] {strides = array<i32>} : memref<10000xi32, #tpu.memory_space<vmem>>, vector<16xi32>,
      %get3A_98 = arith.index_cast %mul3A_95 : i32 to index
      %get3A_99 = tpu.vector_load %arg10[%get3A_98] {strides = array<i32>} : memref<10000xi32, #tpu.memory_space<vmem>>, vector<16xi32>,
      %gather3A_100 = tpu.vector_load_idx %arg8[%get3A_97] : memref<10240xf32, #tpu.memory_space<vmem>>[vector<16xi32>], vector<16xf32>,
      %gather3A_101 = tpu.vector_load_idx %arg7[%get3A_99] : memref<10240xf32, #tpu.memory_space<vmem>>[vector<16xi32>], vector<16xf32>,
      %add3A_102 = arith.addf %gather3A_100, %gather3A_101 : vector<16xf32>
      %get3A_103 = arith.index_cast %mul3A_95 : i32 to index
      %get3A_104 = tpu.vector_load %arg11[%get3A_103] {strides = array<i32>} : memref<10000xf32, #tpu.memory_space<vmem>>, vector<16xf32>,
      %add3A_105 = arith.addf %add3A_102, %get3A_104 : vector<16xf32>
      %ge3A_106 = arith.constant 0.000000e+00 : f32
      %ge3A_107 = vector.broadcast %ge3A_106 : f32 to vector<16xf32>
      %ge3A_108 = arith.cmpf oge, %add3A_105, %ge3A_107 : vector<16xf32>
      %mul3A_109 = arith.constant 2.000000e-01 : f32
      %mul3A_110 = vector.broadcast %mul3A_109 : f32 to vector<16xf32>
      %mul3A_111 = arith.mulf %mul3A_110, %add3A_105 : vector<16xf32>
      %select_n3A_112 = arith.select %ge3A_108, %add3A_105, %mul3A_111 : vector<16xi1>, vector<16xf32>
      %exp3A_113 = math.exp %select_n3A_112 : vector<16xf32>
      %swap3A_114 = arith.index_cast %mul3A_95 : i32 to index
      %swap3A_115 = tpu.vector_load %arg12[%swap3A_114] {strides = array<i32>} : memref<10000xf32, #tpu.memory_space<vmem>>, vector<16xf32>,
      tpu.vector_store %arg12[%swap3A_114], %exp3A_113 {strides = array<i32>} : memref<10000xf32, #tpu.memory_space<vmem>>, vector<16xf32>,
      tpu.vector_store_idx %arg13[%get3A_99], %exp3A_113 {add = true} : memref<10240xf32, #tpu.memory_space<vmem>>[vector<16xi32>], vector<16xf32>,
      %mul3A_116 = arith.constant 5 : i32
      %mul3A_117 = arith.muli %scan3A_17, %mul3A_116 : i32
      %add3A_118 = arith.constant 4 : i32
      %add3A_119 = arith.addi %mul3A_117, %add3A_118 : i32
      %mul3A_120 = arith.constant 16 : i32
      %mul3A_121 = arith.muli %add3A_119, %mul3A_120 : i32
      %get3A_122 = arith.index_cast %mul3A_121 : i32 to index
      %get3A_123 = tpu.vector_load %arg9[%get3A_122] {strides = array<i32>} : memref<10000xi32, #tpu.memory_space<vmem>>, vector<16xi32>,
      %get3A_124 = arith.index_cast %mul3A_121 : i32 to index
      %get3A_125 = tpu.vector_load %arg10[%get3A_124] {strides = array<i32>} : memref<10000xi32, #tpu.memory_space<vmem>>, vector<16xi32>,
      %gather3A_126 = tpu.vector_load_idx %arg8[%get3A_123] : memref<10240xf32, #tpu.memory_space<vmem>>[vector<16xi32>], vector<16xf32>,
      %gather3A_127 = tpu.vector_load_idx %arg7[%get3A_125] : memref<10240xf32, #tpu.memory_space<vmem>>[vector<16xi32>], vector<16xf32>,
      %add3A_128 = arith.addf %gather3A_126, %gather3A_127 : vector<16xf32>
      %get3A_129 = arith.index_cast %mul3A_121 : i32 to index
      %get3A_130 = tpu.vector_load %arg11[%get3A_129] {strides = array<i32>} : memref<10000xf32, #tpu.memory_space<vmem>>, vector<16xf32>,
      %add3A_131 = arith.addf %add3A_128, %get3A_130 : vector<16xf32>
      %ge3A_132 = arith.constant 0.000000e+00 : f32
      %ge3A_133 = vector.broadcast %ge3A_132 : f32 to vector<16xf32>
      %ge3A_134 = arith.cmpf oge, %add3A_131, %ge3A_133 : vector<16xf32>
      %mul3A_135 = arith.constant 2.000000e-01 : f32
      %mul3A_136 = vector.broadcast %mul3A_135 : f32 to vector<16xf32>
      %mul3A_137 = arith.mulf %mul3A_136, %add3A_131 : vector<16xf32>
      %select_n3A_138 = arith.select %ge3A_134, %add3A_131, %mul3A_137 : vector<16xi1>, vector<16xf32>
      %exp3A_139 = math.exp %select_n3A_138 : vector<16xf32>
      %swap3A_140 = arith.index_cast %mul3A_121 : i32 to index
      %swap3A_141 = tpu.vector_load %arg12[%swap3A_140] {strides = array<i32>} : memref<10000xf32, #tpu.memory_space<vmem>>, vector<16xf32>,
      tpu.vector_store %arg12[%swap3A_140], %exp3A_139 {strides = array<i32>} : memref<10000xf32, #tpu.memory_space<vmem>>, vector<16xf32>,
      tpu.vector_store_idx %arg13[%get3A_125], %exp3A_139 {add = true} : memref<10240xf32, #tpu.memory_space<vmem>>[vector<16xi32>], vector<16xf32>,
    }
    %scan3A_16 = arith.constant 125 : i32
    "tpu.region"() ({
      %run_scoped3A = tpu.sem_alloc : memref<!tpu.dma_semaphore, #tpu.memory_space<semaphore_mem>>
      %dma_start3A = tpu.memref_slice %arg5[%mul3A_2] : memref<320000xf32, #tpu.memory_space<hbm>> -> memref<10000xf32, #tpu.memory_space<hbm>>
      %dma_start3A_17 = tpu.memref_slice %arg5[%mul3A_2] : memref<320000xf32, #tpu.memory_space<hbm>> -> memref<10000xf32, #tpu.memory_space<hbm>>
      tpu.enqueue_dma source(%arg12 : memref<10000xf32, #tpu.memory_space<vmem>>) target(%dma_start3A_17 : memref<10000xf32, #tpu.memory_space<hbm>>) target_semaphore(%run_scoped3A : memref<!tpu.dma_semaphore, #tpu.memory_space<semaphore_mem>>)
      %dma_wait3A = tpu.memref_slice %arg5[%mul3A_2] : memref<320000xf32, #tpu.memory_space<hbm>> -> memref<10000xf32, #tpu.memory_space<hbm>>
      %dma_wait3A_18 = tpu.memref_slice %arg5[%mul3A_2] : memref<320000xf32, #tpu.memory_space<hbm>> -> memref<10000xf32, #tpu.memory_space<hbm>>
      tpu.wait_dma2 semaphore(%run_scoped3A : memref<!tpu.dma_semaphore, #tpu.memory_space<semaphore_mem>>) src(%arg12 : memref<10000xf32, #tpu.memory_space<vmem>>) dst(%dma_wait3A_18 : memref<10000xf32, #tpu.memory_space<hbm>>)
      tpu.yield
    }) : () -> ()
    "tpu.region"() ({
      %run_scoped3A = tpu.sem_alloc : memref<!tpu.dma_semaphore, #tpu.memory_space<semaphore_mem>>
      %dma_start3A = arith.constant 0 : i32
      %dma_start3A_17 = tpu.memref_slice %arg6[%add3A, %dma_start3A] : memref<32x10240xf32, #tpu.memory_space<hbm>> -> memref<1x10240xf32, #tpu.memory_space<hbm>>
      %dma_start3A_18 = tpu.memref_squeeze %dma_start3A_17 : memref<1x10240xf32, #tpu.memory_space<hbm>> -> memref<10240xf32, #tpu.memory_space<hbm>>
      %dma_start3A_19 = arith.constant 0 : i32
      %dma_start3A_20 = tpu.memref_slice %arg6[%add3A, %dma_start3A_19] : memref<32x10240xf32, #tpu.memory_space<hbm>> -> memref<1x10240xf32, #tpu.memory_space<hbm>>
      %dma_start3A_21 = tpu.memref_squeeze %dma_start3A_20 : memref<1x10240xf32, #tpu.memory_space<hbm>> -> memref<10240xf32, #tpu.memory_space<hbm>>
      tpu.enqueue_dma source(%arg13 : memref<10240xf32, #tpu.memory_space<vmem>>) target(%dma_start3A_21 : memref<10240xf32, #tpu.memory_space<hbm>>) target_semaphore(%run_scoped3A : memref<!tpu.dma_semaphore, #tpu.memory_space<semaphore_mem>>)
      %dma_wait3A = arith.constant 0 : i32
      %dma_wait3A_22 = tpu.memref_slice %arg6[%add3A, %dma_wait3A] : memref<32x10240xf32, #tpu.memory_space<hbm>> -> memref<1x10240xf32, #tpu.memory_space<hbm>>
      %dma_wait3A_23 = tpu.memref_squeeze %dma_wait3A_22 : memref<1x10240xf32, #tpu.memory_space<hbm>> -> memref<10240xf32, #tpu.memory_space<hbm>>
      %dma_wait3A_24 = arith.constant 0 : i32
      %dma_wait3A_25 = tpu.memref_slice %arg6[%add3A, %dma_wait3A_24] : memref<32x10240xf32, #tpu.memory_space<hbm>> -> memref<1x10240xf32, #tpu.memory_space<hbm>>
      %dma_wait3A_26 = tpu.memref_squeeze %dma_wait3A_25 : memref<1x10240xf32, #tpu.memory_space<hbm>> -> memref<10240xf32, #tpu.memory_space<hbm>>
      tpu.wait_dma2 semaphore(%run_scoped3A : memref<!tpu.dma_semaphore, #tpu.memory_space<semaphore_mem>>) src(%arg13 : memref<10240xf32, #tpu.memory_space<vmem>>) dst(%dma_wait3A_26 : memref<10240xf32, #tpu.memory_space<hbm>>)
      tpu.yield
    }) : () -> ()
    return
  }
}

module attributes {stable_mosaic.version = 14 : i64} {
  func.func @_prep_body(%arg0: i32, %arg1: memref<1024x128xf32, #tpu.memory_space<vmem>>, %arg2: memref<128x128xf32, #tpu.memory_space<vmem>>, %arg3: memref<128x8xf32, #tpu.memory_space<vmem>>, %arg4: memref<256x2048xf32, #tpu.memory_space<vmem>>, %arg5: memref<2048x128xf32, #tpu.memory_space<vmem>>, %arg6: memref<1024x128xf32, #tpu.memory_space<vmem>>, %arg7: memref<8x1024xf32, #tpu.memory_space<vmem>>, %arg8: memref<256x128xf32, #tpu.memory_space<vmem>>) attributes {dimension_semantics = [#tpu.dimension_semantics<arbitrary>], iteration_bounds = array<i64: 10>, scalar_prefetch = 0 : i64, scratch_operands = 0 : i64, tpu.core_type = #tpu.core_type<tc>, window_params = [{transform_indices = @transform_0, window_bounds = array<i64: 1024, 128>}, {pipeline_mode = #tpu.pipeline_mode<synchronous>, transform_indices = @transform_1, window_bounds = array<i64: 128, 128>}, {pipeline_mode = #tpu.pipeline_mode<synchronous>, transform_indices = @transform_2, window_bounds = array<i64: 128, 8>}, {transform_indices = @transform_3, window_bounds = array<i64: 256, 2048>}, {pipeline_mode = #tpu.pipeline_mode<synchronous>, transform_indices = @transform_4, window_bounds = array<i64: 2048, 128>}, {transform_indices = @transform_5, window_bounds = array<i64: 1024, 128>}, {transform_indices = @transform_6, window_bounds = array<i64: 8, 1024>}, {transform_indices = @transform_7, window_bounds = array<i64: 256, 128>}]} {
    %get3A = arith.constant 0 : index
    %get3A_0 = arith.constant 0 : index
    %get3A_1 = vector.load %arg1[%get3A, %get3A_0] : memref<1024x128xf32, #tpu.memory_space<vmem>>, vector<1024x128xf32>
    %get3A_2 = arith.constant 0 : index
    %get3A_3 = arith.constant 0 : index
    %get3A_4 = vector.load %arg2[%get3A_2, %get3A_3] : memref<128x128xf32, #tpu.memory_space<vmem>>, vector<128x128xf32>
    %dot_general3A = arith.constant dense<0.000000e+00> : vector<1024x128xf32>
    %dot_general3A_5 = tpu.matmul %get3A_1, %get3A_4, %dot_general3A {dimension_numbers = #tpu.dot_dimension_numbers<[1], [0], [0], [1], [0, 0, 1, 1], [], []>, transpose_lhs_hint = false} : vector<1024x128xf32>, vector<128x128xf32>, vector<1024x128xf32> -> vector<1024x128xf32>
    %swap3A = arith.constant 0 : index
    %swap3A_6 = arith.constant 0 : index
    %swap3A_7 = vector.load %arg6[%swap3A, %swap3A_6] : memref<1024x128xf32, #tpu.memory_space<vmem>>, vector<1024x128xf32>
    tpu.vector_store %arg6[%swap3A, %swap3A_6], %dot_general3A_5 {strides = array<i32>} : memref<1024x128xf32, #tpu.memory_space<vmem>>, vector<1024x128xf32>,
    %get3A_8 = arith.constant 0 : index
    %get3A_9 = arith.constant 0 : index
    %get3A_10 = vector.load %arg3[%get3A_8, %get3A_9] : memref<128x8xf32, #tpu.memory_space<vmem>>, vector<128x8xf32>
    %dot_general3A_11 = arith.constant dense<0.000000e+00> : vector<8x1024xf32>
    %dot_general3A_12 = tpu.matmul %get3A_10, %dot_general3A_5, %dot_general3A_11 {dimension_numbers = #tpu.dot_dimension_numbers<[0], [1], [1], [0], [0, 1, 1, 0], [], []>, transpose_lhs_hint = false} : vector<128x8xf32>, vector<1024x128xf32>, vector<8x1024xf32> -> vector<8x1024xf32>
    %swap3A_13 = arith.constant 0 : index
    %swap3A_14 = arith.constant 0 : index
    %swap3A_15 = vector.load %arg7[%swap3A_13, %swap3A_14] : memref<8x1024xf32, #tpu.memory_space<vmem>>, vector<8x1024xf32>
    tpu.vector_store %arg7[%swap3A_13, %swap3A_14], %dot_general3A_12 {strides = array<i32>} : memref<8x1024xf32, #tpu.memory_space<vmem>>, vector<8x1024xf32>,
    %get3A_16 = arith.constant 0 : index
    %get3A_17 = arith.constant 0 : index
    %get3A_18 = vector.load %arg4[%get3A_16, %get3A_17] : memref<256x2048xf32, #tpu.memory_space<vmem>>, vector<256x2048xf32>
    %get3A_19 = arith.constant 0 : index
    %get3A_20 = arith.constant 0 : index
    %get3A_21 = vector.load %arg5[%get3A_19, %get3A_20] : memref<2048x128xf32, #tpu.memory_space<vmem>>, vector<2048x128xf32>
    %dot_general3A_22 = arith.constant dense<0.000000e+00> : vector<256x128xf32>
    %dot_general3A_23 = tpu.matmul %get3A_18, %get3A_21, %dot_general3A_22 {dimension_numbers = #tpu.dot_dimension_numbers<[1], [0], [0], [1], [0, 0, 1, 1], [], []>, transpose_lhs_hint = false} : vector<256x2048xf32>, vector<2048x128xf32>, vector<256x128xf32> -> vector<256x128xf32>
    %swap3A_24 = arith.constant 0 : index
    %swap3A_25 = arith.constant 0 : index
    %swap3A_26 = vector.load %arg8[%swap3A_24, %swap3A_25] : memref<256x128xf32, #tpu.memory_space<vmem>>, vector<256x128xf32>
    tpu.vector_store %arg8[%swap3A_24, %swap3A_25], %dot_general3A_23 {strides = array<i32>} : memref<256x128xf32, #tpu.memory_space<vmem>>, vector<256x128xf32>,
    return
  }
  func.func @transform_0(%arg0: i32) -> (i32, i32) {
    %c0_i32 = arith.constant 0 : i32
    %c0_i32_0 = arith.constant 0 : i32
    return %arg0, %c0_i32 : i32, i32
  }
  func.func @transform_1(%arg0: i32) -> (i32, i32) {
    %c0_i32 = arith.constant 0 : i32
    %c0_i32_0 = arith.constant 0 : i32
    %c0_i32_1 = arith.constant 0 : i32
    return %c0_i32, %c0_i32_0 : i32, i32
  }
  func.func @transform_2(%arg0: i32) -> (i32, i32) {
    %c0_i32 = arith.constant 0 : i32
    %c0_i32_0 = arith.constant 0 : i32
    %c0_i32_1 = arith.constant 0 : i32
    return %c0_i32, %c0_i32_0 : i32, i32
  }
  func.func @transform_3(%arg0: i32) -> (i32, i32) {
    %c0_i32 = arith.constant 0 : i32
    %c0_i32_0 = arith.constant 0 : i32
    return %arg0, %c0_i32 : i32, i32
  }
  func.func @transform_4(%arg0: i32) -> (i32, i32) {
    %c0_i32 = arith.constant 0 : i32
    %c0_i32_0 = arith.constant 0 : i32
    %c0_i32_1 = arith.constant 0 : i32
    return %c0_i32, %c0_i32_0 : i32, i32
  }
  func.func @transform_5(%arg0: i32) -> (i32, i32) {
    %c0_i32 = arith.constant 0 : i32
    %c0_i32_0 = arith.constant 0 : i32
    return %arg0, %c0_i32 : i32, i32
  }
  func.func @transform_6(%arg0: i32) -> (i32, i32) {
    %c0_i32 = arith.constant 0 : i32
    %c0_i32_0 = arith.constant 0 : i32
    return %c0_i32, %arg0 : i32, i32
  }
  func.func @transform_7(%arg0: i32) -> (i32, i32) {
    %c0_i32 = arith.constant 0 : i32
    %c0_i32_0 = arith.constant 0 : i32
    return %arg0, %c0_i32 : i32, i32
  }
}

module attributes {stable_mosaic.version = 14 : i64} {
  func.func @_final_body(%arg0: i32, %arg1: memref<2x1024x64xf32, #tpu.memory_space<vmem>>, %arg2: memref<32x1024xf32, #tpu.memory_space<vmem>>, %arg3: memref<1x128xf32, #tpu.memory_space<vmem>>, %arg4: memref<1024x128xf32, #tpu.memory_space<vmem>>) attributes {dimension_semantics = [#tpu.dimension_semantics<arbitrary>], iteration_bounds = array<i64: 10>, scalar_prefetch = 0 : i64, scratch_operands = 0 : i64, tpu.core_type = #tpu.core_type<tc>, window_params = [{transform_indices = @transform_0, window_bounds = array<i64: 2, 1024, 64>}, {transform_indices = @transform_1, window_bounds = array<i64: 32, 1024>}, {pipeline_mode = #tpu.pipeline_mode<synchronous>, transform_indices = @transform_2, window_bounds = array<i64: 1, 128>}, {transform_indices = @transform_3, window_bounds = array<i64: 1024, 128>}]} {
    %get3A = arith.constant 0 : index
    %get3A_0 = arith.constant 0 : index
    %get3A_1 = arith.constant 0 : index
    %get3A_2 = vector.load %arg1[%get3A, %get3A_0, %get3A_1] : memref<2x1024x64xf32, #tpu.memory_space<vmem>>, vector<1x1024x64xf32>
    %get3A_3 = vector.shape_cast %get3A_2 : vector<1x1024x64xf32> to vector<1024x64xf32>
    %get3A_4 = arith.constant 1 : index
    %get3A_5 = arith.constant 0 : index
    %get3A_6 = arith.constant 0 : index
    %get3A_7 = vector.load %arg1[%get3A_4, %get3A_5, %get3A_6] : memref<2x1024x64xf32, #tpu.memory_space<vmem>>, vector<1x1024x64xf32>
    %get3A_8 = vector.shape_cast %get3A_7 : vector<1x1024x64xf32> to vector<1024x64xf32>
    %concatenate3A = tpu.concatenate %get3A_3, %get3A_8 in 1 : vector<1024x64xf32>, vector<1024x64xf32> -> vector<1024x128xf32>
    %get3A_9 = arith.constant 0 : index
    %get3A_10 = arith.constant 0 : index
    %get3A_11 = vector.load %arg2[%get3A_9, %get3A_10] : memref<32x1024xf32, #tpu.memory_space<vmem>>, vector<32x1024xf32>
    %reduce_sum3A = arith.constant dense<0.000000e+00> : vector<1024xf32>
    %reduce_sum3A_12 = vector.multi_reduction <add>, %get3A_11, %reduce_sum3A [0] : vector<32x1024xf32> to vector<1024xf32>
    %broadcast_in_dim3A = vector.shape_cast %reduce_sum3A_12 : vector<1024xf32> to vector<1024x1xf32>
    %add3A = arith.constant 1.000000e-16 : f32
    %add3A_13 = vector.broadcast %add3A : f32 to vector<1024x1xf32>
    %add3A_14 = arith.addf %broadcast_in_dim3A, %add3A_13 : vector<1024x1xf32>
    %div3A = vector.broadcast %add3A_14 : vector<1024x1xf32> to vector<1024x128xf32>
    %div3A_15 = arith.divf %concatenate3A, %div3A : vector<1024x128xf32>
    %get3A_16 = arith.constant 0 : index
    %get3A_17 = arith.constant 0 : index
    %get3A_18 = vector.load %arg3[%get3A_16, %get3A_17] : memref<1x128xf32, #tpu.memory_space<vmem>>, vector<1x128xf32>
    %add3A_19 = vector.broadcast %get3A_18 : vector<1x128xf32> to vector<1024x128xf32>
    %add3A_20 = arith.addf %div3A_15, %add3A_19 : vector<1024x128xf32>
    %swap3A = arith.constant 0 : index
    %swap3A_21 = arith.constant 0 : index
    %swap3A_22 = vector.load %arg4[%swap3A, %swap3A_21] : memref<1024x128xf32, #tpu.memory_space<vmem>>, vector<1024x128xf32>
    tpu.vector_store %arg4[%swap3A, %swap3A_21], %add3A_20 {strides = array<i32>} : memref<1024x128xf32, #tpu.memory_space<vmem>>, vector<1024x128xf32>,
    return
  }
  func.func @transform_0(%arg0: i32) -> (i32, i32, i32) {
    %c0_i32 = arith.constant 0 : i32
    %c0_i32_0 = arith.constant 0 : i32
    %c0_i32_1 = arith.constant 0 : i32
    return %c0_i32, %arg0, %c0_i32_0 : i32, i32, i32
  }
  func.func @transform_1(%arg0: i32) -> (i32, i32) {
    %c0_i32 = arith.constant 0 : i32
    %c0_i32_0 = arith.constant 0 : i32
    return %c0_i32, %arg0 : i32, i32
  }
  func.func @transform_2(%arg0: i32) -> (i32, i32) {
    %c0_i32 = arith.constant 0 : i32
    %c0_i32_0 = arith.constant 0 : i32
    %c0_i32_1 = arith.constant 0 : i32
    return %c0_i32, %c0_i32_0 : i32, i32
  }
  func.func @transform_3(%arg0: i32) -> (i32, i32) {
    %c0_i32 = arith.constant 0 : i32
    %c0_i32_0 = arith.constant 0 : i32
    return %arg0, %c0_i32 : i32, i32
  }
}

</mosaic_0001>

<sc_bundles>
// kernel: kernel.6.cloned.1.call-start
scs
__scs_entry_jumppad:
0x0: {  	(pc) =	sbr.rel $0x88, $3  }
0x1: {  	(tag) =	ssettag $0x0;
	lr =	simm.s32 $0x1  }
0x2: {  	[smem:$0x3F9B] =	sst lr;
	_ =	strace $0xD0000000  }
0x3: {  	_ = 	snop  }
0x4: {  	_ = 	snop  }
0x5: {  	_ = 	snop  }
0x6: {  	_ = 	snop  }
0x7: {  	_ = 	snop  }
__scs_overlays_trampoline_lowered:
0x8: {  	[smem:$0x3FAA] =	sst s0  }
0x9: {  	[smem:$0x3FAB] =	sst s1  }
0xa: {  	[smem:$0x3FAC] =	sst s2  }
0xb: {  	[smem:$0x3FAD] =	sst s3  }
0xc: {  	[smem:$0x3FAE] =	sst s4  }
0xd: {  	[smem:$0x3FAF] =	sst s5  }
0xe: {  	[smem:$0x3FB0] =	sst s6  }
0xf: {  	[smem:$0x3FB1] =	sst s7  }
0x10: {  	[smem:$0x3FB2] =	sst s8  }
0x11: {  	[smem:$0x3FB3] =	sst s9;
	s0 =	simm.s32 @!p0 $0x0  }
0x12: {  	s1 =	sld [smem:$0x3F99];
	s0 =	simm.s32 @p0 $0x1  }
0x13: {  	[smem:$0x3FB4] =	sst s0;
	s0 =	simm.s32 @!p1 $0x0  }
0x14: {  	s2 =	sld [smem:$0x3F98];
	s0 =	simm.s32 @p1 $0x1  }
0x15: {  	[smem:$0x3FB5] =	sst s0;
	s0 =	simm.s32 @!p2 $0x0  }
0x16: {  	s3 =	sld [smem:$0x3FDB];
	s0 =	simm.s32 @p2 $0x1  }
0x17: {  	s4 =	simm.s32 $0x1BF5;
	[smem:$0x3FB7] =	sst s0  }
0x18: {  	s0 =	sld [smem:$0x3F9A];
	_ =	swait.ge [sflag:s4], $0x0  }
0x19: {  	s7 =	sld [smem:$0x3F9B]  }
0x1a: {  	s8 =	sadd.s32 $0xFFFFE003, lr  }
0x1b: {  	s9 =	sadd.s32 $0xFFFFFEF7, lr;
	s5 =	simm.s32 $0xFFFFFFFF;
	p2 =	slt.u32 s8, $0xFFFFF086  }
0x1c: {  	p1 =	slt.u32 s9, $0xF7A;
	s5 =	simm.s32 @!p2 $0x0  }
0x1d: {  	s5 =	simm.s32 @p1 $0x1;
	p0 =	seq.s32 s7, s2  }
0x1e: {  	s7 =	smul.u32 @!p0 $0xF7A, s2;
	p2 =	seq.s32 @!p0 s5, $0x0  }
0x1f: {  	s9 =	smul.u32 $0xF7A, s1;
	s8 =	simm.s32 @!p0 $0x1BF5;
	p2 =	por !p2, p0  }
0x20: {  	[sflag:s8] =	ssyncset.s32 @!p0 $0xFFFFF086;
	s6 =	sadd.s32 @!p0 s3, s7;
	s7 =	simm.s32 @!p0 $0x108  }
0x21: {  	s3 =	sadd.s32 s3, s9;
	s6 =	sadd.s32 @!p0 $0x88, s6;
	s7 =	simm.s32 @p2 $0x1082  }
0x22: {  	[simem:s7], [sflag:s8] =	dma.local @!p0 [hbm:s6], $0xF7A  }
0x23: {  	s9 =	sor.u32 $0xD0000000, s2;
	s6 =	simm.s32 $0x108;
	_ =	swait.ge @!p0 [sflag:s8], $0x0  }
0x24: {  	s3 =	sadd.s32 $0x88, s3;
	s6 =	simm.s32 @!p1 $0x1082;
	[sflag:s4] =	ssyncset.s32 $0xFFFFF086  }
0x25: {  	[simem:s6], [sflag:s4] =	dma.local [hbm:s3], $0xF7A  }
0x26: {  	[smem:$0x3F9B] =	sst s1;
	(tag) =	ssettag s2;
	_ =	strace s9  }
0x27: {  	s1 =	sld [smem:$0x3FAB]  }
0x28: {  	s2 =	sld [smem:$0x3FAC]  }
0x29: {  	s4 =	sld [smem:$0x3FAE]  }
0x2a: {  	p0 =	seq.s32 s5, $0x0;
	s5 =	sld [smem:$0x3FAF]  }
0x2b: {  	s6 =	sld [smem:$0x3FB0]  }
0x2c: {  	s7 =	sld [smem:$0x3FB1]  }
0x2d: {  	s3 =	simm.s32 $0x108;
	s8 =	sld [smem:$0x3FB2]  }
0x2e: {  	s3 =	simm.s32 @!p0 $0x1082;
	s9 =	sld [smem:$0x3FB3]  }
0x2f: {  	lr =	sadd.s32 s0, s3;
	s0 =	sld [smem:$0x3FAA]  }
0x30: {  	s3 =	sld [smem:$0x3FAD]  }
0x31: {  	[smem:$0x3FB6] =	sst s10  }
0x32: {  	s10 =	sld [smem:$0x3FB4];
	_ =	sdelay $0x3  }
0x33: {  	p0 =	seq.s32 s10, $0x1;
	s10 =	sld [smem:$0x3FB6];
	_ =	sdelay $0x3  }
0x34: {  	[smem:$0x3FB6] =	sst s10  }
0x35: {  	s10 =	sld [smem:$0x3FB5];
	_ =	sdelay $0x3  }
0x36: {  	p1 =	seq.s32 s10, $0x1;
	s10 =	sld [smem:$0x3FB6];
	_ =	sdelay $0x3  }
0x37: {  	[smem:$0x3FB6] =	sst s10  }
0x38: {  	s10 =	sld [smem:$0x3FB7]  }
0x39: {  	_ = 	snop;
	(pc) =	sbr.ind lr, $3  }
0x3a: {  	_ = 	snop  }
0x3b: {  	_ = 	snop  }
0x3c: {  	p2 =	seq.s32 s10, $0x1;
	s10 =	sld [smem:$0x3FB6]  }
0x3d: {  	_ =	shalt  }
0x3e: {  	_ =	shalt  }
0x3f: {  	_ =	shalt  }
0x40: {  	_ =	shalt  }
0x41: {  	_ =	shalt  }
0x42: {  	_ =	shalt  }
0x43: {  	_ =	shalt  }
0x44: {  	_ =	shalt  }
0x45: {  	_ =	shalt  }
0x46: {  	_ =	shalt  }
0x47: {  	_ =	shalt  }
0x48: {  	_ =	shalt  }
0x49: {  	_ =	shalt  }
0x4a: {  	_ =	shalt  }
0x4b: {  	_ =	shalt  }
0x4c: {  	_ =	shalt  }
0x4d: {  	_ =	shalt  }
0x4e: {  	_ =	shalt  }
0x4f: {  	_ =	shalt  }
0x50: {  	_ =	shalt  }
0x51: {  	_ =	shalt  }
0x52: {  	_ =	shalt  }
0x53: {  	_ =	shalt  }
0x54: {  	_ =	shalt  }
0x55: {  	_ =	shalt  }
0x56: {  	_ =	shalt  }
0x57: {  	_ =	shalt  }
0x58: {  	_ =	shalt  }
0x59: {  	_ =	shalt  }
0x5a: {  	_ =	shalt  }
0x5b: {  	_ =	shalt  }
0x5c: {  	_ =	shalt  }
0x5d: {  	_ =	shalt  }
0x5e: {  	_ =	shalt  }
0x5f: {  	_ =	shalt  }
0x60: {  	_ =	shalt  }
0x61: {  	_ =	shalt  }
0x62: {  	_ =	shalt  }
0x63: {  	_ =	shalt  }
0x64: {  	_ =	shalt  }
0x65: {  	_ =	shalt  }
0x66: {  	_ =	shalt  }
0x67: {  	_ =	shalt  }
0x68: {  	_ =	shalt  }
0x69: {  	_ =	shalt  }
0x6a: {  	_ =	shalt  }
0x6b: {  	_ =	shalt  }
0x6c: {  	_ =	shalt  }
0x6d: {  	_ =	shalt  }
0x6e: {  	_ =	shalt  }
0x6f: {  	_ =	shalt  }
0x70: {  	_ =	shalt  }
0x71: {  	_ =	shalt  }
0x72: {  	_ =	shalt  }
0x73: {  	_ =	shalt  }
0x74: {  	_ =	shalt  }
0x75: {  	_ =	shalt  }
0x76: {  	_ =	shalt  }
0x77: {  	_ =	shalt  }
0x78: {  	_ =	shalt  }
0x79: {  	_ =	shalt  }
0x7a: {  	_ =	shalt  }
0x7b: {  	_ =	shalt  }
0x7c: {  	_ =	shalt  }
0x7d: {  	_ =	shalt  }
0x7e: {  	_ =	shalt  }
0x7f: {  	_ =	shalt  }
0x80: {  	_ =	shalt  }
0x81: {  	_ =	shalt  }
0x82: {  	_ =	shalt  }
0x83: {  	_ =	shalt  }
0x84: {  	_ =	shalt  }
0x85: {  	_ =	shalt  }
0x86: {  	_ =	shalt  }
0x87: {  	_ =	shalt  }
.Lfunc_end0:
.L_simem_size_0:
called_computation_lowered:
.L_overlay_start_0:
0x88: {  	s2 =	sld [smem:$0x3FD9]  }
0x89: {  	s3 =	sld [smem:$0x3FFE];
	_ =	sdelay $0x1  }
0x8a: {  	s1 =	srdreg.scid  }
0x8b: {  	s0 =	sand.u32 $0x1, s1  }
0x8c: {  	s16 =	sshll.u32 s0, $0xA;
	s2 =	sadd.s32 s3, s2  }
0x8d: {  	s2 =	sadd.s32 s2, s16  }
0x8e: {  	[smem:$0x3FC2] =	sst s2  }
0x8f: {  	_ = 	snop  }
0x90: {  	(tm) =	ssettm $0x1  }
0x91: {  	s17 =	sld [smem:$0x3FFB];
	_ =	sdelay $0x3  }
0x92: {  	_ =	strace s17  }
0x93: {  	s2 =	sld [smem:$0x3FFC];
	_ =	sdelay $0x3  }
0x94: {  	_ =	strace s2  }
0x95: {  	s2 =	sld [smem:$0x3FFD];
	_ =	sdelay $0x3  }
0x96: {  	_ =	strace s2  }
0x97: {  	_ =	strace $0x8FFFFFFF  }
0x98: {  	s18 =	sld [smem:$0x3FDB];
	_ =	sdelay $0x1  }
0x99: {  	s19 =	simm.s32 $_scs_section_size  }
0x9a: {  	s4 =	simm.s32 $_size__tile_overlayer_lowered;
	s5 =	simm.s32 $_tile_overlayer_lowered  }
0x9b: {  	s22 =	simm.s32 $0x1BFF;
	s21 =	sshll.u32 s5, $0x1;
	s2 =	sadd.s32 s19, s18  }
0x9c: {  	s6 =	simm.s32 $0x0;
	s20 =	sshll.u32 s4, $0x1;
	s4 =	sadd.s32 s21, s2  }
0x9d: {  	[timem:s6], [sflag:s22] =	dma.local [hbm:s4], s20  }
0x9e: {  	_ =	swait.ge [sflag:s22], s20  }
0x9f: {  	s3 =	ssub.s32 $0x0, s20;
	[sflag:s22] =	ssyncset.done $0x0  }
0xa0: {  	[sflag:s22] =	ssyncadd.s32 s3;
	_ =	sdelay $0x1  }
0xa1: {  	s23 =	simm.s32 $0x1B8B  }
0xa2: {  	_ =	swait.ge [sflag:s23], $0x1  }
0xa3: {  	[sflag:s23] =	ssyncset.done $0x0  }
0xa4: {  	s25 =	simm.s32 $0x1B8E;
	s24 =	sld [smem:$0x3FFE];
	[sflag:s23] =	ssyncadd.s32 $0xFFFFFFFF  }
0xa5: {  	s26 =	simm.s32 $execute0_lowered;
	[smem:$0x3FD2] =	sst s25  }
0xa6: {  	s4 =	sshll.u32 s26, $0x1;
	_ =	strace $0x80000046;
	[dreg:$0x1] =	wrdreg $0xFFFFFFFF  }
0xa7: {  	s28 =	simm.s32 $_size_execute0_lowered;
	s2 =	sadd.s32 s2, s4;
	[dreg:$0x0] =	wrdreg $0x0  }
0xa8: {  	s4 =	sshll.u32 s28, $0x1;
	[dreg:$0x2] =	wrdreg s2  }
0xa9: {  	[dreg:$0x3] =	wrdreg s4  }
0xaa: {  	[dreg:$0x4] =	wrdreg $0xC0  }
0xab: {  	_ =	task [dreg:s6], $0x5FFFF  }
0xac: {  	[dreg:$0x1] =	wrdreg $0xFFFFFFFF  }
0xad: {  	[dreg:$0x0] =	wrdreg $0x60  }
0xae: {  	[dreg:$0x2] =	wrdreg s24  }
0xaf: {  	[dreg:$0x3] =	wrdreg $0x9  }
0xb0: {  	_ =	task.clear_ibuf [dreg:s6], $0x4FFFF;
	_ =	strace $0x90000046  }
0xb1: {  	s29 =	simm.s32 $0x9;
	_ =	strace $0x80000048  }
0xb2: {  	_ =	swait.ge [sflag:s29], $0x1  }
0xb3: {  	[sflag:s29] =	ssyncadd.s32 $0xFFFFFFFF  }
0xb4: {  	_ =	strace $0x90000048  }
0xb5: {  	_ =	sfence  }
0xb6: {  	s30 =	sld [smem:$0x0];
	_ =	sdelay $0x2  }
0xb7: {  	s31 =	sshll.u32 s1, $0xD;
	s1 =	sshrl.u32 s1, $0x2  }
0xb8: {  	s3 =	sand.u32 $0x4000, s31;
	s1 =	sadd.s32 s1, s30  }
0xb9: {  	s0 =	sor.u32 s3, s0;
	s1 =	sshll.u32 s1, $0x11  }
0xba: {  	s0 =	sor.u32 s1, s0  }
0xbb: {  	s0 =	sadd.s32 $0x8F2B, s0  }
0xbc: {  	[sflag:s0] =	ssyncadd.remote.s32 $0x1  }
0xbd: {  	_ =	sfence.sel $0xFFFF  }
0xbe: {  	[dreg:$0x0] =	wrdreg $0xFFFFFFFF;
	(pc) =	sbr.abs _section_cstart, $3  }
0xbf: {  	[dreg:$0x1] =	wrdreg $0xFFFFFFFF  }
0xc0: {  	_ =	task.clear_ibuf [dreg:s6], $0x2FFFF;
	_ =	strace $0x9FFFFFFF  }
0xc1: {  	(tm) =	ssettm $0x7FFFFFFF  }
tec
execute0_lowered:
.L_overlay_start_1:
0x0: {  	(tag) =	ssettag $0x1  }
0x1: {  	s1 =	srdreg.scid;
	s0 =	stileid.u32  }
0x2: {  	s4 =	rddreg [dreg:$0x0];
	s11 =	simm.s32 $0x1;
	s12 =	simm.s32 $0x2800  }
0x3: {  	s13 =	simm.s32 $0x5000;
	s14 =	simm.s32 $0x7780;
	s15 =	simm.s32 $0x9F00  }
0x4: {  	s16 =	simm.s32 $0xEE00;
	s17 =	simm.s32 $0xC680;
	s18 =	simm.s32 $0x80  }
0x5: {  	s19 =	simm.s32 $0x400;
	s20 =	simm.s32 $0x0;
	s5 =	sand.u32 $0x1, s1  }
0x6: {  	s2 =	sshll.u32 s0, $0x1;
	s1 =	rddreg [dreg:$0x1];
	s6 =	sshrl.u32 s0, $0x2  }
0x7: {  	s3 =	sor.u32 s5, s2;
	s2 =	simm.s32 $0x0;
	s6 =	smul.u32 $0x14000, s6  }
0x8: {  	s5 =	ssub.s32 $0x2, s5;
	s7 =	sshll.u32 s3, $0x7;
	[smem:$0x7FF] =	sst s2  }
0x9: {  	s8 =	smul.u32 $0x2710, s3;
	s3 =	sadd.s32 $0xA200, s4;
	s7 =	sand.u32 $0x380, s7  }
0xa: {  	s31 =	sshrl.u32 s5, $0x1;
	_ =	strace $0x80000047;
	s6 =	sor.u32 s6, s7  }
0xb: {  	s10 =	ssub.s32 s5, s31;
	s30 =	sshrl.u32 s8, $0x3;
	s6 =	sshrl.u32 s6, $0x3  }
0xc: {  	s10 =	smax.u32 s10, $0x1;
	s8 =	sadd.s32 s30, s4;
	s9 =	sadd.s32 s6, s4  }
0xd: {  	s4 =	sadd.s32 $0xA700, s4;
	s5 =	sadd.s32 $0xCA00, s8;
	s6 =	sadd.s32 $0x16640, s8  }
0xe: {  	v0 =	vimm.f32 $0.0e+00;
	s7 =	sadd.s32 $0x200, s8;
	s8 =	sadd.s32 $0x20400, s8;
	s9 =	sadd.s32 $0x2A200, s9  }
.LBB2_1:
0xf: {  	[tilespmem:s2], [sflag:$0x1] =	stream.linear.gather [hbm4b:s3+s2], $0x2800, $0x38;
	[tilespmem:$0x11600] =	vst v63  }
0x10: {  	_ =	swait.ge [sflag:s11], $0x2800  }
0x11: {  	[sflag:s11] =	ssyncset.done $0x0  }
0x12: {  	[sflag:s11] =	ssyncadd.s32 $0xFFFFD800  }
0x13: {  	[tilespmem:s12], [sflag:$0x1] =	stream.linear.gather [hbm4b:s4+s2], $0x2800, $0x38;
	[tilespmem:$0x11600] =	vst v63  }
0x14: {  	_ =	swait.ge [sflag:s11], $0x2800  }
0x15: {  	[sflag:s11] =	ssyncset.done $0x0  }
0x16: {  	[sflag:s11] =	ssyncadd.s32 $0xFFFFD800  }
0x17: {  	[tilespmem:s13], [sflag:$0x1] =	stream.linear.gather [hbm4b:s5+s2], $0x2710, $0x38;
	[tilespmem:$0x11600] =	vst v63  }
0x18: {  	_ =	swait.ge [sflag:s11], $0x2710  }
0x19: {  	[sflag:s11] =	ssyncset.done $0x0  }
0x1a: {  	[sflag:s11] =	ssyncadd.s32 $0xFFFFD8F0  }
0x1b: {  	[tilespmem:s14], [sflag:$0x1] =	stream.linear.gather [hbm4b:s6+s2], $0x2710, $0x38;
	[tilespmem:$0x11600] =	vst v63  }
0x1c: {  	_ =	swait.ge [sflag:s11], $0x2710  }
0x1d: {  	[sflag:s11] =	ssyncset.done $0x0  }
0x1e: {  	[sflag:s11] =	ssyncadd.s32 $0xFFFFD8F0  }
0x1f: {  	[tilespmem:s15], [sflag:$0x1] =	stream.linear.gather [hbm4b:s7+s2], $0x2710, $0x38;
	[tilespmem:$0x11600] =	vst v63  }
0x20: {  	_ =	swait.ge [sflag:s11], $0x2710  }
0x21: {  	[sflag:s11] =	ssyncset.done $0x0  }
0x22: {  	s21 =	simm.s32 $0x0;
	[sflag:s11] =	ssyncadd.s32 $0xFFFFD8F0  }
.LBB2_2:
0x23: {  	p0 =	sne.s32 s21, $0x9FC0  }
.Ltmp0:
0x24: {  	_ = 	snop;
	(pc) =	sbr.rel @p0 .LBB2_2-.Ltmp0, $3  }
0x25: {  	_ =	sdelay $0x1  }
0x26: {  	s22 =	sshra.s32 s21, $0x2  }
0x27: {  	s21 =	sadd.s32 $0x40, s21;
	[tilespmem:s22+$0xEE00] =	vst v0  }
0x28: {  	s21 =	simm.s32 $0x0  }
.LBB2_4:
0x29: {  	s22 =	sshra.s32 s21, $0x2  }
0x2a: {  	v1 =	vld [tilespmem:s22+$0x5000]  }
0x2b: {  	v2 =	vld [tilespmem:s22+$0x7780];
	_ =	sdelay $0x6  }
0x2c: {  	v1 =	vld.idx.msk [tilespmem:v1+s12+$0x0], $0xffff  }
0x2d: {  	v3 =	vld.idx.msk [tilespmem:v2+s2+$0x0], $0xffff;
	_ =	sdelay $0x1  }
0x2e: {  	v4 =	vld [tilespmem:s22+$0x9F00];
	_ =	sdelay $0x2  }
0x2f: {  	v1 =	vadd.f32 v3, v1;
	_ =	sdelay $0x1  }
0x30: {  	v1 =	vadd.f32 v4, v1;
	_ =	sdelay $0x1  }
0x31: {  	v3 =	vmul.f32 $2.000000030e-01, v1  }
0x32: {  	vm0 =	vge.f32 v1, $0.0e+00  }
0x33: {  	v1 =	vsel vm0, v1, v3  }
0x34: {  	v1 =	vmul.f32 $1.442695020e+00, v1;
	_ =	sdelay $0x1  }
0x35: {  	(erf) = vpow2.f32 v1;
	_ =	sdelay $0x8  }
0x36: {  	v1 =	vpop (erf)  }
0x37: {  	[tilespmem:s22+$0xC680] =	vst v1  }
0x38: {  	[tilespmem:v2+s16+$0x0] =	vst.idx.add.f32.msk $0xffff, v1  }
0x39: {  	v1 =	vld [tilespmem:s22+$0x5010]  }
0x3a: {  	v2 =	vld [tilespmem:s22+$0x7790];
	_ =	sdelay $0x6  }
0x3b: {  	v1 =	vld.idx.msk [tilespmem:v1+s12+$0x0], $0xffff  }
0x3c: {  	v3 =	vld.idx.msk [tilespmem:v2+s2+$0x0], $0xffff;
	_ =	sdelay $0x1  }
0x3d: {  	v60 =	vld [tilespmem:s22+$0x9F10];
	_ =	sdelay $0x2  }
0x3e: {  	v1 =	vadd.f32 v3, v1;
	_ =	sdelay $0x1  }
0x3f: {  	v1 =	vadd.f32 v60, v1;
	_ =	sdelay $0x1  }
0x40: {  	v3 =	vmul.f32 $2.000000030e-01, v1  }
0x41: {  	vm12 =	vge.f32 v1, $0.0e+00  }
0x42: {  	v1 =	vsel vm12, v1, v3  }
0x43: {  	v1 =	vmul.f32 $1.442695020e+00, v1;
	_ =	sdelay $0x1  }
0x44: {  	(erf) = vpow2.f32 v1;
	_ =	sdelay $0x8  }
0x45: {  	v1 =	vpop (erf)  }
0x46: {  	[tilespmem:s22+$0xC690] =	vst v1  }
0x47: {  	[tilespmem:v2+s16+$0x0] =	vst.idx.add.f32.msk $0xffff, v1  }
0x48: {  	v1 =	vld [tilespmem:s22+$0x5020]  }
0x49: {  	v2 =	vld [tilespmem:s22+$0x77A0];
	_ =	sdelay $0x6  }
0x4a: {  	v1 =	vld.idx.msk [tilespmem:v1+s12+$0x0], $0xffff  }
0x4b: {  	v3 =	vld.idx.msk [tilespmem:v2+s2+$0x0], $0xffff;
	_ =	sdelay $0x1  }
0x4c: {  	v61 =	vld [tilespmem:s22+$0x9F20];
	_ =	sdelay $0x2  }
0x4d: {  	v1 =	vadd.f32 v3, v1;
	_ =	sdelay $0x1  }
0x4e: {  	v1 =	vadd.f32 v61, v1;
	_ =	sdelay $0x1  }
0x4f: {  	v3 =	vmul.f32 $2.000000030e-01, v1  }
0x50: {  	vm13 =	vge.f32 v1, $0.0e+00  }
0x51: {  	v1 =	vsel vm13, v1, v3  }
0x52: {  	v1 =	vmul.f32 $1.442695020e+00, v1;
	_ =	sdelay $0x1  }
0x53: {  	(erf) = vpow2.f32 v1;
	_ =	sdelay $0x8  }
0x54: {  	v1 =	vpop (erf)  }
0x55: {  	[tilespmem:s22+$0xC6A0] =	vst v1  }
0x56: {  	[tilespmem:v2+s16+$0x0] =	vst.idx.add.f32.msk $0xffff, v1  }
0x57: {  	v1 =	vld [tilespmem:s22+$0x5030]  }
0x58: {  	v2 =	vld [tilespmem:s22+$0x77B0];
	_ =	sdelay $0x6  }
0x59: {  	v1 =	vld.idx.msk [tilespmem:v1+s12+$0x0], $0xffff  }
0x5a: {  	v3 =	vld.idx.msk [tilespmem:v2+s2+$0x0], $0xffff;
	_ =	sdelay $0x1  }
0x5b: {  	v62 =	vld [tilespmem:s22+$0x9F30];
	_ =	sdelay $0x2  }
0x5c: {  	v1 =	vadd.f32 v3, v1;
	_ =	sdelay $0x1  }
0x5d: {  	v1 =	vadd.f32 v62, v1;
	_ =	sdelay $0x1  }
0x5e: {  	v3 =	vmul.f32 $2.000000030e-01, v1  }
0x5f: {  	vm14 =	vge.f32 v1, $0.0e+00  }
0x60: {  	v1 =	vsel vm14, v1, v3  }
0x61: {  	v1 =	vmul.f32 $1.442695020e+00, v1;
	_ =	sdelay $0x1  }
0x62: {  	(erf) = vpow2.f32 v1;
	_ =	sdelay $0x8  }
0x63: {  	v1 =	vpop (erf)  }
0x64: {  	[tilespmem:s22+$0xC6B0] =	vst v1  }
0x65: {  	[tilespmem:v2+s16+$0x0] =	vst.idx.add.f32.msk $0xffff, v1  }
0x66: {  	v1 =	vld [tilespmem:s22+$0x5040]  }
0x67: {  	v2 =	vld [tilespmem:s22+$0x77C0];
	_ =	sdelay $0x6  }
0x68: {  	v1 =	vld.idx.msk [tilespmem:v1+s12+$0x0], $0xffff  }
0x69: {  	v3 =	vld.idx.msk [tilespmem:v2+s2+$0x0], $0xffff;
	_ =	sdelay $0x1  }
0x6a: {  	v63 =	vld [tilespmem:s22+$0x9F40];
	_ =	sdelay $0x2  }
0x6b: {  	v1 =	vadd.f32 v3, v1;
	_ =	sdelay $0x1  }
0x6c: {  	v1 =	vadd.f32 v63, v1;
	_ =	sdelay $0x1  }
0x6d: {  	v3 =	vmul.f32 $2.000000030e-01, v1  }
0x6e: {  	vm15 =	vge.f32 v1, $0.0e+00  }
0x6f: {  	v1 =	vsel vm15, v1, v3  }
0x70: {  	v1 =	vmul.f32 $1.442695020e+00, v1;
	_ =	sdelay $0x1  }
0x71: {  	(erf) = vpow2.f32 v1;
	_ =	sdelay $0x5  }
0x72: {  	p0 =	sne.s32 s21, $0x9B00  }
.Ltmp1:
0x73: {  	_ = 	snop;
	(pc) =	sbr.rel @p0 .LBB2_4-.Ltmp1, $4  }
0x74: {  	_ = 	snop  }
0x75: {  	v1 =	vpop (erf)  }
0x76: {  	[tilespmem:s22+$0xC6C0] =	vst v1  }
0x77: {  	s21 =	sadd.s32 $0x140, s21;
	[tilespmem:v2+s16+$0x0] =	vst.idx.add.f32.msk $0xffff, v1  }
0x78: {  	[hbm4b:s8+s2] =	stream.linear.scatter [tilespmem:s17], [sflag:$0x1], $0x2710, $0x38;
	[tilespmem:$0x11600] =	vst v63  }
0x79: {  	s20 =	sadd.s32 $0x1, s20;
	_ =	swait.ge [sflag:s11], $0x2710  }
0x7a: {  	p0 =	sne.s32 s20, s10;
	[sflag:s11] =	ssyncset.done $0x0  }
.Ltmp2:
0x7b: {  	[sflag:s11] =	ssyncadd.s32 $0xFFFFD8F0;
	(pc) =	sbr.rel @p0 .LBB2_1-.Ltmp2, $4  }
0x7c: {  	[hbm4b:s9+s18] =	stream.strided.scatter [tilespmem:s16], [sflag:$0x1], $0x2800, s19, s18, $0x38;
	[tilespmem:$0x11600] =	vst v63  }
0x7d: {  	_ =	swait.ge [sflag:s11], $0x2800  }
0x7e: {  	[sflag:s11] =	ssyncset.done $0x0  }
0x7f: {  	[sflag:s11] =	ssyncadd.s32 $0xFFFFD800  }
0x80: {  	_ =	sfence.sel $0x180000  }
0x81: {  	[bflag:$0x0] =	sbarrier.arrive $0xFFFF  }
0x82: {  	p0 =	sne.s32 s0, $0x0;
	_ =	strace $0x90000047  }
0x83: {  	s0 =	sadd.s32 @!p0 $0x100000, s1;
	[bflag:$0x2] =	sbarrier.arrive $0xFFFF  }
0x84: {  	[sflag:s0] =	ssyncadd.tile.s32 @!p0 $0x1;
	_ =	shalt  }
.Lfunc_end2:
_tile_overlayer_lowered:
.L_overlay_start_2:
0x85: {  	(tag) =	ssettag $0x2  }
0x86: {  	s0 =	rddreg [dreg:$0x0];
	s2 =	stileid.u32  }
0x87: {  	s1 =	rddreg [dreg:$0x1];
	p0 =	sne.s32 s2, $0x0  }
0x88: {  	s3 =	rddreg [dreg:$0x2];
	[bflag:$0x3] =	sbarrier.arrive $0xFFFF;
	s2 =	simm.s32 @!p0 $0x1C01  }
0x89: {  	[timem:s3], [sflag:s2] =	dma.local @!p0 [hbm:s0], s1  }
0x8a: {  	s0 =	simm.s32 @!p0 $0x1  }
0x8b: {  	_ =	swait.ge @!p0 [sflag:s0], s1  }
0x8c: {  	s1 =	ssub.s32 @!p0 $0x0, s1;
	[sflag:s0] =	ssyncset.done @!p0 $0x0  }
0x8d: {  	[sflag:s0] =	ssyncadd.s32 @!p0 s1  }
0x8e: {  	[bflag:$0x3] =	sbarrier.arrive $0xFFFF  }
0x8f: {  	_ =	shalt  }

// kernel: kernel.9.cloned.1.call-start
scs
__scs_entry_jumppad:
0x0: {  	(pc) =	sbr.rel $0x88, $3  }
0x1: {  	(tag) =	ssettag $0x0;
	lr =	simm.s32 $0x1  }
0x2: {  	[smem:$0x3F9B] =	sst lr;
	_ =	strace $0xD0000000  }
0x3: {  	_ = 	snop  }
0x4: {  	_ = 	snop  }
0x5: {  	_ = 	snop  }
0x6: {  	_ = 	snop  }
0x7: {  	_ = 	snop  }
__scs_overlays_trampoline_lowered:
0x8: {  	[smem:$0x3FAA] =	sst s0  }
0x9: {  	[smem:$0x3FAB] =	sst s1  }
0xa: {  	[smem:$0x3FAC] =	sst s2  }
0xb: {  	[smem:$0x3FAD] =	sst s3  }
0xc: {  	[smem:$0x3FAE] =	sst s4  }
0xd: {  	[smem:$0x3FAF] =	sst s5  }
0xe: {  	[smem:$0x3FB0] =	sst s6  }
0xf: {  	[smem:$0x3FB1] =	sst s7  }
0x10: {  	[smem:$0x3FB2] =	sst s8  }
0x11: {  	[smem:$0x3FB3] =	sst s9;
	s0 =	simm.s32 @!p0 $0x0  }
0x12: {  	s1 =	sld [smem:$0x3F99];
	s0 =	simm.s32 @p0 $0x1  }
0x13: {  	[smem:$0x3FB4] =	sst s0;
	s0 =	simm.s32 @!p1 $0x0  }
0x14: {  	s2 =	sld [smem:$0x3F98];
	s0 =	simm.s32 @p1 $0x1  }
0x15: {  	[smem:$0x3FB5] =	sst s0;
	s0 =	simm.s32 @!p2 $0x0  }
0x16: {  	s3 =	sld [smem:$0x3FDB];
	s0 =	simm.s32 @p2 $0x1  }
0x17: {  	s4 =	simm.s32 $0x1BF5;
	[smem:$0x3FB7] =	sst s0  }
0x18: {  	s0 =	sld [smem:$0x3F9A];
	_ =	swait.ge [sflag:s4], $0x0  }
0x19: {  	s7 =	sld [smem:$0x3F9B]  }
0x1a: {  	s8 =	sadd.s32 $0xFFFFE003, lr  }
0x1b: {  	s9 =	sadd.s32 $0xFFFFFEF7, lr;
	s5 =	simm.s32 $0xFFFFFFFF;
	p2 =	slt.u32 s8, $0xFFFFF086  }
0x1c: {  	p1 =	slt.u32 s9, $0xF7A;
	s5 =	simm.s32 @!p2 $0x0  }
0x1d: {  	s5 =	simm.s32 @p1 $0x1;
	p0 =	seq.s32 s7, s2  }
0x1e: {  	s7 =	smul.u32 @!p0 $0xF7A, s2;
	p2 =	seq.s32 @!p0 s5, $0x0  }
0x1f: {  	s9 =	smul.u32 $0xF7A, s1;
	s8 =	simm.s32 @!p0 $0x1BF5;
	p2 =	por !p2, p0  }
0x20: {  	[sflag:s8] =	ssyncset.s32 @!p0 $0xFFFFF086;
	s6 =	sadd.s32 @!p0 s3, s7;
	s7 =	simm.s32 @!p0 $0x108  }
0x21: {  	s3 =	sadd.s32 s3, s9;
	s6 =	sadd.s32 @!p0 $0x88, s6;
	s7 =	simm.s32 @p2 $0x1082  }
0x22: {  	[simem:s7], [sflag:s8] =	dma.local @!p0 [hbm:s6], $0xF7A  }
0x23: {  	s9 =	sor.u32 $0xD0000000, s2;
	s6 =	simm.s32 $0x108;
	_ =	swait.ge @!p0 [sflag:s8], $0x0  }
0x24: {  	s3 =	sadd.s32 $0x88, s3;
	s6 =	simm.s32 @!p1 $0x1082;
	[sflag:s4] =	ssyncset.s32 $0xFFFFF086  }
0x25: {  	[simem:s6], [sflag:s4] =	dma.local [hbm:s3], $0xF7A  }
0x26: {  	[smem:$0x3F9B] =	sst s1;
	(tag) =	ssettag s2;
	_ =	strace s9  }
0x27: {  	s1 =	sld [smem:$0x3FAB]  }
0x28: {  	s2 =	sld [smem:$0x3FAC]  }
0x29: {  	s4 =	sld [smem:$0x3FAE]  }
0x2a: {  	p0 =	seq.s32 s5, $0x0;
	s5 =	sld [smem:$0x3FAF]  }
0x2b: {  	s6 =	sld [smem:$0x3FB0]  }
0x2c: {  	s7 =	sld [smem:$0x3FB1]  }
0x2d: {  	s3 =	simm.s32 $0x108;
	s8 =	sld [smem:$0x3FB2]  }
0x2e: {  	s3 =	simm.s32 @!p0 $0x1082;
	s9 =	sld [smem:$0x3FB3]  }
0x2f: {  	lr =	sadd.s32 s0, s3;
	s0 =	sld [smem:$0x3FAA]  }
0x30: {  	s3 =	sld [smem:$0x3FAD]  }
0x31: {  	[smem:$0x3FB6] =	sst s10  }
0x32: {  	s10 =	sld [smem:$0x3FB4];
	_ =	sdelay $0x3  }
0x33: {  	p0 =	seq.s32 s10, $0x1;
	s10 =	sld [smem:$0x3FB6];
	_ =	sdelay $0x3  }
0x34: {  	[smem:$0x3FB6] =	sst s10  }
0x35: {  	s10 =	sld [smem:$0x3FB5];
	_ =	sdelay $0x3  }
0x36: {  	p1 =	seq.s32 s10, $0x1;
	s10 =	sld [smem:$0x3FB6];
	_ =	sdelay $0x3  }
0x37: {  	[smem:$0x3FB6] =	sst s10  }
0x38: {  	s10 =	sld [smem:$0x3FB7]  }
0x39: {  	_ = 	snop;
	(pc) =	sbr.ind lr, $3  }
0x3a: {  	_ = 	snop  }
0x3b: {  	_ = 	snop  }
0x3c: {  	p2 =	seq.s32 s10, $0x1;
	s10 =	sld [smem:$0x3FB6]  }
0x3d: {  	_ =	shalt  }
0x3e: {  	_ =	shalt  }
0x3f: {  	_ =	shalt  }
0x40: {  	_ =	shalt  }
0x41: {  	_ =	shalt  }
0x42: {  	_ =	shalt  }
0x43: {  	_ =	shalt  }
0x44: {  	_ =	shalt  }
0x45: {  	_ =	shalt  }
0x46: {  	_ =	shalt  }
0x47: {  	_ =	shalt  }
0x48: {  	_ =	shalt  }
0x49: {  	_ =	shalt  }
0x4a: {  	_ =	shalt  }
0x4b: {  	_ =	shalt  }
0x4c: {  	_ =	shalt  }
0x4d: {  	_ =	shalt  }
0x4e: {  	_ =	shalt  }
0x4f: {  	_ =	shalt  }
0x50: {  	_ =	shalt  }
0x51: {  	_ =	shalt  }
0x52: {  	_ =	shalt  }
0x53: {  	_ =	shalt  }
0x54: {  	_ =	shalt  }
0x55: {  	_ =	shalt  }
0x56: {  	_ =	shalt  }
0x57: {  	_ =	shalt  }
0x58: {  	_ =	shalt  }
0x59: {  	_ =	shalt  }
0x5a: {  	_ =	shalt  }
0x5b: {  	_ =	shalt  }
0x5c: {  	_ =	shalt  }
0x5d: {  	_ =	shalt  }
0x5e: {  	_ =	shalt  }
0x5f: {  	_ =	shalt  }
0x60: {  	_ =	shalt  }
0x61: {  	_ =	shalt  }
0x62: {  	_ =	shalt  }
0x63: {  	_ =	shalt  }
0x64: {  	_ =	shalt  }
0x65: {  	_ =	shalt  }
0x66: {  	_ =	shalt  }
0x67: {  	_ =	shalt  }
0x68: {  	_ =	shalt  }
0x69: {  	_ =	shalt  }
0x6a: {  	_ =	shalt  }
0x6b: {  	_ =	shalt  }
0x6c: {  	_ =	shalt  }
0x6d: {  	_ =	shalt  }
0x6e: {  	_ =	shalt  }
0x6f: {  	_ =	shalt  }
0x70: {  	_ =	shalt  }
0x71: {  	_ =	shalt  }
0x72: {  	_ =	shalt  }
0x73: {  	_ =	shalt  }
0x74: {  	_ =	shalt  }
0x75: {  	_ =	shalt  }
0x76: {  	_ =	shalt  }
0x77: {  	_ =	shalt  }
0x78: {  	_ =	shalt  }
0x79: {  	_ =	shalt  }
0x7a: {  	_ =	shalt  }
0x7b: {  	_ =	shalt  }
0x7c: {  	_ =	shalt  }
0x7d: {  	_ =	shalt  }
0x7e: {  	_ =	shalt  }
0x7f: {  	_ =	shalt  }
0x80: {  	_ =	shalt  }
0x81: {  	_ =	shalt  }
0x82: {  	_ =	shalt  }
0x83: {  	_ =	shalt  }
0x84: {  	_ =	shalt  }
0x85: {  	_ =	shalt  }
0x86: {  	_ =	shalt  }
0x87: {  	_ =	shalt  }
.Lfunc_end0:
.L_simem_size_0:
called_computation.1_lowered:
.L_overlay_start_0:
0x88: {  	s2 =	sld [smem:$0x3FD9]  }
0x89: {  	s3 =	sld [smem:$0x3FFE];
	_ =	sdelay $0x1  }
0x8a: {  	s1 =	srdreg.scid  }
0x8b: {  	s0 =	sand.u32 $0x1, s1  }
0x8c: {  	s17 =	sshll.u32 s0, $0xA;
	s2 =	sadd.s32 s3, s2  }
0x8d: {  	s2 =	sadd.s32 s2, s17  }
0x8e: {  	[smem:$0x3FC2] =	sst s2  }
0x8f: {  	_ = 	snop  }
0x90: {  	s2 =	sld [smem:$0x3FD0];
	(tm) =	ssettm $0x1  }
0x91: {  	s18 =	sld [smem:$0x3FFB];
	_ =	sdelay $0x3  }
0x92: {  	_ =	strace s18  }
0x93: {  	s3 =	sld [smem:$0x3FFC];
	_ =	sdelay $0x3  }
0x94: {  	_ =	strace s3  }
0x95: {  	s3 =	sld [smem:$0x3FFD];
	_ =	sdelay $0x3  }
0x96: {  	_ =	strace s3  }
0x97: {  	_ =	strace $0x8FFFFFFF  }
0x98: {  	s19 =	sld [smem:$0x3FDB];
	_ =	sdelay $0x1  }
0x99: {  	s4 =	simm.s32 $_scs_section_size  }
0x9a: {  	s5 =	simm.s32 $_size__tile_overlayer_lowered;
	s6 =	simm.s32 $_tile_overlayer_lowered  }
0x9b: {  	s22 =	simm.s32 $0x1BFF;
	s21 =	sshll.u32 s6, $0x1;
	s3 =	sadd.s32 s4, s19  }
0x9c: {  	s7 =	simm.s32 $0x0;
	s20 =	sshll.u32 s5, $0x1;
	s5 =	sadd.s32 s21, s3  }
0x9d: {  	[timem:s7], [sflag:s22] =	dma.local [hbm:s5], s20  }
0x9e: {  	_ =	swait.ge [sflag:s22], s20  }
0x9f: {  	s4 =	ssub.s32 $0x0, s20;
	[sflag:s22] =	ssyncset.done $0x0  }
0xa0: {  	[sflag:s22] =	ssyncadd.s32 s4;
	_ =	sdelay $0x1  }
0xa1: {  	s23 =	simm.s32 $0x1B8B  }
0xa2: {  	_ =	swait.ge [sflag:s23], $0x1  }
0xa3: {  	[sflag:s23] =	ssyncset.done $0x0  }
0xa4: {  	s25 =	simm.s32 $0x1B8E;
	s24 =	sld [smem:$0x3FFE];
	[sflag:s23] =	ssyncadd.s32 $0xFFFFFFFF  }
0xa5: {  	s26 =	simm.s32 $execute0_lowered;
	[smem:$0x3FD2] =	sst s25  }
0xa6: {  	s5 =	sshll.u32 s26, $0x1;
	_ =	strace $0x80000049;
	[dreg:$0x1] =	wrdreg $0xFFFFFFFF  }
0xa7: {  	s28 =	simm.s32 $_size_execute0_lowered;
	s3 =	sadd.s32 s3, s5;
	[dreg:$0x0] =	wrdreg $0x0  }
0xa8: {  	s5 =	sshll.u32 s28, $0x1;
	[dreg:$0x2] =	wrdreg s3  }
0xa9: {  	[dreg:$0x3] =	wrdreg s5  }
0xaa: {  	[dreg:$0x4] =	wrdreg $0xC0  }
0xab: {  	_ =	task [dreg:s7], $0x5FFFF  }
0xac: {  	[dreg:$0x1] =	wrdreg $0xFFFFFFFF  }
0xad: {  	[dreg:$0x0] =	wrdreg $0x60  }
0xae: {  	[dreg:$0x2] =	wrdreg s24  }
0xaf: {  	[dreg:$0x3] =	wrdreg s2  }
0xb0: {  	[dreg:$0x4] =	wrdreg $0xF0000  }
0xb1: {  	[dreg:$0x5] =	wrdreg $0x9  }
0xb2: {  	_ =	task.clear_ibuf [dreg:s7], $0x6FFFF;
	_ =	strace $0x90000049  }
0xb3: {  	s29 =	simm.s32 $0x9;
	_ =	strace $0x8000004B  }
0xb4: {  	_ =	swait.ge [sflag:s29], $0x1  }
0xb5: {  	[sflag:s29] =	ssyncadd.s32 $0xFFFFFFFF  }
0xb6: {  	_ =	strace $0x9000004B  }
0xb7: {  	_ =	sfence  }
0xb8: {  	s30 =	sld [smem:$0x0];
	_ =	sdelay $0x2  }
0xb9: {  	s31 =	sshll.u32 s1, $0xD;
	s1 =	sshrl.u32 s1, $0x2  }
0xba: {  	s3 =	sand.u32 $0x4000, s31;
	s1 =	sadd.s32 s1, s30  }
0xbb: {  	s0 =	sor.u32 s3, s0;
	s1 =	sshll.u32 s1, $0x11  }
0xbc: {  	s0 =	sor.u32 s1, s0  }
0xbd: {  	s0 =	sadd.s32 $0x8F2B, s0  }
0xbe: {  	[sflag:s0] =	ssyncadd.remote.s32 $0x1  }
0xbf: {  	_ =	sfence.sel $0xFFFF  }
0xc0: {  	[dreg:$0x0] =	wrdreg $0xFFFFFFFF;
	(pc) =	sbr.abs _section_cstart, $3  }
0xc1: {  	[dreg:$0x1] =	wrdreg $0xFFFFFFFF  }
0xc2: {  	_ =	task.clear_ibuf [dreg:s7], $0x2FFFF;
	_ =	strace $0x9FFFFFFF  }
0xc3: {  	(tm) =	ssettm $0x7FFFFFFF  }
tec
execute0_lowered:
.L_overlay_start_1:
0x0: {  	(tag) =	ssettag $0x1  }
0x1: {  	s0 =	rddreg [dreg:$0x0]  }
0x2: {  	s2 =	rddreg [dreg:$0x1]  }
0x3: {  	s1 =	rddreg [dreg:$0x2];
	s3 =	srdreg.scid  }
0x4: {  	s4 =	simm.s32 $0x0;
	s9 =	stileid.u32;
	s12 =	simm.s32 $0xB  }
0x5: {  	s28 =	simm.s32 $0x1C000;
	s29 =	simm.s32 $0x1D000;
	s5 =	smul.u32 $0x280, s9  }
0x6: {  	s30 =	simm.s32 $0x1;
	s31 =	simm.s32 $0x2;
	s7 =	smul.u32 $0xA00, s9  }
0x7: {  	s3 =	sand.u32 $0x1, s3;
	[smem:$0x7FF] =	sst s4;
	s8 =	smul.u32 $0x5000, s9  }
0x8: {  	s4 =	sadd.s32 $0x34200, s0;
	s9 =	smul.u32 $0x28000, s9;
	_ =	strace $0x8000004A  }
0x9: {  	s10 =	sadd.s32 s7, s0;
	s14 =	sshrl.u32 s8, $0x3;
	s7 =	sadd.s32 s2, s7  }
0xa: {  	s15 =	sshrl.u32 s9, $0x2;
	[dreg:$0x4] =	wrdreg s7;
	s16 =	sadd.s32 $0x200, s10  }
0xb: {  	s2 =	sadd.s32 s2, s14;
	s11 =	sadd.s32 s15, s1;
	[dreg:$0x7] =	wrdreg s16  }
0xc: {  	s6 =	smul.u32 $0x2800, s3;
	s2 =	sadd.s32 $0xA000, s2;
	[dreg:$0x5] =	wrdreg s11  }
0xd: {  	s3 =	ssub.s32 $0x2, s3;
	s17 =	sadd.s32 $0x1000, s11;
	[dreg:$0x6] =	wrdreg s2  }
0xe: {  	s13 =	sshrl.u32 s3, $0x1;
	s18 =	sadd.s32 $0x2000, s11;
	[dreg:$0x8] =	wrdreg s17  }
0xf: {  	s8 =	simm.s32 $0x9;
	s19 =	sadd.s32 $0x3000, s11;
	[dreg:$0x9] =	wrdreg s18  }
0x10: {  	s9 =	simm.s32 $0xA;
	s20 =	sadd.s32 $0x4000, s11;
	[dreg:$0xa] =	wrdreg s19  }
0x11: {  	s5 =	sadd.s32 s5, s6;
	s21 =	sadd.s32 $0x5000, s11;
	[dreg:$0xb] =	wrdreg s20  }
0x12: {  	s3 =	ssub.s32 s3, s13;
	s22 =	sadd.s32 $0x6000, s11;
	[dreg:$0xc] =	wrdreg s21  }
0x13: {  	s7 =	simm.s32 $0x8;
	s23 =	sadd.s32 $0x7000, s11;
	[dreg:$0xd] =	wrdreg s22  }
0x14: {  	v0 =	vmov s6;
	s6 =	simm.s32 $0x0;
	s24 =	sadd.s32 $0x8000, s11;
	[dreg:$0xe] =	wrdreg s23  }
0x15: {  	s5 =	sshll.u32 s5, $0x3;
	s25 =	sadd.s32 $0x9000, s11;
	[dreg:$0xf] =	wrdreg s24  }
0x16: {  	s26 =	smax.u32 s3, $0x1;
	s0 =	sadd.s32 s5, s0;
	[dreg:$0x10] =	wrdreg s25  }
0x17: {  	[dreg:$0x12] =	wrdreg s26;
	s23 =	simm.s32 $0x19000;
	s24 =	simm.s32 $0x40  }
0x18: {  	s20 =	simm.s32 $0x1A000;
	s26 =	simm.s32 $0x1B000;
	s21 =	simm.s32 $0x4  }
0x19: {  	s22 =	simm.s32 $0x5;
	s2 =	simm.s32 $0x6;
	s0 =	sadd.s32 $0x5C200, s0  }
0x1a: {  	v1 =	vimm.f32 $0.0e+00;
	s5 =	simm.s32 $0x7;
	[dreg:$0x11] =	wrdreg s0;
	s0 =	simm.s32 $0x3  }
.LBB2_1:
0x1b: {  	[dreg:$0x13] =	wrdreg s6  }
0x1c: {  	s3 =	simm.s32 $0x0;
	s17 =	rddreg [dreg:$0x4]  }
0x1d: {  	[tilespmem:s3], [sflag:$0xB] =	stream.linear.gather [hbm4b:s17+s3], $0x5000, $0x38;
	[tilespmem:$0x1E000] =	vst v63  }
0x1e: {  	_ =	swait.ge [sflag:s12], $0x5000  }
0x1f: {  	[sflag:s12] =	ssyncset.done $0x0  }
0x20: {  	s10 =	simm.s32 $0x5000;
	s18 =	rddreg [dreg:$0x6];
	[sflag:s12] =	ssyncadd.s32 $0xFFFFB000  }
0x21: {  	[tilespmem:s10], [sflag:$0xB] =	stream.linear.gather [hbm4b:s18+s3], $0x5000, $0x38;
	[tilespmem:$0x1E000] =	vst v63  }
0x22: {  	_ =	swait.ge [sflag:s12], $0x5000  }
0x23: {  	[sflag:s12] =	ssyncset.done $0x0  }
0x24: {  	s25 =	simm.s32 $0xA000;
	s19 =	rddreg [dreg:$0x7];
	[sflag:s12] =	ssyncadd.s32 $0xFFFFB000  }
0x25: {  	[tilespmem:s25], [sflag:$0xB] =	stream.linear.gather [hbm4b:s19+s3], $0x5000, $0x38;
	[tilespmem:$0x1E000] =	vst v63  }
0x26: {  	_ =	swait.ge [sflag:s12], $0x5000  }
0x27: {  	[sflag:s12] =	ssyncset.done $0x0  }
0x28: {  	s3 =	simm.s32 $0x0;
	[sflag:s12] =	ssyncadd.s32 $0xFFFFB000  }
0x29: {  	v4 =	vld [tilespmem:s3+$0x0]  }
0x2a: {  	v3 =	vld [tilespmem:s3+$0x10]  }
0x2b: {  	s6 =	simm.s32 $0x100;
	v2 =	vld [tilespmem:s3+$0x20]  }
.LBB2_2:
0x2c: {  	p0 =	sne.s32 s6, $0x13F00;
	v5 =	vld [tilespmem:s3+$0x30];
	_ =	sdelay $0x1  }
.Ltmp0:
0x2d: {  	v4 =	vadd.s32 v0, v4;
	(pc) =	sbr.rel @p0 .LBB2_2-.Ltmp0, $4  }
0x2e: {  	s10 =	sshra.s32 s6, $0x2;
	[tilespmem:s3+$0x0] =	vst v4;
	v3 =	vadd.s32 v0, v3  }
0x2f: {  	v4 =	vld [tilespmem:s10+$0x0];
	[tilespmem:s3+$0x10] =	vst v3;
	v2 =	vadd.s32 v0, v2  }
0x30: {  	v3 =	vld [tilespmem:s10+$0x10];
	[tilespmem:s3+$0x20] =	vst v2;
	v5 =	vadd.s32 v0, v5  }
0x31: {  	s6 =	sadd.s32 $0x100, s6;
	v2 =	vld [tilespmem:s10+$0x20];
	[tilespmem:s3+$0x30] =	vst v5;
	s3 =	smov.u32 s10  }
0x32: {  	v5 =	vld [tilespmem:s3+$0x30];
	_ =	sdelay $0x1  }
0x33: {  	v4 =	vadd.s32 v0, v4  }
0x34: {  	[tilespmem:s3+$0x0] =	vst v4;
	v3 =	vadd.s32 v0, v3  }
0x35: {  	[tilespmem:s3+$0x10] =	vst v3;
	v2 =	vadd.s32 v0, v2  }
0x36: {  	[tilespmem:s3+$0x20] =	vst v2;
	v2 =	vadd.s32 v0, v5  }
0x37: {  	s6 =	simm.s32 $0x100;
	[tilespmem:s3+$0x30] =	vst v2;
	s3 =	simm.s32 $0x0  }
.LBB2_4:
0x38: {  	p0 =	sne.s32 s6, $0x3F00;
	[tilespmem:s3+$0x19030] =	vst v1;
	s10 =	smov.u32 s6;
	s6 =	sadd.s32 $0x100, s6  }
.Ltmp1:
0x39: {  	[tilespmem:s3+$0x19020] =	vst v1;
	(pc) =	sbr.rel @p0 .LBB2_4-.Ltmp1, $3  }
0x3a: {  	[tilespmem:s3+$0x19000] =	vst v1  }
0x3b: {  	[tilespmem:s3+$0x19010] =	vst v1;
	_ =	sdelay $0x1  }
0x3c: {  	s3 =	sshra.s32 s10, $0x2  }
0x3d: {  	[tilespmem:s3+$0x19030] =	vst v1  }
0x3e: {  	[tilespmem:s3+$0x19020] =	vst v1  }
0x3f: {  	[tilespmem:s3+$0x19000] =	vst v1  }
0x40: {  	[tilespmem:s3+$0x19010] =	vst v1  }
0x41: {  	[spmem:s11] =	stream.linear.scatter [tilespmem:s23], [sflag:$0xB], $0x1000, $0x38;
	[tilespmem:$0x1E000] =	vst v63  }
0x42: {  	_ =	swait.ge [sflag:s12], $0x1000  }
0x43: {  	[sflag:s12] =	ssyncset.done $0x0  }
0x44: {  	s11 =	rddreg [dreg:$0x8];
	[sflag:s12] =	ssyncadd.s32 $0xFFFFF000  }
0x45: {  	[spmem:s11] =	stream.linear.scatter [tilespmem:s23], [sflag:$0xB], $0x1000, $0x38;
	[tilespmem:$0x1E000] =	vst v63  }
0x46: {  	_ =	swait.ge [sflag:s12], $0x1000  }
0x47: {  	[sflag:s12] =	ssyncset.done $0x0  }
0x48: {  	s13 =	rddreg [dreg:$0x9];
	[sflag:s12] =	ssyncadd.s32 $0xFFFFF000  }
0x49: {  	[spmem:s13] =	stream.linear.scatter [tilespmem:s23], [sflag:$0xB], $0x1000, $0x38;
	[tilespmem:$0x1E000] =	vst v63  }
0x4a: {  	_ =	swait.ge [sflag:s12], $0x1000  }
0x4b: {  	[sflag:s12] =	ssyncset.done $0x0  }
0x4c: {  	s14 =	rddreg [dreg:$0xa];
	[sflag:s12] =	ssyncadd.s32 $0xFFFFF000  }
0x4d: {  	[spmem:s14] =	stream.linear.scatter [tilespmem:s23], [sflag:$0xB], $0x1000, $0x38;
	[tilespmem:$0x1E000] =	vst v63  }
0x4e: {  	_ =	swait.ge [sflag:s12], $0x1000  }
0x4f: {  	[sflag:s12] =	ssyncset.done $0x0  }
0x50: {  	s15 =	rddreg [dreg:$0xb];
	[sflag:s12] =	ssyncadd.s32 $0xFFFFF000  }
0x51: {  	[spmem:s15] =	stream.linear.scatter [tilespmem:s23], [sflag:$0xB], $0x1000, $0x38;
	[tilespmem:$0x1E000] =	vst v63  }
0x52: {  	_ =	swait.ge [sflag:s12], $0x1000  }
0x53: {  	[sflag:s12] =	ssyncset.done $0x0  }
0x54: {  	s16 =	rddreg [dreg:$0xc];
	[sflag:s12] =	ssyncadd.s32 $0xFFFFF000  }
0x55: {  	[spmem:s16] =	stream.linear.scatter [tilespmem:s23], [sflag:$0xB], $0x1000, $0x38;
	[tilespmem:$0x1E000] =	vst v63  }
0x56: {  	_ =	swait.ge [sflag:s12], $0x1000  }
0x57: {  	[sflag:s12] =	ssyncset.done $0x0  }
0x58: {  	s17 =	rddreg [dreg:$0xd];
	[sflag:s12] =	ssyncadd.s32 $0xFFFFF000  }
0x59: {  	[spmem:s17] =	stream.linear.scatter [tilespmem:s23], [sflag:$0xB], $0x1000, $0x38;
	[tilespmem:$0x1E000] =	vst v63  }
0x5a: {  	_ =	swait.ge [sflag:s12], $0x1000  }
0x5b: {  	[sflag:s12] =	ssyncset.done $0x0  }
0x5c: {  	s18 =	rddreg [dreg:$0xe];
	[sflag:s12] =	ssyncadd.s32 $0xFFFFF000  }
0x5d: {  	[spmem:s18] =	stream.linear.scatter [tilespmem:s23], [sflag:$0xB], $0x1000, $0x38;
	[tilespmem:$0x1E000] =	vst v63  }
0x5e: {  	_ =	swait.ge [sflag:s12], $0x1000  }
0x5f: {  	[sflag:s12] =	ssyncset.done $0x0  }
0x60: {  	s19 =	rddreg [dreg:$0xf];
	[sflag:s12] =	ssyncadd.s32 $0xFFFFF000  }
0x61: {  	[spmem:s19] =	stream.linear.scatter [tilespmem:s23], [sflag:$0xB], $0x1000, $0x38;
	[tilespmem:$0x1E000] =	vst v63  }
0x62: {  	_ =	swait.ge [sflag:s12], $0x1000  }
0x63: {  	[sflag:s12] =	ssyncset.done $0x0  }
0x64: {  	s25 =	rddreg [dreg:$0x10];
	[sflag:s12] =	ssyncadd.s32 $0xFFFFF000  }
0x65: {  	[spmem:s25] =	stream.linear.scatter [tilespmem:s23], [sflag:$0xB], $0x1000, $0x38;
	[tilespmem:$0x1E000] =	vst v63  }
0x66: {  	_ =	swait.ge [sflag:s12], $0x1000  }
0x67: {  	s11 =	simm.s32 $0x0;
	s13 =	simm.s32 $0xA040;
	[sflag:s12] =	ssyncset.done $0x0  }
0x68: {  	s14 =	simm.s32 $0xA080;
	s15 =	simm.s32 $0xA0C0;
	[sflag:s12] =	ssyncadd.s32 $0xFFFFF000  }
0x69: {  	s16 =	simm.s32 $0xA100;
	s12 =	simm.s32 $0xA000;
	[bflag:$0x0] =	sbarrier.arrive $0xFFFF  }
.LBB2_6:
0x6a: {  	s6 =	smul.u32 $0x140, s11;
	_ =	sdelay $0x1  }
0x6b: {  	[tilespmem:s23], [sflag:$0x1] =	stream.indirect.gather [hbm4b:s4+s24], $0x40, s6, s24, $0xb8;
	[tilespmem:$0x1E000] =	vst v63  }
0x6c: {  	s3 =	sadd.s32 $0x40, s6  }
0x6d: {  	[tilespmem:s20], [sflag:$0x2] =	stream.indirect.gather [hbm4b:s4+s24], $0x40, s3, s24, $0xb8;
	[tilespmem:$0x1E000] =	vst v63  }
0x6e: {  	s19 =	sadd.s32 $0x80, s6  }
0x6f: {  	[tilespmem:s26], [sflag:$0x3] =	stream.indirect.gather [hbm4b:s4+s24], $0x40, s19, s24, $0xb8;
	[tilespmem:$0x1E000] =	vst v63  }
0x70: {  	s18 =	sadd.s32 $0xC0, s6  }
0x71: {  	[tilespmem:s28], [sflag:$0x4] =	stream.indirect.gather [hbm4b:s4+s24], $0x40, s18, s24, $0xb8;
	[tilespmem:$0x1E000] =	vst v63  }
0x72: {  	s17 =	sadd.s32 $0x100, s6  }
0x73: {  	v2 =	vmov s12;
	[tilespmem:s29], [sflag:$0x5] =	stream.indirect.gather [hbm4b:s4+s24], $0x40, s17, s24, $0xb8;
	[tilespmem:$0x1E000] =	vst v63  }
0x74: {  	_ =	swait.ge [sflag:s30], $0x1000  }
0x75: {  	[sflag:s30] =	ssyncset.done $0x0  }
0x76: {  	s10 =	simm.s32 $0x19200;
	s20 =	simm.s32 $0x0;
	[sflag:s30] =	ssyncadd.s32 $0xFFFFF000  }
.LBB2_7:
0x77: {  	s25 =	sshra.s32 s20, $0x2  }
0x78: {  	v3 =	vld.idx.msk [tilespmem:v2+s25+$0x0 ss:$0x1], $0xffff;
	_ =	sdelay $0x1  }
0x79: {  	v4 =	vld [tilespmem:s10+$0xFFFFFE00];
	_ =	sdelay $0x1  }
0x7a: {  	v43 =	vld [tilespmem:s10+$0xFFFFFE10]  }
0x7b: {  	v5 =	vbroadcast v3, $0x0  }
0x7c: {  	v44 =	vld [tilespmem:s10+$0xFFFFFE20]  }
0x7d: {  	v4 =	vmul.f32 v5, v4  }
0x7e: {  	v45 =	vld [tilespmem:s10+$0xFFFFFE30]  }
0x7f: {  	[tilespmem:s10+$0xFFFFFE00] =	vst v4;
	v4 =	vmul.f32 v43, v5  }
0x80: {  	v46 =	vld [tilespmem:s10+$0xFFFFFE40]  }
0x81: {  	[tilespmem:s10+$0xFFFFFE10] =	vst v4;
	v4 =	vmul.f32 v44, v5  }
0x82: {  	v48 =	vld [tilespmem:s10+$0xFFFFFE50]  }
0x83: {  	v47 =	vbroadcast v3, $0x1;
	[tilespmem:s10+$0xFFFFFE20] =	vst v4;
	v4 =	vmul.f32 v45, v5  }
0x84: {  	v49 =	vld [tilespmem:s10+$0xFFFFFE60]  }
0x85: {  	[tilespmem:s10+$0xFFFFFE30] =	vst v4;
	v4 =	vmul.f32 v46, v47  }
0x86: {  	v50 =	vld [tilespmem:s10+$0xFFFFFE70]  }
0x87: {  	[tilespmem:s10+$0xFFFFFE40] =	vst v4;
	v4 =	vmul.f32 v48, v47  }
0x88: {  	v51 =	vld [tilespmem:s10+$0xFFFFFE80]  }
0x89: {  	[tilespmem:s10+$0xFFFFFE50] =	vst v4;
	v4 =	vmul.f32 v49, v47  }
0x8a: {  	v53 =	vld [tilespmem:s10+$0xFFFFFE90]  }
0x8b: {  	v52 =	vbroadcast v3, $0x2;
	[tilespmem:s10+$0xFFFFFE60] =	vst v4;
	v4 =	vmul.f32 v50, v47  }
0x8c: {  	v54 =	vld [tilespmem:s10+$0xFFFFFEA0]  }
0x8d: {  	[tilespmem:s10+$0xFFFFFE70] =	vst v4;
	v4 =	vmul.f32 v51, v52  }
0x8e: {  	v55 =	vld [tilespmem:s10+$0xFFFFFEB0]  }
0x8f: {  	[tilespmem:s10+$0xFFFFFE80] =	vst v4;
	v4 =	vmul.f32 v53, v52  }
0x90: {  	v56 =	vld [tilespmem:s10+$0xFFFFFEC0]  }
0x91: {  	[tilespmem:s10+$0xFFFFFE90] =	vst v4;
	v4 =	vmul.f32 v54, v52  }
0x92: {  	v58 =	vld [tilespmem:s10+$0xFFFFFED0]  }
0x93: {  	v57 =	vbroadcast v3, $0x3;
	[tilespmem:s10+$0xFFFFFEA0] =	vst v4;
	v4 =	vmul.f32 v55, v52  }
0x94: {  	v59 =	vld [tilespmem:s10+$0xFFFFFEE0]  }
0x95: {  	[tilespmem:s10+$0xFFFFFEB0] =	vst v4;
	v4 =	vmul.f32 v56, v57  }
0x96: {  	v60 =	vld [tilespmem:s10+$0xFFFFFEF0]  }
0x97: {  	[tilespmem:s10+$0xFFFFFEC0] =	vst v4;
	v4 =	vmul.f32 v58, v57  }
0x98: {  	v61 =	vld [tilespmem:s10+$0xFFFFFF00]  }
0x99: {  	[tilespmem:s10+$0xFFFFFED0] =	vst v4;
	v4 =	vmul.f32 v59, v57  }
0x9a: {  	v63 =	vld [tilespmem:s10+$0xFFFFFF10]  }
0x9b: {  	v62 =	vbroadcast v3, $0x4;
	[tilespmem:s10+$0xFFFFFEE0] =	vst v4;
	v4 =	vmul.f32 v60, v57  }
0x9c: {  	v8 =	vld [tilespmem:s10+$0xFFFFFF20]  }
0x9d: {  	[tilespmem:s10+$0xFFFFFEF0] =	vst v4;
	v4 =	vmul.f32 v61, v62  }
0x9e: {  	v9 =	vld [tilespmem:s10+$0xFFFFFF30]  }
0x9f: {  	[tilespmem:s10+$0xFFFFFF00] =	vst v4;
	v4 =	vmul.f32 v63, v62  }
0xa0: {  	v10 =	vld [tilespmem:s10+$0xFFFFFF40]  }
0xa1: {  	[tilespmem:s10+$0xFFFFFF10] =	vst v4;
	v4 =	vmul.f32 v8, v62  }
0xa2: {  	v12 =	vld [tilespmem:s10+$0xFFFFFF50]  }
0xa3: {  	v11 =	vbroadcast v3, $0x5;
	[tilespmem:s10+$0xFFFFFF20] =	vst v4;
	v4 =	vmul.f32 v9, v62  }
0xa4: {  	v13 =	vld [tilespmem:s10+$0xFFFFFF60]  }
0xa5: {  	[tilespmem:s10+$0xFFFFFF30] =	vst v4;
	v4 =	vmul.f32 v10, v11  }
0xa6: {  	v14 =	vld [tilespmem:s10+$0xFFFFFF70]  }
0xa7: {  	[tilespmem:s10+$0xFFFFFF40] =	vst v4;
	v4 =	vmul.f32 v12, v11  }
0xa8: {  	v15 =	vld [tilespmem:s10+$0xFFFFFF80]  }
0xa9: {  	[tilespmem:s10+$0xFFFFFF50] =	vst v4;
	v4 =	vmul.f32 v13, v11  }
0xaa: {  	v17 =	vld [tilespmem:s10+$0xFFFFFF90]  }
0xab: {  	v16 =	vbroadcast v3, $0x6;
	[tilespmem:s10+$0xFFFFFF60] =	vst v4;
	v4 =	vmul.f32 v14, v11  }
0xac: {  	v18 =	vld [tilespmem:s10+$0xFFFFFFA0]  }
0xad: {  	[tilespmem:s10+$0xFFFFFF70] =	vst v4;
	v4 =	vmul.f32 v15, v16  }
0xae: {  	v19 =	vld [tilespmem:s10+$0xFFFFFFB0]  }
0xaf: {  	[tilespmem:s10+$0xFFFFFF80] =	vst v4;
	v4 =	vmul.f32 v17, v16  }
0xb0: {  	v20 =	vld [tilespmem:s10+$0xFFFFFFC0]  }
0xb1: {  	[tilespmem:s10+$0xFFFFFF90] =	vst v4;
	v4 =	vmul.f32 v18, v16  }
0xb2: {  	v22 =	vld [tilespmem:s10+$0xFFFFFFD0]  }
0xb3: {  	v21 =	vbroadcast v3, $0x7;
	[tilespmem:s10+$0xFFFFFFA0] =	vst v4;
	v4 =	vmul.f32 v19, v16  }
0xb4: {  	v23 =	vld [tilespmem:s10+$0xFFFFFFE0]  }
0xb5: {  	[tilespmem:s10+$0xFFFFFFB0] =	vst v4;
	v4 =	vmul.f32 v20, v21  }
0xb6: {  	v24 =	vld [tilespmem:s10+$0xFFFFFFF0]  }
0xb7: {  	[tilespmem:s10+$0xFFFFFFC0] =	vst v4;
	v4 =	vmul.f32 v22, v21  }
0xb8: {  	v25 =	vld [tilespmem:s10+$0x0]  }
0xb9: {  	[tilespmem:s10+$0xFFFFFFD0] =	vst v4;
	v4 =	vmul.f32 v23, v21  }
0xba: {  	v27 =	vld [tilespmem:s10+$0x10]  }
0xbb: {  	v26 =	vbroadcast v3, $0x8;
	[tilespmem:s10+$0xFFFFFFE0] =	vst v4;
	v4 =	vmul.f32 v24, v21  }
0xbc: {  	v28 =	vld [tilespmem:s10+$0x20]  }
0xbd: {  	[tilespmem:s10+$0xFFFFFFF0] =	vst v4;
	v4 =	vmul.f32 v25, v26  }
0xbe: {  	v29 =	vld [tilespmem:s10+$0x30]  }
0xbf: {  	[tilespmem:s10+$0x0] =	vst v4;
	v4 =	vmul.f32 v27, v26  }
0xc0: {  	v30 =	vld [tilespmem:s10+$0x40]  }
0xc1: {  	[tilespmem:s10+$0x10] =	vst v4;
	v4 =	vmul.f32 v28, v26  }
0xc2: {  	v32 =	vld [tilespmem:s10+$0x50]  }
0xc3: {  	v31 =	vbroadcast v3, $0x9;
	[tilespmem:s10+$0x20] =	vst v4;
	v4 =	vmul.f32 v29, v26  }
0xc4: {  	v33 =	vld [tilespmem:s10+$0x60]  }
0xc5: {  	[tilespmem:s10+$0x30] =	vst v4;
	v4 =	vmul.f32 v30, v31  }
0xc6: {  	v34 =	vld [tilespmem:s10+$0x70]  }
0xc7: {  	[tilespmem:s10+$0x40] =	vst v4;
	v4 =	vmul.f32 v32, v31  }
0xc8: {  	v35 =	vld [tilespmem:s10+$0x80]  }
0xc9: {  	[tilespmem:s10+$0x50] =	vst v4;
	v4 =	vmul.f32 v33, v31  }
0xca: {  	v37 =	vld [tilespmem:s10+$0x90]  }
0xcb: {  	v36 =	vbroadcast v3, $0xA;
	[tilespmem:s10+$0x60] =	vst v4;
	v4 =	vmul.f32 v34, v31  }
0xcc: {  	v38 =	vld [tilespmem:s10+$0xA0]  }
0xcd: {  	[tilespmem:s10+$0x70] =	vst v4;
	v4 =	vmul.f32 v35, v36  }
0xce: {  	v39 =	vld [tilespmem:s10+$0xB0]  }
0xcf: {  	[tilespmem:s10+$0x80] =	vst v4;
	v4 =	vmul.f32 v37, v36  }
0xd0: {  	v40 =	vld [tilespmem:s10+$0xC0]  }
0xd1: {  	[tilespmem:s10+$0x90] =	vst v4;
	v4 =	vmul.f32 v38, v36  }
0xd2: {  	v42 =	vld [tilespmem:s10+$0xD0]  }
0xd3: {  	v41 =	vbroadcast v3, $0xB;
	[tilespmem:s10+$0xA0] =	vst v4;
	v4 =	vmul.f32 v39, v36  }
0xd4: {  	v43 =	vld [tilespmem:s10+$0xE0]  }
0xd5: {  	[tilespmem:s10+$0xB0] =	vst v4;
	v4 =	vmul.f32 v40, v41  }
0xd6: {  	v44 =	vld [tilespmem:s10+$0xF0]  }
0xd7: {  	[tilespmem:s10+$0xC0] =	vst v4;
	v4 =	vmul.f32 v42, v41  }
0xd8: {  	v45 =	vld [tilespmem:s10+$0x100]  }
0xd9: {  	[tilespmem:s10+$0xD0] =	vst v4;
	v4 =	vmul.f32 v43, v41  }
0xda: {  	v47 =	vld [tilespmem:s10+$0x110]  }
0xdb: {  	v46 =	vbroadcast v3, $0xC;
	[tilespmem:s10+$0xE0] =	vst v4;
	v4 =	vmul.f32 v44, v41  }
0xdc: {  	v48 =	vld [tilespmem:s10+$0x120]  }
0xdd: {  	[tilespmem:s10+$0xF0] =	vst v4;
	v4 =	vmul.f32 v45, v46  }
0xde: {  	v49 =	vld [tilespmem:s10+$0x130]  }
0xdf: {  	[tilespmem:s10+$0x100] =	vst v4;
	v4 =	vmul.f32 v47, v46  }
0xe0: {  	v50 =	vld [tilespmem:s10+$0x140]  }
0xe1: {  	[tilespmem:s10+$0x110] =	vst v4;
	v4 =	vmul.f32 v48, v46  }
0xe2: {  	v52 =	vld [tilespmem:s10+$0x150]  }
0xe3: {  	v51 =	vbroadcast v3, $0xD;
	[tilespmem:s10+$0x120] =	vst v4;
	v4 =	vmul.f32 v49, v46  }
0xe4: {  	v53 =	vld [tilespmem:s10+$0x160]  }
0xe5: {  	[tilespmem:s10+$0x130] =	vst v4;
	v4 =	vmul.f32 v50, v51  }
0xe6: {  	v54 =	vld [tilespmem:s10+$0x170]  }
0xe7: {  	[tilespmem:s10+$0x140] =	vst v4;
	v4 =	vmul.f32 v52, v51  }
0xe8: {  	v55 =	vld [tilespmem:s10+$0x180]  }
0xe9: {  	[tilespmem:s10+$0x150] =	vst v4;
	v4 =	vmul.f32 v53, v51  }
0xea: {  	v57 =	vld [tilespmem:s10+$0x190]  }
0xeb: {  	v56 =	vbroadcast v3, $0xE;
	[tilespmem:s10+$0x160] =	vst v4;
	v4 =	vmul.f32 v54, v51  }
0xec: {  	v58 =	vld [tilespmem:s10+$0x1A0]  }
0xed: {  	[tilespmem:s10+$0x170] =	vst v4;
	v4 =	vmul.f32 v55, v56  }
0xee: {  	v59 =	vld [tilespmem:s10+$0x1B0]  }
0xef: {  	[tilespmem:s10+$0x180] =	vst v4;
	v4 =	vmul.f32 v57, v56  }
0xf0: {  	v60 =	vld [tilespmem:s10+$0x1C0]  }
0xf1: {  	[tilespmem:s10+$0x190] =	vst v4;
	v4 =	vmul.f32 v58, v56  }
0xf2: {  	v61 =	vld [tilespmem:s10+$0x1D0]  }
0xf3: {  	v3 =	vbroadcast v3, $0xF;
	[tilespmem:s10+$0x1A0] =	vst v4;
	v4 =	vmul.f32 v59, v56  }
0xf4: {  	v62 =	vld [tilespmem:s10+$0x1E0]  }
0xf5: {  	v63 =	vld [tilespmem:s10+$0x1F0];
	[tilespmem:s10+$0x1B0] =	vst v4;
	v4 =	vmul.f32 v60, v3;
	_ =	sdelay $0x1  }
0xf6: {  	p0 =	sne.s32 s20, $0xC0;
	[tilespmem:s10+$0x1C0] =	vst v4;
	v4 =	vmul.f32 v61, v3  }
.Ltmp2:
0xf7: {  	_ = 	snop;
	(pc) =	sbr.rel @p0 .LBB2_7-.Ltmp2, $4  }
0xf8: {  	[tilespmem:s10+$0x1D0] =	vst v4;
	v4 =	vmul.f32 v62, v3  }
0xf9: {  	v3 =	vmul.f32 v63, v3  }
0xfa: {  	[tilespmem:s10+$0x1E0] =	vst v4  }
0xfb: {  	s20 =	sadd.s32 $0x40, s20;
	[tilespmem:s10+$0x1F0] =	vst v3;
	s10 =	sadd.s32 $0x400, s10  }
0xfc: {  	s6 =	sadd.s32 $0x5000, s6  }
0xfd: {  	v2 =	vmov s13;
	[spmem:s1] =	stream.indirect.scatter.add.f32 [tilespmem:s23], [sflag:$0x6], $0x40, s6, s24, $0xb8;
	[tilespmem:$0x1E000] =	vst v63  }
0xfe: {  	_ =	swait.ge [sflag:s31], $0x1000  }
0xff: {  	[sflag:s31] =	ssyncset.done $0x0  }
0x100: {  	s10 =	simm.s32 $0x1A200;
	s6 =	simm.s32 $0x0;
	[sflag:s31] =	ssyncadd.s32 $0xFFFFF000  }
.LBB2_9:
0x101: {  	s20 =	sshra.s32 s6, $0x2  }
0x102: {  	v3 =	vld.idx.msk [tilespmem:v2+s20+$0x0 ss:$0x1], $0xffff;
	_ =	sdelay $0x1  }
0x103: {  	v4 =	vld [tilespmem:s10+$0xFFFFFE00];
	_ =	sdelay $0x1  }
0x104: {  	v43 =	vld [tilespmem:s10+$0xFFFFFE10]  }
0x105: {  	v5 =	vbroadcast v3, $0x0  }
0x106: {  	v44 =	vld [tilespmem:s10+$0xFFFFFE20]  }
0x107: {  	v4 =	vmul.f32 v5, v4  }
0x108: {  	v45 =	vld [tilespmem:s10+$0xFFFFFE30]  }
0x109: {  	[tilespmem:s10+$0xFFFFFE00] =	vst v4;
	v4 =	vmul.f32 v43, v5  }
0x10a: {  	v46 =	vld [tilespmem:s10+$0xFFFFFE40]  }
0x10b: {  	[tilespmem:s10+$0xFFFFFE10] =	vst v4;
	v4 =	vmul.f32 v44, v5  }
0x10c: {  	v48 =	vld [tilespmem:s10+$0xFFFFFE50]  }
0x10d: {  	v47 =	vbroadcast v3, $0x1;
	[tilespmem:s10+$0xFFFFFE20] =	vst v4;
	v4 =	vmul.f32 v45, v5  }
0x10e: {  	v49 =	vld [tilespmem:s10+$0xFFFFFE60]  }
0x10f: {  	[tilespmem:s10+$0xFFFFFE30] =	vst v4;
	v4 =	vmul.f32 v46, v47  }
0x110: {  	v50 =	vld [tilespmem:s10+$0xFFFFFE70]  }
0x111: {  	[tilespmem:s10+$0xFFFFFE40] =	vst v4;
	v4 =	vmul.f32 v48, v47  }
0x112: {  	v51 =	vld [tilespmem:s10+$0xFFFFFE80]  }
0x113: {  	[tilespmem:s10+$0xFFFFFE50] =	vst v4;
	v4 =	vmul.f32 v49, v47  }
0x114: {  	v53 =	vld [tilespmem:s10+$0xFFFFFE90]  }
0x115: {  	v52 =	vbroadcast v3, $0x2;
	[tilespmem:s10+$0xFFFFFE60] =	vst v4;
	v4 =	vmul.f32 v50, v47  }
0x116: {  	v54 =	vld [tilespmem:s10+$0xFFFFFEA0]  }
0x117: {  	[tilespmem:s10+$0xFFFFFE70] =	vst v4;
	v4 =	vmul.f32 v51, v52  }
0x118: {  	v55 =	vld [tilespmem:s10+$0xFFFFFEB0]  }
0x119: {  	[tilespmem:s10+$0xFFFFFE80] =	vst v4;
	v4 =	vmul.f32 v53, v52  }
0x11a: {  	v56 =	vld [tilespmem:s10+$0xFFFFFEC0]  }
0x11b: {  	[tilespmem:s10+$0xFFFFFE90] =	vst v4;
	v4 =	vmul.f32 v54, v52  }
0x11c: {  	v58 =	vld [tilespmem:s10+$0xFFFFFED0]  }
0x11d: {  	v57 =	vbroadcast v3, $0x3;
	[tilespmem:s10+$0xFFFFFEA0] =	vst v4;
	v4 =	vmul.f32 v55, v52  }
0x11e: {  	v59 =	vld [tilespmem:s10+$0xFFFFFEE0]  }
0x11f: {  	[tilespmem:s10+$0xFFFFFEB0] =	vst v4;
	v4 =	vmul.f32 v56, v57  }
0x120: {  	v60 =	vld [tilespmem:s10+$0xFFFFFEF0]  }
0x121: {  	[tilespmem:s10+$0xFFFFFEC0] =	vst v4;
	v4 =	vmul.f32 v58, v57  }
0x122: {  	v61 =	vld [tilespmem:s10+$0xFFFFFF00]  }
0x123: {  	[tilespmem:s10+$0xFFFFFED0] =	vst v4;
	v4 =	vmul.f32 v59, v57  }
0x124: {  	v63 =	vld [tilespmem:s10+$0xFFFFFF10]  }
0x125: {  	v62 =	vbroadcast v3, $0x4;
	[tilespmem:s10+$0xFFFFFEE0] =	vst v4;
	v4 =	vmul.f32 v60, v57  }
0x126: {  	v8 =	vld [tilespmem:s10+$0xFFFFFF20]  }
0x127: {  	[tilespmem:s10+$0xFFFFFEF0] =	vst v4;
	v4 =	vmul.f32 v61, v62  }
0x128: {  	v9 =	vld [tilespmem:s10+$0xFFFFFF30]  }
0x129: {  	[tilespmem:s10+$0xFFFFFF00] =	vst v4;
	v4 =	vmul.f32 v63, v62  }
0x12a: {  	v10 =	vld [tilespmem:s10+$0xFFFFFF40]  }
0x12b: {  	[tilespmem:s10+$0xFFFFFF10] =	vst v4;
	v4 =	vmul.f32 v8, v62  }
0x12c: {  	v12 =	vld [tilespmem:s10+$0xFFFFFF50]  }
0x12d: {  	v11 =	vbroadcast v3, $0x5;
	[tilespmem:s10+$0xFFFFFF20] =	vst v4;
	v4 =	vmul.f32 v9, v62  }
0x12e: {  	v13 =	vld [tilespmem:s10+$0xFFFFFF60]  }
0x12f: {  	[tilespmem:s10+$0xFFFFFF30] =	vst v4;
	v4 =	vmul.f32 v10, v11  }
0x130: {  	v14 =	vld [tilespmem:s10+$0xFFFFFF70]  }
0x131: {  	[tilespmem:s10+$0xFFFFFF40] =	vst v4;
	v4 =	vmul.f32 v12, v11  }
0x132: {  	v15 =	vld [tilespmem:s10+$0xFFFFFF80]  }
0x133: {  	[tilespmem:s10+$0xFFFFFF50] =	vst v4;
	v4 =	vmul.f32 v13, v11  }
0x134: {  	v17 =	vld [tilespmem:s10+$0xFFFFFF90]  }
0x135: {  	v16 =	vbroadcast v3, $0x6;
	[tilespmem:s10+$0xFFFFFF60] =	vst v4;
	v4 =	vmul.f32 v14, v11  }
0x136: {  	v18 =	vld [tilespmem:s10+$0xFFFFFFA0]  }
0x137: {  	[tilespmem:s10+$0xFFFFFF70] =	vst v4;
	v4 =	vmul.f32 v15, v16  }
0x138: {  	v19 =	vld [tilespmem:s10+$0xFFFFFFB0]  }
0x139: {  	[tilespmem:s10+$0xFFFFFF80] =	vst v4;
	v4 =	vmul.f32 v17, v16  }
0x13a: {  	v20 =	vld [tilespmem:s10+$0xFFFFFFC0]  }
0x13b: {  	[tilespmem:s10+$0xFFFFFF90] =	vst v4;
	v4 =	vmul.f32 v18, v16  }
0x13c: {  	v22 =	vld [tilespmem:s10+$0xFFFFFFD0]  }
0x13d: {  	v21 =	vbroadcast v3, $0x7;
	[tilespmem:s10+$0xFFFFFFA0] =	vst v4;
	v4 =	vmul.f32 v19, v16  }
0x13e: {  	v23 =	vld [tilespmem:s10+$0xFFFFFFE0]  }
0x13f: {  	[tilespmem:s10+$0xFFFFFFB0] =	vst v4;
	v4 =	vmul.f32 v20, v21  }
0x140: {  	v24 =	vld [tilespmem:s10+$0xFFFFFFF0]  }
0x141: {  	[tilespmem:s10+$0xFFFFFFC0] =	vst v4;
	v4 =	vmul.f32 v22, v21  }
0x142: {  	v25 =	vld [tilespmem:s10+$0x0]  }
0x143: {  	[tilespmem:s10+$0xFFFFFFD0] =	vst v4;
	v4 =	vmul.f32 v23, v21  }
0x144: {  	v27 =	vld [tilespmem:s10+$0x10]  }
0x145: {  	v26 =	vbroadcast v3, $0x8;
	[tilespmem:s10+$0xFFFFFFE0] =	vst v4;
	v4 =	vmul.f32 v24, v21  }
0x146: {  	v28 =	vld [tilespmem:s10+$0x20]  }
0x147: {  	[tilespmem:s10+$0xFFFFFFF0] =	vst v4;
	v4 =	vmul.f32 v25, v26  }
0x148: {  	v29 =	vld [tilespmem:s10+$0x30]  }
0x149: {  	[tilespmem:s10+$0x0] =	vst v4;
	v4 =	vmul.f32 v27, v26  }
0x14a: {  	v30 =	vld [tilespmem:s10+$0x40]  }
0x14b: {  	[tilespmem:s10+$0x10] =	vst v4;
	v4 =	vmul.f32 v28, v26  }
0x14c: {  	v32 =	vld [tilespmem:s10+$0x50]  }
0x14d: {  	v31 =	vbroadcast v3, $0x9;
	[tilespmem:s10+$0x20] =	vst v4;
	v4 =	vmul.f32 v29, v26  }
0x14e: {  	v33 =	vld [tilespmem:s10+$0x60]  }
0x14f: {  	[tilespmem:s10+$0x30] =	vst v4;
	v4 =	vmul.f32 v30, v31  }
0x150: {  	v34 =	vld [tilespmem:s10+$0x70]  }
0x151: {  	[tilespmem:s10+$0x40] =	vst v4;
	v4 =	vmul.f32 v32, v31  }
0x152: {  	v35 =	vld [tilespmem:s10+$0x80]  }
0x153: {  	[tilespmem:s10+$0x50] =	vst v4;
	v4 =	vmul.f32 v33, v31  }
0x154: {  	v37 =	vld [tilespmem:s10+$0x90]  }
0x155: {  	v36 =	vbroadcast v3, $0xA;
	[tilespmem:s10+$0x60] =	vst v4;
	v4 =	vmul.f32 v34, v31  }
0x156: {  	v38 =	vld [tilespmem:s10+$0xA0]  }
0x157: {  	[tilespmem:s10+$0x70] =	vst v4;
	v4 =	vmul.f32 v35, v36  }
0x158: {  	v39 =	vld [tilespmem:s10+$0xB0]  }
0x159: {  	[tilespmem:s10+$0x80] =	vst v4;
	v4 =	vmul.f32 v37, v36  }
0x15a: {  	v40 =	vld [tilespmem:s10+$0xC0]  }
0x15b: {  	[tilespmem:s10+$0x90] =	vst v4;
	v4 =	vmul.f32 v38, v36  }
0x15c: {  	v42 =	vld [tilespmem:s10+$0xD0]  }
0x15d: {  	v41 =	vbroadcast v3, $0xB;
	[tilespmem:s10+$0xA0] =	vst v4;
	v4 =	vmul.f32 v39, v36  }
0x15e: {  	v43 =	vld [tilespmem:s10+$0xE0]  }
0x15f: {  	[tilespmem:s10+$0xB0] =	vst v4;
	v4 =	vmul.f32 v40, v41  }
0x160: {  	v44 =	vld [tilespmem:s10+$0xF0]  }
0x161: {  	[tilespmem:s10+$0xC0] =	vst v4;
	v4 =	vmul.f32 v42, v41  }
0x162: {  	v45 =	vld [tilespmem:s10+$0x100]  }
0x163: {  	[tilespmem:s10+$0xD0] =	vst v4;
	v4 =	vmul.f32 v43, v41  }
0x164: {  	v47 =	vld [tilespmem:s10+$0x110]  }
0x165: {  	v46 =	vbroadcast v3, $0xC;
	[tilespmem:s10+$0xE0] =	vst v4;
	v4 =	vmul.f32 v44, v41  }
0x166: {  	v48 =	vld [tilespmem:s10+$0x120]  }
0x167: {  	[tilespmem:s10+$0xF0] =	vst v4;
	v4 =	vmul.f32 v45, v46  }
0x168: {  	v49 =	vld [tilespmem:s10+$0x130]  }
0x169: {  	[tilespmem:s10+$0x100] =	vst v4;
	v4 =	vmul.f32 v47, v46  }
0x16a: {  	v50 =	vld [tilespmem:s10+$0x140]  }
0x16b: {  	[tilespmem:s10+$0x110] =	vst v4;
	v4 =	vmul.f32 v48, v46  }
0x16c: {  	v52 =	vld [tilespmem:s10+$0x150]  }
0x16d: {  	v51 =	vbroadcast v3, $0xD;
	[tilespmem:s10+$0x120] =	vst v4;
	v4 =	vmul.f32 v49, v46  }
0x16e: {  	v53 =	vld [tilespmem:s10+$0x160]  }
0x16f: {  	[tilespmem:s10+$0x130] =	vst v4;
	v4 =	vmul.f32 v50, v51  }
0x170: {  	v54 =	vld [tilespmem:s10+$0x170]  }
0x171: {  	[tilespmem:s10+$0x140] =	vst v4;
	v4 =	vmul.f32 v52, v51  }
0x172: {  	v55 =	vld [tilespmem:s10+$0x180]  }
0x173: {  	[tilespmem:s10+$0x150] =	vst v4;
	v4 =	vmul.f32 v53, v51  }
0x174: {  	v57 =	vld [tilespmem:s10+$0x190]  }
0x175: {  	v56 =	vbroadcast v3, $0xE;
	[tilespmem:s10+$0x160] =	vst v4;
	v4 =	vmul.f32 v54, v51  }
0x176: {  	v58 =	vld [tilespmem:s10+$0x1A0]  }
0x177: {  	[tilespmem:s10+$0x170] =	vst v4;
	v4 =	vmul.f32 v55, v56  }
0x178: {  	v59 =	vld [tilespmem:s10+$0x1B0]  }
0x179: {  	[tilespmem:s10+$0x180] =	vst v4;
	v4 =	vmul.f32 v57, v56  }
0x17a: {  	v60 =	vld [tilespmem:s10+$0x1C0]  }
0x17b: {  	[tilespmem:s10+$0x190] =	vst v4;
	v4 =	vmul.f32 v58, v56  }
0x17c: {  	v61 =	vld [tilespmem:s10+$0x1D0]  }
0x17d: {  	v3 =	vbroadcast v3, $0xF;
	[tilespmem:s10+$0x1A0] =	vst v4;
	v4 =	vmul.f32 v59, v56  }
0x17e: {  	v62 =	vld [tilespmem:s10+$0x1E0]  }
0x17f: {  	v63 =	vld [tilespmem:s10+$0x1F0];
	[tilespmem:s10+$0x1B0] =	vst v4;
	v4 =	vmul.f32 v60, v3;
	_ =	sdelay $0x1  }
0x180: {  	p0 =	sne.s32 s6, $0xC0;
	[tilespmem:s10+$0x1C0] =	vst v4;
	v4 =	vmul.f32 v61, v3  }
.Ltmp3:
0x181: {  	_ = 	snop;
	(pc) =	sbr.rel @p0 .LBB2_9-.Ltmp3, $4  }
0x182: {  	[tilespmem:s10+$0x1D0] =	vst v4;
	v4 =	vmul.f32 v62, v3  }
0x183: {  	v3 =	vmul.f32 v63, v3  }
0x184: {  	[tilespmem:s10+$0x1E0] =	vst v4  }
0x185: {  	s6 =	sadd.s32 $0x40, s6;
	[tilespmem:s10+$0x1F0] =	vst v3;
	s10 =	sadd.s32 $0x400, s10  }
0x186: {  	s3 =	sadd.s32 $0x5000, s3;
	s20 =	simm.s32 $0x1A000  }
0x187: {  	v2 =	vmov s14;
	[spmem:s1] =	stream.indirect.scatter.add.f32 [tilespmem:s20], [sflag:$0x7], $0x40, s3, s24, $0xb8;
	[tilespmem:$0x1E000] =	vst v63  }
0x188: {  	_ =	swait.ge [sflag:s0], $0x1000  }
0x189: {  	[sflag:s0] =	ssyncset.done $0x0  }
0x18a: {  	s6 =	simm.s32 $0x1B200;
	s3 =	simm.s32 $0x0;
	[sflag:s0] =	ssyncadd.s32 $0xFFFFF000  }
.LBB2_11:
0x18b: {  	s10 =	sshra.s32 s3, $0x2  }
0x18c: {  	v3 =	vld.idx.msk [tilespmem:v2+s10+$0x0 ss:$0x1], $0xffff;
	_ =	sdelay $0x1  }
0x18d: {  	v4 =	vld [tilespmem:s6+$0xFFFFFE00];
	_ =	sdelay $0x1  }
0x18e: {  	v43 =	vld [tilespmem:s6+$0xFFFFFE10]  }
0x18f: {  	v5 =	vbroadcast v3, $0x0  }
0x190: {  	v44 =	vld [tilespmem:s6+$0xFFFFFE20]  }
0x191: {  	v4 =	vmul.f32 v5, v4  }
0x192: {  	v45 =	vld [tilespmem:s6+$0xFFFFFE30]  }
0x193: {  	[tilespmem:s6+$0xFFFFFE00] =	vst v4;
	v4 =	vmul.f32 v43, v5  }
0x194: {  	v46 =	vld [tilespmem:s6+$0xFFFFFE40]  }
0x195: {  	[tilespmem:s6+$0xFFFFFE10] =	vst v4;
	v4 =	vmul.f32 v44, v5  }
0x196: {  	v48 =	vld [tilespmem:s6+$0xFFFFFE50]  }
0x197: {  	v47 =	vbroadcast v3, $0x1;
	[tilespmem:s6+$0xFFFFFE20] =	vst v4;
	v4 =	vmul.f32 v45, v5  }
0x198: {  	v49 =	vld [tilespmem:s6+$0xFFFFFE60]  }
0x199: {  	[tilespmem:s6+$0xFFFFFE30] =	vst v4;
	v4 =	vmul.f32 v46, v47  }
0x19a: {  	v50 =	vld [tilespmem:s6+$0xFFFFFE70]  }
0x19b: {  	[tilespmem:s6+$0xFFFFFE40] =	vst v4;
	v4 =	vmul.f32 v48, v47  }
0x19c: {  	v51 =	vld [tilespmem:s6+$0xFFFFFE80]  }
0x19d: {  	[tilespmem:s6+$0xFFFFFE50] =	vst v4;
	v4 =	vmul.f32 v49, v47  }
0x19e: {  	v53 =	vld [tilespmem:s6+$0xFFFFFE90]  }
0x19f: {  	v52 =	vbroadcast v3, $0x2;
	[tilespmem:s6+$0xFFFFFE60] =	vst v4;
	v4 =	vmul.f32 v50, v47  }
0x1a0: {  	v54 =	vld [tilespmem:s6+$0xFFFFFEA0]  }
0x1a1: {  	[tilespmem:s6+$0xFFFFFE70] =	vst v4;
	v4 =	vmul.f32 v51, v52  }
0x1a2: {  	v55 =	vld [tilespmem:s6+$0xFFFFFEB0]  }
0x1a3: {  	[tilespmem:s6+$0xFFFFFE80] =	vst v4;
	v4 =	vmul.f32 v53, v52  }
0x1a4: {  	v56 =	vld [tilespmem:s6+$0xFFFFFEC0]  }
0x1a5: {  	[tilespmem:s6+$0xFFFFFE90] =	vst v4;
	v4 =	vmul.f32 v54, v52  }
0x1a6: {  	v58 =	vld [tilespmem:s6+$0xFFFFFED0]  }
0x1a7: {  	v57 =	vbroadcast v3, $0x3;
	[tilespmem:s6+$0xFFFFFEA0] =	vst v4;
	v4 =	vmul.f32 v55, v52  }
0x1a8: {  	v59 =	vld [tilespmem:s6+$0xFFFFFEE0]  }
0x1a9: {  	[tilespmem:s6+$0xFFFFFEB0] =	vst v4;
	v4 =	vmul.f32 v56, v57  }
0x1aa: {  	v60 =	vld [tilespmem:s6+$0xFFFFFEF0]  }
0x1ab: {  	[tilespmem:s6+$0xFFFFFEC0] =	vst v4;
	v4 =	vmul.f32 v58, v57  }
0x1ac: {  	v61 =	vld [tilespmem:s6+$0xFFFFFF00]  }
0x1ad: {  	[tilespmem:s6+$0xFFFFFED0] =	vst v4;
	v4 =	vmul.f32 v59, v57  }
0x1ae: {  	v63 =	vld [tilespmem:s6+$0xFFFFFF10]  }
0x1af: {  	v62 =	vbroadcast v3, $0x4;
	[tilespmem:s6+$0xFFFFFEE0] =	vst v4;
	v4 =	vmul.f32 v60, v57  }
0x1b0: {  	v8 =	vld [tilespmem:s6+$0xFFFFFF20]  }
0x1b1: {  	[tilespmem:s6+$0xFFFFFEF0] =	vst v4;
	v4 =	vmul.f32 v61, v62  }
0x1b2: {  	v9 =	vld [tilespmem:s6+$0xFFFFFF30]  }
0x1b3: {  	[tilespmem:s6+$0xFFFFFF00] =	vst v4;
	v4 =	vmul.f32 v63, v62  }
0x1b4: {  	v10 =	vld [tilespmem:s6+$0xFFFFFF40]  }
0x1b5: {  	[tilespmem:s6+$0xFFFFFF10] =	vst v4;
	v4 =	vmul.f32 v8, v62  }
0x1b6: {  	v12 =	vld [tilespmem:s6+$0xFFFFFF50]  }
0x1b7: {  	v11 =	vbroadcast v3, $0x5;
	[tilespmem:s6+$0xFFFFFF20] =	vst v4;
	v4 =	vmul.f32 v9, v62  }
0x1b8: {  	v13 =	vld [tilespmem:s6+$0xFFFFFF60]  }
0x1b9: {  	[tilespmem:s6+$0xFFFFFF30] =	vst v4;
	v4 =	vmul.f32 v10, v11  }
0x1ba: {  	v14 =	vld [tilespmem:s6+$0xFFFFFF70]  }
0x1bb: {  	[tilespmem:s6+$0xFFFFFF40] =	vst v4;
	v4 =	vmul.f32 v12, v11  }
0x1bc: {  	v15 =	vld [tilespmem:s6+$0xFFFFFF80]  }
0x1bd: {  	[tilespmem:s6+$0xFFFFFF50] =	vst v4;
	v4 =	vmul.f32 v13, v11  }
0x1be: {  	v17 =	vld [tilespmem:s6+$0xFFFFFF90]  }
0x1bf: {  	v16 =	vbroadcast v3, $0x6;
	[tilespmem:s6+$0xFFFFFF60] =	vst v4;
	v4 =	vmul.f32 v14, v11  }
0x1c0: {  	v18 =	vld [tilespmem:s6+$0xFFFFFFA0]  }
0x1c1: {  	[tilespmem:s6+$0xFFFFFF70] =	vst v4;
	v4 =	vmul.f32 v15, v16  }
0x1c2: {  	v19 =	vld [tilespmem:s6+$0xFFFFFFB0]  }
0x1c3: {  	[tilespmem:s6+$0xFFFFFF80] =	vst v4;
	v4 =	vmul.f32 v17, v16  }
0x1c4: {  	v20 =	vld [tilespmem:s6+$0xFFFFFFC0]  }
0x1c5: {  	[tilespmem:s6+$0xFFFFFF90] =	vst v4;
	v4 =	vmul.f32 v18, v16  }
0x1c6: {  	v22 =	vld [tilespmem:s6+$0xFFFFFFD0]  }
0x1c7: {  	v21 =	vbroadcast v3, $0x7;
	[tilespmem:s6+$0xFFFFFFA0] =	vst v4;
	v4 =	vmul.f32 v19, v16  }
0x1c8: {  	v23 =	vld [tilespmem:s6+$0xFFFFFFE0]  }
0x1c9: {  	[tilespmem:s6+$0xFFFFFFB0] =	vst v4;
	v4 =	vmul.f32 v20, v21  }
0x1ca: {  	v24 =	vld [tilespmem:s6+$0xFFFFFFF0]  }
0x1cb: {  	[tilespmem:s6+$0xFFFFFFC0] =	vst v4;
	v4 =	vmul.f32 v22, v21  }
0x1cc: {  	v25 =	vld [tilespmem:s6+$0x0]  }
0x1cd: {  	[tilespmem:s6+$0xFFFFFFD0] =	vst v4;
	v4 =	vmul.f32 v23, v21  }
0x1ce: {  	v27 =	vld [tilespmem:s6+$0x10]  }
0x1cf: {  	v26 =	vbroadcast v3, $0x8;
	[tilespmem:s6+$0xFFFFFFE0] =	vst v4;
	v4 =	vmul.f32 v24, v21  }
0x1d0: {  	v28 =	vld [tilespmem:s6+$0x20]  }
0x1d1: {  	[tilespmem:s6+$0xFFFFFFF0] =	vst v4;
	v4 =	vmul.f32 v25, v26  }
0x1d2: {  	v29 =	vld [tilespmem:s6+$0x30]  }
0x1d3: {  	[tilespmem:s6+$0x0] =	vst v4;
	v4 =	vmul.f32 v27, v26  }
0x1d4: {  	v30 =	vld [tilespmem:s6+$0x40]  }
0x1d5: {  	[tilespmem:s6+$0x10] =	vst v4;
	v4 =	vmul.f32 v28, v26  }
0x1d6: {  	v32 =	vld [tilespmem:s6+$0x50]  }
0x1d7: {  	v31 =	vbroadcast v3, $0x9;
	[tilespmem:s6+$0x20] =	vst v4;
	v4 =	vmul.f32 v29, v26  }
0x1d8: {  	v33 =	vld [tilespmem:s6+$0x60]  }
0x1d9: {  	[tilespmem:s6+$0x30] =	vst v4;
	v4 =	vmul.f32 v30, v31  }
0x1da: {  	v34 =	vld [tilespmem:s6+$0x70]  }
0x1db: {  	[tilespmem:s6+$0x40] =	vst v4;
	v4 =	vmul.f32 v32, v31  }
0x1dc: {  	v35 =	vld [tilespmem:s6+$0x80]  }
0x1dd: {  	[tilespmem:s6+$0x50] =	vst v4;
	v4 =	vmul.f32 v33, v31  }
0x1de: {  	v37 =	vld [tilespmem:s6+$0x90]  }
0x1df: {  	v36 =	vbroadcast v3, $0xA;
	[tilespmem:s6+$0x60] =	vst v4;
	v4 =	vmul.f32 v34, v31  }
0x1e0: {  	v38 =	vld [tilespmem:s6+$0xA0]  }
0x1e1: {  	[tilespmem:s6+$0x70] =	vst v4;
	v4 =	vmul.f32 v35, v36  }
0x1e2: {  	v39 =	vld [tilespmem:s6+$0xB0]  }
0x1e3: {  	[tilespmem:s6+$0x80] =	vst v4;
	v4 =	vmul.f32 v37, v36  }
0x1e4: {  	v40 =	vld [tilespmem:s6+$0xC0]  }
0x1e5: {  	[tilespmem:s6+$0x90] =	vst v4;
	v4 =	vmul.f32 v38, v36  }
0x1e6: {  	v42 =	vld [tilespmem:s6+$0xD0]  }
0x1e7: {  	v41 =	vbroadcast v3, $0xB;
	[tilespmem:s6+$0xA0] =	vst v4;
	v4 =	vmul.f32 v39, v36  }
0x1e8: {  	v43 =	vld [tilespmem:s6+$0xE0]  }
0x1e9: {  	[tilespmem:s6+$0xB0] =	vst v4;
	v4 =	vmul.f32 v40, v41  }
0x1ea: {  	v44 =	vld [tilespmem:s6+$0xF0]  }
0x1eb: {  	[tilespmem:s6+$0xC0] =	vst v4;
	v4 =	vmul.f32 v42, v41  }
0x1ec: {  	v45 =	vld [tilespmem:s6+$0x100]  }
0x1ed: {  	[tilespmem:s6+$0xD0] =	vst v4;
	v4 =	vmul.f32 v43, v41  }
0x1ee: {  	v47 =	vld [tilespmem:s6+$0x110]  }
0x1ef: {  	v46 =	vbroadcast v3, $0xC;
	[tilespmem:s6+$0xE0] =	vst v4;
	v4 =	vmul.f32 v44, v41  }
0x1f0: {  	v48 =	vld [tilespmem:s6+$0x120]  }
0x1f1: {  	[tilespmem:s6+$0xF0] =	vst v4;
	v4 =	vmul.f32 v45, v46  }
0x1f2: {  	v49 =	vld [tilespmem:s6+$0x130]  }
0x1f3: {  	[tilespmem:s6+$0x100] =	vst v4;
	v4 =	vmul.f32 v47, v46  }
0x1f4: {  	v50 =	vld [tilespmem:s6+$0x140]  }
0x1f5: {  	[tilespmem:s6+$0x110] =	vst v4;
	v4 =	vmul.f32 v48, v46  }
0x1f6: {  	v52 =	vld [tilespmem:s6+$0x150]  }
0x1f7: {  	v51 =	vbroadcast v3, $0xD;
	[tilespmem:s6+$0x120] =	vst v4;
	v4 =	vmul.f32 v49, v46  }
0x1f8: {  	v53 =	vld [tilespmem:s6+$0x160]  }
0x1f9: {  	[tilespmem:s6+$0x130] =	vst v4;
	v4 =	vmul.f32 v50, v51  }
0x1fa: {  	v54 =	vld [tilespmem:s6+$0x170]  }
0x1fb: {  	[tilespmem:s6+$0x140] =	vst v4;
	v4 =	vmul.f32 v52, v51  }
0x1fc: {  	v55 =	vld [tilespmem:s6+$0x180]  }
0x1fd: {  	[tilespmem:s6+$0x150] =	vst v4;
	v4 =	vmul.f32 v53, v51  }
0x1fe: {  	v57 =	vld [tilespmem:s6+$0x190]  }
0x1ff: {  	v56 =	vbroadcast v3, $0xE;
	[tilespmem:s6+$0x160] =	vst v4;
	v4 =	vmul.f32 v54, v51  }
0x200: {  	v58 =	vld [tilespmem:s6+$0x1A0]  }
0x201: {  	[tilespmem:s6+$0x170] =	vst v4;
	v4 =	vmul.f32 v55, v56  }
0x202: {  	v59 =	vld [tilespmem:s6+$0x1B0]  }
0x203: {  	[tilespmem:s6+$0x180] =	vst v4;
	v4 =	vmul.f32 v57, v56  }
0x204: {  	v60 =	vld [tilespmem:s6+$0x1C0]  }
0x205: {  	[tilespmem:s6+$0x190] =	vst v4;
	v4 =	vmul.f32 v58, v56  }
0x206: {  	v61 =	vld [tilespmem:s6+$0x1D0]  }
0x207: {  	v3 =	vbroadcast v3, $0xF;
	[tilespmem:s6+$0x1A0] =	vst v4;
	v4 =	vmul.f32 v59, v56  }
0x208: {  	v62 =	vld [tilespmem:s6+$0x1E0]  }
0x209: {  	v63 =	vld [tilespmem:s6+$0x1F0];
	[tilespmem:s6+$0x1B0] =	vst v4;
	v4 =	vmul.f32 v60, v3;
	_ =	sdelay $0x1  }
0x20a: {  	p0 =	sne.s32 s3, $0xC0;
	[tilespmem:s6+$0x1C0] =	vst v4;
	v4 =	vmul.f32 v61, v3  }
.Ltmp4:
0x20b: {  	_ = 	snop;
	(pc) =	sbr.rel @p0 .LBB2_11-.Ltmp4, $4  }
0x20c: {  	[tilespmem:s6+$0x1D0] =	vst v4;
	v4 =	vmul.f32 v62, v3  }
0x20d: {  	v3 =	vmul.f32 v63, v3  }
0x20e: {  	[tilespmem:s6+$0x1E0] =	vst v4  }
0x20f: {  	s3 =	sadd.s32 $0x40, s3;
	[tilespmem:s6+$0x1F0] =	vst v3;
	s6 =	sadd.s32 $0x400, s6  }
0x210: {  	s3 =	sadd.s32 $0x5000, s19  }
0x211: {  	v2 =	vmov s15;
	[spmem:s1] =	stream.indirect.scatter.add.f32 [tilespmem:s26], [sflag:$0x8], $0x40, s3, s24, $0xb8;
	[tilespmem:$0x1E000] =	vst v63  }
0x212: {  	_ =	swait.ge [sflag:s21], $0x1000  }
0x213: {  	[sflag:s21] =	ssyncset.done $0x0  }
0x214: {  	s6 =	simm.s32 $0x1C200;
	s3 =	simm.s32 $0x0;
	[sflag:s21] =	ssyncadd.s32 $0xFFFFF000  }
.LBB2_13:
0x215: {  	s10 =	sshra.s32 s3, $0x2  }
0x216: {  	v3 =	vld.idx.msk [tilespmem:v2+s10+$0x0 ss:$0x1], $0xffff;
	_ =	sdelay $0x1  }
0x217: {  	v4 =	vld [tilespmem:s6+$0xFFFFFE00];
	_ =	sdelay $0x1  }
0x218: {  	v43 =	vld [tilespmem:s6+$0xFFFFFE10]  }
0x219: {  	v5 =	vbroadcast v3, $0x0  }
0x21a: {  	v44 =	vld [tilespmem:s6+$0xFFFFFE20]  }
0x21b: {  	v4 =	vmul.f32 v5, v4  }
0x21c: {  	v45 =	vld [tilespmem:s6+$0xFFFFFE30]  }
0x21d: {  	[tilespmem:s6+$0xFFFFFE00] =	vst v4;
	v4 =	vmul.f32 v43, v5  }
0x21e: {  	v46 =	vld [tilespmem:s6+$0xFFFFFE40]  }
0x21f: {  	[tilespmem:s6+$0xFFFFFE10] =	vst v4;
	v4 =	vmul.f32 v44, v5  }
0x220: {  	v48 =	vld [tilespmem:s6+$0xFFFFFE50]  }
0x221: {  	v47 =	vbroadcast v3, $0x1;
	[tilespmem:s6+$0xFFFFFE20] =	vst v4;
	v4 =	vmul.f32 v45, v5  }
0x222: {  	v49 =	vld [tilespmem:s6+$0xFFFFFE60]  }
0x223: {  	[tilespmem:s6+$0xFFFFFE30] =	vst v4;
	v4 =	vmul.f32 v46, v47  }
0x224: {  	v50 =	vld [tilespmem:s6+$0xFFFFFE70]  }
0x225: {  	[tilespmem:s6+$0xFFFFFE40] =	vst v4;
	v4 =	vmul.f32 v48, v47  }
0x226: {  	v51 =	vld [tilespmem:s6+$0xFFFFFE80]  }
0x227: {  	[tilespmem:s6+$0xFFFFFE50] =	vst v4;
	v4 =	vmul.f32 v49, v47  }
0x228: {  	v53 =	vld [tilespmem:s6+$0xFFFFFE90]  }
0x229: {  	v52 =	vbroadcast v3, $0x2;
	[tilespmem:s6+$0xFFFFFE60] =	vst v4;
	v4 =	vmul.f32 v50, v47  }
0x22a: {  	v54 =	vld [tilespmem:s6+$0xFFFFFEA0]  }
0x22b: {  	[tilespmem:s6+$0xFFFFFE70] =	vst v4;
	v4 =	vmul.f32 v51, v52  }
0x22c: {  	v55 =	vld [tilespmem:s6+$0xFFFFFEB0]  }
0x22d: {  	[tilespmem:s6+$0xFFFFFE80] =	vst v4;
	v4 =	vmul.f32 v53, v52  }
0x22e: {  	v56 =	vld [tilespmem:s6+$0xFFFFFEC0]  }
0x22f: {  	[tilespmem:s6+$0xFFFFFE90] =	vst v4;
	v4 =	vmul.f32 v54, v52  }
0x230: {  	v58 =	vld [tilespmem:s6+$0xFFFFFED0]  }
0x231: {  	v57 =	vbroadcast v3, $0x3;
	[tilespmem:s6+$0xFFFFFEA0] =	vst v4;
	v4 =	vmul.f32 v55, v52  }
0x232: {  	v59 =	vld [tilespmem:s6+$0xFFFFFEE0]  }
0x233: {  	[tilespmem:s6+$0xFFFFFEB0] =	vst v4;
	v4 =	vmul.f32 v56, v57  }
0x234: {  	v60 =	vld [tilespmem:s6+$0xFFFFFEF0]  }
0x235: {  	[tilespmem:s6+$0xFFFFFEC0] =	vst v4;
	v4 =	vmul.f32 v58, v57  }
0x236: {  	v61 =	vld [tilespmem:s6+$0xFFFFFF00]  }
0x237: {  	[tilespmem:s6+$0xFFFFFED0] =	vst v4;
	v4 =	vmul.f32 v59, v57  }
0x238: {  	v63 =	vld [tilespmem:s6+$0xFFFFFF10]  }
0x239: {  	v62 =	vbroadcast v3, $0x4;
	[tilespmem:s6+$0xFFFFFEE0] =	vst v4;
	v4 =	vmul.f32 v60, v57  }
0x23a: {  	v8 =	vld [tilespmem:s6+$0xFFFFFF20]  }
0x23b: {  	[tilespmem:s6+$0xFFFFFEF0] =	vst v4;
	v4 =	vmul.f32 v61, v62  }
0x23c: {  	v9 =	vld [tilespmem:s6+$0xFFFFFF30]  }
0x23d: {  	[tilespmem:s6+$0xFFFFFF00] =	vst v4;
	v4 =	vmul.f32 v63, v62  }
0x23e: {  	v10 =	vld [tilespmem:s6+$0xFFFFFF40]  }
0x23f: {  	[tilespmem:s6+$0xFFFFFF10] =	vst v4;
	v4 =	vmul.f32 v8, v62  }
0x240: {  	v12 =	vld [tilespmem:s6+$0xFFFFFF50]  }
0x241: {  	v11 =	vbroadcast v3, $0x5;
	[tilespmem:s6+$0xFFFFFF20] =	vst v4;
	v4 =	vmul.f32 v9, v62  }
0x242: {  	v13 =	vld [tilespmem:s6+$0xFFFFFF60]  }
0x243: {  	[tilespmem:s6+$0xFFFFFF30] =	vst v4;
	v4 =	vmul.f32 v10, v11  }
0x244: {  	v14 =	vld [tilespmem:s6+$0xFFFFFF70]  }
0x245: {  	[tilespmem:s6+$0xFFFFFF40] =	vst v4;
	v4 =	vmul.f32 v12, v11  }
0x246: {  	v15 =	vld [tilespmem:s6+$0xFFFFFF80]  }
0x247: {  	[tilespmem:s6+$0xFFFFFF50] =	vst v4;
	v4 =	vmul.f32 v13, v11  }
0x248: {  	v17 =	vld [tilespmem:s6+$0xFFFFFF90]  }
0x249: {  	v16 =	vbroadcast v3, $0x6;
	[tilespmem:s6+$0xFFFFFF60] =	vst v4;
	v4 =	vmul.f32 v14, v11  }
0x24a: {  	v18 =	vld [tilespmem:s6+$0xFFFFFFA0]  }
0x24b: {  	[tilespmem:s6+$0xFFFFFF70] =	vst v4;
	v4 =	vmul.f32 v15, v16  }
0x24c: {  	v19 =	vld [tilespmem:s6+$0xFFFFFFB0]  }
0x24d: {  	[tilespmem:s6+$0xFFFFFF80] =	vst v4;
	v4 =	vmul.f32 v17, v16  }
0x24e: {  	v20 =	vld [tilespmem:s6+$0xFFFFFFC0]  }
0x24f: {  	[tilespmem:s6+$0xFFFFFF90] =	vst v4;
	v4 =	vmul.f32 v18, v16  }
0x250: {  	v22 =	vld [tilespmem:s6+$0xFFFFFFD0]  }
0x251: {  	v21 =	vbroadcast v3, $0x7;
	[tilespmem:s6+$0xFFFFFFA0] =	vst v4;
	v4 =	vmul.f32 v19, v16  }
0x252: {  	v23 =	vld [tilespmem:s6+$0xFFFFFFE0]  }
0x253: {  	[tilespmem:s6+$0xFFFFFFB0] =	vst v4;
	v4 =	vmul.f32 v20, v21  }
0x254: {  	v24 =	vld [tilespmem:s6+$0xFFFFFFF0]  }
0x255: {  	[tilespmem:s6+$0xFFFFFFC0] =	vst v4;
	v4 =	vmul.f32 v22, v21  }
0x256: {  	v25 =	vld [tilespmem:s6+$0x0]  }
0x257: {  	[tilespmem:s6+$0xFFFFFFD0] =	vst v4;
	v4 =	vmul.f32 v23, v21  }
0x258: {  	v27 =	vld [tilespmem:s6+$0x10]  }
0x259: {  	v26 =	vbroadcast v3, $0x8;
	[tilespmem:s6+$0xFFFFFFE0] =	vst v4;
	v4 =	vmul.f32 v24, v21  }
0x25a: {  	v28 =	vld [tilespmem:s6+$0x20]  }
0x25b: {  	[tilespmem:s6+$0xFFFFFFF0] =	vst v4;
	v4 =	vmul.f32 v25, v26  }
0x25c: {  	v29 =	vld [tilespmem:s6+$0x30]  }
0x25d: {  	[tilespmem:s6+$0x0] =	vst v4;
	v4 =	vmul.f32 v27, v26  }
0x25e: {  	v30 =	vld [tilespmem:s6+$0x40]  }
0x25f: {  	[tilespmem:s6+$0x10] =	vst v4;
	v4 =	vmul.f32 v28, v26  }
0x260: {  	v32 =	vld [tilespmem:s6+$0x50]  }
0x261: {  	v31 =	vbroadcast v3, $0x9;
	[tilespmem:s6+$0x20] =	vst v4;
	v4 =	vmul.f32 v29, v26  }
0x262: {  	v33 =	vld [tilespmem:s6+$0x60]  }
0x263: {  	[tilespmem:s6+$0x30] =	vst v4;
	v4 =	vmul.f32 v30, v31  }
0x264: {  	v34 =	vld [tilespmem:s6+$0x70]  }
0x265: {  	[tilespmem:s6+$0x40] =	vst v4;
	v4 =	vmul.f32 v32, v31  }
0x266: {  	v35 =	vld [tilespmem:s6+$0x80]  }
0x267: {  	[tilespmem:s6+$0x50] =	vst v4;
	v4 =	vmul.f32 v33, v31  }
0x268: {  	v37 =	vld [tilespmem:s6+$0x90]  }
0x269: {  	v36 =	vbroadcast v3, $0xA;
	[tilespmem:s6+$0x60] =	vst v4;
	v4 =	vmul.f32 v34, v31  }
0x26a: {  	v38 =	vld [tilespmem:s6+$0xA0]  }
0x26b: {  	[tilespmem:s6+$0x70] =	vst v4;
	v4 =	vmul.f32 v35, v36  }
0x26c: {  	v39 =	vld [tilespmem:s6+$0xB0]  }
0x26d: {  	[tilespmem:s6+$0x80] =	vst v4;
	v4 =	vmul.f32 v37, v36  }
0x26e: {  	v40 =	vld [tilespmem:s6+$0xC0]  }
0x26f: {  	[tilespmem:s6+$0x90] =	vst v4;
	v4 =	vmul.f32 v38, v36  }
0x270: {  	v42 =	vld [tilespmem:s6+$0xD0]  }
0x271: {  	v41 =	vbroadcast v3, $0xB;
	[tilespmem:s6+$0xA0] =	vst v4;
	v4 =	vmul.f32 v39, v36  }
0x272: {  	v43 =	vld [tilespmem:s6+$0xE0]  }
0x273: {  	[tilespmem:s6+$0xB0] =	vst v4;
	v4 =	vmul.f32 v40, v41  }
0x274: {  	v44 =	vld [tilespmem:s6+$0xF0]  }
0x275: {  	[tilespmem:s6+$0xC0] =	vst v4;
	v4 =	vmul.f32 v42, v41  }
0x276: {  	v45 =	vld [tilespmem:s6+$0x100]  }
0x277: {  	[tilespmem:s6+$0xD0] =	vst v4;
	v4 =	vmul.f32 v43, v41  }
0x278: {  	v47 =	vld [tilespmem:s6+$0x110]  }
0x279: {  	v46 =	vbroadcast v3, $0xC;
	[tilespmem:s6+$0xE0] =	vst v4;
	v4 =	vmul.f32 v44, v41  }
0x27a: {  	v48 =	vld [tilespmem:s6+$0x120]  }
0x27b: {  	[tilespmem:s6+$0xF0] =	vst v4;
	v4 =	vmul.f32 v45, v46  }
0x27c: {  	v49 =	vld [tilespmem:s6+$0x130]  }
0x27d: {  	[tilespmem:s6+$0x100] =	vst v4;
	v4 =	vmul.f32 v47, v46  }
0x27e: {  	v50 =	vld [tilespmem:s6+$0x140]  }
0x27f: {  	[tilespmem:s6+$0x110] =	vst v4;
	v4 =	vmul.f32 v48, v46  }
0x280: {  	v52 =	vld [tilespmem:s6+$0x150]  }
0x281: {  	v51 =	vbroadcast v3, $0xD;
	[tilespmem:s6+$0x120] =	vst v4;
	v4 =	vmul.f32 v49, v46  }
0x282: {  	v53 =	vld [tilespmem:s6+$0x160]  }
0x283: {  	[tilespmem:s6+$0x130] =	vst v4;
	v4 =	vmul.f32 v50, v51  }
0x284: {  	v54 =	vld [tilespmem:s6+$0x170]  }
0x285: {  	[tilespmem:s6+$0x140] =	vst v4;
	v4 =	vmul.f32 v52, v51  }
0x286: {  	v55 =	vld [tilespmem:s6+$0x180]  }
0x287: {  	[tilespmem:s6+$0x150] =	vst v4;
	v4 =	vmul.f32 v53, v51  }
0x288: {  	v57 =	vld [tilespmem:s6+$0x190]  }
0x289: {  	v56 =	vbroadcast v3, $0xE;
	[tilespmem:s6+$0x160] =	vst v4;
	v4 =	vmul.f32 v54, v51  }
0x28a: {  	v58 =	vld [tilespmem:s6+$0x1A0]  }
0x28b: {  	[tilespmem:s6+$0x170] =	vst v4;
	v4 =	vmul.f32 v55, v56  }
0x28c: {  	v59 =	vld [tilespmem:s6+$0x1B0]  }
0x28d: {  	[tilespmem:s6+$0x180] =	vst v4;
	v4 =	vmul.f32 v57, v56  }
0x28e: {  	v60 =	vld [tilespmem:s6+$0x1C0]  }
0x28f: {  	[tilespmem:s6+$0x190] =	vst v4;
	v4 =	vmul.f32 v58, v56  }
0x290: {  	v61 =	vld [tilespmem:s6+$0x1D0]  }
0x291: {  	v3 =	vbroadcast v3, $0xF;
	[tilespmem:s6+$0x1A0] =	vst v4;
	v4 =	vmul.f32 v59, v56  }
0x292: {  	v62 =	vld [tilespmem:s6+$0x1E0]  }
0x293: {  	v63 =	vld [tilespmem:s6+$0x1F0];
	[tilespmem:s6+$0x1B0] =	vst v4;
	v4 =	vmul.f32 v60, v3;
	_ =	sdelay $0x1  }
0x294: {  	p0 =	sne.s32 s3, $0xC0;
	[tilespmem:s6+$0x1C0] =	vst v4;
	v4 =	vmul.f32 v61, v3  }
.Ltmp5:
0x295: {  	_ = 	snop;
	(pc) =	sbr.rel @p0 .LBB2_13-.Ltmp5, $4  }
0x296: {  	[tilespmem:s6+$0x1D0] =	vst v4;
	v4 =	vmul.f32 v62, v3  }
0x297: {  	v3 =	vmul.f32 v63, v3  }
0x298: {  	[tilespmem:s6+$0x1E0] =	vst v4  }
0x299: {  	s3 =	sadd.s32 $0x40, s3;
	[tilespmem:s6+$0x1F0] =	vst v3;
	s6 =	sadd.s32 $0x400, s6  }
0x29a: {  	s3 =	sadd.s32 $0x5000, s18  }
0x29b: {  	v2 =	vmov s16;
	[spmem:s1] =	stream.indirect.scatter.add.f32 [tilespmem:s28], [sflag:$0x9], $0x40, s3, s24, $0xb8;
	[tilespmem:$0x1E000] =	vst v63  }
0x29c: {  	_ =	swait.ge [sflag:s22], $0x1000  }
0x29d: {  	[sflag:s22] =	ssyncset.done $0x0  }
0x29e: {  	s6 =	simm.s32 $0x1D200;
	s3 =	simm.s32 $0x0;
	[sflag:s22] =	ssyncadd.s32 $0xFFFFF000  }
.LBB2_15:
0x29f: {  	s10 =	sshra.s32 s3, $0x2  }
0x2a0: {  	v3 =	vld.idx.msk [tilespmem:v2+s10+$0x0 ss:$0x1], $0xffff;
	_ =	sdelay $0x1  }
0x2a1: {  	v4 =	vld [tilespmem:s6+$0xFFFFFE00];
	_ =	sdelay $0x1  }
0x2a2: {  	v43 =	vld [tilespmem:s6+$0xFFFFFE10]  }
0x2a3: {  	v5 =	vbroadcast v3, $0x0  }
0x2a4: {  	v44 =	vld [tilespmem:s6+$0xFFFFFE20]  }
0x2a5: {  	v4 =	vmul.f32 v5, v4  }
0x2a6: {  	v45 =	vld [tilespmem:s6+$0xFFFFFE30]  }
0x2a7: {  	[tilespmem:s6+$0xFFFFFE00] =	vst v4;
	v4 =	vmul.f32 v43, v5  }
0x2a8: {  	v46 =	vld [tilespmem:s6+$0xFFFFFE40]  }
0x2a9: {  	[tilespmem:s6+$0xFFFFFE10] =	vst v4;
	v4 =	vmul.f32 v44, v5  }
0x2aa: {  	v48 =	vld [tilespmem:s6+$0xFFFFFE50]  }
0x2ab: {  	v47 =	vbroadcast v3, $0x1;
	[tilespmem:s6+$0xFFFFFE20] =	vst v4;
	v4 =	vmul.f32 v45, v5  }
0x2ac: {  	v49 =	vld [tilespmem:s6+$0xFFFFFE60]  }
0x2ad: {  	[tilespmem:s6+$0xFFFFFE30] =	vst v4;
	v4 =	vmul.f32 v46, v47  }
0x2ae: {  	v50 =	vld [tilespmem:s6+$0xFFFFFE70]  }
0x2af: {  	[tilespmem:s6+$0xFFFFFE40] =	vst v4;
	v4 =	vmul.f32 v48, v47  }
0x2b0: {  	v51 =	vld [tilespmem:s6+$0xFFFFFE80]  }
0x2b1: {  	[tilespmem:s6+$0xFFFFFE50] =	vst v4;
	v4 =	vmul.f32 v49, v47  }
0x2b2: {  	v53 =	vld [tilespmem:s6+$0xFFFFFE90]  }
0x2b3: {  	v52 =	vbroadcast v3, $0x2;
	[tilespmem:s6+$0xFFFFFE60] =	vst v4;
	v4 =	vmul.f32 v50, v47  }
0x2b4: {  	v54 =	vld [tilespmem:s6+$0xFFFFFEA0]  }
0x2b5: {  	[tilespmem:s6+$0xFFFFFE70] =	vst v4;
	v4 =	vmul.f32 v51, v52  }
0x2b6: {  	v55 =	vld [tilespmem:s6+$0xFFFFFEB0]  }
0x2b7: {  	[tilespmem:s6+$0xFFFFFE80] =	vst v4;
	v4 =	vmul.f32 v53, v52  }
0x2b8: {  	v56 =	vld [tilespmem:s6+$0xFFFFFEC0]  }
0x2b9: {  	[tilespmem:s6+$0xFFFFFE90] =	vst v4;
	v4 =	vmul.f32 v54, v52  }
0x2ba: {  	v58 =	vld [tilespmem:s6+$0xFFFFFED0]  }
0x2bb: {  	v57 =	vbroadcast v3, $0x3;
	[tilespmem:s6+$0xFFFFFEA0] =	vst v4;
	v4 =	vmul.f32 v55, v52  }
0x2bc: {  	v59 =	vld [tilespmem:s6+$0xFFFFFEE0]  }
0x2bd: {  	[tilespmem:s6+$0xFFFFFEB0] =	vst v4;
	v4 =	vmul.f32 v56, v57  }
0x2be: {  	v60 =	vld [tilespmem:s6+$0xFFFFFEF0]  }
0x2bf: {  	[tilespmem:s6+$0xFFFFFEC0] =	vst v4;
	v4 =	vmul.f32 v58, v57  }
0x2c0: {  	v61 =	vld [tilespmem:s6+$0xFFFFFF00]  }
0x2c1: {  	[tilespmem:s6+$0xFFFFFED0] =	vst v4;
	v4 =	vmul.f32 v59, v57  }
0x2c2: {  	v63 =	vld [tilespmem:s6+$0xFFFFFF10]  }
0x2c3: {  	v62 =	vbroadcast v3, $0x4;
	[tilespmem:s6+$0xFFFFFEE0] =	vst v4;
	v4 =	vmul.f32 v60, v57  }
0x2c4: {  	v8 =	vld [tilespmem:s6+$0xFFFFFF20]  }
0x2c5: {  	[tilespmem:s6+$0xFFFFFEF0] =	vst v4;
	v4 =	vmul.f32 v61, v62  }
0x2c6: {  	v9 =	vld [tilespmem:s6+$0xFFFFFF30]  }
0x2c7: {  	[tilespmem:s6+$0xFFFFFF00] =	vst v4;
	v4 =	vmul.f32 v63, v62  }
0x2c8: {  	v10 =	vld [tilespmem:s6+$0xFFFFFF40]  }
0x2c9: {  	[tilespmem:s6+$0xFFFFFF10] =	vst v4;
	v4 =	vmul.f32 v8, v62  }
0x2ca: {  	v12 =	vld [tilespmem:s6+$0xFFFFFF50]  }
0x2cb: {  	v11 =	vbroadcast v3, $0x5;
	[tilespmem:s6+$0xFFFFFF20] =	vst v4;
	v4 =	vmul.f32 v9, v62  }
0x2cc: {  	v13 =	vld [tilespmem:s6+$0xFFFFFF60]  }
0x2cd: {  	[tilespmem:s6+$0xFFFFFF30] =	vst v4;
	v4 =	vmul.f32 v10, v11  }
0x2ce: {  	v14 =	vld [tilespmem:s6+$0xFFFFFF70]  }
0x2cf: {  	[tilespmem:s6+$0xFFFFFF40] =	vst v4;
	v4 =	vmul.f32 v12, v11  }
0x2d0: {  	v15 =	vld [tilespmem:s6+$0xFFFFFF80]  }
0x2d1: {  	[tilespmem:s6+$0xFFFFFF50] =	vst v4;
	v4 =	vmul.f32 v13, v11  }
0x2d2: {  	v17 =	vld [tilespmem:s6+$0xFFFFFF90]  }
0x2d3: {  	v16 =	vbroadcast v3, $0x6;
	[tilespmem:s6+$0xFFFFFF60] =	vst v4;
	v4 =	vmul.f32 v14, v11  }
0x2d4: {  	v18 =	vld [tilespmem:s6+$0xFFFFFFA0]  }
0x2d5: {  	[tilespmem:s6+$0xFFFFFF70] =	vst v4;
	v4 =	vmul.f32 v15, v16  }
0x2d6: {  	v19 =	vld [tilespmem:s6+$0xFFFFFFB0]  }
0x2d7: {  	[tilespmem:s6+$0xFFFFFF80] =	vst v4;
	v4 =	vmul.f32 v17, v16  }
0x2d8: {  	v20 =	vld [tilespmem:s6+$0xFFFFFFC0]  }
0x2d9: {  	[tilespmem:s6+$0xFFFFFF90] =	vst v4;
	v4 =	vmul.f32 v18, v16  }
0x2da: {  	v22 =	vld [tilespmem:s6+$0xFFFFFFD0]  }
0x2db: {  	v21 =	vbroadcast v3, $0x7;
	[tilespmem:s6+$0xFFFFFFA0] =	vst v4;
	v4 =	vmul.f32 v19, v16  }
0x2dc: {  	v23 =	vld [tilespmem:s6+$0xFFFFFFE0]  }
0x2dd: {  	[tilespmem:s6+$0xFFFFFFB0] =	vst v4;
	v4 =	vmul.f32 v20, v21  }
0x2de: {  	v24 =	vld [tilespmem:s6+$0xFFFFFFF0]  }
0x2df: {  	[tilespmem:s6+$0xFFFFFFC0] =	vst v4;
	v4 =	vmul.f32 v22, v21  }
0x2e0: {  	v25 =	vld [tilespmem:s6+$0x0]  }
0x2e1: {  	[tilespmem:s6+$0xFFFFFFD0] =	vst v4;
	v4 =	vmul.f32 v23, v21  }
0x2e2: {  	v27 =	vld [tilespmem:s6+$0x10]  }
0x2e3: {  	v26 =	vbroadcast v3, $0x8;
	[tilespmem:s6+$0xFFFFFFE0] =	vst v4;
	v4 =	vmul.f32 v24, v21  }
0x2e4: {  	v28 =	vld [tilespmem:s6+$0x20]  }
0x2e5: {  	[tilespmem:s6+$0xFFFFFFF0] =	vst v4;
	v4 =	vmul.f32 v25, v26  }
0x2e6: {  	v29 =	vld [tilespmem:s6+$0x30]  }
0x2e7: {  	[tilespmem:s6+$0x0] =	vst v4;
	v4 =	vmul.f32 v27, v26  }
0x2e8: {  	v30 =	vld [tilespmem:s6+$0x40]  }
0x2e9: {  	[tilespmem:s6+$0x10] =	vst v4;
	v4 =	vmul.f32 v28, v26  }
0x2ea: {  	v32 =	vld [tilespmem:s6+$0x50]  }
0x2eb: {  	v31 =	vbroadcast v3, $0x9;
	[tilespmem:s6+$0x20] =	vst v4;
	v4 =	vmul.f32 v29, v26  }
0x2ec: {  	v33 =	vld [tilespmem:s6+$0x60]  }
0x2ed: {  	[tilespmem:s6+$0x30] =	vst v4;
	v4 =	vmul.f32 v30, v31  }
0x2ee: {  	v34 =	vld [tilespmem:s6+$0x70]  }
0x2ef: {  	[tilespmem:s6+$0x40] =	vst v4;
	v4 =	vmul.f32 v32, v31  }
0x2f0: {  	v35 =	vld [tilespmem:s6+$0x80]  }
0x2f1: {  	[tilespmem:s6+$0x50] =	vst v4;
	v4 =	vmul.f32 v33, v31  }
0x2f2: {  	v37 =	vld [tilespmem:s6+$0x90]  }
0x2f3: {  	v36 =	vbroadcast v3, $0xA;
	[tilespmem:s6+$0x60] =	vst v4;
	v4 =	vmul.f32 v34, v31  }
0x2f4: {  	v38 =	vld [tilespmem:s6+$0xA0]  }
0x2f5: {  	[tilespmem:s6+$0x70] =	vst v4;
	v4 =	vmul.f32 v35, v36  }
0x2f6: {  	v39 =	vld [tilespmem:s6+$0xB0]  }
0x2f7: {  	[tilespmem:s6+$0x80] =	vst v4;
	v4 =	vmul.f32 v37, v36  }
0x2f8: {  	v40 =	vld [tilespmem:s6+$0xC0]  }
0x2f9: {  	[tilespmem:s6+$0x90] =	vst v4;
	v4 =	vmul.f32 v38, v36  }
0x2fa: {  	v42 =	vld [tilespmem:s6+$0xD0]  }
0x2fb: {  	v41 =	vbroadcast v3, $0xB;
	[tilespmem:s6+$0xA0] =	vst v4;
	v4 =	vmul.f32 v39, v36  }
0x2fc: {  	v43 =	vld [tilespmem:s6+$0xE0]  }
0x2fd: {  	[tilespmem:s6+$0xB0] =	vst v4;
	v4 =	vmul.f32 v40, v41  }
0x2fe: {  	v44 =	vld [tilespmem:s6+$0xF0]  }
0x2ff: {  	[tilespmem:s6+$0xC0] =	vst v4;
	v4 =	vmul.f32 v42, v41  }
0x300: {  	v45 =	vld [tilespmem:s6+$0x100]  }
0x301: {  	[tilespmem:s6+$0xD0] =	vst v4;
	v4 =	vmul.f32 v43, v41  }
0x302: {  	v47 =	vld [tilespmem:s6+$0x110]  }
0x303: {  	v46 =	vbroadcast v3, $0xC;
	[tilespmem:s6+$0xE0] =	vst v4;
	v4 =	vmul.f32 v44, v41  }
0x304: {  	v48 =	vld [tilespmem:s6+$0x120]  }
0x305: {  	[tilespmem:s6+$0xF0] =	vst v4;
	v4 =	vmul.f32 v45, v46  }
0x306: {  	v49 =	vld [tilespmem:s6+$0x130]  }
0x307: {  	[tilespmem:s6+$0x100] =	vst v4;
	v4 =	vmul.f32 v47, v46  }
0x308: {  	v50 =	vld [tilespmem:s6+$0x140]  }
0x309: {  	[tilespmem:s6+$0x110] =	vst v4;
	v4 =	vmul.f32 v48, v46  }
0x30a: {  	v52 =	vld [tilespmem:s6+$0x150]  }
0x30b: {  	v51 =	vbroadcast v3, $0xD;
	[tilespmem:s6+$0x120] =	vst v4;
	v4 =	vmul.f32 v49, v46  }
0x30c: {  	v53 =	vld [tilespmem:s6+$0x160]  }
0x30d: {  	[tilespmem:s6+$0x130] =	vst v4;
	v4 =	vmul.f32 v50, v51  }
0x30e: {  	v54 =	vld [tilespmem:s6+$0x170]  }
0x30f: {  	[tilespmem:s6+$0x140] =	vst v4;
	v4 =	vmul.f32 v52, v51  }
0x310: {  	v55 =	vld [tilespmem:s6+$0x180]  }
0x311: {  	[tilespmem:s6+$0x150] =	vst v4;
	v4 =	vmul.f32 v53, v51  }
0x312: {  	v57 =	vld [tilespmem:s6+$0x190]  }
0x313: {  	v56 =	vbroadcast v3, $0xE;
	[tilespmem:s6+$0x160] =	vst v4;
	v4 =	vmul.f32 v54, v51  }
0x314: {  	v58 =	vld [tilespmem:s6+$0x1A0]  }
0x315: {  	[tilespmem:s6+$0x170] =	vst v4;
	v4 =	vmul.f32 v55, v56  }
0x316: {  	v59 =	vld [tilespmem:s6+$0x1B0]  }
0x317: {  	[tilespmem:s6+$0x180] =	vst v4;
	v4 =	vmul.f32 v57, v56  }
0x318: {  	v60 =	vld [tilespmem:s6+$0x1C0]  }
0x319: {  	[tilespmem:s6+$0x190] =	vst v4;
	v4 =	vmul.f32 v58, v56  }
0x31a: {  	v61 =	vld [tilespmem:s6+$0x1D0]  }
0x31b: {  	v3 =	vbroadcast v3, $0xF;
	[tilespmem:s6+$0x1A0] =	vst v4;
	v4 =	vmul.f32 v59, v56  }
0x31c: {  	v62 =	vld [tilespmem:s6+$0x1E0]  }
0x31d: {  	v63 =	vld [tilespmem:s6+$0x1F0];
	[tilespmem:s6+$0x1B0] =	vst v4;
	v4 =	vmul.f32 v60, v3;
	_ =	sdelay $0x1  }
0x31e: {  	p0 =	sne.s32 s3, $0xC0;
	[tilespmem:s6+$0x1C0] =	vst v4;
	v4 =	vmul.f32 v61, v3  }
.Ltmp6:
0x31f: {  	_ = 	snop;
	(pc) =	sbr.rel @p0 .LBB2_15-.Ltmp6, $4  }
0x320: {  	[tilespmem:s6+$0x1D0] =	vst v4;
	v4 =	vmul.f32 v62, v3  }
0x321: {  	v3 =	vmul.f32 v63, v3  }
0x322: {  	[tilespmem:s6+$0x1E0] =	vst v4  }
0x323: {  	s3 =	sadd.s32 $0x40, s3;
	[tilespmem:s6+$0x1F0] =	vst v3;
	s6 =	sadd.s32 $0x400, s6  }
0x324: {  	s3 =	sadd.s32 $0x5000, s17  }
0x325: {  	[spmem:s1] =	stream.indirect.scatter.add.f32 [tilespmem:s29], [sflag:$0xA], $0x40, s3, s24, $0xb8;
	[tilespmem:$0x1E000] =	vst v63  }
0x326: {  	_ =	swait.ge [sflag:s2], $0x1000  }
0x327: {  	[sflag:s2] =	ssyncset.done $0x0  }
0x328: {  	[sflag:s2] =	ssyncadd.s32 $0xFFFFF000  }
0x329: {  	_ =	swait.ge [sflag:s5], $0x1000  }
0x32a: {  	[sflag:s5] =	ssyncset.done $0x0  }
0x32b: {  	[sflag:s5] =	ssyncadd.s32 $0xFFFFF000  }
0x32c: {  	_ =	swait.ge [sflag:s7], $0x1000  }
0x32d: {  	[sflag:s7] =	ssyncset.done $0x0  }
0x32e: {  	s11 =	sadd.s32 $0x1, s11;
	[sflag:s7] =	ssyncadd.s32 $0xFFFFF000  }
0x32f: {  	p0 =	sne.s32 s11, $0x40;
	_ =	swait.ge [sflag:s8], $0x1000  }
.Ltmp7:
0x330: {  	[sflag:s8] =	ssyncset.done $0x0;
	(pc) =	sbr.rel @p0 .LBB2_6-.Ltmp7, $4  }
0x331: {  	[sflag:s8] =	ssyncadd.s32 $0xFFFFF000  }
0x332: {  	s12 =	sadd.s32 $0x140, s12;
	_ =	swait.ge [sflag:s9], $0x1000  }
0x333: {  	s13 =	sadd.s32 $0x140, s13;
	s14 =	sadd.s32 $0x140, s14;
	[sflag:s9] =	ssyncset.done $0x0  }
0x334: {  	s15 =	sadd.s32 $0x140, s15;
	s16 =	sadd.s32 $0x140, s16;
	[sflag:s9] =	ssyncadd.s32 $0xFFFFF000  }
0x335: {  	s3 =	stileid.u32;
	[bflag:$0x0] =	sbarrier.arrive $0xFFFF  }
0x336: {  	s12 =	simm.s32 $0xB;
	s3 =	sshll.u32 s3, $0x6;
	s11 =	rddreg [dreg:$0x5]  }
0x337: {  	s10 =	rddreg [dreg:$0x11];
	s3 =	sor.u32 $0x1C0B, s3;
	s6 =	sshrl.u32 s11, $0x3  }
0x338: {  	[hbm:s10], [sflag:s3] =	dma.local [spmem:s6], $0x1400  }
0x339: {  	_ =	swait.ge [sflag:s12], $0x1400  }
0x33a: {  	s19 =	rddreg [dreg:$0x13]  }
0x33b: {  	s25 =	rddreg [dreg:$0x12];
	s6 =	sadd.s32 $0x1, s19  }
0x33c: {  	p0 =	sne.s32 s6, s25  }
.Ltmp8:
0x33d: {  	_ = 	snop;
	(pc) =	sbr.rel @p0 .LBB2_1-.Ltmp8, $3  }
0x33e: {  	_ =	sdelay $0x1  }
0x33f: {  	[sflag:s12] =	ssyncset.done $0x0  }
0x340: {  	[sflag:s12] =	ssyncadd.s32 $0xFFFFEC00  }
0x341: {  	_ =	sfence.sel $0x180000  }
0x342: {  	[bflag:$0x0] =	sbarrier.arrive $0xFFFF  }
0x343: {  	_ =	strace $0x9000004A  }
0x344: {  	s0 =	stileid.u32;
	[bflag:$0x2] =	sbarrier.arrive $0xFFFF  }
0x345: {  	p0 =	sne.s32 s0, $0x0;
	s0 =	rddreg [dreg:$0x3]  }
0x346: {  	s0 =	sadd.s32 @!p0 $0x100000, s0  }
0x347: {  	[sflag:s0] =	ssyncadd.tile.s32 @!p0 $0x1;
	_ =	shalt  }
.Lfunc_end2:
_tile_overlayer_lowered:
.L_overlay_start_2:
0x348: {  	(tag) =	ssettag $0x2  }
0x349: {  	s0 =	rddreg [dreg:$0x0];
	s2 =	stileid.u32  }
0x34a: {  	s1 =	rddreg [dreg:$0x1];
	p0 =	sne.s32 s2, $0x0  }
0x34b: {  	s3 =	rddreg [dreg:$0x2];
	[bflag:$0x3] =	sbarrier.arrive $0xFFFF;
	s2 =	simm.s32 @!p0 $0x1C0B  }
0x34c: {  	[timem:s3], [sflag:s2] =	dma.local @!p0 [hbm:s0], s1  }
0x34d: {  	s0 =	simm.s32 @!p0 $0xB  }
0x34e: {  	_ =	swait.ge @!p0 [sflag:s0], s1  }
0x34f: {  	s1 =	ssub.s32 @!p0 $0x0, s1;
	[sflag:s0] =	ssyncset.done @!p0 $0x0  }
0x350: {  	[sflag:s0] =	ssyncadd.s32 @!p0 s1  }
0x351: {  	[bflag:$0x3] =	sbarrier.arrive $0xFFFF  }
0x352: {  	_ =	shalt  }

</sc_bundles>
